<compile_context>
chip_gen: v7x
topology: tpu7x:2x2x1
jax: 0.10.2.dev20260603
libtpu: 0.0.44.dev20260713+nightly
codegen_flags: <defaults>
</compile_context>

<pallas_src>
import functools

import jax
import jax.numpy as jnp
from jax import lax
from jax.scipy.special import logsumexp
from jax.experimental import pallas as pl
from jax.experimental.pallas import tpu as pltpu
from jax.experimental.pallas import tpu_sc as plsc

_NUM_P = 65536
_U = 8
_DX = 128
_DU = 32
_ALPHA = 1.0
_EXP_FACTOR = 2.0
_NU = _NUM_P * _U

_NC = 2
_NS = 16
_NW = _NC * _NS
_ROWS_W = _NUM_P // _NW
_CHUNK = 128
_NCHUNK = _ROWS_W // _CHUNK


_sc_mesh = plsc.VectorSubcoreMesh(core_axis_name="c", subcore_axis_name="s")


_NBLK = _NU // _DX
_NMID = _NU // 16
_L1_STEPS = (2048, 1024, 512, 256, 128, 64, 32, 16, 8, 4, 2, 1)


def _sc_resample_body(pos_hbm, coarse_hbm, mid_hbm, cdfblk_hbm,
                      particles_hbm, u4_hbm, lw4_hbm,
                      samp_out, sdiv_out, x_out, u4_out, lwsel_out,
                      coarsebuf, midbuf, posc, blkidx, gidx, qidx, ridx,
                      sampbuf, sdivbuf, lwselbuf,
                      blkbuf, xbuf, ubuf, lwbuf,
                      sem_b, sem_x, sem_u, sem_l):
    wid = lax.axis_index("s") * _NC + lax.axis_index("c")
    row0 = wid * _NCHUNK
    base0 = wid * _ROWS_W
    pltpu.sync_copy(coarse_hbm, coarsebuf)
    pltpu.sync_copy(mid_hbm, midbuf)
    iota16 = jnp.arange(16, dtype=jnp.int32)

    def body(ci, carry):
        pltpu.sync_copy(pos_hbm.at[row0 + ci], posc)
        pvals, bfins, scnts, sbars = [], [], [], []
        for v in range(8):
            p = posc[pl.ds(v * 16, 16)]
            b = jnp.zeros((16,), jnp.int32)
            for step in _L1_STEPS:
                cv = plsc.load_gather(coarsebuf, [b + (step - 1)])
                b = jnp.where(cv < p, b + step, b)
            cv = plsc.load_gather(coarsebuf, [b])
            bfin = jnp.where(cv < p, b + 1, b)
            bbar = jnp.minimum(bfin, _NBLK - 1)
            s = jnp.zeros((16,), jnp.int32)
            for k in range(8):
                mv = plsc.load_gather(midbuf, [jnp.full((16,), k, jnp.int32), bbar])
                s = s + jnp.where(mv < p, 1, 0)
            blkidx[pl.ds(v * 16, 16)] = bbar
            pvals.append(p)
            bfins.append(bfin)
            scnts.append(s)
            sbars.append(jnp.minimum(s, 7))
        pltpu.async_copy(cdfblk_hbm.at[blkidx], blkbuf, sem_b).wait()
        for v in range(8):
            p, bfin, s, sbar = pvals[v], bfins[v], scnts[v], sbars[v]
            q_ids = v * 16 + iota16
            colbase = sbar * 16
            c16 = jnp.zeros((16,), jnp.int32)
            for k in range(16):
                vv = plsc.load_gather(blkbuf, [q_ids, colbase + k])
                c16 = c16 + jnp.where(vv < p, 1, 0)
            raw = bfin * _DX + s * 16 + c16
            samp = jnp.minimum(raw, _NU - 1)
            sl = pl.ds(v * 16, 16)
            sampbuf[sl] = samp
            sdivbuf[sl] = lax.shift_right_logical(samp, 3)
            gidx[sl] = lax.shift_right_logical(samp, 3)
            qidx[sl] = lax.shift_right_logical(samp, 2)
            ridx[sl] = lax.shift_right_logical(samp, 7)
            pvals[v] = samp & 127
        cx = pltpu.async_copy(particles_hbm.at[gidx], xbuf, sem_x)
        cu = pltpu.async_copy(u4_hbm.at[qidx], ubuf, sem_u)
        cl = pltpu.async_copy(lw4_hbm.at[ridx], lwbuf, sem_l)
        cx.wait()
        cu.wait()
        cl.wait()
        for v in range(8):
            lvals = plsc.load_gather(lwbuf, [v * 16 + iota16, pvals[v]])
            lwselbuf[pl.ds(v * 16, 16)] = lvals
        base = base0 + ci * _CHUNK
        pltpu.sync_copy(sampbuf, samp_out.at[row0 + ci])
        pltpu.sync_copy(sdivbuf, sdiv_out.at[row0 + ci])
        pltpu.sync_copy(lwselbuf, lwsel_out.at[row0 + ci])
        pltpu.sync_copy(xbuf, x_out.at[pl.ds(base, _CHUNK)])
        pltpu.sync_copy(ubuf, u4_out.at[pl.ds(base, _CHUNK)])
        return carry

    lax.fori_loop(0, _NCHUNK, body, 0)


def _make_sc_resample(interpret=False):
    nrow = _NUM_P // _CHUNK
    return pl.kernel(
        _sc_resample_body,
        out_type=(
            jax.ShapeDtypeStruct((nrow, _CHUNK), jnp.int32),
            jax.ShapeDtypeStruct((nrow, _CHUNK), jnp.int32),
            jax.ShapeDtypeStruct((_NUM_P, _DX), jnp.float32),
            jax.ShapeDtypeStruct((_NUM_P, _DX), jnp.float32),
            jax.ShapeDtypeStruct((nrow, _CHUNK), jnp.float32),
        ),
        mesh=_sc_mesh,
        compiler_params=pltpu.CompilerParams(needs_layout_passes=False),
        interpret=interpret,
        scratch_types=[
            pltpu.VMEM((_NBLK,), jnp.float32),
            pltpu.VMEM((8, _NBLK), jnp.float32),
            pltpu.VMEM((_CHUNK,), jnp.float32),
            pltpu.VMEM((_CHUNK,), jnp.int32),
            pltpu.VMEM((_CHUNK,), jnp.int32),
            pltpu.VMEM((_CHUNK,), jnp.int32),
            pltpu.VMEM((_CHUNK,), jnp.int32),
            pltpu.VMEM((_CHUNK,), jnp.int32),
            pltpu.VMEM((_CHUNK,), jnp.int32),
            pltpu.VMEM((_CHUNK,), jnp.float32),
            pltpu.VMEM((_CHUNK, _DX), jnp.float32),
            pltpu.VMEM((_CHUNK, _DX), jnp.float32),
            pltpu.VMEM((_CHUNK, _DX), jnp.float32),
            pltpu.VMEM((_CHUNK, _DX), jnp.float32),
            pltpu.SemaphoreType.DMA,
            pltpu.SemaphoreType.DMA,
            pltpu.SemaphoreType.DMA,
            pltpu.SemaphoreType.DMA,
        ],
    )


_sc_resample = _make_sc_resample()


def _cm_body(cdf_ref, coarse_ref, mid_ref):
    blk = cdf_ref[...]
    coarse_ref[...] = blk[:, 127]
    mid_ref[...] = jnp.concatenate(
        [blk[:, 16 * k + 15:16 * k + 16].reshape(1, 128) for k in range(8)], axis=0)


def _coarse_mid(cdfblk):
    return pl.pallas_call(
        _cm_body,
        grid=(_NBLK // 128,),
        in_specs=[pl.BlockSpec((128, _DX), lambda i: (i, 0))],
        out_specs=[
            pl.BlockSpec((128,), lambda i: (i,)),
            pl.BlockSpec((8, 128), lambda i: (0, i)),
        ],
        out_shape=[
            jax.ShapeDtypeStruct((_NBLK,), jnp.float32),
            jax.ShapeDtypeStruct((8, _NBLK), jnp.float32),
        ],
    )(cdfblk)


_BR = 1024


def _dyn_body(x_ref, u4_ref, s_ref, nx_ref, a_ref, b_ref, np_ref, cat_ref):
    x = x_ref[...]
    u4 = u4_ref[...]
    k = (s_ref[0, 0, :] & 3).reshape(_BR, 1)
    u = jnp.where(
        k < 2,
        jnp.where(k == 0, u4[:, 0:_DU], u4[:, _DU:2 * _DU]),
        jnp.where(k == 2, u4[:, 2 * _DU:3 * _DU], u4[:, 3 * _DU:4 * _DU]),
    )
    np_ref[...] = (
        jnp.dot(x, a_ref[...], preferred_element_type=jnp.float32,
                precision=lax.Precision.HIGHEST)
        + jnp.dot(u, b_ref[...], preferred_element_type=jnp.float32,
                  precision=lax.Precision.HIGHEST)
        + nx_ref[...]
    )
    cat_ref[...] = jnp.concatenate([x, u], axis=1)


def _dynamics(x_sel, u4_sel, samples, noise_x, A, B):
    return pl.pallas_call(
        _dyn_body,
        grid=(_NUM_P // _BR,),
        in_specs=[
            pl.BlockSpec((_BR, _DX), lambda i: (i, 0)),
            pl.BlockSpec((_BR, _DX), lambda i: (i, 0)),
            pl.BlockSpec((1, 1, _BR), lambda i: (i, 0, 0)),
            pl.BlockSpec((_BR, _DX), lambda i: (i, 0)),
            pl.BlockSpec((_DX, _DX), lambda i: (0, 0)),
            pl.BlockSpec((_DU, _DX), lambda i: (0, 0)),
        ],
        out_specs=[
            pl.BlockSpec((_BR, _DX), lambda i: (i, 0)),
            pl.BlockSpec((_BR, _DX + _DU), lambda i: (i, 0)),
        ],
        out_shape=[
            jax.ShapeDtypeStruct((_NUM_P, _DX), jnp.float32),
            jax.ShapeDtypeStruct((_NUM_P, _DX + _DU), jnp.float32),
        ],
    )(x_sel, u4_sel, samples.reshape(_NUM_P // _BR, 1, _BR), noise_x, A, B)


def kernel(particles, noise_u, resample_offsets, noise_x, K, log_sig, Q, R, A, B, iteration):
    mu = particles @ K
    mu_rep = jnp.repeat(mu, _U, axis=0)
    sig = jnp.exp(log_sig)
    new_u = mu_rep + sig * noise_u
    qx = 0.5 * jnp.sum((particles @ Q) * particles, axis=1)
    cost = jnp.repeat(qx, _U) + 0.5 * jnp.sum((new_u @ R) * new_u, axis=1)
    u_corr = (-_EXP_FACTOR ** 2 + 1) / (2.0 * _EXP_FACTOR ** 2) * jnp.sum(((new_u - mu_rep) / sig) ** 2, axis=1)
    log_weights = -_ALPHA * cost + jnp.log(_EXP_FACTOR) + u_corr
    log_norm = log_weights - logsumexp(log_weights)
    cdf = jnp.cumsum(jnp.exp(log_norm))
    positions = (jnp.arange(_NUM_P, dtype=jnp.float32) + resample_offsets) / _NUM_P

    new_u4 = jnp.tile(jnp.repeat(mu, 2, axis=0), (1, 4)) + jnp.tile(sig, 4) * noise_u.reshape(_NU // 4, 4 * _DU)

    cdfblk = cdf.reshape(_NBLK, _DX)
    coarse = cdf[_DX - 1::_DX]
    mid = cdf[15::16].reshape(_NBLK, 8).T

    samp2, sdiv2, x_sel, u4_sel, lwsel2 = _sc_resample(
        positions.reshape(_NUM_P // _CHUNK, _CHUNK),
        coarse,
        mid,
        cdfblk,
        particles,
        new_u4,
        log_weights.reshape(_NBLK, _DX),
    )
    samples32 = samp2.reshape(_NUM_P)
    samples_div = sdiv2.reshape(_NUM_P)
    lw_sel = lwsel2.reshape(_NUM_P)

    new_particles, particles_cat = _dynamics(x_sel, u4_sel, samples32, noise_x, A, B)

    return (new_particles, particles_cat, lw_sel, samples_div)

# --- scband reference (transcript-rebuilt; emitter-appended) ---
"""Pipeline reference for scband-particle-i2c-cell-9818295239340 (READ-ONLY COPY).

The authoritative reference and input builder live on the scoring server;
editing this copy changes nothing except your own understanding.
"""

import jax, jax.numpy as jnp
import numpy as np
from jax.scipy.special import logsumexp

NUM_P = 65536
U = 8
DX = 128
DU = 32
ALPHA = 1.0
EXP_FACTOR = 2.0


def setup_inputs(seed: int = 0) -> dict:
    key = jax.random.key(seed)
    ks = jax.random.split(key, 10)
    particles = jax.random.normal(ks[0], (NUM_P, DX), dtype=jnp.float32)
    noise_u = jax.random.normal(ks[1], (NUM_P * U, DU), dtype=jnp.float32)
    resample_offsets = jax.random.uniform(ks[2], (NUM_P,), dtype=jnp.float32)
    noise_x = jax.random.normal(ks[3], (NUM_P, DX), dtype=jnp.float32)
    # learned / fixed parameters: policy gain, policy log-std, quadratic cost
    # matrices (observation likelihood), and linear-Gaussian dynamics
    K = jax.random.normal(ks[4], (DX, DU), dtype=jnp.float32) * 0.05
    log_sig = jnp.full((DU,), -1.0, dtype=jnp.float32)
    Qm = jax.random.normal(ks[5], (DX, DX), dtype=jnp.float32) * 0.02
    Q = Qm @ Qm.T + 0.1 * jnp.eye(DX, dtype=jnp.float32)
    Rm = jax.random.normal(ks[6], (DU, DU), dtype=jnp.float32) * 0.02
    R = Rm @ Rm.T + 0.1 * jnp.eye(DU, dtype=jnp.float32)
    A = 0.9 * jnp.eye(DX, dtype=jnp.float32) + jax.random.normal(ks[7], (DX, DX), dtype=jnp.float32) * 0.01
    B = jax.random.normal(ks[8], (DU, DX), dtype=jnp.float32) * 0.05
    return {
        'particles': particles,
        'noise_u': noise_u,
        'resample_offsets': resample_offsets,
        'noise_x': noise_x,
        'K': K,
        'log_sig': log_sig,
        'Q': Q,
        'R': R,
        'A': A,
        'B': B,
        'iteration': 1,
    }


def reference(particles, noise_u, resample_offsets, noise_x, K, log_sig, Q, R, A, B, iteration):
    # --- policy: Gaussian policy, u_samples action draws per particle ---
    mu = particles @ K                                  # [N, DU]
    mu_rep = jnp.repeat(mu, U, axis=0)                  # [N*U, DU]
    x_rep = jnp.repeat(particles, U, axis=0)            # [N*U, DX]
    sig = jnp.exp(log_sig)
    new_u = mu_rep + sig * noise_u                      # [N*U, DU]
    # --- observation likelihood: log_weights = -alpha * cost(x, u) ---
    cost = 0.5 * jnp.sum((x_rep @ Q) * x_rep, axis=1) + 0.5 * jnp.sum((new_u @ R) * new_u, axis=1)
    # mixture proposal correction term (exp_factor reweighing)
    u_corr = (-EXP_FACTOR ** 2 + 1) / (2.0 * EXP_FACTOR ** 2) * jnp.sum(((new_u - mu_rep) / sig) ** 2, axis=1)
    log_weights = -ALPHA * cost + jnp.log(EXP_FACTOR) + u_corr   # [N*U]
    # --- normalize + systematic resampling of num_p particles ---
    log_norm = log_weights - logsumexp(log_weights)
    cdf = jnp.cumsum(jnp.exp(log_norm))
    positions = (jnp.arange(NUM_P, dtype=jnp.float32) + resample_offsets) / NUM_P
    samples = jnp.clip(jnp.searchsorted(cdf, positions), 0, NUM_P * U - 1)
    # self.samples = samples // u_samples
    samples_div = samples // U
    lw_sel = log_weights[samples]                       # selected log-weights
    particles_cat = jnp.concatenate([x_rep, new_u], axis=1)[samples]  # [N, DX+DU]
    # --- env.sample: linear-Gaussian dynamics on resampled particles ---
    x_sel = x_rep[samples]
    u_sel = new_u[samples]
    new_particles = x_sel @ A + u_sel @ B + noise_x     # [N, DX]
    return (new_particles, particles_cat, lw_sel, samples_div)

if __name__ == "__main__":
    import jax
    _d = setup_inputs()
    print(jax.jit(kernel)(*tuple(_d.values())))

</pallas_src>

<mosaic_0001>
#map = affine_map<(d0, d1) -> (0, 0)>
#map1 = affine_map<(d0, d1) -> (0)>
module attributes {stable_mosaic.version = 14 : i64} {
  func.func @_sc_resample_body(%arg0: i32, %arg1: i32, %arg2: memref<512x128xf32, #tpu.memory_space<hbm>>, %arg3: memref<4096xf32, #tpu.memory_space<hbm>>, %arg4: memref<8x4096xf32, #tpu.memory_space<hbm>>, %arg5: memref<4096x128xf32, #tpu.memory_space<hbm>>, %arg6: memref<65536x128xf32, #tpu.memory_space<hbm>>, %arg7: memref<131072x128xf32, #tpu.memory_space<hbm>>, %arg8: memref<4096x128xf32, #tpu.memory_space<hbm>>, %arg9: memref<512x128xi32, #tpu.memory_space<hbm>>, %arg10: memref<512x128xi32, #tpu.memory_space<hbm>>, %arg11: memref<65536x128xf32, #tpu.memory_space<hbm>>, %arg12: memref<65536x128xf32, #tpu.memory_space<hbm>>, %arg13: memref<512x128xf32, #tpu.memory_space<hbm>>, %arg14: memref<4096xf32, #tpu.memory_space<vmem>>, %arg15: memref<8x4096xf32, #tpu.memory_space<vmem>>, %arg16: memref<128xf32, #tpu.memory_space<vmem>>, %arg17: memref<128xi32, #tpu.memory_space<vmem>>, %arg18: memref<128xi32, #tpu.memory_space<vmem>>, %arg19: memref<128xi32, #tpu.memory_space<vmem>>, %arg20: memref<128xi32, #tpu.memory_space<vmem>>, %arg21: memref<128xi32, #tpu.memory_space<vmem>>, %arg22: memref<128xi32, #tpu.memory_space<vmem>>, %arg23: memref<128xf32, #tpu.memory_space<vmem>>, %arg24: memref<128x128xf32, #tpu.memory_space<vmem>>, %arg25: memref<128x128xf32, #tpu.memory_space<vmem>>, %arg26: memref<128x128xf32, #tpu.memory_space<vmem>>, %arg27: memref<128x128xf32, #tpu.memory_space<vmem>>, %arg28: memref<!tpu.dma_semaphore, #tpu.memory_space<semaphore_mem>>, %arg29: memref<!tpu.dma_semaphore, #tpu.memory_space<semaphore_mem>>, %arg30: memref<!tpu.dma_semaphore, #tpu.memory_space<semaphore_mem>>, %arg31: memref<!tpu.dma_semaphore, #tpu.memory_space<semaphore_mem>>) attributes {dimension_semantics = [#tpu.dimension_semantics<core_parallel>, #tpu.dimension_semantics<subcore_parallel>], iteration_bounds = array<i64: 2, 16>, scalar_prefetch = 0 : i64, scratch_operands = 18 : i64, tpu.core_type = #tpu.core_type<sc_vector_subcore>, window_params = [{transform_indices = #map}, {transform_indices = #map1}, {transform_indices = #map}, {transform_indices = #map}, {transform_indices = #map}, {transform_indices = #map}, {transform_indices = #map}, {transform_indices = #map}, {transform_indices = #map}, {transform_indices = #map}, {transform_indices = #map}, {transform_indices = #map}]} {
    %mul3A = arith.constant 2 : i32
    %mul3A_0 = arith.muli %arg1, %mul3A : i32
    %add3A = arith.addi %mul3A_0, %arg0 : i32
    %mul3A_1 = arith.constant 16 : i32
    %mul3A_2 = arith.muli %add3A, %mul3A_1 : i32
    %mul3A_3 = arith.constant 2048 : i32
    %mul3A_4 = arith.muli %add3A, %mul3A_3 : i32
    "tpu.region"() ({
      %run_scoped3A = tpu.sem_alloc : memref<!tpu.dma_semaphore, #tpu.memory_space<semaphore_mem>>
      tpu.enqueue_dma source(%arg3 : memref<4096xf32, #tpu.memory_space<hbm>>) target(%arg14 : memref<4096xf32, #tpu.memory_space<vmem>>) target_semaphore(%run_scoped3A : memref<!tpu.dma_semaphore, #tpu.memory_space<semaphore_mem>>)
      tpu.wait_dma2 semaphore(%run_scoped3A : memref<!tpu.dma_semaphore, #tpu.memory_space<semaphore_mem>>) src(%arg3 : memref<4096xf32, #tpu.memory_space<hbm>>) dst(%arg14 : memref<4096xf32, #tpu.memory_space<vmem>>)
      tpu.yield
    }) : () -> ()
    "tpu.region"() ({
      %run_scoped3A = tpu.sem_alloc : memref<!tpu.dma_semaphore, #tpu.memory_space<semaphore_mem>>
      tpu.enqueue_dma source(%arg4 : memref<8x4096xf32, #tpu.memory_space<hbm>>) target(%arg15 : memref<8x4096xf32, #tpu.memory_space<vmem>>) target_semaphore(%run_scoped3A : memref<!tpu.dma_semaphore, #tpu.memory_space<semaphore_mem>>)
      tpu.wait_dma2 semaphore(%run_scoped3A : memref<!tpu.dma_semaphore, #tpu.memory_space<semaphore_mem>>) src(%arg4 : memref<8x4096xf32, #tpu.memory_space<hbm>>) dst(%arg15 : memref<8x4096xf32, #tpu.memory_space<vmem>>)
      tpu.yield
    }) : () -> ()
    %iota3A = tpu.iota {dimensions = array<i32: 0>} : vector<16xi32>
    %scan3A = arith.constant 0 : i32
    %scan3A_5 = arith.constant 0 : i32
    %scan3A_6 = arith.constant 16 : i32
    %scan3A_7 = arith.addi %scan3A_5, %scan3A_6 : i32
    %scan3A_8 = arith.constant 1 : i32
    scf.for %scan3A_10 = %scan3A_5 to %scan3A_7 step %scan3A_8  : i32 {
      %add3A_11 = arith.addi %mul3A_2, %scan3A_10 : i32
      "tpu.region"() ({
        %run_scoped3A = tpu.sem_alloc : memref<!tpu.dma_semaphore, #tpu.memory_space<semaphore_mem>>
        %dma_start3A_3502 = arith.constant 0 : i32
        %dma_start3A_3503 = tpu.memref_slice %arg2[%add3A_11, %dma_start3A_3502] : memref<512x128xf32, #tpu.memory_space<hbm>> -> memref<1x128xf32, #tpu.memory_space<hbm>>
        %dma_start3A_3504 = tpu.memref_squeeze %dma_start3A_3503 : memref<1x128xf32, #tpu.memory_space<hbm>> -> memref<128xf32, #tpu.memory_space<hbm>>
        %dma_start3A_3505 = arith.constant 0 : i32
        %dma_start3A_3506 = tpu.memref_slice %arg2[%add3A_11, %dma_start3A_3505] : memref<512x128xf32, #tpu.memory_space<hbm>> -> memref<1x128xf32, #tpu.memory_space<hbm>>
        %dma_start3A_3507 = tpu.memref_squeeze %dma_start3A_3506 : memref<1x128xf32, #tpu.memory_space<hbm>> -> memref<128xf32, #tpu.memory_space<hbm>>
        tpu.enqueue_dma source(%dma_start3A_3507 : memref<128xf32, #tpu.memory_space<hbm>>) target(%arg16 : memref<128xf32, #tpu.memory_space<vmem>>) target_semaphore(%run_scoped3A : memref<!tpu.dma_semaphore, #tpu.memory_space<semaphore_mem>>)
        %dma_wait3A_3508 = arith.constant 0 : i32
        %dma_wait3A_3509 = tpu.memref_slice %arg2[%add3A_11, %dma_wait3A_3508] : memref<512x128xf32, #tpu.memory_space<hbm>> -> memref<1x128xf32, #tpu.memory_space<hbm>>
        %dma_wait3A_3510 = tpu.memref_squeeze %dma_wait3A_3509 : memref<1x128xf32, #tpu.memory_space<hbm>> -> memref<128xf32, #tpu.memory_space<hbm>>
        %dma_wait3A_3511 = arith.constant 0 : i32
        %dma_wait3A_3512 = tpu.memref_slice %arg2[%add3A_11, %dma_wait3A_3511] : memref<512x128xf32, #tpu.memory_space<hbm>> -> memref<1x128xf32, #tpu.memory_space<hbm>>
        %dma_wait3A_3513 = tpu.memref_squeeze %dma_wait3A_3512 : memref<1x128xf32, #tpu.memory_space<hbm>> -> memref<128xf32, #tpu.memory_space<hbm>>
        tpu.wait_dma2 semaphore(%run_scoped3A : memref<!tpu.dma_semaphore, #tpu.memory_space<semaphore_mem>>) src(%dma_wait3A_3513 : memref<128xf32, #tpu.memory_space<hbm>>) dst(%arg16 : memref<128xf32, #tpu.memory_space<vmem>>)
        tpu.yield
      }) : () -> ()
      %get3A = arith.constant 0 : index
      %get3A_12 = tpu.vector_load %arg16[%get3A] {strides = array<i32>} : memref<128xf32, #tpu.memory_space<vmem>>, vector<16xf32>,
      %broadcast_in_dim3A = arith.constant 0 : i32
      %broadcast_in_dim3A_13 = vector.broadcast %broadcast_in_dim3A : i32 to vector<16xi32>
      %add3A_14 = arith.constant 2047 : i32
      %add3A_15 = vector.broadcast %add3A_14 : i32 to vector<16xi32>
      %add3A_16 = arith.addi %broadcast_in_dim3A_13, %add3A_15 : vector<16xi32>
      %gather3A = tpu.vector_load_idx %arg14[%add3A_16] : memref<4096xf32, #tpu.memory_space<vmem>>[vector<16xi32>], vector<16xf32>,
      %lt3A = arith.cmpf olt, %gather3A, %get3A_12 : vector<16xf32>
      %add3A_17 = arith.constant 2048 : i32
      %add3A_18 = vector.broadcast %add3A_17 : i32 to vector<16xi32>
      %add3A_19 = arith.addi %broadcast_in_dim3A_13, %add3A_18 : vector<16xi32>
      %select_n3A = arith.select %lt3A, %add3A_19, %broadcast_in_dim3A_13 : vector<16xi1>, vector<16xi32>
      %add3A_20 = arith.constant 1023 : i32
      %add3A_21 = vector.broadcast %add3A_20 : i32 to vector<16xi32>
      %add3A_22 = arith.addi %select_n3A, %add3A_21 : vector<16xi32>
      %gather3A_23 = tpu.vector_load_idx %arg14[%add3A_22] : memref<4096xf32, #tpu.memory_space<vmem>>[vector<16xi32>], vector<16xf32>,
      %lt3A_24 = arith.cmpf olt, %gather3A_23, %get3A_12 : vector<16xf32>
      %add3A_25 = arith.constant 1024 : i32
      %add3A_26 = vector.broadcast %add3A_25 : i32 to vector<16xi32>
      %add3A_27 = arith.addi %select_n3A, %add3A_26 : vector<16xi32>
      %select_n3A_28 = arith.select %lt3A_24, %add3A_27, %select_n3A : vector<16xi1>, vector<16xi32>
      %add3A_29 = arith.constant 511 : i32
      %add3A_30 = vector.broadcast %add3A_29 : i32 to vector<16xi32>
      %add3A_31 = arith.addi %select_n3A_28, %add3A_30 : vector<16xi32>
      %gather3A_32 = tpu.vector_load_idx %arg14[%add3A_31] : memref<4096xf32, #tpu.memory_space<vmem>>[vector<16xi32>], vector<16xf32>,
      %lt3A_33 = arith.cmpf olt, %gather3A_32, %get3A_12 : vector<16xf32>
      %add3A_34 = arith.constant 512 : i32
      %add3A_35 = vector.broadcast %add3A_34 : i32 to vector<16xi32>
      %add3A_36 = arith.addi %select_n3A_28, %add3A_35 : vector<16xi32>
      %select_n3A_37 = arith.select %lt3A_33, %add3A_36, %select_n3A_28 : vector<16xi1>, vector<16xi32>
      %add3A_38 = arith.constant 255 : i32
      %add3A_39 = vector.broadcast %add3A_38 : i32 to vector<16xi32>
      %add3A_40 = arith.addi %select_n3A_37, %add3A_39 : vector<16xi32>
      %gather3A_41 = tpu.vector_load_idx %arg14[%add3A_40] : memref<4096xf32, #tpu.memory_space<vmem>>[vector<16xi32>], vector<16xf32>,
      %lt3A_42 = arith.cmpf olt, %gather3A_41, %get3A_12 : vector<16xf32>
      %add3A_43 = arith.constant 256 : i32
      %add3A_44 = vector.broadcast %add3A_43 : i32 to vector<16xi32>
      %add3A_45 = arith.addi %select_n3A_37, %add3A_44 : vector<16xi32>
      %select_n3A_46 = arith.select %lt3A_42, %add3A_45, %select_n3A_37 : vector<16xi1>, vector<16xi32>
      %add3A_47 = arith.constant 127 : i32
      %add3A_48 = vector.broadcast %add3A_47 : i32 to vector<16xi32>
      %add3A_49 = arith.addi %select_n3A_46, %add3A_48 : vector<16xi32>
      %gather3A_50 = tpu.vector_load_idx %arg14[%add3A_49] : memref<4096xf32, #tpu.memory_space<vmem>>[vector<16xi32>], vector<16xf32>,
      %lt3A_51 = arith.cmpf olt, %gather3A_50, %get3A_12 : vector<16xf32>
      %add3A_52 = arith.constant 128 : i32
      %add3A_53 = vector.broadcast %add3A_52 : i32 to vector<16xi32>
      %add3A_54 = arith.addi %select_n3A_46, %add3A_53 : vector<16xi32>
      %select_n3A_55 = arith.select %lt3A_51, %add3A_54, %select_n3A_46 : vector<16xi1>, vector<16xi32>
      %add3A_56 = arith.constant 63 : i32
      %add3A_57 = vector.broadcast %add3A_56 : i32 to vector<16xi32>
      %add3A_58 = arith.addi %select_n3A_55, %add3A_57 : vector<16xi32>
      %gather3A_59 = tpu.vector_load_idx %arg14[%add3A_58] : memref<4096xf32, #tpu.memory_space<vmem>>[vector<16xi32>], vector<16xf32>,
      %lt3A_60 = arith.cmpf olt, %gather3A_59, %get3A_12 : vector<16xf32>
      %add3A_61 = arith.constant 64 : i32
      %add3A_62 = vector.broadcast %add3A_61 : i32 to vector<16xi32>
      %add3A_63 = arith.addi %select_n3A_55, %add3A_62 : vector<16xi32>
      %select_n3A_64 = arith.select %lt3A_60, %add3A_63, %select_n3A_55 : vector<16xi1>, vector<16xi32>
      %add3A_65 = arith.constant 31 : i32
      %add3A_66 = vector.broadcast %add3A_65 : i32 to vector<16xi32>
      %add3A_67 = arith.addi %select_n3A_64, %add3A_66 : vector<16xi32>
      %gather3A_68 = tpu.vector_load_idx %arg14[%add3A_67] : memref<4096xf32, #tpu.memory_space<vmem>>[vector<16xi32>], vector<16xf32>,
      %lt3A_69 = arith.cmpf olt, %gather3A_68, %get3A_12 : vector<16xf32>
      %add3A_70 = arith.constant 32 : i32
      %add3A_71 = vector.broadcast %add3A_70 : i32 to vector<16xi32>
      %add3A_72 = arith.addi %select_n3A_64, %add3A_71 : vector<16xi32>
      %select_n3A_73 = arith.select %lt3A_69, %add3A_72, %select_n3A_64 : vector<16xi1>, vector<16xi32>
      %add3A_74 = arith.constant 15 : i32
      %add3A_75 = vector.broadcast %add3A_74 : i32 to vector<16xi32>
      %add3A_76 = arith.addi %select_n3A_73, %add3A_75 : vector<16xi32>
      %gather3A_77 = tpu.vector_load_idx %arg14[%add3A_76] : memref<4096xf32, #tpu.memory_space<vmem>>[vector<16xi32>], vector<16xf32>,
      %lt3A_78 = arith.cmpf olt, %gather3A_77, %get3A_12 : vector<16xf32>
      %add3A_79 = arith.constant 16 : i32
      %add3A_80 = vector.broadcast %add3A_79 : i32 to vector<16xi32>
      %add3A_81 = arith.addi %select_n3A_73, %add3A_80 : vector<16xi32>
      %select_n3A_82 = arith.select %lt3A_78, %add3A_81, %select_n3A_73 : vector<16xi1>, vector<16xi32>
      %add3A_83 = arith.constant 7 : i32
      %add3A_84 = vector.broadcast %add3A_83 : i32 to vector<16xi32>
      %add3A_85 = arith.addi %select_n3A_82, %add3A_84 : vector<16xi32>
      %gather3A_86 = tpu.vector_load_idx %arg14[%add3A_85] : memref<4096xf32, #tpu.memory_space<vmem>>[vector<16xi32>], vector<16xf32>,
      %lt3A_87 = arith.cmpf olt, %gather3A_86, %get3A_12 : vector<16xf32>
      %add3A_88 = arith.constant 8 : i32
      %add3A_89 = vector.broadcast %add3A_88 : i32 to vector<16xi32>
      %add3A_90 = arith.addi %select_n3A_82, %add3A_89 : vector<16xi32>
      %select_n3A_91 = arith.select %lt3A_87, %add3A_90, %select_n3A_82 : vector<16xi1>, vector<16xi32>
      %add3A_92 = arith.constant 3 : i32
      %add3A_93 = vector.broadcast %add3A_92 : i32 to vector<16xi32>
      %add3A_94 = arith.addi %select_n3A_91, %add3A_93 : vector<16xi32>
      %gather3A_95 = tpu.vector_load_idx %arg14[%add3A_94] : memref<4096xf32, #tpu.memory_space<vmem>>[vector<16xi32>], vector<16xf32>,
      %lt3A_96 = arith.cmpf olt, %gather3A_95, %get3A_12 : vector<16xf32>
      %add3A_97 = arith.constant 4 : i32
      %add3A_98 = vector.broadcast %add3A_97 : i32 to vector<16xi32>
      %add3A_99 = arith.addi %select_n3A_91, %add3A_98 : vector<16xi32>
      %select_n3A_100 = arith.select %lt3A_96, %add3A_99, %select_n3A_91 : vector<16xi1>, vector<16xi32>
      %add3A_101 = arith.constant 1 : i32
      %add3A_102 = vector.broadcast %add3A_101 : i32 to vector<16xi32>
      %add3A_103 = arith.addi %select_n3A_100, %add3A_102 : vector<16xi32>
      %gather3A_104 = tpu.vector_load_idx %arg14[%add3A_103] : memref<4096xf32, #tpu.memory_space<vmem>>[vector<16xi32>], vector<16xf32>,
      %lt3A_105 = arith.cmpf olt, %gather3A_104, %get3A_12 : vector<16xf32>
      %add3A_106 = arith.constant 2 : i32
      %add3A_107 = vector.broadcast %add3A_106 : i32 to vector<16xi32>
      %add3A_108 = arith.addi %select_n3A_100, %add3A_107 : vector<16xi32>
      %select_n3A_109 = arith.select %lt3A_105, %add3A_108, %select_n3A_100 : vector<16xi1>, vector<16xi32>
      %add3A_110 = arith.constant 0 : i32
      %add3A_111 = vector.broadcast %add3A_110 : i32 to vector<16xi32>
      %add3A_112 = arith.addi %select_n3A_109, %add3A_111 : vector<16xi32>
      %gather3A_113 = tpu.vector_load_idx %arg14[%add3A_112] : memref<4096xf32, #tpu.memory_space<vmem>>[vector<16xi32>], vector<16xf32>,
      %lt3A_114 = arith.cmpf olt, %gather3A_113, %get3A_12 : vector<16xf32>
      %add3A_115 = arith.constant 1 : i32
      %add3A_116 = vector.broadcast %add3A_115 : i32 to vector<16xi32>
      %add3A_117 = arith.addi %select_n3A_109, %add3A_116 : vector<16xi32>
      %select_n3A_118 = arith.select %lt3A_114, %add3A_117, %select_n3A_109 : vector<16xi1>, vector<16xi32>
      %gather3A_119 = tpu.vector_load_idx %arg14[%select_n3A_118] : memref<4096xf32, #tpu.memory_space<vmem>>[vector<16xi32>], vector<16xf32>,
      %lt3A_120 = arith.cmpf olt, %gather3A_119, %get3A_12 : vector<16xf32>
      %add3A_121 = arith.constant 1 : i32
      %add3A_122 = vector.broadcast %add3A_121 : i32 to vector<16xi32>
      %add3A_123 = arith.addi %select_n3A_118, %add3A_122 : vector<16xi32>
      %select_n3A_124 = arith.select %lt3A_120, %add3A_123, %select_n3A_118 : vector<16xi1>, vector<16xi32>
      %min3A = arith.constant 4095 : i32
      %min3A_125 = vector.broadcast %min3A : i32 to vector<16xi32>
      %min3A_126 = arith.minsi %select_n3A_124, %min3A_125 : vector<16xi32>
      %broadcast_in_dim3A_127 = arith.constant 0 : i32
      %broadcast_in_dim3A_128 = vector.broadcast %broadcast_in_dim3A_127 : i32 to vector<16xi32>
      %broadcast_in_dim3A_129 = arith.constant 0 : i32
      %broadcast_in_dim3A_130 = vector.broadcast %broadcast_in_dim3A_129 : i32 to vector<16xi32>
      %gather3A_131 = tpu.vector_load_idx %arg15[%broadcast_in_dim3A_130, %min3A_126] : memref<8x4096xf32, #tpu.memory_space<vmem>>[vector<16xi32>, vector<16xi32>], vector<16xf32>,
      %lt3A_132 = arith.cmpf olt, %gather3A_131, %get3A_12 : vector<16xf32>
      %jit3A = arith.constant 1 : i32
      %jit3A_133 = arith.constant 0 : i32
      %broadcast_in_dim3A_134 = vector.broadcast %jit3A : i32 to vector<16xi32>
      %broadcast_in_dim3A_135 = vector.broadcast %jit3A_133 : i32 to vector<16xi32>
      %select_n3A_136 = arith.select %lt3A_132, %broadcast_in_dim3A_134, %broadcast_in_dim3A_135 : vector<16xi1>, vector<16xi32>
      %add3A_137 = arith.addi %broadcast_in_dim3A_128, %select_n3A_136 : vector<16xi32>
      %broadcast_in_dim3A_138 = arith.constant 1 : i32
      %broadcast_in_dim3A_139 = vector.broadcast %broadcast_in_dim3A_138 : i32 to vector<16xi32>
      %gather3A_140 = tpu.vector_load_idx %arg15[%broadcast_in_dim3A_139, %min3A_126] : memref<8x4096xf32, #tpu.memory_space<vmem>>[vector<16xi32>, vector<16xi32>], vector<16xf32>,
      %lt3A_141 = arith.cmpf olt, %gather3A_140, %get3A_12 : vector<16xf32>
      %jit3A_142 = arith.constant 1 : i32
      %jit3A_143 = arith.constant 0 : i32
      %broadcast_in_dim3A_144 = vector.broadcast %jit3A_142 : i32 to vector<16xi32>
      %broadcast_in_dim3A_145 = vector.broadcast %jit3A_143 : i32 to vector<16xi32>
      %select_n3A_146 = arith.select %lt3A_141, %broadcast_in_dim3A_144, %broadcast_in_dim3A_145 : vector<16xi1>, vector<16xi32>
      %add3A_147 = arith.addi %add3A_137, %select_n3A_146 : vector<16xi32>
      %broadcast_in_dim3A_148 = arith.constant 2 : i32
      %broadcast_in_dim3A_149 = vector.broadcast %broadcast_in_dim3A_148 : i32 to vector<16xi32>
      %gather3A_150 = tpu.vector_load_idx %arg15[%broadcast_in_dim3A_149, %min3A_126] : memref<8x4096xf32, #tpu.memory_space<vmem>>[vector<16xi32>, vector<16xi32>], vector<16xf32>,
      %lt3A_151 = arith.cmpf olt, %gather3A_150, %get3A_12 : vector<16xf32>
      %jit3A_152 = arith.constant 1 : i32
      %jit3A_153 = arith.constant 0 : i32
      %broadcast_in_dim3A_154 = vector.broadcast %jit3A_152 : i32 to vector<16xi32>
      %broadcast_in_dim3A_155 = vector.broadcast %jit3A_153 : i32 to vector<16xi32>
      %select_n3A_156 = arith.select %lt3A_151, %broadcast_in_dim3A_154, %broadcast_in_dim3A_155 : vector<16xi1>, vector<16xi32>
      %add3A_157 = arith.addi %add3A_147, %select_n3A_156 : vector<16xi32>
      %broadcast_in_dim3A_158 = arith.constant 3 : i32
      %broadcast_in_dim3A_159 = vector.broadcast %broadcast_in_dim3A_158 : i32 to vector<16xi32>
      %gather3A_160 = tpu.vector_load_idx %arg15[%broadcast_in_dim3A_159, %min3A_126] : memref<8x4096xf32, #tpu.memory_space<vmem>>[vector<16xi32>, vector<16xi32>], vector<16xf32>,
      %lt3A_161 = arith.cmpf olt, %gather3A_160, %get3A_12 : vector<16xf32>
      %jit3A_162 = arith.constant 1 : i32
      %jit3A_163 = arith.constant 0 : i32
      %broadcast_in_dim3A_164 = vector.broadcast %jit3A_162 : i32 to vector<16xi32>
      %broadcast_in_dim3A_165 = vector.broadcast %jit3A_163 : i32 to vector<16xi32>
      %select_n3A_166 = arith.select %lt3A_161, %broadcast_in_dim3A_164, %broadcast_in_dim3A_165 : vector<16xi1>, vector<16xi32>
      %add3A_167 = arith.addi %add3A_157, %select_n3A_166 : vector<16xi32>
      %broadcast_in_dim3A_168 = arith.constant 4 : i32
      %broadcast_in_dim3A_169 = vector.broadcast %broadcast_in_dim3A_168 : i32 to vector<16xi32>
      %gather3A_170 = tpu.vector_load_idx %arg15[%broadcast_in_dim3A_169, %min3A_126] : memref<8x4096xf32, #tpu.memory_space<vmem>>[vector<16xi32>, vector<16xi32>], vector<16xf32>,
      %lt3A_171 = arith.cmpf olt, %gather3A_170, %get3A_12 : vector<16xf32>
      %jit3A_172 = arith.constant 1 : i32
      %jit3A_173 = arith.constant 0 : i32
      %broadcast_in_dim3A_174 = vector.broadcast %jit3A_172 : i32 to vector<16xi32>
      %broadcast_in_dim3A_175 = vector.broadcast %jit3A_173 : i32 to vector<16xi32>
      %select_n3A_176 = arith.select %lt3A_171, %broadcast_in_dim3A_174, %broadcast_in_dim3A_175 : vector<16xi1>, vector<16xi32>
      %add3A_177 = arith.addi %add3A_167, %select_n3A_176 : vector<16xi32>
      %broadcast_in_dim3A_178 = arith.constant 5 : i32
      %broadcast_in_dim3A_179 = vector.broadcast %broadcast_in_dim3A_178 : i32 to vector<16xi32>
      %gather3A_180 = tpu.vector_load_idx %arg15[%broadcast_in_dim3A_179, %min3A_126] : memref<8x4096xf32, #tpu.memory_space<vmem>>[vector<16xi32>, vector<16xi32>], vector<16xf32>,
      %lt3A_181 = arith.cmpf olt, %gather3A_180, %get3A_12 : vector<16xf32>
      %jit3A_182 = arith.constant 1 : i32
      %jit3A_183 = arith.constant 0 : i32
      %broadcast_in_dim3A_184 = vector.broadcast %jit3A_182 : i32 to vector<16xi32>
      %broadcast_in_dim3A_185 = vector.broadcast %jit3A_183 : i32 to vector<16xi32>
      %select_n3A_186 = arith.select %lt3A_181, %broadcast_in_dim3A_184, %broadcast_in_dim3A_185 : vector<16xi1>, vector<16xi32>
      %add3A_187 = arith.addi %add3A_177, %select_n3A_186 : vector<16xi32>
      %broadcast_in_dim3A_188 = arith.constant 6 : i32
      %broadcast_in_dim3A_189 = vector.broadcast %broadcast_in_dim3A_188 : i32 to vector<16xi32>
      %gather3A_190 = tpu.vector_load_idx %arg15[%broadcast_in_dim3A_189, %min3A_126] : memref<8x4096xf32, #tpu.memory_space<vmem>>[vector<16xi32>, vector<16xi32>], vector<16xf32>,
      %lt3A_191 = arith.cmpf olt, %gather3A_190, %get3A_12 : vector<16xf32>
      %jit3A_192 = arith.constant 1 : i32
      %jit3A_193 = arith.constant 0 : i32
      %broadcast_in_dim3A_194 = vector.broadcast %jit3A_192 : i32 to vector<16xi32>
      %broadcast_in_dim3A_195 = vector.broadcast %jit3A_193 : i32 to vector<16xi32>
      %select_n3A_196 = arith.select %lt3A_191, %broadcast_in_dim3A_194, %broadcast_in_dim3A_195 : vector<16xi1>, vector<16xi32>
      %add3A_197 = arith.addi %add3A_187, %select_n3A_196 : vector<16xi32>
      %broadcast_in_dim3A_198 = arith.constant 7 : i32
      %broadcast_in_dim3A_199 = vector.broadcast %broadcast_in_dim3A_198 : i32 to vector<16xi32>
      %gather3A_200 = tpu.vector_load_idx %arg15[%broadcast_in_dim3A_199, %min3A_126] : memref<8x4096xf32, #tpu.memory_space<vmem>>[vector<16xi32>, vector<16xi32>], vector<16xf32>,
      %lt3A_201 = arith.cmpf olt, %gather3A_200, %get3A_12 : vector<16xf32>
      %jit3A_202 = arith.constant 1 : i32
      %jit3A_203 = arith.constant 0 : i32
      %broadcast_in_dim3A_204 = vector.broadcast %jit3A_202 : i32 to vector<16xi32>
      %broadcast_in_dim3A_205 = vector.broadcast %jit3A_203 : i32 to vector<16xi32>
      %select_n3A_206 = arith.select %lt3A_201, %broadcast_in_dim3A_204, %broadcast_in_dim3A_205 : vector<16xi1>, vector<16xi32>
      %add3A_207 = arith.addi %add3A_197, %select_n3A_206 : vector<16xi32>
      %swap3A = arith.constant 0 : index
      %swap3A_208 = tpu.vector_load %arg17[%swap3A] {strides = array<i32>} : memref<128xi32, #tpu.memory_space<vmem>>, vector<16xi32>,
      tpu.vector_store %arg17[%swap3A], %min3A_126 {strides = array<i32>} : memref<128xi32, #tpu.memory_space<vmem>>, vector<16xi32>,
      %min3A_209 = arith.constant 7 : i32
      %min3A_210 = vector.broadcast %min3A_209 : i32 to vector<16xi32>
      %min3A_211 = arith.minsi %add3A_207, %min3A_210 : vector<16xi32>
      %get3A_212 = arith.constant 16 : index
      %get3A_213 = tpu.vector_load %arg16[%get3A_212] {strides = array<i32>} : memref<128xf32, #tpu.memory_space<vmem>>, vector<16xf32>,
      %broadcast_in_dim3A_214 = arith.constant 0 : i32
      %broadcast_in_dim3A_215 = vector.broadcast %broadcast_in_dim3A_214 : i32 to vector<16xi32>
      %add3A_216 = arith.constant 2047 : i32
      %add3A_217 = vector.broadcast %add3A_216 : i32 to vector<16xi32>
      %add3A_218 = arith.addi %broadcast_in_dim3A_215, %add3A_217 : vector<16xi32>
      %gather3A_219 = tpu.vector_load_idx %arg14[%add3A_218] : memref<4096xf32, #tpu.memory_space<vmem>>[vector<16xi32>], vector<16xf32>,
      %lt3A_220 = arith.cmpf olt, %gather3A_219, %get3A_213 : vector<16xf32>
      %add3A_221 = arith.constant 2048 : i32
      %add3A_222 = vector.broadcast %add3A_221 : i32 to vector<16xi32>
      %add3A_223 = arith.addi %broadcast_in_dim3A_215, %add3A_222 : vector<16xi32>
      %select_n3A_224 = arith.select %lt3A_220, %add3A_223, %broadcast_in_dim3A_215 : vector<16xi1>, vector<16xi32>
      %add3A_225 = arith.constant 1023 : i32
      %add3A_226 = vector.broadcast %add3A_225 : i32 to vector<16xi32>
      %add3A_227 = arith.addi %select_n3A_224, %add3A_226 : vector<16xi32>
      %gather3A_228 = tpu.vector_load_idx %arg14[%add3A_227] : memref<4096xf32, #tpu.memory_space<vmem>>[vector<16xi32>], vector<16xf32>,
      %lt3A_229 = arith.cmpf olt, %gather3A_228, %get3A_213 : vector<16xf32>
      %add3A_230 = arith.constant 1024 : i32
      %add3A_231 = vector.broadcast %add3A_230 : i32 to vector<16xi32>
      %add3A_232 = arith.addi %select_n3A_224, %add3A_231 : vector<16xi32>
      %select_n3A_233 = arith.select %lt3A_229, %add3A_232, %select_n3A_224 : vector<16xi1>, vector<16xi32>
      %add3A_234 = arith.constant 511 : i32
      %add3A_235 = vector.broadcast %add3A_234 : i32 to vector<16xi32>
      %add3A_236 = arith.addi %select_n3A_233, %add3A_235 : vector<16xi32>
      %gather3A_237 = tpu.vector_load_idx %arg14[%add3A_236] : memref<4096xf32, #tpu.memory_space<vmem>>[vector<16xi32>], vector<16xf32>,
      %lt3A_238 = arith.cmpf olt, %gather3A_237, %get3A_213 : vector<16xf32>
      %add3A_239 = arith.constant 512 : i32
      %add3A_240 = vector.broadcast %add3A_239 : i32 to vector<16xi32>
      %add3A_241 = arith.addi %select_n3A_233, %add3A_240 : vector<16xi32>
      %select_n3A_242 = arith.select %lt3A_238, %add3A_241, %select_n3A_233 : vector<16xi1>, vector<16xi32>
      %add3A_243 = arith.constant 255 : i32
      %add3A_244 = vector.broadcast %add3A_243 : i32 to vector<16xi32>
      %add3A_245 = arith.addi %select_n3A_242, %add3A_244 : vector<16xi32>
      %gather3A_246 = tpu.vector_load_idx %arg14[%add3A_245] : memref<4096xf32, #tpu.memory_space<vmem>>[vector<16xi32>], vector<16xf32>,
      %lt3A_247 = arith.cmpf olt, %gather3A_246, %get3A_213 : vector<16xf32>
      %add3A_248 = arith.constant 256 : i32
      %add3A_249 = vector.broadcast %add3A_248 : i32 to vector<16xi32>
      %add3A_250 = arith.addi %select_n3A_242, %add3A_249 : vector<16xi32>
      %select_n3A_251 = arith.select %lt3A_247, %add3A_250, %select_n3A_242 : vector<16xi1>, vector<16xi32>
      %add3A_252 = arith.constant 127 : i32
      %add3A_253 = vector.broadcast %add3A_252 : i32 to vector<16xi32>
      %add3A_254 = arith.addi %select_n3A_251, %add3A_253 : vector<16xi32>
      %gather3A_255 = tpu.vector_load_idx %arg14[%add3A_254] : memref<4096xf32, #tpu.memory_space<vmem>>[vector<16xi32>], vector<16xf32>,
      %lt3A_256 = arith.cmpf olt, %gather3A_255, %get3A_213 : vector<16xf32>
      %add3A_257 = arith.constant 128 : i32
      %add3A_258 = vector.broadcast %add3A_257 : i32 to vector<16xi32>
      %add3A_259 = arith.addi %select_n3A_251, %add3A_258 : vector<16xi32>
      %select_n3A_260 = arith.select %lt3A_256, %add3A_259, %select_n3A_251 : vector<16xi1>, vector<16xi32>
      %add3A_261 = arith.constant 63 : i32
      %add3A_262 = vector.broadcast %add3A_261 : i32 to vector<16xi32>
      %add3A_263 = arith.addi %select_n3A_260, %add3A_262 : vector<16xi32>
      %gather3A_264 = tpu.vector_load_idx %arg14[%add3A_263] : memref<4096xf32, #tpu.memory_space<vmem>>[vector<16xi32>], vector<16xf32>,
      %lt3A_265 = arith.cmpf olt, %gather3A_264, %get3A_213 : vector<16xf32>
      %add3A_266 = arith.constant 64 : i32
      %add3A_267 = vector.broadcast %add3A_266 : i32 to vector<16xi32>
      %add3A_268 = arith.addi %select_n3A_260, %add3A_267 : vector<16xi32>
      %select_n3A_269 = arith.select %lt3A_265, %add3A_268, %select_n3A_260 : vector<16xi1>, vector<16xi32>
      %add3A_270 = arith.constant 31 : i32
      %add3A_271 = vector.broadcast %add3A_270 : i32 to vector<16xi32>
      %add3A_272 = arith.addi %select_n3A_269, %add3A_271 : vector<16xi32>
      %gather3A_273 = tpu.vector_load_idx %arg14[%add3A_272] : memref<4096xf32, #tpu.memory_space<vmem>>[vector<16xi32>], vector<16xf32>,
      %lt3A_274 = arith.cmpf olt, %gather3A_273, %get3A_213 : vector<16xf32>
      %add3A_275 = arith.constant 32 : i32
      %add3A_276 = vector.broadcast %add3A_275 : i32 to vector<16xi32>
      %add3A_277 = arith.addi %select_n3A_269, %add3A_276 : vector<16xi32>
      %select_n3A_278 = arith.select %lt3A_274, %add3A_277, %select_n3A_269 : vector<16xi1>, vector<16xi32>
      %add3A_279 = arith.constant 15 : i32
      %add3A_280 = vector.broadcast %add3A_279 : i32 to vector<16xi32>
      %add3A_281 = arith.addi %select_n3A_278, %add3A_280 : vector<16xi32>
      %gather3A_282 = tpu.vector_load_idx %arg14[%add3A_281] : memref<4096xf32, #tpu.memory_space<vmem>>[vector<16xi32>], vector<16xf32>,
      %lt3A_283 = arith.cmpf olt, %gather3A_282, %get3A_213 : vector<16xf32>
      %add3A_284 = arith.constant 16 : i32
      %add3A_285 = vector.broadcast %add3A_284 : i32 to vector<16xi32>
      %add3A_286 = arith.addi %select_n3A_278, %add3A_285 : vector<16xi32>
      %select_n3A_287 = arith.select %lt3A_283, %add3A_286, %select_n3A_278 : vector<16xi1>, vector<16xi32>
      %add3A_288 = arith.constant 7 : i32
      %add3A_289 = vector.broadcast %add3A_288 : i32 to vector<16xi32>
      %add3A_290 = arith.addi %select_n3A_287, %add3A_289 : vector<16xi32>
      %gather3A_291 = tpu.vector_load_idx %arg14[%add3A_290] : memref<4096xf32, #tpu.memory_space<vmem>>[vector<16xi32>], vector<16xf32>,
      %lt3A_292 = arith.cmpf olt, %gather3A_291, %get3A_213 : vector<16xf32>
      %add3A_293 = arith.constant 8 : i32
      %add3A_294 = vector.broadcast %add3A_293 : i32 to vector<16xi32>
      %add3A_295 = arith.addi %select_n3A_287, %add3A_294 : vector<16xi32>
      %select_n3A_296 = arith.select %lt3A_292, %add3A_295, %select_n3A_287 : vector<16xi1>, vector<16xi32>
      %add3A_297 = arith.constant 3 : i32
      %add3A_298 = vector.broadcast %add3A_297 : i32 to vector<16xi32>
      %add3A_299 = arith.addi %select_n3A_296, %add3A_298 : vector<16xi32>
      %gather3A_300 = tpu.vector_load_idx %arg14[%add3A_299] : memref<4096xf32, #tpu.memory_space<vmem>>[vector<16xi32>], vector<16xf32>,
      %lt3A_301 = arith.cmpf olt, %gather3A_300, %get3A_213 : vector<16xf32>
      %add3A_302 = arith.constant 4 : i32
      %add3A_303 = vector.broadcast %add3A_302 : i32 to vector<16xi32>
      %add3A_304 = arith.addi %select_n3A_296, %add3A_303 : vector<16xi32>
      %select_n3A_305 = arith.select %lt3A_301, %add3A_304, %select_n3A_296 : vector<16xi1>, vector<16xi32>
      %add3A_306 = arith.constant 1 : i32
      %add3A_307 = vector.broadcast %add3A_306 : i32 to vector<16xi32>
      %add3A_308 = arith.addi %select_n3A_305, %add3A_307 : vector<16xi32>
      %gather3A_309 = tpu.vector_load_idx %arg14[%add3A_308] : memref<4096xf32, #tpu.memory_space<vmem>>[vector<16xi32>], vector<16xf32>,
      %lt3A_310 = arith.cmpf olt, %gather3A_309, %get3A_213 : vector<16xf32>
      %add3A_311 = arith.constant 2 : i32
      %add3A_312 = vector.broadcast %add3A_311 : i32 to vector<16xi32>
      %add3A_313 = arith.addi %select_n3A_305, %add3A_312 : vector<16xi32>
      %select_n3A_314 = arith.select %lt3A_310, %add3A_313, %select_n3A_305 : vector<16xi1>, vector<16xi32>
      %add3A_315 = arith.constant 0 : i32
      %add3A_316 = vector.broadcast %add3A_315 : i32 to vector<16xi32>
      %add3A_317 = arith.addi %select_n3A_314, %add3A_316 : vector<16xi32>
      %gather3A_318 = tpu.vector_load_idx %arg14[%add3A_317] : memref<4096xf32, #tpu.memory_space<vmem>>[vector<16xi32>], vector<16xf32>,
      %lt3A_319 = arith.cmpf olt, %gather3A_318, %get3A_213 : vector<16xf32>
      %add3A_320 = arith.constant 1 : i32
      %add3A_321 = vector.broadcast %add3A_320 : i32 to vector<16xi32>
      %add3A_322 = arith.addi %select_n3A_314, %add3A_321 : vector<16xi32>
      %select_n3A_323 = arith.select %lt3A_319, %add3A_322, %select_n3A_314 : vector<16xi1>, vector<16xi32>
      %gather3A_324 = tpu.vector_load_idx %arg14[%select_n3A_323] : memref<4096xf32, #tpu.memory_space<vmem>>[vector<16xi32>], vector<16xf32>,
      %lt3A_325 = arith.cmpf olt, %gather3A_324, %get3A_213 : vector<16xf32>
      %add3A_326 = arith.constant 1 : i32
      %add3A_327 = vector.broadcast %add3A_326 : i32 to vector<16xi32>
      %add3A_328 = arith.addi %select_n3A_323, %add3A_327 : vector<16xi32>
      %select_n3A_329 = arith.select %lt3A_325, %add3A_328, %select_n3A_323 : vector<16xi1>, vector<16xi32>
      %min3A_330 = arith.constant 4095 : i32
      %min3A_331 = vector.broadcast %min3A_330 : i32 to vector<16xi32>
      %min3A_332 = arith.minsi %select_n3A_329, %min3A_331 : vector<16xi32>
      %broadcast_in_dim3A_333 = arith.constant 0 : i32
      %broadcast_in_dim3A_334 = vector.broadcast %broadcast_in_dim3A_333 : i32 to vector<16xi32>
      %broadcast_in_dim3A_335 = arith.constant 0 : i32
      %broadcast_in_dim3A_336 = vector.broadcast %broadcast_in_dim3A_335 : i32 to vector<16xi32>
      %gather3A_337 = tpu.vector_load_idx %arg15[%broadcast_in_dim3A_336, %min3A_332] : memref<8x4096xf32, #tpu.memory_space<vmem>>[vector<16xi32>, vector<16xi32>], vector<16xf32>,
      %lt3A_338 = arith.cmpf olt, %gather3A_337, %get3A_213 : vector<16xf32>
      %jit3A_339 = arith.constant 1 : i32
      %jit3A_340 = arith.constant 0 : i32
      %broadcast_in_dim3A_341 = vector.broadcast %jit3A_339 : i32 to vector<16xi32>
      %broadcast_in_dim3A_342 = vector.broadcast %jit3A_340 : i32 to vector<16xi32>
      %select_n3A_343 = arith.select %lt3A_338, %broadcast_in_dim3A_341, %broadcast_in_dim3A_342 : vector<16xi1>, vector<16xi32>
      %add3A_344 = arith.addi %broadcast_in_dim3A_334, %select_n3A_343 : vector<16xi32>
      %broadcast_in_dim3A_345 = arith.constant 1 : i32
      %broadcast_in_dim3A_346 = vector.broadcast %broadcast_in_dim3A_345 : i32 to vector<16xi32>
      %gather3A_347 = tpu.vector_load_idx %arg15[%broadcast_in_dim3A_346, %min3A_332] : memref<8x4096xf32, #tpu.memory_space<vmem>>[vector<16xi32>, vector<16xi32>], vector<16xf32>,
      %lt3A_348 = arith.cmpf olt, %gather3A_347, %get3A_213 : vector<16xf32>
      %jit3A_349 = arith.constant 1 : i32
      %jit3A_350 = arith.constant 0 : i32
      %broadcast_in_dim3A_351 = vector.broadcast %jit3A_349 : i32 to vector<16xi32>
      %broadcast_in_dim3A_352 = vector.broadcast %jit3A_350 : i32 to vector<16xi32>
      %select_n3A_353 = arith.select %lt3A_348, %broadcast_in_dim3A_351, %broadcast_in_dim3A_352 : vector<16xi1>, vector<16xi32>
      %add3A_354 = arith.addi %add3A_344, %select_n3A_353 : vector<16xi32>
      %broadcast_in_dim3A_355 = arith.constant 2 : i32
      %broadcast_in_dim3A_356 = vector.broadcast %broadcast_in_dim3A_355 : i32 to vector<16xi32>
      %gather3A_357 = tpu.vector_load_idx %arg15[%broadcast_in_dim3A_356, %min3A_332] : memref<8x4096xf32, #tpu.memory_space<vmem>>[vector<16xi32>, vector<16xi32>], vector<16xf32>,
      %lt3A_358 = arith.cmpf olt, %gather3A_357, %get3A_213 : vector<16xf32>
      %jit3A_359 = arith.constant 1 : i32
      %jit3A_360 = arith.constant 0 : i32
      %broadcast_in_dim3A_361 = vector.broadcast %jit3A_359 : i32 to vector<16xi32>
      %broadcast_in_dim3A_362 = vector.broadcast %jit3A_360 : i32 to vector<16xi32>
      %select_n3A_363 = arith.select %lt3A_358, %broadcast_in_dim3A_361, %broadcast_in_dim3A_362 : vector<16xi1>, vector<16xi32>
      %add3A_364 = arith.addi %add3A_354, %select_n3A_363 : vector<16xi32>
      %broadcast_in_dim3A_365 = arith.constant 3 : i32
      %broadcast_in_dim3A_366 = vector.broadcast %broadcast_in_dim3A_365 : i32 to vector<16xi32>
      %gather3A_367 = tpu.vector_load_idx %arg15[%broadcast_in_dim3A_366, %min3A_332] : memref<8x4096xf32, #tpu.memory_space<vmem>>[vector<16xi32>, vector<16xi32>], vector<16xf32>,
      %lt3A_368 = arith.cmpf olt, %gather3A_367, %get3A_213 : vector<16xf32>
      %jit3A_369 = arith.constant 1 : i32
      %jit3A_370 = arith.constant 0 : i32
      %broadcast_in_dim3A_371 = vector.broadcast %jit3A_369 : i32 to vector<16xi32>
      %broadcast_in_dim3A_372 = vector.broadcast %jit3A_370 : i32 to vector<16xi32>
      %select_n3A_373 = arith.select %lt3A_368, %broadcast_in_dim3A_371, %broadcast_in_dim3A_372 : vector<16xi1>, vector<16xi32>
      %add3A_374 = arith.addi %add3A_364, %select_n3A_373 : vector<16xi32>
      %broadcast_in_dim3A_375 = arith.constant 4 : i32
      %broadcast_in_dim3A_376 = vector.broadcast %broadcast_in_dim3A_375 : i32 to vector<16xi32>
      %gather3A_377 = tpu.vector_load_idx %arg15[%broadcast_in_dim3A_376, %min3A_332] : memref<8x4096xf32, #tpu.memory_space<vmem>>[vector<16xi32>, vector<16xi32>], vector<16xf32>,
      %lt3A_378 = arith.cmpf olt, %gather3A_377, %get3A_213 : vector<16xf32>
      %jit3A_379 = arith.constant 1 : i32
      %jit3A_380 = arith.constant 0 : i32
      %broadcast_in_dim3A_381 = vector.broadcast %jit3A_379 : i32 to vector<16xi32>
      %broadcast_in_dim3A_382 = vector.broadcast %jit3A_380 : i32 to vector<16xi32>
      %select_n3A_383 = arith.select %lt3A_378, %broadcast_in_dim3A_381, %broadcast_in_dim3A_382 : vector<16xi1>, vector<16xi32>
      %add3A_384 = arith.addi %add3A_374, %select_n3A_383 : vector<16xi32>
      %broadcast_in_dim3A_385 = arith.constant 5 : i32
      %broadcast_in_dim3A_386 = vector.broadcast %broadcast_in_dim3A_385 : i32 to vector<16xi32>
      %gather3A_387 = tpu.vector_load_idx %arg15[%broadcast_in_dim3A_386, %min3A_332] : memref<8x4096xf32, #tpu.memory_space<vmem>>[vector<16xi32>, vector<16xi32>], vector<16xf32>,
      %lt3A_388 = arith.cmpf olt, %gather3A_387, %get3A_213 : vector<16xf32>
      %jit3A_389 = arith.constant 1 : i32
      %jit3A_390 = arith.constant 0 : i32
      %broadcast_in_dim3A_391 = vector.broadcast %jit3A_389 : i32 to vector<16xi32>
      %broadcast_in_dim3A_392 = vector.broadcast %jit3A_390 : i32 to vector<16xi32>
      %select_n3A_393 = arith.select %lt3A_388, %broadcast_in_dim3A_391, %broadcast_in_dim3A_392 : vector<16xi1>, vector<16xi32>
      %add3A_394 = arith.addi %add3A_384, %select_n3A_393 : vector<16xi32>
      %broadcast_in_dim3A_395 = arith.constant 6 : i32
      %broadcast_in_dim3A_396 = vector.broadcast %broadcast_in_dim3A_395 : i32 to vector<16xi32>
      %gather3A_397 = tpu.vector_load_idx %arg15[%broadcast_in_dim3A_396, %min3A_332] : memref<8x4096xf32, #tpu.memory_space<vmem>>[vector<16xi32>, vector<16xi32>], vector<16xf32>,
      %lt3A_398 = arith.cmpf olt, %gather3A_397, %get3A_213 : vector<16xf32>
      %jit3A_399 = arith.constant 1 : i32
      %jit3A_400 = arith.constant 0 : i32
      %broadcast_in_dim3A_401 = vector.broadcast %jit3A_399 : i32 to vector<16xi32>
      %broadcast_in_dim3A_402 = vector.broadcast %jit3A_400 : i32 to vector<16xi32>
      %select_n3A_403 = arith.select %lt3A_398, %broadcast_in_dim3A_401, %broadcast_in_dim3A_402 : vector<16xi1>, vector<16xi32>
      %add3A_404 = arith.addi %add3A_394, %select_n3A_403 : vector<16xi32>
      %broadcast_in_dim3A_405 = arith.constant 7 : i32
      %broadcast_in_dim3A_406 = vector.broadcast %broadcast_in_dim3A_405 : i32 to vector<16xi32>
      %gather3A_407 = tpu.vector_load_idx %arg15[%broadcast_in_dim3A_406, %min3A_332] : memref<8x4096xf32, #tpu.memory_space<vmem>>[vector<16xi32>, vector<16xi32>], vector<16xf32>,
      %lt3A_408 = arith.cmpf olt, %gather3A_407, %get3A_213 : vector<16xf32>
      %jit3A_409 = arith.constant 1 : i32
      %jit3A_410 = arith.constant 0 : i32
      %broadcast_in_dim3A_411 = vector.broadcast %jit3A_409 : i32 to vector<16xi32>
      %broadcast_in_dim3A_412 = vector.broadcast %jit3A_410 : i32 to vector<16xi32>
      %select_n3A_413 = arith.select %lt3A_408, %broadcast_in_dim3A_411, %broadcast_in_dim3A_412 : vector<16xi1>, vector<16xi32>
      %add3A_414 = arith.addi %add3A_404, %select_n3A_413 : vector<16xi32>
      %swap3A_415 = arith.constant 16 : index
      %swap3A_416 = tpu.vector_load %arg17[%swap3A_415] {strides = array<i32>} : memref<128xi32, #tpu.memory_space<vmem>>, vector<16xi32>,
      tpu.vector_store %arg17[%swap3A_415], %min3A_332 {strides = array<i32>} : memref<128xi32, #tpu.memory_space<vmem>>, vector<16xi32>,
      %min3A_417 = arith.constant 7 : i32
      %min3A_418 = vector.broadcast %min3A_417 : i32 to vector<16xi32>
      %min3A_419 = arith.minsi %add3A_414, %min3A_418 : vector<16xi32>
      %get3A_420 = arith.constant 32 : index
      %get3A_421 = tpu.vector_load %arg16[%get3A_420] {strides = array<i32>} : memref<128xf32, #tpu.memory_space<vmem>>, vector<16xf32>,
      %broadcast_in_dim3A_422 = arith.constant 0 : i32
      %broadcast_in_dim3A_423 = vector.broadcast %broadcast_in_dim3A_422 : i32 to vector<16xi32>
      %add3A_424 = arith.constant 2047 : i32
      %add3A_425 = vector.broadcast %add3A_424 : i32 to vector<16xi32>
      %add3A_426 = arith.addi %broadcast_in_dim3A_423, %add3A_425 : vector<16xi32>
      %gather3A_427 = tpu.vector_load_idx %arg14[%add3A_426] : memref<4096xf32, #tpu.memory_space<vmem>>[vector<16xi32>], vector<16xf32>,
      %lt3A_428 = arith.cmpf olt, %gather3A_427, %get3A_421 : vector<16xf32>
      %add3A_429 = arith.constant 2048 : i32
      %add3A_430 = vector.broadcast %add3A_429 : i32 to vector<16xi32>
      %add3A_431 = arith.addi %broadcast_in_dim3A_423, %add3A_430 : vector<16xi32>
      %select_n3A_432 = arith.select %lt3A_428, %add3A_431, %broadcast_in_dim3A_423 : vector<16xi1>, vector<16xi32>
      %add3A_433 = arith.constant 1023 : i32
      %add3A_434 = vector.broadcast %add3A_433 : i32 to vector<16xi32>
      %add3A_435 = arith.addi %select_n3A_432, %add3A_434 : vector<16xi32>
      %gather3A_436 = tpu.vector_load_idx %arg14[%add3A_435] : memref<4096xf32, #tpu.memory_space<vmem>>[vector<16xi32>], vector<16xf32>,
      %lt3A_437 = arith.cmpf olt, %gather3A_436, %get3A_421 : vector<16xf32>
      %add3A_438 = arith.constant 1024 : i32
      %add3A_439 = vector.broadcast %add3A_438 : i32 to vector<16xi32>
      %add3A_440 = arith.addi %select_n3A_432, %add3A_439 : vector<16xi32>
      %select_n3A_441 = arith.select %lt3A_437, %add3A_440, %select_n3A_432 : vector<16xi1>, vector<16xi32>
      %add3A_442 = arith.constant 511 : i32
      %add3A_443 = vector.broadcast %add3A_442 : i32 to vector<16xi32>
      %add3A_444 = arith.addi %select_n3A_441, %add3A_443 : vector<16xi32>
      %gather3A_445 = tpu.vector_load_idx %arg14[%add3A_444] : memref<4096xf32, #tpu.memory_space<vmem>>[vector<16xi32>], vector<16xf32>,
      %lt3A_446 = arith.cmpf olt, %gather3A_445, %get3A_421 : vector<16xf32>
      %add3A_447 = arith.constant 512 : i32
      %add3A_448 = vector.broadcast %add3A_447 : i32 to vector<16xi32>
      %add3A_449 = arith.addi %select_n3A_441, %add3A_448 : vector<16xi32>
      %select_n3A_450 = arith.select %lt3A_446, %add3A_449, %select_n3A_441 : vector<16xi1>, vector<16xi32>
      %add3A_451 = arith.constant 255 : i32
      %add3A_452 = vector.broadcast %add3A_451 : i32 to vector<16xi32>
      %add3A_453 = arith.addi %select_n3A_450, %add3A_452 : vector<16xi32>
      %gather3A_454 = tpu.vector_load_idx %arg14[%add3A_453] : memref<4096xf32, #tpu.memory_space<vmem>>[vector<16xi32>], vector<16xf32>,
      %lt3A_455 = arith.cmpf olt, %gather3A_454, %get3A_421 : vector<16xf32>
      %add3A_456 = arith.constant 256 : i32
      %add3A_457 = vector.broadcast %add3A_456 : i32 to vector<16xi32>
      %add3A_458 = arith.addi %select_n3A_450, %add3A_457 : vector<16xi32>
      %select_n3A_459 = arith.select %lt3A_455, %add3A_458, %select_n3A_450 : vector<16xi1>, vector<16xi32>
      %add3A_460 = arith.constant 127 : i32
      %add3A_461 = vector.broadcast %add3A_460 : i32 to vector<16xi32>
      %add3A_462 = arith.addi %select_n3A_459, %add3A_461 : vector<16xi32>
      %gather3A_463 = tpu.vector_load_idx %arg14[%add3A_462] : memref<4096xf32, #tpu.memory_space<vmem>>[vector<16xi32>], vector<16xf32>,
      %lt3A_464 = arith.cmpf olt, %gather3A_463, %get3A_421 : vector<16xf32>
      %add3A_465 = arith.constant 128 : i32
      %add3A_466 = vector.broadcast %add3A_465 : i32 to vector<16xi32>
      %add3A_467 = arith.addi %select_n3A_459, %add3A_466 : vector<16xi32>
      %select_n3A_468 = arith.select %lt3A_464, %add3A_467, %select_n3A_459 : vector<16xi1>, vector<16xi32>
      %add3A_469 = arith.constant 63 : i32
      %add3A_470 = vector.broadcast %add3A_469 : i32 to vector<16xi32>
      %add3A_471 = arith.addi %select_n3A_468, %add3A_470 : vector<16xi32>
      %gather3A_472 = tpu.vector_load_idx %arg14[%add3A_471] : memref<4096xf32, #tpu.memory_space<vmem>>[vector<16xi32>], vector<16xf32>,
      %lt3A_473 = arith.cmpf olt, %gather3A_472, %get3A_421 : vector<16xf32>
      %add3A_474 = arith.constant 64 : i32
      %add3A_475 = vector.broadcast %add3A_474 : i32 to vector<16xi32>
      %add3A_476 = arith.addi %select_n3A_468, %add3A_475 : vector<16xi32>
      %select_n3A_477 = arith.select %lt3A_473, %add3A_476, %select_n3A_468 : vector<16xi1>, vector<16xi32>
      %add3A_478 = arith.constant 31 : i32
      %add3A_479 = vector.broadcast %add3A_478 : i32 to vector<16xi32>
      %add3A_480 = arith.addi %select_n3A_477, %add3A_479 : vector<16xi32>
      %gather3A_481 = tpu.vector_load_idx %arg14[%add3A_480] : memref<4096xf32, #tpu.memory_space<vmem>>[vector<16xi32>], vector<16xf32>,
      %lt3A_482 = arith.cmpf olt, %gather3A_481, %get3A_421 : vector<16xf32>
      %add3A_483 = arith.constant 32 : i32
      %add3A_484 = vector.broadcast %add3A_483 : i32 to vector<16xi32>
      %add3A_485 = arith.addi %select_n3A_477, %add3A_484 : vector<16xi32>
      %select_n3A_486 = arith.select %lt3A_482, %add3A_485, %select_n3A_477 : vector<16xi1>, vector<16xi32>
      %add3A_487 = arith.constant 15 : i32
      %add3A_488 = vector.broadcast %add3A_487 : i32 to vector<16xi32>
      %add3A_489 = arith.addi %select_n3A_486, %add3A_488 : vector<16xi32>
      %gather3A_490 = tpu.vector_load_idx %arg14[%add3A_489] : memref<4096xf32, #tpu.memory_space<vmem>>[vector<16xi32>], vector<16xf32>,
      %lt3A_491 = arith.cmpf olt, %gather3A_490, %get3A_421 : vector<16xf32>
      %add3A_492 = arith.constant 16 : i32
      %add3A_493 = vector.broadcast %add3A_492 : i32 to vector<16xi32>
      %add3A_494 = arith.addi %select_n3A_486, %add3A_493 : vector<16xi32>
      %select_n3A_495 = arith.select %lt3A_491, %add3A_494, %select_n3A_486 : vector<16xi1>, vector<16xi32>
      %add3A_496 = arith.constant 7 : i32
      %add3A_497 = vector.broadcast %add3A_496 : i32 to vector<16xi32>
      %add3A_498 = arith.addi %select_n3A_495, %add3A_497 : vector<16xi32>
      %gather3A_499 = tpu.vector_load_idx %arg14[%add3A_498] : memref<4096xf32, #tpu.memory_space<vmem>>[vector<16xi32>], vector<16xf32>,
      %lt3A_500 = arith.cmpf olt, %gather3A_499, %get3A_421 : vector<16xf32>
      %add3A_501 = arith.constant 8 : i32
      %add3A_502 = vector.broadcast %add3A_501 : i32 to vector<16xi32>
      %add3A_503 = arith.addi %select_n3A_495, %add3A_502 : vector<16xi32>
      %select_n3A_504 = arith.select %lt3A_500, %add3A_503, %select_n3A_495 : vector<16xi1>, vector<16xi32>
      %add3A_505 = arith.constant 3 : i32
      %add3A_506 = vector.broadcast %add3A_505 : i32 to vector<16xi32>
      %add3A_507 = arith.addi %select_n3A_504, %add3A_506 : vector<16xi32>
      %gather3A_508 = tpu.vector_load_idx %arg14[%add3A_507] : memref<4096xf32, #tpu.memory_space<vmem>>[vector<16xi32>], vector<16xf32>,
      %lt3A_509 = arith.cmpf olt, %gather3A_508, %get3A_421 : vector<16xf32>
      %add3A_510 = arith.constant 4 : i32
      %add3A_511 = vector.broadcast %add3A_510 : i32 to vector<16xi32>
      %add3A_512 = arith.addi %select_n3A_504, %add3A_511 : vector<16xi32>
      %select_n3A_513 = arith.select %lt3A_509, %add3A_512, %select_n3A_504 : vector<16xi1>, vector<16xi32>
      %add3A_514 = arith.constant 1 : i32
      %add3A_515 = vector.broadcast %add3A_514 : i32 to vector<16xi32>
      %add3A_516 = arith.addi %select_n3A_513, %add3A_515 : vector<16xi32>
      %gather3A_517 = tpu.vector_load_idx %arg14[%add3A_516] : memref<4096xf32, #tpu.memory_space<vmem>>[vector<16xi32>], vector<16xf32>,
      %lt3A_518 = arith.cmpf olt, %gather3A_517, %get3A_421 : vector<16xf32>
      %add3A_519 = arith.constant 2 : i32
      %add3A_520 = vector.broadcast %add3A_519 : i32 to vector<16xi32>
      %add3A_521 = arith.addi %select_n3A_513, %add3A_520 : vector<16xi32>
      %select_n3A_522 = arith.select %lt3A_518, %add3A_521, %select_n3A_513 : vector<16xi1>, vector<16xi32>
      %add3A_523 = arith.constant 0 : i32
      %add3A_524 = vector.broadcast %add3A_523 : i32 to vector<16xi32>
      %add3A_525 = arith.addi %select_n3A_522, %add3A_524 : vector<16xi32>
      %gather3A_526 = tpu.vector_load_idx %arg14[%add3A_525] : memref<4096xf32, #tpu.memory_space<vmem>>[vector<16xi32>], vector<16xf32>,
      %lt3A_527 = arith.cmpf olt, %gather3A_526, %get3A_421 : vector<16xf32>
      %add3A_528 = arith.constant 1 : i32
      %add3A_529 = vector.broadcast %add3A_528 : i32 to vector<16xi32>
      %add3A_530 = arith.addi %select_n3A_522, %add3A_529 : vector<16xi32>
      %select_n3A_531 = arith.select %lt3A_527, %add3A_530, %select_n3A_522 : vector<16xi1>, vector<16xi32>
      %gather3A_532 = tpu.vector_load_idx %arg14[%select_n3A_531] : memref<4096xf32, #tpu.memory_space<vmem>>[vector<16xi32>], vector<16xf32>,
      %lt3A_533 = arith.cmpf olt, %gather3A_532, %get3A_421 : vector<16xf32>
      %add3A_534 = arith.constant 1 : i32
      %add3A_535 = vector.broadcast %add3A_534 : i32 to vector<16xi32>
      %add3A_536 = arith.addi %select_n3A_531, %add3A_535 : vector<16xi32>
      %select_n3A_537 = arith.select %lt3A_533, %add3A_536, %select_n3A_531 : vector<16xi1>, vector<16xi32>
      %min3A_538 = arith.constant 4095 : i32
      %min3A_539 = vector.broadcast %min3A_538 : i32 to vector<16xi32>
      %min3A_540 = arith.minsi %select_n3A_537, %min3A_539 : vector<16xi32>
      %broadcast_in_dim3A_541 = arith.constant 0 : i32
      %broadcast_in_dim3A_542 = vector.broadcast %broadcast_in_dim3A_541 : i32 to vector<16xi32>
      %broadcast_in_dim3A_543 = arith.constant 0 : i32
      %broadcast_in_dim3A_544 = vector.broadcast %broadcast_in_dim3A_543 : i32 to vector<16xi32>
      %gather3A_545 = tpu.vector_load_idx %arg15[%broadcast_in_dim3A_544, %min3A_540] : memref<8x4096xf32, #tpu.memory_space<vmem>>[vector<16xi32>, vector<16xi32>], vector<16xf32>,
      %lt3A_546 = arith.cmpf olt, %gather3A_545, %get3A_421 : vector<16xf32>
      %jit3A_547 = arith.constant 1 : i32
      %jit3A_548 = arith.constant 0 : i32
      %broadcast_in_dim3A_549 = vector.broadcast %jit3A_547 : i32 to vector<16xi32>
      %broadcast_in_dim3A_550 = vector.broadcast %jit3A_548 : i32 to vector<16xi32>
      %select_n3A_551 = arith.select %lt3A_546, %broadcast_in_dim3A_549, %broadcast_in_dim3A_550 : vector<16xi1>, vector<16xi32>
      %add3A_552 = arith.addi %broadcast_in_dim3A_542, %select_n3A_551 : vector<16xi32>
      %broadcast_in_dim3A_553 = arith.constant 1 : i32
      %broadcast_in_dim3A_554 = vector.broadcast %broadcast_in_dim3A_553 : i32 to vector<16xi32>
      %gather3A_555 = tpu.vector_load_idx %arg15[%broadcast_in_dim3A_554, %min3A_540] : memref<8x4096xf32, #tpu.memory_space<vmem>>[vector<16xi32>, vector<16xi32>], vector<16xf32>,
      %lt3A_556 = arith.cmpf olt, %gather3A_555, %get3A_421 : vector<16xf32>
      %jit3A_557 = arith.constant 1 : i32
      %jit3A_558 = arith.constant 0 : i32
      %broadcast_in_dim3A_559 = vector.broadcast %jit3A_557 : i32 to vector<16xi32>
      %broadcast_in_dim3A_560 = vector.broadcast %jit3A_558 : i32 to vector<16xi32>
      %select_n3A_561 = arith.select %lt3A_556, %broadcast_in_dim3A_559, %broadcast_in_dim3A_560 : vector<16xi1>, vector<16xi32>
      %add3A_562 = arith.addi %add3A_552, %select_n3A_561 : vector<16xi32>
      %broadcast_in_dim3A_563 = arith.constant 2 : i32
      %broadcast_in_dim3A_564 = vector.broadcast %broadcast_in_dim3A_563 : i32 to vector<16xi32>
      %gather3A_565 = tpu.vector_load_idx %arg15[%broadcast_in_dim3A_564, %min3A_540] : memref<8x4096xf32, #tpu.memory_space<vmem>>[vector<16xi32>, vector<16xi32>], vector<16xf32>,
      %lt3A_566 = arith.cmpf olt, %gather3A_565, %get3A_421 : vector<16xf32>
      %jit3A_567 = arith.constant 1 : i32
      %jit3A_568 = arith.constant 0 : i32
      %broadcast_in_dim3A_569 = vector.broadcast %jit3A_567 : i32 to vector<16xi32>
      %broadcast_in_dim3A_570 = vector.broadcast %jit3A_568 : i32 to vector<16xi32>
      %select_n3A_571 = arith.select %lt3A_566, %broadcast_in_dim3A_569, %broadcast_in_dim3A_570 : vector<16xi1>, vector<16xi32>
      %add3A_572 = arith.addi %add3A_562, %select_n3A_571 : vector<16xi32>
      %broadcast_in_dim3A_573 = arith.constant 3 : i32
      %broadcast_in_dim3A_574 = vector.broadcast %broadcast_in_dim3A_573 : i32 to vector<16xi32>
      %gather3A_575 = tpu.vector_load_idx %arg15[%broadcast_in_dim3A_574, %min3A_540] : memref<8x4096xf32, #tpu.memory_space<vmem>>[vector<16xi32>, vector<16xi32>], vector<16xf32>,
      %lt3A_576 = arith.cmpf olt, %gather3A_575, %get3A_421 : vector<16xf32>
      %jit3A_577 = arith.constant 1 : i32
      %jit3A_578 = arith.constant 0 : i32
      %broadcast_in_dim3A_579 = vector.broadcast %jit3A_577 : i32 to vector<16xi32>
      %broadcast_in_dim3A_580 = vector.broadcast %jit3A_578 : i32 to vector<16xi32>
      %select_n3A_581 = arith.select %lt3A_576, %broadcast_in_dim3A_579, %broadcast_in_dim3A_580 : vector<16xi1>, vector<16xi32>
      %add3A_582 = arith.addi %add3A_572, %select_n3A_581 : vector<16xi32>
      %broadcast_in_dim3A_583 = arith.constant 4 : i32
      %broadcast_in_dim3A_584 = vector.broadcast %broadcast_in_dim3A_583 : i32 to vector<16xi32>
      %gather3A_585 = tpu.vector_load_idx %arg15[%broadcast_in_dim3A_584, %min3A_540] : memref<8x4096xf32, #tpu.memory_space<vmem>>[vector<16xi32>, vector<16xi32>], vector<16xf32>,
      %lt3A_586 = arith.cmpf olt, %gather3A_585, %get3A_421 : vector<16xf32>
      %jit3A_587 = arith.constant 1 : i32
      %jit3A_588 = arith.constant 0 : i32
      %broadcast_in_dim3A_589 = vector.broadcast %jit3A_587 : i32 to vector<16xi32>
      %broadcast_in_dim3A_590 = vector.broadcast %jit3A_588 : i32 to vector<16xi32>
      %select_n3A_591 = arith.select %lt3A_586, %broadcast_in_dim3A_589, %broadcast_in_dim3A_590 : vector<16xi1>, vector<16xi32>
      %add3A_592 = arith.addi %add3A_582, %select_n3A_591 : vector<16xi32>
      %broadcast_in_dim3A_593 = arith.constant 5 : i32
      %broadcast_in_dim3A_594 = vector.broadcast %broadcast_in_dim3A_593 : i32 to vector<16xi32>
      %gather3A_595 = tpu.vector_load_idx %arg15[%broadcast_in_dim3A_594, %min3A_540] : memref<8x4096xf32, #tpu.memory_space<vmem>>[vector<16xi32>, vector<16xi32>], vector<16xf32>,
      %lt3A_596 = arith.cmpf olt, %gather3A_595, %get3A_421 : vector<16xf32>
      %jit3A_597 = arith.constant 1 : i32
      %jit3A_598 = arith.constant 0 : i32
      %broadcast_in_dim3A_599 = vector.broadcast %jit3A_597 : i32 to vector<16xi32>
      %broadcast_in_dim3A_600 = vector.broadcast %jit3A_598 : i32 to vector<16xi32>
      %select_n3A_601 = arith.select %lt3A_596, %broadcast_in_dim3A_599, %broadcast_in_dim3A_600 : vector<16xi1>, vector<16xi32>
      %add3A_602 = arith.addi %add3A_592, %select_n3A_601 : vector<16xi32>
      %broadcast_in_dim3A_603 = arith.constant 6 : i32
      %broadcast_in_dim3A_604 = vector.broadcast %broadcast_in_dim3A_603 : i32 to vector<16xi32>
      %gather3A_605 = tpu.vector_load_idx %arg15[%broadcast_in_dim3A_604, %min3A_540] : memref<8x4096xf32, #tpu.memory_space<vmem>>[vector<16xi32>, vector<16xi32>], vector<16xf32>,
      %lt3A_606 = arith.cmpf olt, %gather3A_605, %get3A_421 : vector<16xf32>
      %jit3A_607 = arith.constant 1 : i32
      %jit3A_608 = arith.constant 0 : i32
      %broadcast_in_dim3A_609 = vector.broadcast %jit3A_607 : i32 to vector<16xi32>
      %broadcast_in_dim3A_610 = vector.broadcast %jit3A_608 : i32 to vector<16xi32>
      %select_n3A_611 = arith.select %lt3A_606, %broadcast_in_dim3A_609, %broadcast_in_dim3A_610 : vector<16xi1>, vector<16xi32>
      %add3A_612 = arith.addi %add3A_602, %select_n3A_611 : vector<16xi32>
      %broadcast_in_dim3A_613 = arith.constant 7 : i32
      %broadcast_in_dim3A_614 = vector.broadcast %broadcast_in_dim3A_613 : i32 to vector<16xi32>
      %gather3A_615 = tpu.vector_load_idx %arg15[%broadcast_in_dim3A_614, %min3A_540] : memref<8x4096xf32, #tpu.memory_space<vmem>>[vector<16xi32>, vector<16xi32>], vector<16xf32>,
      %lt3A_616 = arith.cmpf olt, %gather3A_615, %get3A_421 : vector<16xf32>
      %jit3A_617 = arith.constant 1 : i32
      %jit3A_618 = arith.constant 0 : i32
      %broadcast_in_dim3A_619 = vector.broadcast %jit3A_617 : i32 to vector<16xi32>
      %broadcast_in_dim3A_620 = vector.broadcast %jit3A_618 : i32 to vector<16xi32>
      %select_n3A_621 = arith.select %lt3A_616, %broadcast_in_dim3A_619, %broadcast_in_dim3A_620 : vector<16xi1>, vector<16xi32>
      %add3A_622 = arith.addi %add3A_612, %select_n3A_621 : vector<16xi32>
      %swap3A_623 = arith.constant 32 : index
      %swap3A_624 = tpu.vector_load %arg17[%swap3A_623] {strides = array<i32>} : memref<128xi32, #tpu.memory_space<vmem>>, vector<16xi32>,
      tpu.vector_store %arg17[%swap3A_623], %min3A_540 {strides = array<i32>} : memref<128xi32, #tpu.memory_space<vmem>>, vector<16xi32>,
      %min3A_625 = arith.constant 7 : i32
      %min3A_626 = vector.broadcast %min3A_625 : i32 to vector<16xi32>
      %min3A_627 = arith.minsi %add3A_622, %min3A_626 : vector<16xi32>
      %get3A_628 = arith.constant 48 : index
      %get3A_629 = tpu.vector_load %arg16[%get3A_628] {strides = array<i32>} : memref<128xf32, #tpu.memory_space<vmem>>, vector<16xf32>,
      %broadcast_in_dim3A_630 = arith.constant 0 : i32
      %broadcast_in_dim3A_631 = vector.broadcast %broadcast_in_dim3A_630 : i32 to vector<16xi32>
      %add3A_632 = arith.constant 2047 : i32
      %add3A_633 = vector.broadcast %add3A_632 : i32 to vector<16xi32>
      %add3A_634 = arith.addi %broadcast_in_dim3A_631, %add3A_633 : vector<16xi32>
      %gather3A_635 = tpu.vector_load_idx %arg14[%add3A_634] : memref<4096xf32, #tpu.memory_space<vmem>>[vector<16xi32>], vector<16xf32>,
      %lt3A_636 = arith.cmpf olt, %gather3A_635, %get3A_629 : vector<16xf32>
      %add3A_637 = arith.constant 2048 : i32
      %add3A_638 = vector.broadcast %add3A_637 : i32 to vector<16xi32>
      %add3A_639 = arith.addi %broadcast_in_dim3A_631, %add3A_638 : vector<16xi32>
      %select_n3A_640 = arith.select %lt3A_636, %add3A_639, %broadcast_in_dim3A_631 : vector<16xi1>, vector<16xi32>
      %add3A_641 = arith.constant 1023 : i32
      %add3A_642 = vector.broadcast %add3A_641 : i32 to vector<16xi32>
      %add3A_643 = arith.addi %select_n3A_640, %add3A_642 : vector<16xi32>
      %gather3A_644 = tpu.vector_load_idx %arg14[%add3A_643] : memref<4096xf32, #tpu.memory_space<vmem>>[vector<16xi32>], vector<16xf32>,
      %lt3A_645 = arith.cmpf olt, %gather3A_644, %get3A_629 : vector<16xf32>
      %add3A_646 = arith.constant 1024 : i32
      %add3A_647 = vector.broadcast %add3A_646 : i32 to vector<16xi32>
      %add3A_648 = arith.addi %select_n3A_640, %add3A_647 : vector<16xi32>
      %select_n3A_649 = arith.select %lt3A_645, %add3A_648, %select_n3A_640 : vector<16xi1>, vector<16xi32>
      %add3A_650 = arith.constant 511 : i32
      %add3A_651 = vector.broadcast %add3A_650 : i32 to vector<16xi32>
      %add3A_652 = arith.addi %select_n3A_649, %add3A_651 : vector<16xi32>
      %gather3A_653 = tpu.vector_load_idx %arg14[%add3A_652] : memref<4096xf32, #tpu.memory_space<vmem>>[vector<16xi32>], vector<16xf32>,
      %lt3A_654 = arith.cmpf olt, %gather3A_653, %get3A_629 : vector<16xf32>
      %add3A_655 = arith.constant 512 : i32
      %add3A_656 = vector.broadcast %add3A_655 : i32 to vector<16xi32>
      %add3A_657 = arith.addi %select_n3A_649, %add3A_656 : vector<16xi32>
      %select_n3A_658 = arith.select %lt3A_654, %add3A_657, %select_n3A_649 : vector<16xi1>, vector<16xi32>
      %add3A_659 = arith.constant 255 : i32
      %add3A_660 = vector.broadcast %add3A_659 : i32 to vector<16xi32>
      %add3A_661 = arith.addi %select_n3A_658, %add3A_660 : vector<16xi32>
      %gather3A_662 = tpu.vector_load_idx %arg14[%add3A_661] : memref<4096xf32, #tpu.memory_space<vmem>>[vector<16xi32>], vector<16xf32>,
      %lt3A_663 = arith.cmpf olt, %gather3A_662, %get3A_629 : vector<16xf32>
      %add3A_664 = arith.constant 256 : i32
      %add3A_665 = vector.broadcast %add3A_664 : i32 to vector<16xi32>
      %add3A_666 = arith.addi %select_n3A_658, %add3A_665 : vector<16xi32>
      %select_n3A_667 = arith.select %lt3A_663, %add3A_666, %select_n3A_658 : vector<16xi1>, vector<16xi32>
      %add3A_668 = arith.constant 127 : i32
      %add3A_669 = vector.broadcast %add3A_668 : i32 to vector<16xi32>
      %add3A_670 = arith.addi %select_n3A_667, %add3A_669 : vector<16xi32>
      %gather3A_671 = tpu.vector_load_idx %arg14[%add3A_670] : memref<4096xf32, #tpu.memory_space<vmem>>[vector<16xi32>], vector<16xf32>,
      %lt3A_672 = arith.cmpf olt, %gather3A_671, %get3A_629 : vector<16xf32>
      %add3A_673 = arith.constant 128 : i32
      %add3A_674 = vector.broadcast %add3A_673 : i32 to vector<16xi32>
      %add3A_675 = arith.addi %select_n3A_667, %add3A_674 : vector<16xi32>
      %select_n3A_676 = arith.select %lt3A_672, %add3A_675, %select_n3A_667 : vector<16xi1>, vector<16xi32>
      %add3A_677 = arith.constant 63 : i32
      %add3A_678 = vector.broadcast %add3A_677 : i32 to vector<16xi32>
      %add3A_679 = arith.addi %select_n3A_676, %add3A_678 : vector<16xi32>
      %gather3A_680 = tpu.vector_load_idx %arg14[%add3A_679] : memref<4096xf32, #tpu.memory_space<vmem>>[vector<16xi32>], vector<16xf32>,
      %lt3A_681 = arith.cmpf olt, %gather3A_680, %get3A_629 : vector<16xf32>
      %add3A_682 = arith.constant 64 : i32
      %add3A_683 = vector.broadcast %add3A_682 : i32 to vector<16xi32>
      %add3A_684 = arith.addi %select_n3A_676, %add3A_683 : vector<16xi32>
      %select_n3A_685 = arith.select %lt3A_681, %add3A_684, %select_n3A_676 : vector<16xi1>, vector<16xi32>
      %add3A_686 = arith.constant 31 : i32
      %add3A_687 = vector.broadcast %add3A_686 : i32 to vector<16xi32>
      %add3A_688 = arith.addi %select_n3A_685, %add3A_687 : vector<16xi32>
      %gather3A_689 = tpu.vector_load_idx %arg14[%add3A_688] : memref<4096xf32, #tpu.memory_space<vmem>>[vector<16xi32>], vector<16xf32>,
      %lt3A_690 = arith.cmpf olt, %gather3A_689, %get3A_629 : vector<16xf32>
      %add3A_691 = arith.constant 32 : i32
      %add3A_692 = vector.broadcast %add3A_691 : i32 to vector<16xi32>
      %add3A_693 = arith.addi %select_n3A_685, %add3A_692 : vector<16xi32>
      %select_n3A_694 = arith.select %lt3A_690, %add3A_693, %select_n3A_685 : vector<16xi1>, vector<16xi32>
      %add3A_695 = arith.constant 15 : i32
      %add3A_696 = vector.broadcast %add3A_695 : i32 to vector<16xi32>
      %add3A_697 = arith.addi %select_n3A_694, %add3A_696 : vector<16xi32>
      %gather3A_698 = tpu.vector_load_idx %arg14[%add3A_697] : memref<4096xf32, #tpu.memory_space<vmem>>[vector<16xi32>], vector<16xf32>,
      %lt3A_699 = arith.cmpf olt, %gather3A_698, %get3A_629 : vector<16xf32>
      %add3A_700 = arith.constant 16 : i32
      %add3A_701 = vector.broadcast %add3A_700 : i32 to vector<16xi32>
      %add3A_702 = arith.addi %select_n3A_694, %add3A_701 : vector<16xi32>
      %select_n3A_703 = arith.select %lt3A_699, %add3A_702, %select_n3A_694 : vector<16xi1>, vector<16xi32>
      %add3A_704 = arith.constant 7 : i32
      %add3A_705 = vector.broadcast %add3A_704 : i32 to vector<16xi32>
      %add3A_706 = arith.addi %select_n3A_703, %add3A_705 : vector<16xi32>
      %gather3A_707 = tpu.vector_load_idx %arg14[%add3A_706] : memref<4096xf32, #tpu.memory_space<vmem>>[vector<16xi32>], vector<16xf32>,
      %lt3A_708 = arith.cmpf olt, %gather3A_707, %get3A_629 : vector<16xf32>
      %add3A_709 = arith.constant 8 : i32
      %add3A_710 = vector.broadcast %add3A_709 : i32 to vector<16xi32>
      %add3A_711 = arith.addi %select_n3A_703, %add3A_710 : vector<16xi32>
      %select_n3A_712 = arith.select %lt3A_708, %add3A_711, %select_n3A_703 : vector<16xi1>, vector<16xi32>
      %add3A_713 = arith.constant 3 : i32
      %add3A_714 = vector.broadcast %add3A_713 : i32 to vector<16xi32>
      %add3A_715 = arith.addi %select_n3A_712, %add3A_714 : vector<16xi32>
      %gather3A_716 = tpu.vector_load_idx %arg14[%add3A_715] : memref<4096xf32, #tpu.memory_space<vmem>>[vector<16xi32>], vector<16xf32>,
      %lt3A_717 = arith.cmpf olt, %gather3A_716, %get3A_629 : vector<16xf32>
      %add3A_718 = arith.constant 4 : i32
      %add3A_719 = vector.broadcast %add3A_718 : i32 to vector<16xi32>
      %add3A_720 = arith.addi %select_n3A_712, %add3A_719 : vector<16xi32>
      %select_n3A_721 = arith.select %lt3A_717, %add3A_720, %select_n3A_712 : vector<16xi1>, vector<16xi32>
      %add3A_722 = arith.constant 1 : i32
      %add3A_723 = vector.broadcast %add3A_722 : i32 to vector<16xi32>
      %add3A_724 = arith.addi %select_n3A_721, %add3A_723 : vector<16xi32>
      %gather3A_725 = tpu.vector_load_idx %arg14[%add3A_724] : memref<4096xf32, #tpu.memory_space<vmem>>[vector<16xi32>], vector<16xf32>,
      %lt3A_726 = arith.cmpf olt, %gather3A_725, %get3A_629 : vector<16xf32>
      %add3A_727 = arith.constant 2 : i32
      %add3A_728 = vector.broadcast %add3A_727 : i32 to vector<16xi32>
      %add3A_729 = arith.addi %select_n3A_721, %add3A_728 : vector<16xi32>
      %select_n3A_730 = arith.select %lt3A_726, %add3A_729, %select_n3A_721 : vector<16xi1>, vector<16xi32>
      %add3A_731 = arith.constant 0 : i32
      %add3A_732 = vector.broadcast %add3A_731 : i32 to vector<16xi32>
      %add3A_733 = arith.addi %select_n3A_730, %add3A_732 : vector<16xi32>
      %gather3A_734 = tpu.vector_load_idx %arg14[%add3A_733] : memref<4096xf32, #tpu.memory_space<vmem>>[vector<16xi32>], vector<16xf32>,
      %lt3A_735 = arith.cmpf olt, %gather3A_734, %get3A_629 : vector<16xf32>
      %add3A_736 = arith.constant 1 : i32
      %add3A_737 = vector.broadcast %add3A_736 : i32 to vector<16xi32>
      %add3A_738 = arith.addi %select_n3A_730, %add3A_737 : vector<16xi32>
      %select_n3A_739 = arith.select %lt3A_735, %add3A_738, %select_n3A_730 : vector<16xi1>, vector<16xi32>
      %gather3A_740 = tpu.vector_load_idx %arg14[%select_n3A_739] : memref<4096xf32, #tpu.memory_space<vmem>>[vector<16xi32>], vector<16xf32>,
      %lt3A_741 = arith.cmpf olt, %gather3A_740, %get3A_629 : vector<16xf32>
      %add3A_742 = arith.constant 1 : i32
      %add3A_743 = vector.broadcast %add3A_742 : i32 to vector<16xi32>
      %add3A_744 = arith.addi %select_n3A_739, %add3A_743 : vector<16xi32>
      %select_n3A_745 = arith.select %lt3A_741, %add3A_744, %select_n3A_739 : vector<16xi1>, vector<16xi32>
      %min3A_746 = arith.constant 4095 : i32
      %min3A_747 = vector.broadcast %min3A_746 : i32 to vector<16xi32>
      %min3A_748 = arith.minsi %select_n3A_745, %min3A_747 : vector<16xi32>
      %broadcast_in_dim3A_749 = arith.constant 0 : i32
      %broadcast_in_dim3A_750 = vector.broadcast %broadcast_in_dim3A_749 : i32 to vector<16xi32>
      %broadcast_in_dim3A_751 = arith.constant 0 : i32
      %broadcast_in_dim3A_752 = vector.broadcast %broadcast_in_dim3A_751 : i32 to vector<16xi32>
      %gather3A_753 = tpu.vector_load_idx %arg15[%broadcast_in_dim3A_752, %min3A_748] : memref<8x4096xf32, #tpu.memory_space<vmem>>[vector<16xi32>, vector<16xi32>], vector<16xf32>,
      %lt3A_754 = arith.cmpf olt, %gather3A_753, %get3A_629 : vector<16xf32>
      %jit3A_755 = arith.constant 1 : i32
      %jit3A_756 = arith.constant 0 : i32
      %broadcast_in_dim3A_757 = vector.broadcast %jit3A_755 : i32 to vector<16xi32>
      %broadcast_in_dim3A_758 = vector.broadcast %jit3A_756 : i32 to vector<16xi32>
      %select_n3A_759 = arith.select %lt3A_754, %broadcast_in_dim3A_757, %broadcast_in_dim3A_758 : vector<16xi1>, vector<16xi32>
      %add3A_760 = arith.addi %broadcast_in_dim3A_750, %select_n3A_759 : vector<16xi32>
      %broadcast_in_dim3A_761 = arith.constant 1 : i32
      %broadcast_in_dim3A_762 = vector.broadcast %broadcast_in_dim3A_761 : i32 to vector<16xi32>
      %gather3A_763 = tpu.vector_load_idx %arg15[%broadcast_in_dim3A_762, %min3A_748] : memref<8x4096xf32, #tpu.memory_space<vmem>>[vector<16xi32>, vector<16xi32>], vector<16xf32>,
      %lt3A_764 = arith.cmpf olt, %gather3A_763, %get3A_629 : vector<16xf32>
      %jit3A_765 = arith.constant 1 : i32
      %jit3A_766 = arith.constant 0 : i32
      %broadcast_in_dim3A_767 = vector.broadcast %jit3A_765 : i32 to vector<16xi32>
      %broadcast_in_dim3A_768 = vector.broadcast %jit3A_766 : i32 to vector<16xi32>
      %select_n3A_769 = arith.select %lt3A_764, %broadcast_in_dim3A_767, %broadcast_in_dim3A_768 : vector<16xi1>, vector<16xi32>
      %add3A_770 = arith.addi %add3A_760, %select_n3A_769 : vector<16xi32>
      %broadcast_in_dim3A_771 = arith.constant 2 : i32
      %broadcast_in_dim3A_772 = vector.broadcast %broadcast_in_dim3A_771 : i32 to vector<16xi32>
      %gather3A_773 = tpu.vector_load_idx %arg15[%broadcast_in_dim3A_772, %min3A_748] : memref<8x4096xf32, #tpu.memory_space<vmem>>[vector<16xi32>, vector<16xi32>], vector<16xf32>,
      %lt3A_774 = arith.cmpf olt, %gather3A_773, %get3A_629 : vector<16xf32>
      %jit3A_775 = arith.constant 1 : i32
      %jit3A_776 = arith.constant 0 : i32
      %broadcast_in_dim3A_777 = vector.broadcast %jit3A_775 : i32 to vector<16xi32>
      %broadcast_in_dim3A_778 = vector.broadcast %jit3A_776 : i32 to vector<16xi32>
      %select_n3A_779 = arith.select %lt3A_774, %broadcast_in_dim3A_777, %broadcast_in_dim3A_778 : vector<16xi1>, vector<16xi32>
      %add3A_780 = arith.addi %add3A_770, %select_n3A_779 : vector<16xi32>
      %broadcast_in_dim3A_781 = arith.constant 3 : i32
      %broadcast_in_dim3A_782 = vector.broadcast %broadcast_in_dim3A_781 : i32 to vector<16xi32>
      %gather3A_783 = tpu.vector_load_idx %arg15[%broadcast_in_dim3A_782, %min3A_748] : memref<8x4096xf32, #tpu.memory_space<vmem>>[vector<16xi32>, vector<16xi32>], vector<16xf32>,
      %lt3A_784 = arith.cmpf olt, %gather3A_783, %get3A_629 : vector<16xf32>
      %jit3A_785 = arith.constant 1 : i32
      %jit3A_786 = arith.constant 0 : i32
      %broadcast_in_dim3A_787 = vector.broadcast %jit3A_785 : i32 to vector<16xi32>
      %broadcast_in_dim3A_788 = vector.broadcast %jit3A_786 : i32 to vector<16xi32>
      %select_n3A_789 = arith.select %lt3A_784, %broadcast_in_dim3A_787, %broadcast_in_dim3A_788 : vector<16xi1>, vector<16xi32>
      %add3A_790 = arith.addi %add3A_780, %select_n3A_789 : vector<16xi32>
      %broadcast_in_dim3A_791 = arith.constant 4 : i32
      %broadcast_in_dim3A_792 = vector.broadcast %broadcast_in_dim3A_791 : i32 to vector<16xi32>
      %gather3A_793 = tpu.vector_load_idx %arg15[%broadcast_in_dim3A_792, %min3A_748] : memref<8x4096xf32, #tpu.memory_space<vmem>>[vector<16xi32>, vector<16xi32>], vector<16xf32>,
      %lt3A_794 = arith.cmpf olt, %gather3A_793, %get3A_629 : vector<16xf32>
      %jit3A_795 = arith.constant 1 : i32
      %jit3A_796 = arith.constant 0 : i32
      %broadcast_in_dim3A_797 = vector.broadcast %jit3A_795 : i32 to vector<16xi32>
      %broadcast_in_dim3A_798 = vector.broadcast %jit3A_796 : i32 to vector<16xi32>
      %select_n3A_799 = arith.select %lt3A_794, %broadcast_in_dim3A_797, %broadcast_in_dim3A_798 : vector<16xi1>, vector<16xi32>
      %add3A_800 = arith.addi %add3A_790, %select_n3A_799 : vector<16xi32>
      %broadcast_in_dim3A_801 = arith.constant 5 : i32
      %broadcast_in_dim3A_802 = vector.broadcast %broadcast_in_dim3A_801 : i32 to vector<16xi32>
      %gather3A_803 = tpu.vector_load_idx %arg15[%broadcast_in_dim3A_802, %min3A_748] : memref<8x4096xf32, #tpu.memory_space<vmem>>[vector<16xi32>, vector<16xi32>], vector<16xf32>,
      %lt3A_804 = arith.cmpf olt, %gather3A_803, %get3A_629 : vector<16xf32>
      %jit3A_805 = arith.constant 1 : i32
      %jit3A_806 = arith.constant 0 : i32
      %broadcast_in_dim3A_807 = vector.broadcast %jit3A_805 : i32 to vector<16xi32>
      %broadcast_in_dim3A_808 = vector.broadcast %jit3A_806 : i32 to vector<16xi32>
      %select_n3A_809 = arith.select %lt3A_804, %broadcast_in_dim3A_807, %broadcast_in_dim3A_808 : vector<16xi1>, vector<16xi32>
      %add3A_810 = arith.addi %add3A_800, %select_n3A_809 : vector<16xi32>
      %broadcast_in_dim3A_811 = arith.constant 6 : i32
      %broadcast_in_dim3A_812 = vector.broadcast %broadcast_in_dim3A_811 : i32 to vector<16xi32>
      %gather3A_813 = tpu.vector_load_idx %arg15[%broadcast_in_dim3A_812, %min3A_748] : memref<8x4096xf32, #tpu.memory_space<vmem>>[vector<16xi32>, vector<16xi32>], vector<16xf32>,
      %lt3A_814 = arith.cmpf olt, %gather3A_813, %get3A_629 : vector<16xf32>
      %jit3A_815 = arith.constant 1 : i32
      %jit3A_816 = arith.constant 0 : i32
      %broadcast_in_dim3A_817 = vector.broadcast %jit3A_815 : i32 to vector<16xi32>
      %broadcast_in_dim3A_818 = vector.broadcast %jit3A_816 : i32 to vector<16xi32>
      %select_n3A_819 = arith.select %lt3A_814, %broadcast_in_dim3A_817, %broadcast_in_dim3A_818 : vector<16xi1>, vector<16xi32>
      %add3A_820 = arith.addi %add3A_810, %select_n3A_819 : vector<16xi32>
      %broadcast_in_dim3A_821 = arith.constant 7 : i32
      %broadcast_in_dim3A_822 = vector.broadcast %broadcast_in_dim3A_821 : i32 to vector<16xi32>
      %gather3A_823 = tpu.vector_load_idx %arg15[%broadcast_in_dim3A_822, %min3A_748] : memref<8x4096xf32, #tpu.memory_space<vmem>>[vector<16xi32>, vector<16xi32>], vector<16xf32>,
      %lt3A_824 = arith.cmpf olt, %gather3A_823, %get3A_629 : vector<16xf32>
      %jit3A_825 = arith.constant 1 : i32
      %jit3A_826 = arith.constant 0 : i32
      %broadcast_in_dim3A_827 = vector.broadcast %jit3A_825 : i32 to vector<16xi32>
      %broadcast_in_dim3A_828 = vector.broadcast %jit3A_826 : i32 to vector<16xi32>
      %select_n3A_829 = arith.select %lt3A_824, %broadcast_in_dim3A_827, %broadcast_in_dim3A_828 : vector<16xi1>, vector<16xi32>
      %add3A_830 = arith.addi %add3A_820, %select_n3A_829 : vector<16xi32>
      %swap3A_831 = arith.constant 48 : index
      %swap3A_832 = tpu.vector_load %arg17[%swap3A_831] {strides = array<i32>} : memref<128xi32, #tpu.memory_space<vmem>>, vector<16xi32>,
      tpu.vector_store %arg17[%swap3A_831], %min3A_748 {strides = array<i32>} : memref<128xi32, #tpu.memory_space<vmem>>, vector<16xi32>,
      %min3A_833 = arith.constant 7 : i32
      %min3A_834 = vector.broadcast %min3A_833 : i32 to vector<16xi32>
      %min3A_835 = arith.minsi %add3A_830, %min3A_834 : vector<16xi32>
      %get3A_836 = arith.constant 64 : index
      %get3A_837 = tpu.vector_load %arg16[%get3A_836] {strides = array<i32>} : memref<128xf32, #tpu.memory_space<vmem>>, vector<16xf32>,
      %broadcast_in_dim3A_838 = arith.constant 0 : i32
      %broadcast_in_dim3A_839 = vector.broadcast %broadcast_in_dim3A_838 : i32 to vector<16xi32>
      %add3A_840 = arith.constant 2047 : i32
      %add3A_841 = vector.broadcast %add3A_840 : i32 to vector<16xi32>
      %add3A_842 = arith.addi %broadcast_in_dim3A_839, %add3A_841 : vector<16xi32>
      %gather3A_843 = tpu.vector_load_idx %arg14[%add3A_842] : memref<4096xf32, #tpu.memory_space<vmem>>[vector<16xi32>], vector<16xf32>,
      %lt3A_844 = arith.cmpf olt, %gather3A_843, %get3A_837 : vector<16xf32>
      %add3A_845 = arith.constant 2048 : i32
      %add3A_846 = vector.broadcast %add3A_845 : i32 to vector<16xi32>
      %add3A_847 = arith.addi %broadcast_in_dim3A_839, %add3A_846 : vector<16xi32>
      %select_n3A_848 = arith.select %lt3A_844, %add3A_847, %broadcast_in_dim3A_839 : vector<16xi1>, vector<16xi32>
      %add3A_849 = arith.constant 1023 : i32
      %add3A_850 = vector.broadcast %add3A_849 : i32 to vector<16xi32>
      %add3A_851 = arith.addi %select_n3A_848, %add3A_850 : vector<16xi32>
      %gather3A_852 = tpu.vector_load_idx %arg14[%add3A_851] : memref<4096xf32, #tpu.memory_space<vmem>>[vector<16xi32>], vector<16xf32>,
      %lt3A_853 = arith.cmpf olt, %gather3A_852, %get3A_837 : vector<16xf32>
      %add3A_854 = arith.constant 1024 : i32
      %add3A_855 = vector.broadcast %add3A_854 : i32 to vector<16xi32>
      %add3A_856 = arith.addi %select_n3A_848, %add3A_855 : vector<16xi32>
      %select_n3A_857 = arith.select %lt3A_853, %add3A_856, %select_n3A_848 : vector<16xi1>, vector<16xi32>
      %add3A_858 = arith.constant 511 : i32
      %add3A_859 = vector.broadcast %add3A_858 : i32 to vector<16xi32>
      %add3A_860 = arith.addi %select_n3A_857, %add3A_859 : vector<16xi32>
      %gather3A_861 = tpu.vector_load_idx %arg14[%add3A_860] : memref<4096xf32, #tpu.memory_space<vmem>>[vector<16xi32>], vector<16xf32>,
      %lt3A_862 = arith.cmpf olt, %gather3A_861, %get3A_837 : vector<16xf32>
      %add3A_863 = arith.constant 512 : i32
      %add3A_864 = vector.broadcast %add3A_863 : i32 to vector<16xi32>
      %add3A_865 = arith.addi %select_n3A_857, %add3A_864 : vector<16xi32>
      %select_n3A_866 = arith.select %lt3A_862, %add3A_865, %select_n3A_857 : vector<16xi1>, vector<16xi32>
      %add3A_867 = arith.constant 255 : i32
      %add3A_868 = vector.broadcast %add3A_867 : i32 to vector<16xi32>
      %add3A_869 = arith.addi %select_n3A_866, %add3A_868 : vector<16xi32>
      %gather3A_870 = tpu.vector_load_idx %arg14[%add3A_869] : memref<4096xf32, #tpu.memory_space<vmem>>[vector<16xi32>], vector<16xf32>,
      %lt3A_871 = arith.cmpf olt, %gather3A_870, %get3A_837 : vector<16xf32>
      %add3A_872 = arith.constant 256 : i32
      %add3A_873 = vector.broadcast %add3A_872 : i32 to vector<16xi32>
      %add3A_874 = arith.addi %select_n3A_866, %add3A_873 : vector<16xi32>
      %select_n3A_875 = arith.select %lt3A_871, %add3A_874, %select_n3A_866 : vector<16xi1>, vector<16xi32>
      %add3A_876 = arith.constant 127 : i32
      %add3A_877 = vector.broadcast %add3A_876 : i32 to vector<16xi32>
      %add3A_878 = arith.addi %select_n3A_875, %add3A_877 : vector<16xi32>
      %gather3A_879 = tpu.vector_load_idx %arg14[%add3A_878] : memref<4096xf32, #tpu.memory_space<vmem>>[vector<16xi32>], vector<16xf32>,
      %lt3A_880 = arith.cmpf olt, %gather3A_879, %get3A_837 : vector<16xf32>
      %add3A_881 = arith.constant 128 : i32
      %add3A_882 = vector.broadcast %add3A_881 : i32 to vector<16xi32>
      %add3A_883 = arith.addi %select_n3A_875, %add3A_882 : vector<16xi32>
      %select_n3A_884 = arith.select %lt3A_880, %add3A_883, %select_n3A_875 : vector<16xi1>, vector<16xi32>
      %add3A_885 = arith.constant 63 : i32
      %add3A_886 = vector.broadcast %add3A_885 : i32 to vector<16xi32>
      %add3A_887 = arith.addi %select_n3A_884, %add3A_886 : vector<16xi32>
      %gather3A_888 = tpu.vector_load_idx %arg14[%add3A_887] : memref<4096xf32, #tpu.memory_space<vmem>>[vector<16xi32>], vector<16xf32>,
      %lt3A_889 = arith.cmpf olt, %gather3A_888, %get3A_837 : vector<16xf32>
      %add3A_890 = arith.constant 64 : i32
      %add3A_891 = vector.broadcast %add3A_890 : i32 to vector<16xi32>
      %add3A_892 = arith.addi %select_n3A_884, %add3A_891 : vector<16xi32>
      %select_n3A_893 = arith.select %lt3A_889, %add3A_892, %select_n3A_884 : vector<16xi1>, vector<16xi32>
      %add3A_894 = arith.constant 31 : i32
      %add3A_895 = vector.broadcast %add3A_894 : i32 to vector<16xi32>
      %add3A_896 = arith.addi %select_n3A_893, %add3A_895 : vector<16xi32>
      %gather3A_897 = tpu.vector_load_idx %arg14[%add3A_896] : memref<4096xf32, #tpu.memory_space<vmem>>[vector<16xi32>], vector<16xf32>,
      %lt3A_898 = arith.cmpf olt, %gather3A_897, %get3A_837 : vector<16xf32>
      %add3A_899 = arith.constant 32 : i32
      %add3A_900 = vector.broadcast %add3A_899 : i32 to vector<16xi32>
      %add3A_901 = arith.addi %select_n3A_893, %add3A_900 : vector<16xi32>
      %select_n3A_902 = arith.select %lt3A_898, %add3A_901, %select_n3A_893 : vector<16xi1>, vector<16xi32>
      %add3A_903 = arith.constant 15 : i32
      %add3A_904 = vector.broadcast %add3A_903 : i32 to vector<16xi32>
      %add3A_905 = arith.addi %select_n3A_902, %add3A_904 : vector<16xi32>
      %gather3A_906 = tpu.vector_load_idx %arg14[%add3A_905] : memref<4096xf32, #tpu.memory_space<vmem>>[vector<16xi32>], vector<16xf32>,
      %lt3A_907 = arith.cmpf olt, %gather3A_906, %get3A_837 : vector<16xf32>
      %add3A_908 = arith.constant 16 : i32
      %add3A_909 = vector.broadcast %add3A_908 : i32 to vector<16xi32>
      %add3A_910 = arith.addi %select_n3A_902, %add3A_909 : vector<16xi32>
      %select_n3A_911 = arith.select %lt3A_907, %add3A_910, %select_n3A_902 : vector<16xi1>, vector<16xi32>
      %add3A_912 = arith.constant 7 : i32
      %add3A_913 = vector.broadcast %add3A_912 : i32 to vector<16xi32>
      %add3A_914 = arith.addi %select_n3A_911, %add3A_913 : vector<16xi32>
      %gather3A_915 = tpu.vector_load_idx %arg14[%add3A_914] : memref<4096xf32, #tpu.memory_space<vmem>>[vector<16xi32>], vector<16xf32>,
      %lt3A_916 = arith.cmpf olt, %gather3A_915, %get3A_837 : vector<16xf32>
      %add3A_917 = arith.constant 8 : i32
      %add3A_918 = vector.broadcast %add3A_917 : i32 to vector<16xi32>
      %add3A_919 = arith.addi %select_n3A_911, %add3A_918 : vector<16xi32>
      %select_n3A_920 = arith.select %lt3A_916, %add3A_919, %select_n3A_911 : vector<16xi1>, vector<16xi32>
      %add3A_921 = arith.constant 3 : i32
      %add3A_922 = vector.broadcast %add3A_921 : i32 to vector<16xi32>
      %add3A_923 = arith.addi %select_n3A_920, %add3A_922 : vector<16xi32>
      %gather3A_924 = tpu.vector_load_idx %arg14[%add3A_923] : memref<4096xf32, #tpu.memory_space<vmem>>[vector<16xi32>], vector<16xf32>,
      %lt3A_925 = arith.cmpf olt, %gather3A_924, %get3A_837 : vector<16xf32>
      %add3A_926 = arith.constant 4 : i32
      %add3A_927 = vector.broadcast %add3A_926 : i32 to vector<16xi32>
      %add3A_928 = arith.addi %select_n3A_920, %add3A_927 : vector<16xi32>
      %select_n3A_929 = arith.select %lt3A_925, %add3A_928, %select_n3A_920 : vector<16xi1>, vector<16xi32>
      %add3A_930 = arith.constant 1 : i32
      %add3A_931 = vector.broadcast %add3A_930 : i32 to vector<16xi32>
      %add3A_932 = arith.addi %select_n3A_929, %add3A_931 : vector<16xi32>
      %gather3A_933 = tpu.vector_load_idx %arg14[%add3A_932] : memref<4096xf32, #tpu.memory_space<vmem>>[vector<16xi32>], vector<16xf32>,
      %lt3A_934 = arith.cmpf olt, %gather3A_933, %get3A_837 : vector<16xf32>
      %add3A_935 = arith.constant 2 : i32
      %add3A_936 = vector.broadcast %add3A_935 : i32 to vector<16xi32>
      %add3A_937 = arith.addi %select_n3A_929, %add3A_936 : vector<16xi32>
      %select_n3A_938 = arith.select %lt3A_934, %add3A_937, %select_n3A_929 : vector<16xi1>, vector<16xi32>
      %add3A_939 = arith.constant 0 : i32
      %add3A_940 = vector.broadcast %add3A_939 : i32 to vector<16xi32>
      %add3A_941 = arith.addi %select_n3A_938, %add3A_940 : vector<16xi32>
      %gather3A_942 = tpu.vector_load_idx %arg14[%add3A_941] : memref<4096xf32, #tpu.memory_space<vmem>>[vector<16xi32>], vector<16xf32>,
      %lt3A_943 = arith.cmpf olt, %gather3A_942, %get3A_837 : vector<16xf32>
      %add3A_944 = arith.constant 1 : i32
      %add3A_945 = vector.broadcast %add3A_944 : i32 to vector<16xi32>
      %add3A_946 = arith.addi %select_n3A_938, %add3A_945 : vector<16xi32>
      %select_n3A_947 = arith.select %lt3A_943, %add3A_946, %select_n3A_938 : vector<16xi1>, vector<16xi32>
      %gather3A_948 = tpu.vector_load_idx %arg14[%select_n3A_947] : memref<4096xf32, #tpu.memory_space<vmem>>[vector<16xi32>], vector<16xf32>,
      %lt3A_949 = arith.cmpf olt, %gather3A_948, %get3A_837 : vector<16xf32>
      %add3A_950 = arith.constant 1 : i32
      %add3A_951 = vector.broadcast %add3A_950 : i32 to vector<16xi32>
      %add3A_952 = arith.addi %select_n3A_947, %add3A_951 : vector<16xi32>
      %select_n3A_953 = arith.select %lt3A_949, %add3A_952, %select_n3A_947 : vector<16xi1>, vector<16xi32>
      %min3A_954 = arith.constant 4095 : i32
      %min3A_955 = vector.broadcast %min3A_954 : i32 to vector<16xi32>
      %min3A_956 = arith.minsi %select_n3A_953, %min3A_955 : vector<16xi32>
      %broadcast_in_dim3A_957 = arith.constant 0 : i32
      %broadcast_in_dim3A_958 = vector.broadcast %broadcast_in_dim3A_957 : i32 to vector<16xi32>
      %broadcast_in_dim3A_959 = arith.constant 0 : i32
      %broadcast_in_dim3A_960 = vector.broadcast %broadcast_in_dim3A_959 : i32 to vector<16xi32>
      %gather3A_961 = tpu.vector_load_idx %arg15[%broadcast_in_dim3A_960, %min3A_956] : memref<8x4096xf32, #tpu.memory_space<vmem>>[vector<16xi32>, vector<16xi32>], vector<16xf32>,
      %lt3A_962 = arith.cmpf olt, %gather3A_961, %get3A_837 : vector<16xf32>
      %jit3A_963 = arith.constant 1 : i32
      %jit3A_964 = arith.constant 0 : i32
      %broadcast_in_dim3A_965 = vector.broadcast %jit3A_963 : i32 to vector<16xi32>
      %broadcast_in_dim3A_966 = vector.broadcast %jit3A_964 : i32 to vector<16xi32>
      %select_n3A_967 = arith.select %lt3A_962, %broadcast_in_dim3A_965, %broadcast_in_dim3A_966 : vector<16xi1>, vector<16xi32>
      %add3A_968 = arith.addi %broadcast_in_dim3A_958, %select_n3A_967 : vector<16xi32>
      %broadcast_in_dim3A_969 = arith.constant 1 : i32
      %broadcast_in_dim3A_970 = vector.broadcast %broadcast_in_dim3A_969 : i32 to vector<16xi32>
      %gather3A_971 = tpu.vector_load_idx %arg15[%broadcast_in_dim3A_970, %min3A_956] : memref<8x4096xf32, #tpu.memory_space<vmem>>[vector<16xi32>, vector<16xi32>], vector<16xf32>,
      %lt3A_972 = arith.cmpf olt, %gather3A_971, %get3A_837 : vector<16xf32>
      %jit3A_973 = arith.constant 1 : i32
      %jit3A_974 = arith.constant 0 : i32
      %broadcast_in_dim3A_975 = vector.broadcast %jit3A_973 : i32 to vector<16xi32>
      %broadcast_in_dim3A_976 = vector.broadcast %jit3A_974 : i32 to vector<16xi32>
      %select_n3A_977 = arith.select %lt3A_972, %broadcast_in_dim3A_975, %broadcast_in_dim3A_976 : vector<16xi1>, vector<16xi32>
      %add3A_978 = arith.addi %add3A_968, %select_n3A_977 : vector<16xi32>
      %broadcast_in_dim3A_979 = arith.constant 2 : i32
      %broadcast_in_dim3A_980 = vector.broadcast %broadcast_in_dim3A_979 : i32 to vector<16xi32>
      %gather3A_981 = tpu.vector_load_idx %arg15[%broadcast_in_dim3A_980, %min3A_956] : memref<8x4096xf32, #tpu.memory_space<vmem>>[vector<16xi32>, vector<16xi32>], vector<16xf32>,
      %lt3A_982 = arith.cmpf olt, %gather3A_981, %get3A_837 : vector<16xf32>
      %jit3A_983 = arith.constant 1 : i32
      %jit3A_984 = arith.constant 0 : i32
      %broadcast_in_dim3A_985 = vector.broadcast %jit3A_983 : i32 to vector<16xi32>
      %broadcast_in_dim3A_986 = vector.broadcast %jit3A_984 : i32 to vector<16xi32>
      %select_n3A_987 = arith.select %lt3A_982, %broadcast_in_dim3A_985, %broadcast_in_dim3A_986 : vector<16xi1>, vector<16xi32>
      %add3A_988 = arith.addi %add3A_978, %select_n3A_987 : vector<16xi32>
      %broadcast_in_dim3A_989 = arith.constant 3 : i32
      %broadcast_in_dim3A_990 = vector.broadcast %broadcast_in_dim3A_989 : i32 to vector<16xi32>
      %gather3A_991 = tpu.vector_load_idx %arg15[%broadcast_in_dim3A_990, %min3A_956] : memref<8x4096xf32, #tpu.memory_space<vmem>>[vector<16xi32>, vector<16xi32>], vector<16xf32>,
      %lt3A_992 = arith.cmpf olt, %gather3A_991, %get3A_837 : vector<16xf32>
      %jit3A_993 = arith.constant 1 : i32
      %jit3A_994 = arith.constant 0 : i32
      %broadcast_in_dim3A_995 = vector.broadcast %jit3A_993 : i32 to vector<16xi32>
      %broadcast_in_dim3A_996 = vector.broadcast %jit3A_994 : i32 to vector<16xi32>
      %select_n3A_997 = arith.select %lt3A_992, %broadcast_in_dim3A_995, %broadcast_in_dim3A_996 : vector<16xi1>, vector<16xi32>
      %add3A_998 = arith.addi %add3A_988, %select_n3A_997 : vector<16xi32>
      %broadcast_in_dim3A_999 = arith.constant 4 : i32
      %broadcast_in_dim3A_1000 = vector.broadcast %broadcast_in_dim3A_999 : i32 to vector<16xi32>
      %gather3A_1001 = tpu.vector_load_idx %arg15[%broadcast_in_dim3A_1000, %min3A_956] : memref<8x4096xf32, #tpu.memory_space<vmem>>[vector<16xi32>, vector<16xi32>], vector<16xf32>,
      %lt3A_1002 = arith.cmpf olt, %gather3A_1001, %get3A_837 : vector<16xf32>
      %jit3A_1003 = arith.constant 1 : i32
      %jit3A_1004 = arith.constant 0 : i32
      %broadcast_in_dim3A_1005 = vector.broadcast %jit3A_1003 : i32 to vector<16xi32>
      %broadcast_in_dim3A_1006 = vector.broadcast %jit3A_1004 : i32 to vector<16xi32>
      %select_n3A_1007 = arith.select %lt3A_1002, %broadcast_in_dim3A_1005, %broadcast_in_dim3A_1006 : vector<16xi1>, vector<16xi32>
      %add3A_1008 = arith.addi %add3A_998, %select_n3A_1007 : vector<16xi32>
      %broadcast_in_dim3A_1009 = arith.constant 5 : i32
      %broadcast_in_dim3A_1010 = vector.broadcast %broadcast_in_dim3A_1009 : i32 to vector<16xi32>
      %gather3A_1011 = tpu.vector_load_idx %arg15[%broadcast_in_dim3A_1010, %min3A_956] : memref<8x4096xf32, #tpu.memory_space<vmem>>[vector<16xi32>, vector<16xi32>], vector<16xf32>,
      %lt3A_1012 = arith.cmpf olt, %gather3A_1011, %get3A_837 : vector<16xf32>
      %jit3A_1013 = arith.constant 1 : i32
      %jit3A_1014 = arith.constant 0 : i32
      %broadcast_in_dim3A_1015 = vector.broadcast %jit3A_1013 : i32 to vector<16xi32>
      %broadcast_in_dim3A_1016 = vector.broadcast %jit3A_1014 : i32 to vector<16xi32>
      %select_n3A_1017 = arith.select %lt3A_1012, %broadcast_in_dim3A_1015, %broadcast_in_dim3A_1016 : vector<16xi1>, vector<16xi32>
      %add3A_1018 = arith.addi %add3A_1008, %select_n3A_1017 : vector<16xi32>
      %broadcast_in_dim3A_1019 = arith.constant 6 : i32
      %broadcast_in_dim3A_1020 = vector.broadcast %broadcast_in_dim3A_1019 : i32 to vector<16xi32>
      %gather3A_1021 = tpu.vector_load_idx %arg15[%broadcast_in_dim3A_1020, %min3A_956] : memref<8x4096xf32, #tpu.memory_space<vmem>>[vector<16xi32>, vector<16xi32>], vector<16xf32>,
      %lt3A_1022 = arith.cmpf olt, %gather3A_1021, %get3A_837 : vector<16xf32>
      %jit3A_1023 = arith.constant 1 : i32
      %jit3A_1024 = arith.constant 0 : i32
      %broadcast_in_dim3A_1025 = vector.broadcast %jit3A_1023 : i32 to vector<16xi32>
      %broadcast_in_dim3A_1026 = vector.broadcast %jit3A_1024 : i32 to vector<16xi32>
      %select_n3A_1027 = arith.select %lt3A_1022, %broadcast_in_dim3A_1025, %broadcast_in_dim3A_1026 : vector<16xi1>, vector<16xi32>
      %add3A_1028 = arith.addi %add3A_1018, %select_n3A_1027 : vector<16xi32>
      %broadcast_in_dim3A_1029 = arith.constant 7 : i32
      %broadcast_in_dim3A_1030 = vector.broadcast %broadcast_in_dim3A_1029 : i32 to vector<16xi32>
      %gather3A_1031 = tpu.vector_load_idx %arg15[%broadcast_in_dim3A_1030, %min3A_956] : memref<8x4096xf32, #tpu.memory_space<vmem>>[vector<16xi32>, vector<16xi32>], vector<16xf32>,
      %lt3A_1032 = arith.cmpf olt, %gather3A_1031, %get3A_837 : vector<16xf32>
      %jit3A_1033 = arith.constant 1 : i32
      %jit3A_1034 = arith.constant 0 : i32
      %broadcast_in_dim3A_1035 = vector.broadcast %jit3A_1033 : i32 to vector<16xi32>
      %broadcast_in_dim3A_1036 = vector.broadcast %jit3A_1034 : i32 to vector<16xi32>
      %select_n3A_1037 = arith.select %lt3A_1032, %broadcast_in_dim3A_1035, %broadcast_in_dim3A_1036 : vector<16xi1>, vector<16xi32>
      %add3A_1038 = arith.addi %add3A_1028, %select_n3A_1037 : vector<16xi32>
      %swap3A_1039 = arith.constant 64 : index
      %swap3A_1040 = tpu.vector_load %arg17[%swap3A_1039] {strides = array<i32>} : memref<128xi32, #tpu.memory_space<vmem>>, vector<16xi32>,
      tpu.vector_store %arg17[%swap3A_1039], %min3A_956 {strides = array<i32>} : memref<128xi32, #tpu.memory_space<vmem>>, vector<16xi32>,
      %min3A_1041 = arith.constant 7 : i32
      %min3A_1042 = vector.broadcast %min3A_1041 : i32 to vector<16xi32>
      %min3A_1043 = arith.minsi %add3A_1038, %min3A_1042 : vector<16xi32>
      %get3A_1044 = arith.constant 80 : index
      %get3A_1045 = tpu.vector_load %arg16[%get3A_1044] {strides = array<i32>} : memref<128xf32, #tpu.memory_space<vmem>>, vector<16xf32>,
      %broadcast_in_dim3A_1046 = arith.constant 0 : i32
      %broadcast_in_dim3A_1047 = vector.broadcast %broadcast_in_dim3A_1046 : i32 to vector<16xi32>
      %add3A_1048 = arith.constant 2047 : i32
      %add3A_1049 = vector.broadcast %add3A_1048 : i32 to vector<16xi32>
      %add3A_1050 = arith.addi %broadcast_in_dim3A_1047, %add3A_1049 : vector<16xi32>
      %gather3A_1051 = tpu.vector_load_idx %arg14[%add3A_1050] : memref<4096xf32, #tpu.memory_space<vmem>>[vector<16xi32>], vector<16xf32>,
      %lt3A_1052 = arith.cmpf olt, %gather3A_1051, %get3A_1045 : vector<16xf32>
      %add3A_1053 = arith.constant 2048 : i32
      %add3A_1054 = vector.broadcast %add3A_1053 : i32 to vector<16xi32>
      %add3A_1055 = arith.addi %broadcast_in_dim3A_1047, %add3A_1054 : vector<16xi32>
      %select_n3A_1056 = arith.select %lt3A_1052, %add3A_1055, %broadcast_in_dim3A_1047 : vector<16xi1>, vector<16xi32>
      %add3A_1057 = arith.constant 1023 : i32
      %add3A_1058 = vector.broadcast %add3A_1057 : i32 to vector<16xi32>
      %add3A_1059 = arith.addi %select_n3A_1056, %add3A_1058 : vector<16xi32>
      %gather3A_1060 = tpu.vector_load_idx %arg14[%add3A_1059] : memref<4096xf32, #tpu.memory_space<vmem>>[vector<16xi32>], vector<16xf32>,
      %lt3A_1061 = arith.cmpf olt, %gather3A_1060, %get3A_1045 : vector<16xf32>
      %add3A_1062 = arith.constant 1024 : i32
      %add3A_1063 = vector.broadcast %add3A_1062 : i32 to vector<16xi32>
      %add3A_1064 = arith.addi %select_n3A_1056, %add3A_1063 : vector<16xi32>
      %select_n3A_1065 = arith.select %lt3A_1061, %add3A_1064, %select_n3A_1056 : vector<16xi1>, vector<16xi32>
      %add3A_1066 = arith.constant 511 : i32
      %add3A_1067 = vector.broadcast %add3A_1066 : i32 to vector<16xi32>
      %add3A_1068 = arith.addi %select_n3A_1065, %add3A_1067 : vector<16xi32>
      %gather3A_1069 = tpu.vector_load_idx %arg14[%add3A_1068] : memref<4096xf32, #tpu.memory_space<vmem>>[vector<16xi32>], vector<16xf32>,
      %lt3A_1070 = arith.cmpf olt, %gather3A_1069, %get3A_1045 : vector<16xf32>
      %add3A_1071 = arith.constant 512 : i32
      %add3A_1072 = vector.broadcast %add3A_1071 : i32 to vector<16xi32>
      %add3A_1073 = arith.addi %select_n3A_1065, %add3A_1072 : vector<16xi32>
      %select_n3A_1074 = arith.select %lt3A_1070, %add3A_1073, %select_n3A_1065 : vector<16xi1>, vector<16xi32>
      %add3A_1075 = arith.constant 255 : i32
      %add3A_1076 = vector.broadcast %add3A_1075 : i32 to vector<16xi32>
      %add3A_1077 = arith.addi %select_n3A_1074, %add3A_1076 : vector<16xi32>
      %gather3A_1078 = tpu.vector_load_idx %arg14[%add3A_1077] : memref<4096xf32, #tpu.memory_space<vmem>>[vector<16xi32>], vector<16xf32>,
      %lt3A_1079 = arith.cmpf olt, %gather3A_1078, %get3A_1045 : vector<16xf32>
      %add3A_1080 = arith.constant 256 : i32
      %add3A_1081 = vector.broadcast %add3A_1080 : i32 to vector<16xi32>
      %add3A_1082 = arith.addi %select_n3A_1074, %add3A_1081 : vector<16xi32>
      %select_n3A_1083 = arith.select %lt3A_1079, %add3A_1082, %select_n3A_1074 : vector<16xi1>, vector<16xi32>
      %add3A_1084 = arith.constant 127 : i32
      %add3A_1085 = vector.broadcast %add3A_1084 : i32 to vector<16xi32>
      %add3A_1086 = arith.addi %select_n3A_1083, %add3A_1085 : vector<16xi32>
      %gather3A_1087 = tpu.vector_load_idx %arg14[%add3A_1086] : memref<4096xf32, #tpu.memory_space<vmem>>[vector<16xi32>], vector<16xf32>,
      %lt3A_1088 = arith.cmpf olt, %gather3A_1087, %get3A_1045 : vector<16xf32>
      %add3A_1089 = arith.constant 128 : i32
      %add3A_1090 = vector.broadcast %add3A_1089 : i32 to vector<16xi32>
      %add3A_1091 = arith.addi %select_n3A_1083, %add3A_1090 : vector<16xi32>
      %select_n3A_1092 = arith.select %lt3A_1088, %add3A_1091, %select_n3A_1083 : vector<16xi1>, vector<16xi32>
      %add3A_1093 = arith.constant 63 : i32
      %add3A_1094 = vector.broadcast %add3A_1093 : i32 to vector<16xi32>
      %add3A_1095 = arith.addi %select_n3A_1092, %add3A_1094 : vector<16xi32>
      %gather3A_1096 = tpu.vector_load_idx %arg14[%add3A_1095] : memref<4096xf32, #tpu.memory_space<vmem>>[vector<16xi32>], vector<16xf32>,
      %lt3A_1097 = arith.cmpf olt, %gather3A_1096, %get3A_1045 : vector<16xf32>
      %add3A_1098 = arith.constant 64 : i32
      %add3A_1099 = vector.broadcast %add3A_1098 : i32 to vector<16xi32>
      %add3A_1100 = arith.addi %select_n3A_1092, %add3A_1099 : vector<16xi32>
      %select_n3A_1101 = arith.select %lt3A_1097, %add3A_1100, %select_n3A_1092 : vector<16xi1>, vector<16xi32>
      %add3A_1102 = arith.constant 31 : i32
      %add3A_1103 = vector.broadcast %add3A_1102 : i32 to vector<16xi32>
      %add3A_1104 = arith.addi %select_n3A_1101, %add3A_1103 : vector<16xi32>
      %gather3A_1105 = tpu.vector_load_idx %arg14[%add3A_1104] : memref<4096xf32, #tpu.memory_space<vmem>>[vector<16xi32>], vector<16xf32>,
      %lt3A_1106 = arith.cmpf olt, %gather3A_1105, %get3A_1045 : vector<16xf32>
      %add3A_1107 = arith.constant 32 : i32
      %add3A_1108 = vector.broadcast %add3A_1107 : i32 to vector<16xi32>
      %add3A_1109 = arith.addi %select_n3A_1101, %add3A_1108 : vector<16xi32>
      %select_n3A_1110 = arith.select %lt3A_1106, %add3A_1109, %select_n3A_1101 : vector<16xi1>, vector<16xi32>
      %add3A_1111 = arith.constant 15 : i32
      %add3A_1112 = vector.broadcast %add3A_1111 : i32 to vector<16xi32>
      %add3A_1113 = arith.addi %select_n3A_1110, %add3A_1112 : vector<16xi32>
      %gather3A_1114 = tpu.vector_load_idx %arg14[%add3A_1113] : memref<4096xf32, #tpu.memory_space<vmem>>[vector<16xi32>], vector<16xf32>,
      %lt3A_1115 = arith.cmpf olt, %gather3A_1114, %get3A_1045 : vector<16xf32>
      %add3A_1116 = arith.constant 16 : i32
      %add3A_1117 = vector.broadcast %add3A_1116 : i32 to vector<16xi32>
      %add3A_1118 = arith.addi %select_n3A_1110, %add3A_1117 : vector<16xi32>
      %select_n3A_1119 = arith.select %lt3A_1115, %add3A_1118, %select_n3A_1110 : vector<16xi1>, vector<16xi32>
      %add3A_1120 = arith.constant 7 : i32
      %add3A_1121 = vector.broadcast %add3A_1120 : i32 to vector<16xi32>
      %add3A_1122 = arith.addi %select_n3A_1119, %add3A_1121 : vector<16xi32>
      %gather3A_1123 = tpu.vector_load_idx %arg14[%add3A_1122] : memref<4096xf32, #tpu.memory_space<vmem>>[vector<16xi32>], vector<16xf32>,
      %lt3A_1124 = arith.cmpf olt, %gather3A_1123, %get3A_1045 : vector<16xf32>
      %add3A_1125 = arith.constant 8 : i32
      %add3A_1126 = vector.broadcast %add3A_1125 : i32 to vector<16xi32>
      %add3A_1127 = arith.addi %select_n3A_1119, %add3A_1126 : vector<16xi32>
      %select_n3A_1128 = arith.select %lt3A_1124, %add3A_1127, %select_n3A_1119 : vector<16xi1>, vector<16xi32>
      %add3A_1129 = arith.constant 3 : i32
      %add3A_1130 = vector.broadcast %add3A_1129 : i32 to vector<16xi32>
      %add3A_1131 = arith.addi %select_n3A_1128, %add3A_1130 : vector<16xi32>
      %gather3A_1132 = tpu.vector_load_idx %arg14[%add3A_1131] : memref<4096xf32, #tpu.memory_space<vmem>>[vector<16xi32>], vector<16xf32>,
      %lt3A_1133 = arith.cmpf olt, %gather3A_1132, %get3A_1045 : vector<16xf32>
      %add3A_1134 = arith.constant 4 : i32
      %add3A_1135 = vector.broadcast %add3A_1134 : i32 to vector<16xi32>
      %add3A_1136 = arith.addi %select_n3A_1128, %add3A_1135 : vector<16xi32>
      %select_n3A_1137 = arith.select %lt3A_1133, %add3A_1136, %select_n3A_1128 : vector<16xi1>, vector<16xi32>
      %add3A_1138 = arith.constant 1 : i32
      %add3A_1139 = vector.broadcast %add3A_1138 : i32 to vector<16xi32>
      %add3A_1140 = arith.addi %select_n3A_1137, %add3A_1139 : vector<16xi32>
      %gather3A_1141 = tpu.vector_load_idx %arg14[%add3A_1140] : memref<4096xf32, #tpu.memory_space<vmem>>[vector<16xi32>], vector<16xf32>,
      %lt3A_1142 = arith.cmpf olt, %gather3A_1141, %get3A_1045 : vector<16xf32>
      %add3A_1143 = arith.constant 2 : i32
      %add3A_1144 = vector.broadcast %add3A_1143 : i32 to vector<16xi32>
      %add3A_1145 = arith.addi %select_n3A_1137, %add3A_1144 : vector<16xi32>
      %select_n3A_1146 = arith.select %lt3A_1142, %add3A_1145, %select_n3A_1137 : vector<16xi1>, vector<16xi32>
      %add3A_1147 = arith.constant 0 : i32
      %add3A_1148 = vector.broadcast %add3A_1147 : i32 to vector<16xi32>
      %add3A_1149 = arith.addi %select_n3A_1146, %add3A_1148 : vector<16xi32>
      %gather3A_1150 = tpu.vector_load_idx %arg14[%add3A_1149] : memref<4096xf32, #tpu.memory_space<vmem>>[vector<16xi32>], vector<16xf32>,
      %lt3A_1151 = arith.cmpf olt, %gather3A_1150, %get3A_1045 : vector<16xf32>
      %add3A_1152 = arith.constant 1 : i32
      %add3A_1153 = vector.broadcast %add3A_1152 : i32 to vector<16xi32>
      %add3A_1154 = arith.addi %select_n3A_1146, %add3A_1153 : vector<16xi32>
      %select_n3A_1155 = arith.select %lt3A_1151, %add3A_1154, %select_n3A_1146 : vector<16xi1>, vector<16xi32>
      %gather3A_1156 = tpu.vector_load_idx %arg14[%select_n3A_1155] : memref<4096xf32, #tpu.memory_space<vmem>>[vector<16xi32>], vector<16xf32>,
      %lt3A_1157 = arith.cmpf olt, %gather3A_1156, %get3A_1045 : vector<16xf32>
      %add3A_1158 = arith.constant 1 : i32
      %add3A_1159 = vector.broadcast %add3A_1158 : i32 to vector<16xi32>
      %add3A_1160 = arith.addi %select_n3A_1155, %add3A_1159 : vector<16xi32>
      %select_n3A_1161 = arith.select %lt3A_1157, %add3A_1160, %select_n3A_1155 : vector<16xi1>, vector<16xi32>
      %min3A_1162 = arith.constant 4095 : i32
      %min3A_1163 = vector.broadcast %min3A_1162 : i32 to vector<16xi32>
      %min3A_1164 = arith.minsi %select_n3A_1161, %min3A_1163 : vector<16xi32>
      %broadcast_in_dim3A_1165 = arith.constant 0 : i32
      %broadcast_in_dim3A_1166 = vector.broadcast %broadcast_in_dim3A_1165 : i32 to vector<16xi32>
      %broadcast_in_dim3A_1167 = arith.constant 0 : i32
      %broadcast_in_dim3A_1168 = vector.broadcast %broadcast_in_dim3A_1167 : i32 to vector<16xi32>
      %gather3A_1169 = tpu.vector_load_idx %arg15[%broadcast_in_dim3A_1168, %min3A_1164] : memref<8x4096xf32, #tpu.memory_space<vmem>>[vector<16xi32>, vector<16xi32>], vector<16xf32>,
      %lt3A_1170 = arith.cmpf olt, %gather3A_1169, %get3A_1045 : vector<16xf32>
      %jit3A_1171 = arith.constant 1 : i32
      %jit3A_1172 = arith.constant 0 : i32
      %broadcast_in_dim3A_1173 = vector.broadcast %jit3A_1171 : i32 to vector<16xi32>
      %broadcast_in_dim3A_1174 = vector.broadcast %jit3A_1172 : i32 to vector<16xi32>
      %select_n3A_1175 = arith.select %lt3A_1170, %broadcast_in_dim3A_1173, %broadcast_in_dim3A_1174 : vector<16xi1>, vector<16xi32>
      %add3A_1176 = arith.addi %broadcast_in_dim3A_1166, %select_n3A_1175 : vector<16xi32>
      %broadcast_in_dim3A_1177 = arith.constant 1 : i32
      %broadcast_in_dim3A_1178 = vector.broadcast %broadcast_in_dim3A_1177 : i32 to vector<16xi32>
      %gather3A_1179 = tpu.vector_load_idx %arg15[%broadcast_in_dim3A_1178, %min3A_1164] : memref<8x4096xf32, #tpu.memory_space<vmem>>[vector<16xi32>, vector<16xi32>], vector<16xf32>,
      %lt3A_1180 = arith.cmpf olt, %gather3A_1179, %get3A_1045 : vector<16xf32>
      %jit3A_1181 = arith.constant 1 : i32
      %jit3A_1182 = arith.constant 0 : i32
      %broadcast_in_dim3A_1183 = vector.broadcast %jit3A_1181 : i32 to vector<16xi32>
      %broadcast_in_dim3A_1184 = vector.broadcast %jit3A_1182 : i32 to vector<16xi32>
      %select_n3A_1185 = arith.select %lt3A_1180, %broadcast_in_dim3A_1183, %broadcast_in_dim3A_1184 : vector<16xi1>, vector<16xi32>
      %add3A_1186 = arith.addi %add3A_1176, %select_n3A_1185 : vector<16xi32>
      %broadcast_in_dim3A_1187 = arith.constant 2 : i32
      %broadcast_in_dim3A_1188 = vector.broadcast %broadcast_in_dim3A_1187 : i32 to vector<16xi32>
      %gather3A_1189 = tpu.vector_load_idx %arg15[%broadcast_in_dim3A_1188, %min3A_1164] : memref<8x4096xf32, #tpu.memory_space<vmem>>[vector<16xi32>, vector<16xi32>], vector<16xf32>,
      %lt3A_1190 = arith.cmpf olt, %gather3A_1189, %get3A_1045 : vector<16xf32>
      %jit3A_1191 = arith.constant 1 : i32
      %jit3A_1192 = arith.constant 0 : i32
      %broadcast_in_dim3A_1193 = vector.broadcast %jit3A_1191 : i32 to vector<16xi32>
      %broadcast_in_dim3A_1194 = vector.broadcast %jit3A_1192 : i32 to vector<16xi32>
      %select_n3A_1195 = arith.select %lt3A_1190, %broadcast_in_dim3A_1193, %broadcast_in_dim3A_1194 : vector<16xi1>, vector<16xi32>
      %add3A_1196 = arith.addi %add3A_1186, %select_n3A_1195 : vector<16xi32>
      %broadcast_in_dim3A_1197 = arith.constant 3 : i32
      %broadcast_in_dim3A_1198 = vector.broadcast %broadcast_in_dim3A_1197 : i32 to vector<16xi32>
      %gather3A_1199 = tpu.vector_load_idx %arg15[%broadcast_in_dim3A_1198, %min3A_1164] : memref<8x4096xf32, #tpu.memory_space<vmem>>[vector<16xi32>, vector<16xi32>], vector<16xf32>,
      %lt3A_1200 = arith.cmpf olt, %gather3A_1199, %get3A_1045 : vector<16xf32>
      %jit3A_1201 = arith.constant 1 : i32
      %jit3A_1202 = arith.constant 0 : i32
      %broadcast_in_dim3A_1203 = vector.broadcast %jit3A_1201 : i32 to vector<16xi32>
      %broadcast_in_dim3A_1204 = vector.broadcast %jit3A_1202 : i32 to vector<16xi32>
      %select_n3A_1205 = arith.select %lt3A_1200, %broadcast_in_dim3A_1203, %broadcast_in_dim3A_1204 : vector<16xi1>, vector<16xi32>
      %add3A_1206 = arith.addi %add3A_1196, %select_n3A_1205 : vector<16xi32>
      %broadcast_in_dim3A_1207 = arith.constant 4 : i32
      %broadcast_in_dim3A_1208 = vector.broadcast %broadcast_in_dim3A_1207 : i32 to vector<16xi32>
      %gather3A_1209 = tpu.vector_load_idx %arg15[%broadcast_in_dim3A_1208, %min3A_1164] : memref<8x4096xf32, #tpu.memory_space<vmem>>[vector<16xi32>, vector<16xi32>], vector<16xf32>,
      %lt3A_1210 = arith.cmpf olt, %gather3A_1209, %get3A_1045 : vector<16xf32>
      %jit3A_1211 = arith.constant 1 : i32
      %jit3A_1212 = arith.constant 0 : i32
      %broadcast_in_dim3A_1213 = vector.broadcast %jit3A_1211 : i32 to vector<16xi32>
      %broadcast_in_dim3A_1214 = vector.broadcast %jit3A_1212 : i32 to vector<16xi32>
      %select_n3A_1215 = arith.select %lt3A_1210, %broadcast_in_dim3A_1213, %broadcast_in_dim3A_1214 : vector<16xi1>, vector<16xi32>
      %add3A_1216 = arith.addi %add3A_1206, %select_n3A_1215 : vector<16xi32>
      %broadcast_in_dim3A_1217 = arith.constant 5 : i32
      %broadcast_in_dim3A_1218 = vector.broadcast %broadcast_in_dim3A_1217 : i32 to vector<16xi32>
      %gather3A_1219 = tpu.vector_load_idx %arg15[%broadcast_in_dim3A_1218, %min3A_1164] : memref<8x4096xf32, #tpu.memory_space<vmem>>[vector<16xi32>, vector<16xi32>], vector<16xf32>,
      %lt3A_1220 = arith.cmpf olt, %gather3A_1219, %get3A_1045 : vector<16xf32>
      %jit3A_1221 = arith.constant 1 : i32
      %jit3A_1222 = arith.constant 0 : i32
      %broadcast_in_dim3A_1223 = vector.broadcast %jit3A_1221 : i32 to vector<16xi32>
      %broadcast_in_dim3A_1224 = vector.broadcast %jit3A_1222 : i32 to vector<16xi32>
      %select_n3A_1225 = arith.select %lt3A_1220, %broadcast_in_dim3A_1223, %broadcast_in_dim3A_1224 : vector<16xi1>, vector<16xi32>
      %add3A_1226 = arith.addi %add3A_1216, %select_n3A_1225 : vector<16xi32>
      %broadcast_in_dim3A_1227 = arith.constant 6 : i32
      %broadcast_in_dim3A_1228 = vector.broadcast %broadcast_in_dim3A_1227 : i32 to vector<16xi32>
      %gather3A_1229 = tpu.vector_load_idx %arg15[%broadcast_in_dim3A_1228, %min3A_1164] : memref<8x4096xf32, #tpu.memory_space<vmem>>[vector<16xi32>, vector<16xi32>], vector<16xf32>,
      %lt3A_1230 = arith.cmpf olt, %gather3A_1229, %get3A_1045 : vector<16xf32>
      %jit3A_1231 = arith.constant 1 : i32
      %jit3A_1232 = arith.constant 0 : i32
      %broadcast_in_dim3A_1233 = vector.broadcast %jit3A_1231 : i32 to vector<16xi32>
      %broadcast_in_dim3A_1234 = vector.broadcast %jit3A_1232 : i32 to vector<16xi32>
      %select_n3A_1235 = arith.select %lt3A_1230, %broadcast_in_dim3A_1233, %broadcast_in_dim3A_1234 : vector<16xi1>, vector<16xi32>
      %add3A_1236 = arith.addi %add3A_1226, %select_n3A_1235 : vector<16xi32>
      %broadcast_in_dim3A_1237 = arith.constant 7 : i32
      %broadcast_in_dim3A_1238 = vector.broadcast %broadcast_in_dim3A_1237 : i32 to vector<16xi32>
      %gather3A_1239 = tpu.vector_load_idx %arg15[%broadcast_in_dim3A_1238, %min3A_1164] : memref<8x4096xf32, #tpu.memory_space<vmem>>[vector<16xi32>, vector<16xi32>], vector<16xf32>,
      %lt3A_1240 = arith.cmpf olt, %gather3A_1239, %get3A_1045 : vector<16xf32>
      %jit3A_1241 = arith.constant 1 : i32
      %jit3A_1242 = arith.constant 0 : i32
      %broadcast_in_dim3A_1243 = vector.broadcast %jit3A_1241 : i32 to vector<16xi32>
      %broadcast_in_dim3A_1244 = vector.broadcast %jit3A_1242 : i32 to vector<16xi32>
      %select_n3A_1245 = arith.select %lt3A_1240, %broadcast_in_dim3A_1243, %broadcast_in_dim3A_1244 : vector<16xi1>, vector<16xi32>
      %add3A_1246 = arith.addi %add3A_1236, %select_n3A_1245 : vector<16xi32>
      %swap3A_1247 = arith.constant 80 : index
      %swap3A_1248 = tpu.vector_load %arg17[%swap3A_1247] {strides = array<i32>} : memref<128xi32, #tpu.memory_space<vmem>>, vector<16xi32>,
      tpu.vector_store %arg17[%swap3A_1247], %min3A_1164 {strides = array<i32>} : memref<128xi32, #tpu.memory_space<vmem>>, vector<16xi32>,
      %min3A_1249 = arith.constant 7 : i32
      %min3A_1250 = vector.broadcast %min3A_1249 : i32 to vector<16xi32>
      %min3A_1251 = arith.minsi %add3A_1246, %min3A_1250 : vector<16xi32>
      %get3A_1252 = arith.constant 96 : index
      %get3A_1253 = tpu.vector_load %arg16[%get3A_1252] {strides = array<i32>} : memref<128xf32, #tpu.memory_space<vmem>>, vector<16xf32>,
      %broadcast_in_dim3A_1254 = arith.constant 0 : i32
      %broadcast_in_dim3A_1255 = vector.broadcast %broadcast_in_dim3A_1254 : i32 to vector<16xi32>
      %add3A_1256 = arith.constant 2047 : i32
      %add3A_1257 = vector.broadcast %add3A_1256 : i32 to vector<16xi32>
      %add3A_1258 = arith.addi %broadcast_in_dim3A_1255, %add3A_1257 : vector<16xi32>
      %gather3A_1259 = tpu.vector_load_idx %arg14[%add3A_1258] : memref<4096xf32, #tpu.memory_space<vmem>>[vector<16xi32>], vector<16xf32>,
      %lt3A_1260 = arith.cmpf olt, %gather3A_1259, %get3A_1253 : vector<16xf32>
      %add3A_1261 = arith.constant 2048 : i32
      %add3A_1262 = vector.broadcast %add3A_1261 : i32 to vector<16xi32>
      %add3A_1263 = arith.addi %broadcast_in_dim3A_1255, %add3A_1262 : vector<16xi32>
      %select_n3A_1264 = arith.select %lt3A_1260, %add3A_1263, %broadcast_in_dim3A_1255 : vector<16xi1>, vector<16xi32>
      %add3A_1265 = arith.constant 1023 : i32
      %add3A_1266 = vector.broadcast %add3A_1265 : i32 to vector<16xi32>
      %add3A_1267 = arith.addi %select_n3A_1264, %add3A_1266 : vector<16xi32>
      %gather3A_1268 = tpu.vector_load_idx %arg14[%add3A_1267] : memref<4096xf32, #tpu.memory_space<vmem>>[vector<16xi32>], vector<16xf32>,
      %lt3A_1269 = arith.cmpf olt, %gather3A_1268, %get3A_1253 : vector<16xf32>
      %add3A_1270 = arith.constant 1024 : i32
      %add3A_1271 = vector.broadcast %add3A_1270 : i32 to vector<16xi32>
      %add3A_1272 = arith.addi %select_n3A_1264, %add3A_1271 : vector<16xi32>
      %select_n3A_1273 = arith.select %lt3A_1269, %add3A_1272, %select_n3A_1264 : vector<16xi1>, vector<16xi32>
      %add3A_1274 = arith.constant 511 : i32
      %add3A_1275 = vector.broadcast %add3A_1274 : i32 to vector<16xi32>
      %add3A_1276 = arith.addi %select_n3A_1273, %add3A_1275 : vector<16xi32>
      %gather3A_1277 = tpu.vector_load_idx %arg14[%add3A_1276] : memref<4096xf32, #tpu.memory_space<vmem>>[vector<16xi32>], vector<16xf32>,
      %lt3A_1278 = arith.cmpf olt, %gather3A_1277, %get3A_1253 : vector<16xf32>
      %add3A_1279 = arith.constant 512 : i32
      %add3A_1280 = vector.broadcast %add3A_1279 : i32 to vector<16xi32>
      %add3A_1281 = arith.addi %select_n3A_1273, %add3A_1280 : vector<16xi32>
      %select_n3A_1282 = arith.select %lt3A_1278, %add3A_1281, %select_n3A_1273 : vector<16xi1>, vector<16xi32>
      %add3A_1283 = arith.constant 255 : i32
      %add3A_1284 = vector.broadcast %add3A_1283 : i32 to vector<16xi32>
      %add3A_1285 = arith.addi %select_n3A_1282, %add3A_1284 : vector<16xi32>
      %gather3A_1286 = tpu.vector_load_idx %arg14[%add3A_1285] : memref<4096xf32, #tpu.memory_space<vmem>>[vector<16xi32>], vector<16xf32>,
      %lt3A_1287 = arith.cmpf olt, %gather3A_1286, %get3A_1253 : vector<16xf32>
      %add3A_1288 = arith.constant 256 : i32
      %add3A_1289 = vector.broadcast %add3A_1288 : i32 to vector<16xi32>
      %add3A_1290 = arith.addi %select_n3A_1282, %add3A_1289 : vector<16xi32>
      %select_n3A_1291 = arith.select %lt3A_1287, %add3A_1290, %select_n3A_1282 : vector<16xi1>, vector<16xi32>
      %add3A_1292 = arith.constant 127 : i32
      %add3A_1293 = vector.broadcast %add3A_1292 : i32 to vector<16xi32>
      %add3A_1294 = arith.addi %select_n3A_1291, %add3A_1293 : vector<16xi32>
      %gather3A_1295 = tpu.vector_load_idx %arg14[%add3A_1294] : memref<4096xf32, #tpu.memory_space<vmem>>[vector<16xi32>], vector<16xf32>,
      %lt3A_1296 = arith.cmpf olt, %gather3A_1295, %get3A_1253 : vector<16xf32>
      %add3A_1297 = arith.constant 128 : i32
      %add3A_1298 = vector.broadcast %add3A_1297 : i32 to vector<16xi32>
      %add3A_1299 = arith.addi %select_n3A_1291, %add3A_1298 : vector<16xi32>
      %select_n3A_1300 = arith.select %lt3A_1296, %add3A_1299, %select_n3A_1291 : vector<16xi1>, vector<16xi32>
      %add3A_1301 = arith.constant 63 : i32
      %add3A_1302 = vector.broadcast %add3A_1301 : i32 to vector<16xi32>
      %add3A_1303 = arith.addi %select_n3A_1300, %add3A_1302 : vector<16xi32>
      %gather3A_1304 = tpu.vector_load_idx %arg14[%add3A_1303] : memref<4096xf32, #tpu.memory_space<vmem>>[vector<16xi32>], vector<16xf32>,
      %lt3A_1305 = arith.cmpf olt, %gather3A_1304, %get3A_1253 : vector<16xf32>
      %add3A_1306 = arith.constant 64 : i32
      %add3A_1307 = vector.broadcast %add3A_1306 : i32 to vector<16xi32>
      %add3A_1308 = arith.addi %select_n3A_1300, %add3A_1307 : vector<16xi32>
      %select_n3A_1309 = arith.select %lt3A_1305, %add3A_1308, %select_n3A_1300 : vector<16xi1>, vector<16xi32>
      %add3A_1310 = arith.constant 31 : i32
      %add3A_1311 = vector.broadcast %add3A_1310 : i32 to vector<16xi32>
      %add3A_1312 = arith.addi %select_n3A_1309, %add3A_1311 : vector<16xi32>
      %gather3A_1313 = tpu.vector_load_idx %arg14[%add3A_1312] : memref<4096xf32, #tpu.memory_space<vmem>>[vector<16xi32>], vector<16xf32>,
      %lt3A_1314 = arith.cmpf olt, %gather3A_1313, %get3A_1253 : vector<16xf32>
      %add3A_1315 = arith.constant 32 : i32
      %add3A_1316 = vector.broadcast %add3A_1315 : i32 to vector<16xi32>
      %add3A_1317 = arith.addi %select_n3A_1309, %add3A_1316 : vector<16xi32>
      %select_n3A_1318 = arith.select %lt3A_1314, %add3A_1317, %select_n3A_1309 : vector<16xi1>, vector<16xi32>
      %add3A_1319 = arith.constant 15 : i32
      %add3A_1320 = vector.broadcast %add3A_1319 : i32 to vector<16xi32>
      %add3A_1321 = arith.addi %select_n3A_1318, %add3A_1320 : vector<16xi32>
      %gather3A_1322 = tpu.vector_load_idx %arg14[%add3A_1321] : memref<4096xf32, #tpu.memory_space<vmem>>[vector<16xi32>], vector<16xf32>,
      %lt3A_1323 = arith.cmpf olt, %gather3A_1322, %get3A_1253 : vector<16xf32>
      %add3A_1324 = arith.constant 16 : i32
      %add3A_1325 = vector.broadcast %add3A_1324 : i32 to vector<16xi32>
      %add3A_1326 = arith.addi %select_n3A_1318, %add3A_1325 : vector<16xi32>
      %select_n3A_1327 = arith.select %lt3A_1323, %add3A_1326, %select_n3A_1318 : vector<16xi1>, vector<16xi32>
      %add3A_1328 = arith.constant 7 : i32
      %add3A_1329 = vector.broadcast %add3A_1328 : i32 to vector<16xi32>
      %add3A_1330 = arith.addi %select_n3A_1327, %add3A_1329 : vector<16xi32>
      %gather3A_1331 = tpu.vector_load_idx %arg14[%add3A_1330] : memref<4096xf32, #tpu.memory_space<vmem>>[vector<16xi32>], vector<16xf32>,
      %lt3A_1332 = arith.cmpf olt, %gather3A_1331, %get3A_1253 : vector<16xf32>
      %add3A_1333 = arith.constant 8 : i32
      %add3A_1334 = vector.broadcast %add3A_1333 : i32 to vector<16xi32>
      %add3A_1335 = arith.addi %select_n3A_1327, %add3A_1334 : vector<16xi32>
      %select_n3A_1336 = arith.select %lt3A_1332, %add3A_1335, %select_n3A_1327 : vector<16xi1>, vector<16xi32>
      %add3A_1337 = arith.constant 3 : i32
      %add3A_1338 = vector.broadcast %add3A_1337 : i32 to vector<16xi32>
      %add3A_1339 = arith.addi %select_n3A_1336, %add3A_1338 : vector<16xi32>
      %gather3A_1340 = tpu.vector_load_idx %arg14[%add3A_1339] : memref<4096xf32, #tpu.memory_space<vmem>>[vector<16xi32>], vector<16xf32>,
      %lt3A_1341 = arith.cmpf olt, %gather3A_1340, %get3A_1253 : vector<16xf32>
      %add3A_1342 = arith.constant 4 : i32
      %add3A_1343 = vector.broadcast %add3A_1342 : i32 to vector<16xi32>
      %add3A_1344 = arith.addi %select_n3A_1336, %add3A_1343 : vector<16xi32>
      %select_n3A_1345 = arith.select %lt3A_1341, %add3A_1344, %select_n3A_1336 : vector<16xi1>, vector<16xi32>
      %add3A_1346 = arith.constant 1 : i32
      %add3A_1347 = vector.broadcast %add3A_1346 : i32 to vector<16xi32>
      %add3A_1348 = arith.addi %select_n3A_1345, %add3A_1347 : vector<16xi32>
      %gather3A_1349 = tpu.vector_load_idx %arg14[%add3A_1348] : memref<4096xf32, #tpu.memory_space<vmem>>[vector<16xi32>], vector<16xf32>,
      %lt3A_1350 = arith.cmpf olt, %gather3A_1349, %get3A_1253 : vector<16xf32>
      %add3A_1351 = arith.constant 2 : i32
      %add3A_1352 = vector.broadcast %add3A_1351 : i32 to vector<16xi32>
      %add3A_1353 = arith.addi %select_n3A_1345, %add3A_1352 : vector<16xi32>
      %select_n3A_1354 = arith.select %lt3A_1350, %add3A_1353, %select_n3A_1345 : vector<16xi1>, vector<16xi32>
      %add3A_1355 = arith.constant 0 : i32
      %add3A_1356 = vector.broadcast %add3A_1355 : i32 to vector<16xi32>
      %add3A_1357 = arith.addi %select_n3A_1354, %add3A_1356 : vector<16xi32>
      %gather3A_1358 = tpu.vector_load_idx %arg14[%add3A_1357] : memref<4096xf32, #tpu.memory_space<vmem>>[vector<16xi32>], vector<16xf32>,
      %lt3A_1359 = arith.cmpf olt, %gather3A_1358, %get3A_1253 : vector<16xf32>
      %add3A_1360 = arith.constant 1 : i32
      %add3A_1361 = vector.broadcast %add3A_1360 : i32 to vector<16xi32>
      %add3A_1362 = arith.addi %select_n3A_1354, %add3A_1361 : vector<16xi32>
      %select_n3A_1363 = arith.select %lt3A_1359, %add3A_1362, %select_n3A_1354 : vector<16xi1>, vector<16xi32>
      %gather3A_1364 = tpu.vector_load_idx %arg14[%select_n3A_1363] : memref<4096xf32, #tpu.memory_space<vmem>>[vector<16xi32>], vector<16xf32>,
      %lt3A_1365 = arith.cmpf olt, %gather3A_1364, %get3A_1253 : vector<16xf32>
      %add3A_1366 = arith.constant 1 : i32
      %add3A_1367 = vector.broadcast %add3A_1366 : i32 to vector<16xi32>
      %add3A_1368 = arith.addi %select_n3A_1363, %add3A_1367 : vector<16xi32>
      %select_n3A_1369 = arith.select %lt3A_1365, %add3A_1368, %select_n3A_1363 : vector<16xi1>, vector<16xi32>
      %min3A_1370 = arith.constant 4095 : i32
      %min3A_1371 = vector.broadcast %min3A_1370 : i32 to vector<16xi32>
      %min3A_1372 = arith.minsi %select_n3A_1369, %min3A_1371 : vector<16xi32>
      %broadcast_in_dim3A_1373 = arith.constant 0 : i32
      %broadcast_in_dim3A_1374 = vector.broadcast %broadcast_in_dim3A_1373 : i32 to vector<16xi32>
      %broadcast_in_dim3A_1375 = arith.constant 0 : i32
      %broadcast_in_dim3A_1376 = vector.broadcast %broadcast_in_dim3A_1375 : i32 to vector<16xi32>
      %gather3A_1377 = tpu.vector_load_idx %arg15[%broadcast_in_dim3A_1376, %min3A_1372] : memref<8x4096xf32, #tpu.memory_space<vmem>>[vector<16xi32>, vector<16xi32>], vector<16xf32>,
      %lt3A_1378 = arith.cmpf olt, %gather3A_1377, %get3A_1253 : vector<16xf32>
      %jit3A_1379 = arith.constant 1 : i32
      %jit3A_1380 = arith.constant 0 : i32
      %broadcast_in_dim3A_1381 = vector.broadcast %jit3A_1379 : i32 to vector<16xi32>
      %broadcast_in_dim3A_1382 = vector.broadcast %jit3A_1380 : i32 to vector<16xi32>
      %select_n3A_1383 = arith.select %lt3A_1378, %broadcast_in_dim3A_1381, %broadcast_in_dim3A_1382 : vector<16xi1>, vector<16xi32>
      %add3A_1384 = arith.addi %broadcast_in_dim3A_1374, %select_n3A_1383 : vector<16xi32>
      %broadcast_in_dim3A_1385 = arith.constant 1 : i32
      %broadcast_in_dim3A_1386 = vector.broadcast %broadcast_in_dim3A_1385 : i32 to vector<16xi32>
      %gather3A_1387 = tpu.vector_load_idx %arg15[%broadcast_in_dim3A_1386, %min3A_1372] : memref<8x4096xf32, #tpu.memory_space<vmem>>[vector<16xi32>, vector<16xi32>], vector<16xf32>,
      %lt3A_1388 = arith.cmpf olt, %gather3A_1387, %get3A_1253 : vector<16xf32>
      %jit3A_1389 = arith.constant 1 : i32
      %jit3A_1390 = arith.constant 0 : i32
      %broadcast_in_dim3A_1391 = vector.broadcast %jit3A_1389 : i32 to vector<16xi32>
      %broadcast_in_dim3A_1392 = vector.broadcast %jit3A_1390 : i32 to vector<16xi32>
      %select_n3A_1393 = arith.select %lt3A_1388, %broadcast_in_dim3A_1391, %broadcast_in_dim3A_1392 : vector<16xi1>, vector<16xi32>
      %add3A_1394 = arith.addi %add3A_1384, %select_n3A_1393 : vector<16xi32>
      %broadcast_in_dim3A_1395 = arith.constant 2 : i32
      %broadcast_in_dim3A_1396 = vector.broadcast %broadcast_in_dim3A_1395 : i32 to vector<16xi32>
      %gather3A_1397 = tpu.vector_load_idx %arg15[%broadcast_in_dim3A_1396, %min3A_1372] : memref<8x4096xf32, #tpu.memory_space<vmem>>[vector<16xi32>, vector<16xi32>], vector<16xf32>,
      %lt3A_1398 = arith.cmpf olt, %gather3A_1397, %get3A_1253 : vector<16xf32>
      %jit3A_1399 = arith.constant 1 : i32
      %jit3A_1400 = arith.constant 0 : i32
      %broadcast_in_dim3A_1401 = vector.broadcast %jit3A_1399 : i32 to vector<16xi32>
      %broadcast_in_dim3A_1402 = vector.broadcast %jit3A_1400 : i32 to vector<16xi32>
      %select_n3A_1403 = arith.select %lt3A_1398, %broadcast_in_dim3A_1401, %broadcast_in_dim3A_1402 : vector<16xi1>, vector<16xi32>
      %add3A_1404 = arith.addi %add3A_1394, %select_n3A_1403 : vector<16xi32>
      %broadcast_in_dim3A_1405 = arith.constant 3 : i32
      %broadcast_in_dim3A_1406 = vector.broadcast %broadcast_in_dim3A_1405 : i32 to vector<16xi32>
      %gather3A_1407 = tpu.vector_load_idx %arg15[%broadcast_in_dim3A_1406, %min3A_1372] : memref<8x4096xf32, #tpu.memory_space<vmem>>[vector<16xi32>, vector<16xi32>], vector<16xf32>,
      %lt3A_1408 = arith.cmpf olt, %gather3A_1407, %get3A_1253 : vector<16xf32>
      %jit3A_1409 = arith.constant 1 : i32
      %jit3A_1410 = arith.constant 0 : i32
      %broadcast_in_dim3A_1411 = vector.broadcast %jit3A_1409 : i32 to vector<16xi32>
      %broadcast_in_dim3A_1412 = vector.broadcast %jit3A_1410 : i32 to vector<16xi32>
      %select_n3A_1413 = arith.select %lt3A_1408, %broadcast_in_dim3A_1411, %broadcast_in_dim3A_1412 : vector<16xi1>, vector<16xi32>
      %add3A_1414 = arith.addi %add3A_1404, %select_n3A_1413 : vector<16xi32>
      %broadcast_in_dim3A_1415 = arith.constant 4 : i32
      %broadcast_in_dim3A_1416 = vector.broadcast %broadcast_in_dim3A_1415 : i32 to vector<16xi32>
      %gather3A_1417 = tpu.vector_load_idx %arg15[%broadcast_in_dim3A_1416, %min3A_1372] : memref<8x4096xf32, #tpu.memory_space<vmem>>[vector<16xi32>, vector<16xi32>], vector<16xf32>,
      %lt3A_1418 = arith.cmpf olt, %gather3A_1417, %get3A_1253 : vector<16xf32>
      %jit3A_1419 = arith.constant 1 : i32
      %jit3A_1420 = arith.constant 0 : i32
      %broadcast_in_dim3A_1421 = vector.broadcast %jit3A_1419 : i32 to vector<16xi32>
      %broadcast_in_dim3A_1422 = vector.broadcast %jit3A_1420 : i32 to vector<16xi32>
      %select_n3A_1423 = arith.select %lt3A_1418, %broadcast_in_dim3A_1421, %broadcast_in_dim3A_1422 : vector<16xi1>, vector<16xi32>
      %add3A_1424 = arith.addi %add3A_1414, %select_n3A_1423 : vector<16xi32>
      %broadcast_in_dim3A_1425 = arith.constant 5 : i32
      %broadcast_in_dim3A_1426 = vector.broadcast %broadcast_in_dim3A_1425 : i32 to vector<16xi32>
      %gather3A_1427 = tpu.vector_load_idx %arg15[%broadcast_in_dim3A_1426, %min3A_1372] : memref<8x4096xf32, #tpu.memory_space<vmem>>[vector<16xi32>, vector<16xi32>], vector<16xf32>,
      %lt3A_1428 = arith.cmpf olt, %gather3A_1427, %get3A_1253 : vector<16xf32>
      %jit3A_1429 = arith.constant 1 : i32
      %jit3A_1430 = arith.constant 0 : i32
      %broadcast_in_dim3A_1431 = vector.broadcast %jit3A_1429 : i32 to vector<16xi32>
      %broadcast_in_dim3A_1432 = vector.broadcast %jit3A_1430 : i32 to vector<16xi32>
      %select_n3A_1433 = arith.select %lt3A_1428, %broadcast_in_dim3A_1431, %broadcast_in_dim3A_1432 : vector<16xi1>, vector<16xi32>
      %add3A_1434 = arith.addi %add3A_1424, %select_n3A_1433 : vector<16xi32>
      %broadcast_in_dim3A_1435 = arith.constant 6 : i32
      %broadcast_in_dim3A_1436 = vector.broadcast %broadcast_in_dim3A_1435 : i32 to vector<16xi32>
      %gather3A_1437 = tpu.vector_load_idx %arg15[%broadcast_in_dim3A_1436, %min3A_1372] : memref<8x4096xf32, #tpu.memory_space<vmem>>[vector<16xi32>, vector<16xi32>], vector<16xf32>,
      %lt3A_1438 = arith.cmpf olt, %gather3A_1437, %get3A_1253 : vector<16xf32>
      %jit3A_1439 = arith.constant 1 : i32
      %jit3A_1440 = arith.constant 0 : i32
      %broadcast_in_dim3A_1441 = vector.broadcast %jit3A_1439 : i32 to vector<16xi32>
      %broadcast_in_dim3A_1442 = vector.broadcast %jit3A_1440 : i32 to vector<16xi32>
      %select_n3A_1443 = arith.select %lt3A_1438, %broadcast_in_dim3A_1441, %broadcast_in_dim3A_1442 : vector<16xi1>, vector<16xi32>
      %add3A_1444 = arith.addi %add3A_1434, %select_n3A_1443 : vector<16xi32>
      %broadcast_in_dim3A_1445 = arith.constant 7 : i32
      %broadcast_in_dim3A_1446 = vector.broadcast %broadcast_in_dim3A_1445 : i32 to vector<16xi32>
      %gather3A_1447 = tpu.vector_load_idx %arg15[%broadcast_in_dim3A_1446, %min3A_1372] : memref<8x4096xf32, #tpu.memory_space<vmem>>[vector<16xi32>, vector<16xi32>], vector<16xf32>,
      %lt3A_1448 = arith.cmpf olt, %gather3A_1447, %get3A_1253 : vector<16xf32>
      %jit3A_1449 = arith.constant 1 : i32
      %jit3A_1450 = arith.constant 0 : i32
      %broadcast_in_dim3A_1451 = vector.broadcast %jit3A_1449 : i32 to vector<16xi32>
      %broadcast_in_dim3A_1452 = vector.broadcast %jit3A_1450 : i32 to vector<16xi32>
      %select_n3A_1453 = arith.select %lt3A_1448, %broadcast_in_dim3A_1451, %broadcast_in_dim3A_1452 : vector<16xi1>, vector<16xi32>
      %add3A_1454 = arith.addi %add3A_1444, %select_n3A_1453 : vector<16xi32>
      %swap3A_1455 = arith.constant 96 : index
      %swap3A_1456 = tpu.vector_load %arg17[%swap3A_1455] {strides = array<i32>} : memref<128xi32, #tpu.memory_space<vmem>>, vector<16xi32>,
      tpu.vector_store %arg17[%swap3A_1455], %min3A_1372 {strides = array<i32>} : memref<128xi32, #tpu.memory_space<vmem>>, vector<16xi32>,
      %min3A_1457 = arith.constant 7 : i32
      %min3A_1458 = vector.broadcast %min3A_1457 : i32 to vector<16xi32>
      %min3A_1459 = arith.minsi %add3A_1454, %min3A_1458 : vector<16xi32>
      %get3A_1460 = arith.constant 112 : index
      %get3A_1461 = tpu.vector_load %arg16[%get3A_1460] {strides = array<i32>} : memref<128xf32, #tpu.memory_space<vmem>>, vector<16xf32>,
      %broadcast_in_dim3A_1462 = arith.constant 0 : i32
      %broadcast_in_dim3A_1463 = vector.broadcast %broadcast_in_dim3A_1462 : i32 to vector<16xi32>
      %add3A_1464 = arith.constant 2047 : i32
      %add3A_1465 = vector.broadcast %add3A_1464 : i32 to vector<16xi32>
      %add3A_1466 = arith.addi %broadcast_in_dim3A_1463, %add3A_1465 : vector<16xi32>
      %gather3A_1467 = tpu.vector_load_idx %arg14[%add3A_1466] : memref<4096xf32, #tpu.memory_space<vmem>>[vector<16xi32>], vector<16xf32>,
      %lt3A_1468 = arith.cmpf olt, %gather3A_1467, %get3A_1461 : vector<16xf32>
      %add3A_1469 = arith.constant 2048 : i32
      %add3A_1470 = vector.broadcast %add3A_1469 : i32 to vector<16xi32>
      %add3A_1471 = arith.addi %broadcast_in_dim3A_1463, %add3A_1470 : vector<16xi32>
      %select_n3A_1472 = arith.select %lt3A_1468, %add3A_1471, %broadcast_in_dim3A_1463 : vector<16xi1>, vector<16xi32>
      %add3A_1473 = arith.constant 1023 : i32
      %add3A_1474 = vector.broadcast %add3A_1473 : i32 to vector<16xi32>
      %add3A_1475 = arith.addi %select_n3A_1472, %add3A_1474 : vector<16xi32>
      %gather3A_1476 = tpu.vector_load_idx %arg14[%add3A_1475] : memref<4096xf32, #tpu.memory_space<vmem>>[vector<16xi32>], vector<16xf32>,
      %lt3A_1477 = arith.cmpf olt, %gather3A_1476, %get3A_1461 : vector<16xf32>
      %add3A_1478 = arith.constant 1024 : i32
      %add3A_1479 = vector.broadcast %add3A_1478 : i32 to vector<16xi32>
      %add3A_1480 = arith.addi %select_n3A_1472, %add3A_1479 : vector<16xi32>
      %select_n3A_1481 = arith.select %lt3A_1477, %add3A_1480, %select_n3A_1472 : vector<16xi1>, vector<16xi32>
      %add3A_1482 = arith.constant 511 : i32
      %add3A_1483 = vector.broadcast %add3A_1482 : i32 to vector<16xi32>
      %add3A_1484 = arith.addi %select_n3A_1481, %add3A_1483 : vector<16xi32>
      %gather3A_1485 = tpu.vector_load_idx %arg14[%add3A_1484] : memref<4096xf32, #tpu.memory_space<vmem>>[vector<16xi32>], vector<16xf32>,
      %lt3A_1486 = arith.cmpf olt, %gather3A_1485, %get3A_1461 : vector<16xf32>
      %add3A_1487 = arith.constant 512 : i32
      %add3A_1488 = vector.broadcast %add3A_1487 : i32 to vector<16xi32>
      %add3A_1489 = arith.addi %select_n3A_1481, %add3A_1488 : vector<16xi32>
      %select_n3A_1490 = arith.select %lt3A_1486, %add3A_1489, %select_n3A_1481 : vector<16xi1>, vector<16xi32>
      %add3A_1491 = arith.constant 255 : i32
      %add3A_1492 = vector.broadcast %add3A_1491 : i32 to vector<16xi32>
      %add3A_1493 = arith.addi %select_n3A_1490, %add3A_1492 : vector<16xi32>
      %gather3A_1494 = tpu.vector_load_idx %arg14[%add3A_1493] : memref<4096xf32, #tpu.memory_space<vmem>>[vector<16xi32>], vector<16xf32>,
      %lt3A_1495 = arith.cmpf olt, %gather3A_1494, %get3A_1461 : vector<16xf32>
      %add3A_1496 = arith.constant 256 : i32
      %add3A_1497 = vector.broadcast %add3A_1496 : i32 to vector<16xi32>
      %add3A_1498 = arith.addi %select_n3A_1490, %add3A_1497 : vector<16xi32>
      %select_n3A_1499 = arith.select %lt3A_1495, %add3A_1498, %select_n3A_1490 : vector<16xi1>, vector<16xi32>
      %add3A_1500 = arith.constant 127 : i32
      %add3A_1501 = vector.broadcast %add3A_1500 : i32 to vector<16xi32>
      %add3A_1502 = arith.addi %select_n3A_1499, %add3A_1501 : vector<16xi32>
      %gather3A_1503 = tpu.vector_load_idx %arg14[%add3A_1502] : memref<4096xf32, #tpu.memory_space<vmem>>[vector<16xi32>], vector<16xf32>,
      %lt3A_1504 = arith.cmpf olt, %gather3A_1503, %get3A_1461 : vector<16xf32>
      %add3A_1505 = arith.constant 128 : i32
      %add3A_1506 = vector.broadcast %add3A_1505 : i32 to vector<16xi32>
      %add3A_1507 = arith.addi %select_n3A_1499, %add3A_1506 : vector<16xi32>
      %select_n3A_1508 = arith.select %lt3A_1504, %add3A_1507, %select_n3A_1499 : vector<16xi1>, vector<16xi32>
      %add3A_1509 = arith.constant 63 : i32
      %add3A_1510 = vector.broadcast %add3A_1509 : i32 to vector<16xi32>
      %add3A_1511 = arith.addi %select_n3A_1508, %add3A_1510 : vector<16xi32>
      %gather3A_1512 = tpu.vector_load_idx %arg14[%add3A_1511] : memref<4096xf32, #tpu.memory_space<vmem>>[vector<16xi32>], vector<16xf32>,
      %lt3A_1513 = arith.cmpf olt, %gather3A_1512, %get3A_1461 : vector<16xf32>
      %add3A_1514 = arith.constant 64 : i32
      %add3A_1515 = vector.broadcast %add3A_1514 : i32 to vector<16xi32>
      %add3A_1516 = arith.addi %select_n3A_1508, %add3A_1515 : vector<16xi32>
      %select_n3A_1517 = arith.select %lt3A_1513, %add3A_1516, %select_n3A_1508 : vector<16xi1>, vector<16xi32>
      %add3A_1518 = arith.constant 31 : i32
      %add3A_1519 = vector.broadcast %add3A_1518 : i32 to vector<16xi32>
      %add3A_1520 = arith.addi %select_n3A_1517, %add3A_1519 : vector<16xi32>
      %gather3A_1521 = tpu.vector_load_idx %arg14[%add3A_1520] : memref<4096xf32, #tpu.memory_space<vmem>>[vector<16xi32>], vector<16xf32>,
      %lt3A_1522 = arith.cmpf olt, %gather3A_1521, %get3A_1461 : vector<16xf32>
      %add3A_1523 = arith.constant 32 : i32
      %add3A_1524 = vector.broadcast %add3A_1523 : i32 to vector<16xi32>
      %add3A_1525 = arith.addi %select_n3A_1517, %add3A_1524 : vector<16xi32>
      %select_n3A_1526 = arith.select %lt3A_1522, %add3A_1525, %select_n3A_1517 : vector<16xi1>, vector<16xi32>
      %add3A_1527 = arith.constant 15 : i32
      %add3A_1528 = vector.broadcast %add3A_1527 : i32 to vector<16xi32>
      %add3A_1529 = arith.addi %select_n3A_1526, %add3A_1528 : vector<16xi32>
      %gather3A_1530 = tpu.vector_load_idx %arg14[%add3A_1529] : memref<4096xf32, #tpu.memory_space<vmem>>[vector<16xi32>], vector<16xf32>,
      %lt3A_1531 = arith.cmpf olt, %gather3A_1530, %get3A_1461 : vector<16xf32>
      %add3A_1532 = arith.constant 16 : i32
      %add3A_1533 = vector.broadcast %add3A_1532 : i32 to vector<16xi32>
      %add3A_1534 = arith.addi %select_n3A_1526, %add3A_1533 : vector<16xi32>
      %select_n3A_1535 = arith.select %lt3A_1531, %add3A_1534, %select_n3A_1526 : vector<16xi1>, vector<16xi32>
      %add3A_1536 = arith.constant 7 : i32
      %add3A_1537 = vector.broadcast %add3A_1536 : i32 to vector<16xi32>
      %add3A_1538 = arith.addi %select_n3A_1535, %add3A_1537 : vector<16xi32>
      %gather3A_1539 = tpu.vector_load_idx %arg14[%add3A_1538] : memref<4096xf32, #tpu.memory_space<vmem>>[vector<16xi32>], vector<16xf32>,
      %lt3A_1540 = arith.cmpf olt, %gather3A_1539, %get3A_1461 : vector<16xf32>
      %add3A_1541 = arith.constant 8 : i32
      %add3A_1542 = vector.broadcast %add3A_1541 : i32 to vector<16xi32>
      %add3A_1543 = arith.addi %select_n3A_1535, %add3A_1542 : vector<16xi32>
      %select_n3A_1544 = arith.select %lt3A_1540, %add3A_1543, %select_n3A_1535 : vector<16xi1>, vector<16xi32>
      %add3A_1545 = arith.constant 3 : i32
      %add3A_1546 = vector.broadcast %add3A_1545 : i32 to vector<16xi32>
      %add3A_1547 = arith.addi %select_n3A_1544, %add3A_1546 : vector<16xi32>
      %gather3A_1548 = tpu.vector_load_idx %arg14[%add3A_1547] : memref<4096xf32, #tpu.memory_space<vmem>>[vector<16xi32>], vector<16xf32>,
      %lt3A_1549 = arith.cmpf olt, %gather3A_1548, %get3A_1461 : vector<16xf32>
      %add3A_1550 = arith.constant 4 : i32
      %add3A_1551 = vector.broadcast %add3A_1550 : i32 to vector<16xi32>
      %add3A_1552 = arith.addi %select_n3A_1544, %add3A_1551 : vector<16xi32>
      %select_n3A_1553 = arith.select %lt3A_1549, %add3A_1552, %select_n3A_1544 : vector<16xi1>, vector<16xi32>
      %add3A_1554 = arith.constant 1 : i32
      %add3A_1555 = vector.broadcast %add3A_1554 : i32 to vector<16xi32>
      %add3A_1556 = arith.addi %select_n3A_1553, %add3A_1555 : vector<16xi32>
      %gather3A_1557 = tpu.vector_load_idx %arg14[%add3A_1556] : memref<4096xf32, #tpu.memory_space<vmem>>[vector<16xi32>], vector<16xf32>,
      %lt3A_1558 = arith.cmpf olt, %gather3A_1557, %get3A_1461 : vector<16xf32>
      %add3A_1559 = arith.constant 2 : i32
      %add3A_1560 = vector.broadcast %add3A_1559 : i32 to vector<16xi32>
      %add3A_1561 = arith.addi %select_n3A_1553, %add3A_1560 : vector<16xi32>
      %select_n3A_1562 = arith.select %lt3A_1558, %add3A_1561, %select_n3A_1553 : vector<16xi1>, vector<16xi32>
      %add3A_1563 = arith.constant 0 : i32
      %add3A_1564 = vector.broadcast %add3A_1563 : i32 to vector<16xi32>
      %add3A_1565 = arith.addi %select_n3A_1562, %add3A_1564 : vector<16xi32>
      %gather3A_1566 = tpu.vector_load_idx %arg14[%add3A_1565] : memref<4096xf32, #tpu.memory_space<vmem>>[vector<16xi32>], vector<16xf32>,
      %lt3A_1567 = arith.cmpf olt, %gather3A_1566, %get3A_1461 : vector<16xf32>
      %add3A_1568 = arith.constant 1 : i32
      %add3A_1569 = vector.broadcast %add3A_1568 : i32 to vector<16xi32>
      %add3A_1570 = arith.addi %select_n3A_1562, %add3A_1569 : vector<16xi32>
      %select_n3A_1571 = arith.select %lt3A_1567, %add3A_1570, %select_n3A_1562 : vector<16xi1>, vector<16xi32>
      %gather3A_1572 = tpu.vector_load_idx %arg14[%select_n3A_1571] : memref<4096xf32, #tpu.memory_space<vmem>>[vector<16xi32>], vector<16xf32>,
      %lt3A_1573 = arith.cmpf olt, %gather3A_1572, %get3A_1461 : vector<16xf32>
      %add3A_1574 = arith.constant 1 : i32
      %add3A_1575 = vector.broadcast %add3A_1574 : i32 to vector<16xi32>
      %add3A_1576 = arith.addi %select_n3A_1571, %add3A_1575 : vector<16xi32>
      %select_n3A_1577 = arith.select %lt3A_1573, %add3A_1576, %select_n3A_1571 : vector<16xi1>, vector<16xi32>
      %min3A_1578 = arith.constant 4095 : i32
      %min3A_1579 = vector.broadcast %min3A_1578 : i32 to vector<16xi32>
      %min3A_1580 = arith.minsi %select_n3A_1577, %min3A_1579 : vector<16xi32>
      %broadcast_in_dim3A_1581 = arith.constant 0 : i32
      %broadcast_in_dim3A_1582 = vector.broadcast %broadcast_in_dim3A_1581 : i32 to vector<16xi32>
      %broadcast_in_dim3A_1583 = arith.constant 0 : i32
      %broadcast_in_dim3A_1584 = vector.broadcast %broadcast_in_dim3A_1583 : i32 to vector<16xi32>
      %gather3A_1585 = tpu.vector_load_idx %arg15[%broadcast_in_dim3A_1584, %min3A_1580] : memref<8x4096xf32, #tpu.memory_space<vmem>>[vector<16xi32>, vector<16xi32>], vector<16xf32>,
      %lt3A_1586 = arith.cmpf olt, %gather3A_1585, %get3A_1461 : vector<16xf32>
      %jit3A_1587 = arith.constant 1 : i32
      %jit3A_1588 = arith.constant 0 : i32
      %broadcast_in_dim3A_1589 = vector.broadcast %jit3A_1587 : i32 to vector<16xi32>
      %broadcast_in_dim3A_1590 = vector.broadcast %jit3A_1588 : i32 to vector<16xi32>
      %select_n3A_1591 = arith.select %lt3A_1586, %broadcast_in_dim3A_1589, %broadcast_in_dim3A_1590 : vector<16xi1>, vector<16xi32>
      %add3A_1592 = arith.addi %broadcast_in_dim3A_1582, %select_n3A_1591 : vector<16xi32>
      %broadcast_in_dim3A_1593 = arith.constant 1 : i32
      %broadcast_in_dim3A_1594 = vector.broadcast %broadcast_in_dim3A_1593 : i32 to vector<16xi32>
      %gather3A_1595 = tpu.vector_load_idx %arg15[%broadcast_in_dim3A_1594, %min3A_1580] : memref<8x4096xf32, #tpu.memory_space<vmem>>[vector<16xi32>, vector<16xi32>], vector<16xf32>,
      %lt3A_1596 = arith.cmpf olt, %gather3A_1595, %get3A_1461 : vector<16xf32>
      %jit3A_1597 = arith.constant 1 : i32
      %jit3A_1598 = arith.constant 0 : i32
      %broadcast_in_dim3A_1599 = vector.broadcast %jit3A_1597 : i32 to vector<16xi32>
      %broadcast_in_dim3A_1600 = vector.broadcast %jit3A_1598 : i32 to vector<16xi32>
      %select_n3A_1601 = arith.select %lt3A_1596, %broadcast_in_dim3A_1599, %broadcast_in_dim3A_1600 : vector<16xi1>, vector<16xi32>
      %add3A_1602 = arith.addi %add3A_1592, %select_n3A_1601 : vector<16xi32>
      %broadcast_in_dim3A_1603 = arith.constant 2 : i32
      %broadcast_in_dim3A_1604 = vector.broadcast %broadcast_in_dim3A_1603 : i32 to vector<16xi32>
      %gather3A_1605 = tpu.vector_load_idx %arg15[%broadcast_in_dim3A_1604, %min3A_1580] : memref<8x4096xf32, #tpu.memory_space<vmem>>[vector<16xi32>, vector<16xi32>], vector<16xf32>,
      %lt3A_1606 = arith.cmpf olt, %gather3A_1605, %get3A_1461 : vector<16xf32>
      %jit3A_1607 = arith.constant 1 : i32
      %jit3A_1608 = arith.constant 0 : i32
      %broadcast_in_dim3A_1609 = vector.broadcast %jit3A_1607 : i32 to vector<16xi32>
      %broadcast_in_dim3A_1610 = vector.broadcast %jit3A_1608 : i32 to vector<16xi32>
      %select_n3A_1611 = arith.select %lt3A_1606, %broadcast_in_dim3A_1609, %broadcast_in_dim3A_1610 : vector<16xi1>, vector<16xi32>
      %add3A_1612 = arith.addi %add3A_1602, %select_n3A_1611 : vector<16xi32>
      %broadcast_in_dim3A_1613 = arith.constant 3 : i32
      %broadcast_in_dim3A_1614 = vector.broadcast %broadcast_in_dim3A_1613 : i32 to vector<16xi32>
      %gather3A_1615 = tpu.vector_load_idx %arg15[%broadcast_in_dim3A_1614, %min3A_1580] : memref<8x4096xf32, #tpu.memory_space<vmem>>[vector<16xi32>, vector<16xi32>], vector<16xf32>,
      %lt3A_1616 = arith.cmpf olt, %gather3A_1615, %get3A_1461 : vector<16xf32>
      %jit3A_1617 = arith.constant 1 : i32
      %jit3A_1618 = arith.constant 0 : i32
      %broadcast_in_dim3A_1619 = vector.broadcast %jit3A_1617 : i32 to vector<16xi32>
      %broadcast_in_dim3A_1620 = vector.broadcast %jit3A_1618 : i32 to vector<16xi32>
      %select_n3A_1621 = arith.select %lt3A_1616, %broadcast_in_dim3A_1619, %broadcast_in_dim3A_1620 : vector<16xi1>, vector<16xi32>
      %add3A_1622 = arith.addi %add3A_1612, %select_n3A_1621 : vector<16xi32>
      %broadcast_in_dim3A_1623 = arith.constant 4 : i32
      %broadcast_in_dim3A_1624 = vector.broadcast %broadcast_in_dim3A_1623 : i32 to vector<16xi32>
      %gather3A_1625 = tpu.vector_load_idx %arg15[%broadcast_in_dim3A_1624, %min3A_1580] : memref<8x4096xf32, #tpu.memory_space<vmem>>[vector<16xi32>, vector<16xi32>], vector<16xf32>,
      %lt3A_1626 = arith.cmpf olt, %gather3A_1625, %get3A_1461 : vector<16xf32>
      %jit3A_1627 = arith.constant 1 : i32
      %jit3A_1628 = arith.constant 0 : i32
      %broadcast_in_dim3A_1629 = vector.broadcast %jit3A_1627 : i32 to vector<16xi32>
      %broadcast_in_dim3A_1630 = vector.broadcast %jit3A_1628 : i32 to vector<16xi32>
      %select_n3A_1631 = arith.select %lt3A_1626, %broadcast_in_dim3A_1629, %broadcast_in_dim3A_1630 : vector<16xi1>, vector<16xi32>
      %add3A_1632 = arith.addi %add3A_1622, %select_n3A_1631 : vector<16xi32>
      %broadcast_in_dim3A_1633 = arith.constant 5 : i32
      %broadcast_in_dim3A_1634 = vector.broadcast %broadcast_in_dim3A_1633 : i32 to vector<16xi32>
      %gather3A_1635 = tpu.vector_load_idx %arg15[%broadcast_in_dim3A_1634, %min3A_1580] : memref<8x4096xf32, #tpu.memory_space<vmem>>[vector<16xi32>, vector<16xi32>], vector<16xf32>,
      %lt3A_1636 = arith.cmpf olt, %gather3A_1635, %get3A_1461 : vector<16xf32>
      %jit3A_1637 = arith.constant 1 : i32
      %jit3A_1638 = arith.constant 0 : i32
      %broadcast_in_dim3A_1639 = vector.broadcast %jit3A_1637 : i32 to vector<16xi32>
      %broadcast_in_dim3A_1640 = vector.broadcast %jit3A_1638 : i32 to vector<16xi32>
      %select_n3A_1641 = arith.select %lt3A_1636, %broadcast_in_dim3A_1639, %broadcast_in_dim3A_1640 : vector<16xi1>, vector<16xi32>
      %add3A_1642 = arith.addi %add3A_1632, %select_n3A_1641 : vector<16xi32>
      %broadcast_in_dim3A_1643 = arith.constant 6 : i32
      %broadcast_in_dim3A_1644 = vector.broadcast %broadcast_in_dim3A_1643 : i32 to vector<16xi32>
      %gather3A_1645 = tpu.vector_load_idx %arg15[%broadcast_in_dim3A_1644, %min3A_1580] : memref<8x4096xf32, #tpu.memory_space<vmem>>[vector<16xi32>, vector<16xi32>], vector<16xf32>,
      %lt3A_1646 = arith.cmpf olt, %gather3A_1645, %get3A_1461 : vector<16xf32>
      %jit3A_1647 = arith.constant 1 : i32
      %jit3A_1648 = arith.constant 0 : i32
      %broadcast_in_dim3A_1649 = vector.broadcast %jit3A_1647 : i32 to vector<16xi32>
      %broadcast_in_dim3A_1650 = vector.broadcast %jit3A_1648 : i32 to vector<16xi32>
      %select_n3A_1651 = arith.select %lt3A_1646, %broadcast_in_dim3A_1649, %broadcast_in_dim3A_1650 : vector<16xi1>, vector<16xi32>
      %add3A_1652 = arith.addi %add3A_1642, %select_n3A_1651 : vector<16xi32>
      %broadcast_in_dim3A_1653 = arith.constant 7 : i32
      %broadcast_in_dim3A_1654 = vector.broadcast %broadcast_in_dim3A_1653 : i32 to vector<16xi32>
      %gather3A_1655 = tpu.vector_load_idx %arg15[%broadcast_in_dim3A_1654, %min3A_1580] : memref<8x4096xf32, #tpu.memory_space<vmem>>[vector<16xi32>, vector<16xi32>], vector<16xf32>,
      %lt3A_1656 = arith.cmpf olt, %gather3A_1655, %get3A_1461 : vector<16xf32>
      %jit3A_1657 = arith.constant 1 : i32
      %jit3A_1658 = arith.constant 0 : i32
      %broadcast_in_dim3A_1659 = vector.broadcast %jit3A_1657 : i32 to vector<16xi32>
      %broadcast_in_dim3A_1660 = vector.broadcast %jit3A_1658 : i32 to vector<16xi32>
      %select_n3A_1661 = arith.select %lt3A_1656, %broadcast_in_dim3A_1659, %broadcast_in_dim3A_1660 : vector<16xi1>, vector<16xi32>
      %add3A_1662 = arith.addi %add3A_1652, %select_n3A_1661 : vector<16xi32>
      %swap3A_1663 = arith.constant 112 : index
      %swap3A_1664 = tpu.vector_load %arg17[%swap3A_1663] {strides = array<i32>} : memref<128xi32, #tpu.memory_space<vmem>>, vector<16xi32>,
      tpu.vector_store %arg17[%swap3A_1663], %min3A_1580 {strides = array<i32>} : memref<128xi32, #tpu.memory_space<vmem>>, vector<16xi32>,
      %min3A_1665 = arith.constant 7 : i32
      %min3A_1666 = vector.broadcast %min3A_1665 : i32 to vector<16xi32>
      %min3A_1667 = arith.minsi %add3A_1662, %min3A_1666 : vector<16xi32>
      %dma_start3A = arith.constant 0 : i32
      %dma_start3A_1668 = arith.constant 0 : i32
      %dma_start3A_1669 = tpu.memref_slice %arg5[%dma_start3A, %dma_start3A_1668] : memref<4096x128xf32, #tpu.memory_space<hbm>> -> memref<4096x128xf32, #tpu.memory_space<hbm>>
      tpu.enqueue_indirect_dma source(%dma_start3A_1669 : memref<4096x128xf32, #tpu.memory_space<hbm>>) target(%arg24 : memref<128x128xf32, #tpu.memory_space<vmem>>) offsets(%arg17 : memref<128xi32, #tpu.memory_space<vmem>>) semaphore(%arg28 : memref<!tpu.dma_semaphore, #tpu.memory_space<semaphore_mem>>)
      %dma_wait3A = arith.constant 0 : i32
      %dma_wait3A_1670 = arith.constant 0 : i32
      %dma_wait3A_1671 = tpu.memref_slice %arg5[%dma_wait3A, %dma_wait3A_1670] : memref<4096x128xf32, #tpu.memory_space<hbm>> -> memref<4096x128xf32, #tpu.memory_space<hbm>>
      tpu.wait_indirect_dma semaphore(%arg28 : memref<!tpu.dma_semaphore, #tpu.memory_space<semaphore_mem>>) src(%dma_wait3A_1671 : memref<4096x128xf32, #tpu.memory_space<hbm>>) dst(%arg24 : memref<128x128xf32, #tpu.memory_space<vmem>>)
      %add3A_1672 = arith.constant 0 : i32
      %add3A_1673 = vector.broadcast %add3A_1672 : i32 to vector<16xi32>
      %add3A_1674 = arith.addi %add3A_1673, %iota3A : vector<16xi32>
      %mul3A_1675 = arith.constant 16 : i32
      %mul3A_1676 = vector.broadcast %mul3A_1675 : i32 to vector<16xi32>
      %mul3A_1677 = arith.muli %min3A_211, %mul3A_1676 : vector<16xi32>
      %broadcast_in_dim3A_1678 = arith.constant 0 : i32
      %broadcast_in_dim3A_1679 = vector.broadcast %broadcast_in_dim3A_1678 : i32 to vector<16xi32>
      %add3A_1680 = arith.constant 0 : i32
      %add3A_1681 = vector.broadcast %add3A_1680 : i32 to vector<16xi32>
      %add3A_1682 = arith.addi %mul3A_1677, %add3A_1681 : vector<16xi32>
      %gather3A_1683 = tpu.vector_load_idx %arg24[%add3A_1674, %add3A_1682] : memref<128x128xf32, #tpu.memory_space<vmem>>[vector<16xi32>, vector<16xi32>], vector<16xf32>,
      %lt3A_1684 = arith.cmpf olt, %gather3A_1683, %get3A_12 : vector<16xf32>
      %jit3A_1685 = arith.constant 1 : i32
      %jit3A_1686 = arith.constant 0 : i32
      %broadcast_in_dim3A_1687 = vector.broadcast %jit3A_1685 : i32 to vector<16xi32>
      %broadcast_in_dim3A_1688 = vector.broadcast %jit3A_1686 : i32 to vector<16xi32>
      %select_n3A_1689 = arith.select %lt3A_1684, %broadcast_in_dim3A_1687, %broadcast_in_dim3A_1688 : vector<16xi1>, vector<16xi32>
      %add3A_1690 = arith.addi %broadcast_in_dim3A_1679, %select_n3A_1689 : vector<16xi32>
      %add3A_1691 = arith.constant 1 : i32
      %add3A_1692 = vector.broadcast %add3A_1691 : i32 to vector<16xi32>
      %add3A_1693 = arith.addi %mul3A_1677, %add3A_1692 : vector<16xi32>
      %gather3A_1694 = tpu.vector_load_idx %arg24[%add3A_1674, %add3A_1693] : memref<128x128xf32, #tpu.memory_space<vmem>>[vector<16xi32>, vector<16xi32>], vector<16xf32>,
      %lt3A_1695 = arith.cmpf olt, %gather3A_1694, %get3A_12 : vector<16xf32>
      %jit3A_1696 = arith.constant 1 : i32
      %jit3A_1697 = arith.constant 0 : i32
      %broadcast_in_dim3A_1698 = vector.broadcast %jit3A_1696 : i32 to vector<16xi32>
      %broadcast_in_dim3A_1699 = vector.broadcast %jit3A_1697 : i32 to vector<16xi32>
      %select_n3A_1700 = arith.select %lt3A_1695, %broadcast_in_dim3A_1698, %broadcast_in_dim3A_1699 : vector<16xi1>, vector<16xi32>
      %add3A_1701 = arith.addi %add3A_1690, %select_n3A_1700 : vector<16xi32>
      %add3A_1702 = arith.constant 2 : i32
      %add3A_1703 = vector.broadcast %add3A_1702 : i32 to vector<16xi32>
      %add3A_1704 = arith.addi %mul3A_1677, %add3A_1703 : vector<16xi32>
      %gather3A_1705 = tpu.vector_load_idx %arg24[%add3A_1674, %add3A_1704] : memref<128x128xf32, #tpu.memory_space<vmem>>[vector<16xi32>, vector<16xi32>], vector<16xf32>,
      %lt3A_1706 = arith.cmpf olt, %gather3A_1705, %get3A_12 : vector<16xf32>
      %jit3A_1707 = arith.constant 1 : i32
      %jit3A_1708 = arith.constant 0 : i32
      %broadcast_in_dim3A_1709 = vector.broadcast %jit3A_1707 : i32 to vector<16xi32>
      %broadcast_in_dim3A_1710 = vector.broadcast %jit3A_1708 : i32 to vector<16xi32>
      %select_n3A_1711 = arith.select %lt3A_1706, %broadcast_in_dim3A_1709, %broadcast_in_dim3A_1710 : vector<16xi1>, vector<16xi32>
      %add3A_1712 = arith.addi %add3A_1701, %select_n3A_1711 : vector<16xi32>
      %add3A_1713 = arith.constant 3 : i32
      %add3A_1714 = vector.broadcast %add3A_1713 : i32 to vector<16xi32>
      %add3A_1715 = arith.addi %mul3A_1677, %add3A_1714 : vector<16xi32>
      %gather3A_1716 = tpu.vector_load_idx %arg24[%add3A_1674, %add3A_1715] : memref<128x128xf32, #tpu.memory_space<vmem>>[vector<16xi32>, vector<16xi32>], vector<16xf32>,
      %lt3A_1717 = arith.cmpf olt, %gather3A_1716, %get3A_12 : vector<16xf32>
      %jit3A_1718 = arith.constant 1 : i32
      %jit3A_1719 = arith.constant 0 : i32
      %broadcast_in_dim3A_1720 = vector.broadcast %jit3A_1718 : i32 to vector<16xi32>
      %broadcast_in_dim3A_1721 = vector.broadcast %jit3A_1719 : i32 to vector<16xi32>
      %select_n3A_1722 = arith.select %lt3A_1717, %broadcast_in_dim3A_1720, %broadcast_in_dim3A_1721 : vector<16xi1>, vector<16xi32>
      %add3A_1723 = arith.addi %add3A_1712, %select_n3A_1722 : vector<16xi32>
      %add3A_1724 = arith.constant 4 : i32
      %add3A_1725 = vector.broadcast %add3A_1724 : i32 to vector<16xi32>
      %add3A_1726 = arith.addi %mul3A_1677, %add3A_1725 : vector<16xi32>
      %gather3A_1727 = tpu.vector_load_idx %arg24[%add3A_1674, %add3A_1726] : memref<128x128xf32, #tpu.memory_space<vmem>>[vector<16xi32>, vector<16xi32>], vector<16xf32>,
      %lt3A_1728 = arith.cmpf olt, %gather3A_1727, %get3A_12 : vector<16xf32>
      %jit3A_1729 = arith.constant 1 : i32
      %jit3A_1730 = arith.constant 0 : i32
      %broadcast_in_dim3A_1731 = vector.broadcast %jit3A_1729 : i32 to vector<16xi32>
      %broadcast_in_dim3A_1732 = vector.broadcast %jit3A_1730 : i32 to vector<16xi32>
      %select_n3A_1733 = arith.select %lt3A_1728, %broadcast_in_dim3A_1731, %broadcast_in_dim3A_1732 : vector<16xi1>, vector<16xi32>
      %add3A_1734 = arith.addi %add3A_1723, %select_n3A_1733 : vector<16xi32>
      %add3A_1735 = arith.constant 5 : i32
      %add3A_1736 = vector.broadcast %add3A_1735 : i32 to vector<16xi32>
      %add3A_1737 = arith.addi %mul3A_1677, %add3A_1736 : vector<16xi32>
      %gather3A_1738 = tpu.vector_load_idx %arg24[%add3A_1674, %add3A_1737] : memref<128x128xf32, #tpu.memory_space<vmem>>[vector<16xi32>, vector<16xi32>], vector<16xf32>,
      %lt3A_1739 = arith.cmpf olt, %gather3A_1738, %get3A_12 : vector<16xf32>
      %jit3A_1740 = arith.constant 1 : i32
      %jit3A_1741 = arith.constant 0 : i32
      %broadcast_in_dim3A_1742 = vector.broadcast %jit3A_1740 : i32 to vector<16xi32>
      %broadcast_in_dim3A_1743 = vector.broadcast %jit3A_1741 : i32 to vector<16xi32>
      %select_n3A_1744 = arith.select %lt3A_1739, %broadcast_in_dim3A_1742, %broadcast_in_dim3A_1743 : vector<16xi1>, vector<16xi32>
      %add3A_1745 = arith.addi %add3A_1734, %select_n3A_1744 : vector<16xi32>
      %add3A_1746 = arith.constant 6 : i32
      %add3A_1747 = vector.broadcast %add3A_1746 : i32 to vector<16xi32>
      %add3A_1748 = arith.addi %mul3A_1677, %add3A_1747 : vector<16xi32>
      %gather3A_1749 = tpu.vector_load_idx %arg24[%add3A_1674, %add3A_1748] : memref<128x128xf32, #tpu.memory_space<vmem>>[vector<16xi32>, vector<16xi32>], vector<16xf32>,
      %lt3A_1750 = arith.cmpf olt, %gather3A_1749, %get3A_12 : vector<16xf32>
      %jit3A_1751 = arith.constant 1 : i32
      %jit3A_1752 = arith.constant 0 : i32
      %broadcast_in_dim3A_1753 = vector.broadcast %jit3A_1751 : i32 to vector<16xi32>
      %broadcast_in_dim3A_1754 = vector.broadcast %jit3A_1752 : i32 to vector<16xi32>
      %select_n3A_1755 = arith.select %lt3A_1750, %broadcast_in_dim3A_1753, %broadcast_in_dim3A_1754 : vector<16xi1>, vector<16xi32>
      %add3A_1756 = arith.addi %add3A_1745, %select_n3A_1755 : vector<16xi32>
      %add3A_1757 = arith.constant 7 : i32
      %add3A_1758 = vector.broadcast %add3A_1757 : i32 to vector<16xi32>
      %add3A_1759 = arith.addi %mul3A_1677, %add3A_1758 : vector<16xi32>
      %gather3A_1760 = tpu.vector_load_idx %arg24[%add3A_1674, %add3A_1759] : memref<128x128xf32, #tpu.memory_space<vmem>>[vector<16xi32>, vector<16xi32>], vector<16xf32>,
      %lt3A_1761 = arith.cmpf olt, %gather3A_1760, %get3A_12 : vector<16xf32>
      %jit3A_1762 = arith.constant 1 : i32
      %jit3A_1763 = arith.constant 0 : i32
      %broadcast_in_dim3A_1764 = vector.broadcast %jit3A_1762 : i32 to vector<16xi32>
      %broadcast_in_dim3A_1765 = vector.broadcast %jit3A_1763 : i32 to vector<16xi32>
      %select_n3A_1766 = arith.select %lt3A_1761, %broadcast_in_dim3A_1764, %broadcast_in_dim3A_1765 : vector<16xi1>, vector<16xi32>
      %add3A_1767 = arith.addi %add3A_1756, %select_n3A_1766 : vector<16xi32>
      %add3A_1768 = arith.constant 8 : i32
      %add3A_1769 = vector.broadcast %add3A_1768 : i32 to vector<16xi32>
      %add3A_1770 = arith.addi %mul3A_1677, %add3A_1769 : vector<16xi32>
      %gather3A_1771 = tpu.vector_load_idx %arg24[%add3A_1674, %add3A_1770] : memref<128x128xf32, #tpu.memory_space<vmem>>[vector<16xi32>, vector<16xi32>], vector<16xf32>,
      %lt3A_1772 = arith.cmpf olt, %gather3A_1771, %get3A_12 : vector<16xf32>
      %jit3A_1773 = arith.constant 1 : i32
      %jit3A_1774 = arith.constant 0 : i32
      %broadcast_in_dim3A_1775 = vector.broadcast %jit3A_1773 : i32 to vector<16xi32>
      %broadcast_in_dim3A_1776 = vector.broadcast %jit3A_1774 : i32 to vector<16xi32>
      %select_n3A_1777 = arith.select %lt3A_1772, %broadcast_in_dim3A_1775, %broadcast_in_dim3A_1776 : vector<16xi1>, vector<16xi32>
      %add3A_1778 = arith.addi %add3A_1767, %select_n3A_1777 : vector<16xi32>
      %add3A_1779 = arith.constant 9 : i32
      %add3A_1780 = vector.broadcast %add3A_1779 : i32 to vector<16xi32>
      %add3A_1781 = arith.addi %mul3A_1677, %add3A_1780 : vector<16xi32>
      %gather3A_1782 = tpu.vector_load_idx %arg24[%add3A_1674, %add3A_1781] : memref<128x128xf32, #tpu.memory_space<vmem>>[vector<16xi32>, vector<16xi32>], vector<16xf32>,
      %lt3A_1783 = arith.cmpf olt, %gather3A_1782, %get3A_12 : vector<16xf32>
      %jit3A_1784 = arith.constant 1 : i32
      %jit3A_1785 = arith.constant 0 : i32
      %broadcast_in_dim3A_1786 = vector.broadcast %jit3A_1784 : i32 to vector<16xi32>
      %broadcast_in_dim3A_1787 = vector.broadcast %jit3A_1785 : i32 to vector<16xi32>
      %select_n3A_1788 = arith.select %lt3A_1783, %broadcast_in_dim3A_1786, %broadcast_in_dim3A_1787 : vector<16xi1>, vector<16xi32>
      %add3A_1789 = arith.addi %add3A_1778, %select_n3A_1788 : vector<16xi32>
      %add3A_1790 = arith.constant 10 : i32
      %add3A_1791 = vector.broadcast %add3A_1790 : i32 to vector<16xi32>
      %add3A_1792 = arith.addi %mul3A_1677, %add3A_1791 : vector<16xi32>
      %gather3A_1793 = tpu.vector_load_idx %arg24[%add3A_1674, %add3A_1792] : memref<128x128xf32, #tpu.memory_space<vmem>>[vector<16xi32>, vector<16xi32>], vector<16xf32>,
      %lt3A_1794 = arith.cmpf olt, %gather3A_1793, %get3A_12 : vector<16xf32>
      %jit3A_1795 = arith.constant 1 : i32
      %jit3A_1796 = arith.constant 0 : i32
      %broadcast_in_dim3A_1797 = vector.broadcast %jit3A_1795 : i32 to vector<16xi32>
      %broadcast_in_dim3A_1798 = vector.broadcast %jit3A_1796 : i32 to vector<16xi32>
      %select_n3A_1799 = arith.select %lt3A_1794, %broadcast_in_dim3A_1797, %broadcast_in_dim3A_1798 : vector<16xi1>, vector<16xi32>
      %add3A_1800 = arith.addi %add3A_1789, %select_n3A_1799 : vector<16xi32>
      %add3A_1801 = arith.constant 11 : i32
      %add3A_1802 = vector.broadcast %add3A_1801 : i32 to vector<16xi32>
      %add3A_1803 = arith.addi %mul3A_1677, %add3A_1802 : vector<16xi32>
      %gather3A_1804 = tpu.vector_load_idx %arg24[%add3A_1674, %add3A_1803] : memref<128x128xf32, #tpu.memory_space<vmem>>[vector<16xi32>, vector<16xi32>], vector<16xf32>,
      %lt3A_1805 = arith.cmpf olt, %gather3A_1804, %get3A_12 : vector<16xf32>
      %jit3A_1806 = arith.constant 1 : i32
      %jit3A_1807 = arith.constant 0 : i32
      %broadcast_in_dim3A_1808 = vector.broadcast %jit3A_1806 : i32 to vector<16xi32>
      %broadcast_in_dim3A_1809 = vector.broadcast %jit3A_1807 : i32 to vector<16xi32>
      %select_n3A_1810 = arith.select %lt3A_1805, %broadcast_in_dim3A_1808, %broadcast_in_dim3A_1809 : vector<16xi1>, vector<16xi32>
      %add3A_1811 = arith.addi %add3A_1800, %select_n3A_1810 : vector<16xi32>
      %add3A_1812 = arith.constant 12 : i32
      %add3A_1813 = vector.broadcast %add3A_1812 : i32 to vector<16xi32>
      %add3A_1814 = arith.addi %mul3A_1677, %add3A_1813 : vector<16xi32>
      %gather3A_1815 = tpu.vector_load_idx %arg24[%add3A_1674, %add3A_1814] : memref<128x128xf32, #tpu.memory_space<vmem>>[vector<16xi32>, vector<16xi32>], vector<16xf32>,
      %lt3A_1816 = arith.cmpf olt, %gather3A_1815, %get3A_12 : vector<16xf32>
      %jit3A_1817 = arith.constant 1 : i32
      %jit3A_1818 = arith.constant 0 : i32
      %broadcast_in_dim3A_1819 = vector.broadcast %jit3A_1817 : i32 to vector<16xi32>
      %broadcast_in_dim3A_1820 = vector.broadcast %jit3A_1818 : i32 to vector<16xi32>
      %select_n3A_1821 = arith.select %lt3A_1816, %broadcast_in_dim3A_1819, %broadcast_in_dim3A_1820 : vector<16xi1>, vector<16xi32>
      %add3A_1822 = arith.addi %add3A_1811, %select_n3A_1821 : vector<16xi32>
      %add3A_1823 = arith.constant 13 : i32
      %add3A_1824 = vector.broadcast %add3A_1823 : i32 to vector<16xi32>
      %add3A_1825 = arith.addi %mul3A_1677, %add3A_1824 : vector<16xi32>
      %gather3A_1826 = tpu.vector_load_idx %arg24[%add3A_1674, %add3A_1825] : memref<128x128xf32, #tpu.memory_space<vmem>>[vector<16xi32>, vector<16xi32>], vector<16xf32>,
      %lt3A_1827 = arith.cmpf olt, %gather3A_1826, %get3A_12 : vector<16xf32>
      %jit3A_1828 = arith.constant 1 : i32
      %jit3A_1829 = arith.constant 0 : i32
      %broadcast_in_dim3A_1830 = vector.broadcast %jit3A_1828 : i32 to vector<16xi32>
      %broadcast_in_dim3A_1831 = vector.broadcast %jit3A_1829 : i32 to vector<16xi32>
      %select_n3A_1832 = arith.select %lt3A_1827, %broadcast_in_dim3A_1830, %broadcast_in_dim3A_1831 : vector<16xi1>, vector<16xi32>
      %add3A_1833 = arith.addi %add3A_1822, %select_n3A_1832 : vector<16xi32>
      %add3A_1834 = arith.constant 14 : i32
      %add3A_1835 = vector.broadcast %add3A_1834 : i32 to vector<16xi32>
      %add3A_1836 = arith.addi %mul3A_1677, %add3A_1835 : vector<16xi32>
      %gather3A_1837 = tpu.vector_load_idx %arg24[%add3A_1674, %add3A_1836] : memref<128x128xf32, #tpu.memory_space<vmem>>[vector<16xi32>, vector<16xi32>], vector<16xf32>,
      %lt3A_1838 = arith.cmpf olt, %gather3A_1837, %get3A_12 : vector<16xf32>
      %jit3A_1839 = arith.constant 1 : i32
      %jit3A_1840 = arith.constant 0 : i32
      %broadcast_in_dim3A_1841 = vector.broadcast %jit3A_1839 : i32 to vector<16xi32>
      %broadcast_in_dim3A_1842 = vector.broadcast %jit3A_1840 : i32 to vector<16xi32>
      %select_n3A_1843 = arith.select %lt3A_1838, %broadcast_in_dim3A_1841, %broadcast_in_dim3A_1842 : vector<16xi1>, vector<16xi32>
      %add3A_1844 = arith.addi %add3A_1833, %select_n3A_1843 : vector<16xi32>
      %add3A_1845 = arith.constant 15 : i32
      %add3A_1846 = vector.broadcast %add3A_1845 : i32 to vector<16xi32>
      %add3A_1847 = arith.addi %mul3A_1677, %add3A_1846 : vector<16xi32>
      %gather3A_1848 = tpu.vector_load_idx %arg24[%add3A_1674, %add3A_1847] : memref<128x128xf32, #tpu.memory_space<vmem>>[vector<16xi32>, vector<16xi32>], vector<16xf32>,
      %lt3A_1849 = arith.cmpf olt, %gather3A_1848, %get3A_12 : vector<16xf32>
      %jit3A_1850 = arith.constant 1 : i32
      %jit3A_1851 = arith.constant 0 : i32
      %broadcast_in_dim3A_1852 = vector.broadcast %jit3A_1850 : i32 to vector<16xi32>
      %broadcast_in_dim3A_1853 = vector.broadcast %jit3A_1851 : i32 to vector<16xi32>
      %select_n3A_1854 = arith.select %lt3A_1849, %broadcast_in_dim3A_1852, %broadcast_in_dim3A_1853 : vector<16xi1>, vector<16xi32>
      %add3A_1855 = arith.addi %add3A_1844, %select_n3A_1854 : vector<16xi32>
      %mul3A_1856 = arith.constant 128 : i32
      %mul3A_1857 = vector.broadcast %mul3A_1856 : i32 to vector<16xi32>
      %mul3A_1858 = arith.muli %select_n3A_124, %mul3A_1857 : vector<16xi32>
      %mul3A_1859 = arith.constant 16 : i32
      %mul3A_1860 = vector.broadcast %mul3A_1859 : i32 to vector<16xi32>
      %mul3A_1861 = arith.muli %add3A_207, %mul3A_1860 : vector<16xi32>
      %add3A_1862 = arith.addi %mul3A_1858, %mul3A_1861 : vector<16xi32>
      %add3A_1863 = arith.addi %add3A_1862, %add3A_1855 : vector<16xi32>
      %min3A_1864 = arith.constant 524287 : i32
      %min3A_1865 = vector.broadcast %min3A_1864 : i32 to vector<16xi32>
      %min3A_1866 = arith.minsi %add3A_1863, %min3A_1865 : vector<16xi32>
      %swap3A_1867 = arith.constant 0 : index
      %swap3A_1868 = tpu.vector_load %arg21[%swap3A_1867] {strides = array<i32>} : memref<128xi32, #tpu.memory_space<vmem>>, vector<16xi32>,
      tpu.vector_store %arg21[%swap3A_1867], %min3A_1866 {strides = array<i32>} : memref<128xi32, #tpu.memory_space<vmem>>, vector<16xi32>,
      %shift_right_logical3A = arith.constant 3 : i32
      %shift_right_logical3A_1869 = vector.broadcast %shift_right_logical3A : i32 to vector<16xi32>
      %shift_right_logical3A_1870 = arith.shrui %min3A_1866, %shift_right_logical3A_1869 : vector<16xi32>
      %swap3A_1871 = arith.constant 0 : index
      %swap3A_1872 = tpu.vector_load %arg22[%swap3A_1871] {strides = array<i32>} : memref<128xi32, #tpu.memory_space<vmem>>, vector<16xi32>,
      tpu.vector_store %arg22[%swap3A_1871], %shift_right_logical3A_1870 {strides = array<i32>} : memref<128xi32, #tpu.memory_space<vmem>>, vector<16xi32>,
      %shift_right_logical3A_1873 = arith.constant 3 : i32
      %shift_right_logical3A_1874 = vector.broadcast %shift_right_logical3A_1873 : i32 to vector<16xi32>
      %shift_right_logical3A_1875 = arith.shrui %min3A_1866, %shift_right_logical3A_1874 : vector<16xi32>
      %swap3A_1876 = arith.constant 0 : index
      %swap3A_1877 = tpu.vector_load %arg18[%swap3A_1876] {strides = array<i32>} : memref<128xi32, #tpu.memory_space<vmem>>, vector<16xi32>,
      tpu.vector_store %arg18[%swap3A_1876], %shift_right_logical3A_1875 {strides = array<i32>} : memref<128xi32, #tpu.memory_space<vmem>>, vector<16xi32>,
      %shift_right_logical3A_1878 = arith.constant 2 : i32
      %shift_right_logical3A_1879 = vector.broadcast %shift_right_logical3A_1878 : i32 to vector<16xi32>
      %shift_right_logical3A_1880 = arith.shrui %min3A_1866, %shift_right_logical3A_1879 : vector<16xi32>
      %swap3A_1881 = arith.constant 0 : index
      %swap3A_1882 = tpu.vector_load %arg19[%swap3A_1881] {strides = array<i32>} : memref<128xi32, #tpu.memory_space<vmem>>, vector<16xi32>,
      tpu.vector_store %arg19[%swap3A_1881], %shift_right_logical3A_1880 {strides = array<i32>} : memref<128xi32, #tpu.memory_space<vmem>>, vector<16xi32>,
      %shift_right_logical3A_1883 = arith.constant 7 : i32
      %shift_right_logical3A_1884 = vector.broadcast %shift_right_logical3A_1883 : i32 to vector<16xi32>
      %shift_right_logical3A_1885 = arith.shrui %min3A_1866, %shift_right_logical3A_1884 : vector<16xi32>
      %swap3A_1886 = arith.constant 0 : index
      %swap3A_1887 = tpu.vector_load %arg20[%swap3A_1886] {strides = array<i32>} : memref<128xi32, #tpu.memory_space<vmem>>, vector<16xi32>,
      tpu.vector_store %arg20[%swap3A_1886], %shift_right_logical3A_1885 {strides = array<i32>} : memref<128xi32, #tpu.memory_space<vmem>>, vector<16xi32>,
      %and3A = arith.constant 127 : i32
      %and3A_1888 = vector.broadcast %and3A : i32 to vector<16xi32>
      %and3A_1889 = arith.andi %min3A_1866, %and3A_1888 : vector<16xi32>
      %add3A_1890 = arith.constant 16 : i32
      %add3A_1891 = vector.broadcast %add3A_1890 : i32 to vector<16xi32>
      %add3A_1892 = arith.addi %add3A_1891, %iota3A : vector<16xi32>
      %mul3A_1893 = arith.constant 16 : i32
      %mul3A_1894 = vector.broadcast %mul3A_1893 : i32 to vector<16xi32>
      %mul3A_1895 = arith.muli %min3A_419, %mul3A_1894 : vector<16xi32>
      %broadcast_in_dim3A_1896 = arith.constant 0 : i32
      %broadcast_in_dim3A_1897 = vector.broadcast %broadcast_in_dim3A_1896 : i32 to vector<16xi32>
      %add3A_1898 = arith.constant 0 : i32
      %add3A_1899 = vector.broadcast %add3A_1898 : i32 to vector<16xi32>
      %add3A_1900 = arith.addi %mul3A_1895, %add3A_1899 : vector<16xi32>
      %gather3A_1901 = tpu.vector_load_idx %arg24[%add3A_1892, %add3A_1900] : memref<128x128xf32, #tpu.memory_space<vmem>>[vector<16xi32>, vector<16xi32>], vector<16xf32>,
      %lt3A_1902 = arith.cmpf olt, %gather3A_1901, %get3A_213 : vector<16xf32>
      %jit3A_1903 = arith.constant 1 : i32
      %jit3A_1904 = arith.constant 0 : i32
      %broadcast_in_dim3A_1905 = vector.broadcast %jit3A_1903 : i32 to vector<16xi32>
      %broadcast_in_dim3A_1906 = vector.broadcast %jit3A_1904 : i32 to vector<16xi32>
      %select_n3A_1907 = arith.select %lt3A_1902, %broadcast_in_dim3A_1905, %broadcast_in_dim3A_1906 : vector<16xi1>, vector<16xi32>
      %add3A_1908 = arith.addi %broadcast_in_dim3A_1897, %select_n3A_1907 : vector<16xi32>
      %add3A_1909 = arith.constant 1 : i32
      %add3A_1910 = vector.broadcast %add3A_1909 : i32 to vector<16xi32>
      %add3A_1911 = arith.addi %mul3A_1895, %add3A_1910 : vector<16xi32>
      %gather3A_1912 = tpu.vector_load_idx %arg24[%add3A_1892, %add3A_1911] : memref<128x128xf32, #tpu.memory_space<vmem>>[vector<16xi32>, vector<16xi32>], vector<16xf32>,
      %lt3A_1913 = arith.cmpf olt, %gather3A_1912, %get3A_213 : vector<16xf32>
      %jit3A_1914 = arith.constant 1 : i32
      %jit3A_1915 = arith.constant 0 : i32
      %broadcast_in_dim3A_1916 = vector.broadcast %jit3A_1914 : i32 to vector<16xi32>
      %broadcast_in_dim3A_1917 = vector.broadcast %jit3A_1915 : i32 to vector<16xi32>
      %select_n3A_1918 = arith.select %lt3A_1913, %broadcast_in_dim3A_1916, %broadcast_in_dim3A_1917 : vector<16xi1>, vector<16xi32>
      %add3A_1919 = arith.addi %add3A_1908, %select_n3A_1918 : vector<16xi32>
      %add3A_1920 = arith.constant 2 : i32
      %add3A_1921 = vector.broadcast %add3A_1920 : i32 to vector<16xi32>
      %add3A_1922 = arith.addi %mul3A_1895, %add3A_1921 : vector<16xi32>
      %gather3A_1923 = tpu.vector_load_idx %arg24[%add3A_1892, %add3A_1922] : memref<128x128xf32, #tpu.memory_space<vmem>>[vector<16xi32>, vector<16xi32>], vector<16xf32>,
      %lt3A_1924 = arith.cmpf olt, %gather3A_1923, %get3A_213 : vector<16xf32>
      %jit3A_1925 = arith.constant 1 : i32
      %jit3A_1926 = arith.constant 0 : i32
      %broadcast_in_dim3A_1927 = vector.broadcast %jit3A_1925 : i32 to vector<16xi32>
      %broadcast_in_dim3A_1928 = vector.broadcast %jit3A_1926 : i32 to vector<16xi32>
      %select_n3A_1929 = arith.select %lt3A_1924, %broadcast_in_dim3A_1927, %broadcast_in_dim3A_1928 : vector<16xi1>, vector<16xi32>
      %add3A_1930 = arith.addi %add3A_1919, %select_n3A_1929 : vector<16xi32>
      %add3A_1931 = arith.constant 3 : i32
      %add3A_1932 = vector.broadcast %add3A_1931 : i32 to vector<16xi32>
      %add3A_1933 = arith.addi %mul3A_1895, %add3A_1932 : vector<16xi32>
      %gather3A_1934 = tpu.vector_load_idx %arg24[%add3A_1892, %add3A_1933] : memref<128x128xf32, #tpu.memory_space<vmem>>[vector<16xi32>, vector<16xi32>], vector<16xf32>,
      %lt3A_1935 = arith.cmpf olt, %gather3A_1934, %get3A_213 : vector<16xf32>
      %jit3A_1936 = arith.constant 1 : i32
      %jit3A_1937 = arith.constant 0 : i32
      %broadcast_in_dim3A_1938 = vector.broadcast %jit3A_1936 : i32 to vector<16xi32>
      %broadcast_in_dim3A_1939 = vector.broadcast %jit3A_1937 : i32 to vector<16xi32>
      %select_n3A_1940 = arith.select %lt3A_1935, %broadcast_in_dim3A_1938, %broadcast_in_dim3A_1939 : vector<16xi1>, vector<16xi32>
      %add3A_1941 = arith.addi %add3A_1930, %select_n3A_1940 : vector<16xi32>
      %add3A_1942 = arith.constant 4 : i32
      %add3A_1943 = vector.broadcast %add3A_1942 : i32 to vector<16xi32>
      %add3A_1944 = arith.addi %mul3A_1895, %add3A_1943 : vector<16xi32>
      %gather3A_1945 = tpu.vector_load_idx %arg24[%add3A_1892, %add3A_1944] : memref<128x128xf32, #tpu.memory_space<vmem>>[vector<16xi32>, vector<16xi32>], vector<16xf32>,
      %lt3A_1946 = arith.cmpf olt, %gather3A_1945, %get3A_213 : vector<16xf32>
      %jit3A_1947 = arith.constant 1 : i32
      %jit3A_1948 = arith.constant 0 : i32
      %broadcast_in_dim3A_1949 = vector.broadcast %jit3A_1947 : i32 to vector<16xi32>
      %broadcast_in_dim3A_1950 = vector.broadcast %jit3A_1948 : i32 to vector<16xi32>
      %select_n3A_1951 = arith.select %lt3A_1946, %broadcast_in_dim3A_1949, %broadcast_in_dim3A_1950 : vector<16xi1>, vector<16xi32>
      %add3A_1952 = arith.addi %add3A_1941, %select_n3A_1951 : vector<16xi32>
      %add3A_1953 = arith.constant 5 : i32
      %add3A_1954 = vector.broadcast %add3A_1953 : i32 to vector<16xi32>
      %add3A_1955 = arith.addi %mul3A_1895, %add3A_1954 : vector<16xi32>
      %gather3A_1956 = tpu.vector_load_idx %arg24[%add3A_1892, %add3A_1955] : memref<128x128xf32, #tpu.memory_space<vmem>>[vector<16xi32>, vector<16xi32>], vector<16xf32>,
      %lt3A_1957 = arith.cmpf olt, %gather3A_1956, %get3A_213 : vector<16xf32>
      %jit3A_1958 = arith.constant 1 : i32
      %jit3A_1959 = arith.constant 0 : i32
      %broadcast_in_dim3A_1960 = vector.broadcast %jit3A_1958 : i32 to vector<16xi32>
      %broadcast_in_dim3A_1961 = vector.broadcast %jit3A_1959 : i32 to vector<16xi32>
      %select_n3A_1962 = arith.select %lt3A_1957, %broadcast_in_dim3A_1960, %broadcast_in_dim3A_1961 : vector<16xi1>, vector<16xi32>
      %add3A_1963 = arith.addi %add3A_1952, %select_n3A_1962 : vector<16xi32>
      %add3A_1964 = arith.constant 6 : i32
      %add3A_1965 = vector.broadcast %add3A_1964 : i32 to vector<16xi32>
      %add3A_1966 = arith.addi %mul3A_1895, %add3A_1965 : vector<16xi32>
      %gather3A_1967 = tpu.vector_load_idx %arg24[%add3A_1892, %add3A_1966] : memref<128x128xf32, #tpu.memory_space<vmem>>[vector<16xi32>, vector<16xi32>], vector<16xf32>,
      %lt3A_1968 = arith.cmpf olt, %gather3A_1967, %get3A_213 : vector<16xf32>
      %jit3A_1969 = arith.constant 1 : i32
      %jit3A_1970 = arith.constant 0 : i32
      %broadcast_in_dim3A_1971 = vector.broadcast %jit3A_1969 : i32 to vector<16xi32>
      %broadcast_in_dim3A_1972 = vector.broadcast %jit3A_1970 : i32 to vector<16xi32>
      %select_n3A_1973 = arith.select %lt3A_1968, %broadcast_in_dim3A_1971, %broadcast_in_dim3A_1972 : vector<16xi1>, vector<16xi32>
      %add3A_1974 = arith.addi %add3A_1963, %select_n3A_1973 : vector<16xi32>
      %add3A_1975 = arith.constant 7 : i32
      %add3A_1976 = vector.broadcast %add3A_1975 : i32 to vector<16xi32>
      %add3A_1977 = arith.addi %mul3A_1895, %add3A_1976 : vector<16xi32>
      %gather3A_1978 = tpu.vector_load_idx %arg24[%add3A_1892, %add3A_1977] : memref<128x128xf32, #tpu.memory_space<vmem>>[vector<16xi32>, vector<16xi32>], vector<16xf32>,
      %lt3A_1979 = arith.cmpf olt, %gather3A_1978, %get3A_213 : vector<16xf32>
      %jit3A_1980 = arith.constant 1 : i32
      %jit3A_1981 = arith.constant 0 : i32
      %broadcast_in_dim3A_1982 = vector.broadcast %jit3A_1980 : i32 to vector<16xi32>
      %broadcast_in_dim3A_1983 = vector.broadcast %jit3A_1981 : i32 to vector<16xi32>
      %select_n3A_1984 = arith.select %lt3A_1979, %broadcast_in_dim3A_1982, %broadcast_in_dim3A_1983 : vector<16xi1>, vector<16xi32>
      %add3A_1985 = arith.addi %add3A_1974, %select_n3A_1984 : vector<16xi32>
      %add3A_1986 = arith.constant 8 : i32
      %add3A_1987 = vector.broadcast %add3A_1986 : i32 to vector<16xi32>
      %add3A_1988 = arith.addi %mul3A_1895, %add3A_1987 : vector<16xi32>
      %gather3A_1989 = tpu.vector_load_idx %arg24[%add3A_1892, %add3A_1988] : memref<128x128xf32, #tpu.memory_space<vmem>>[vector<16xi32>, vector<16xi32>], vector<16xf32>,
      %lt3A_1990 = arith.cmpf olt, %gather3A_1989, %get3A_213 : vector<16xf32>
      %jit3A_1991 = arith.constant 1 : i32
      %jit3A_1992 = arith.constant 0 : i32
      %broadcast_in_dim3A_1993 = vector.broadcast %jit3A_1991 : i32 to vector<16xi32>
      %broadcast_in_dim3A_1994 = vector.broadcast %jit3A_1992 : i32 to vector<16xi32>
      %select_n3A_1995 = arith.select %lt3A_1990, %broadcast_in_dim3A_1993, %broadcast_in_dim3A_1994 : vector<16xi1>, vector<16xi32>
      %add3A_1996 = arith.addi %add3A_1985, %select_n3A_1995 : vector<16xi32>
      %add3A_1997 = arith.constant 9 : i32
      %add3A_1998 = vector.broadcast %add3A_1997 : i32 to vector<16xi32>
      %add3A_1999 = arith.addi %mul3A_1895, %add3A_1998 : vector<16xi32>
      %gather3A_2000 = tpu.vector_load_idx %arg24[%add3A_1892, %add3A_1999] : memref<128x128xf32, #tpu.memory_space<vmem>>[vector<16xi32>, vector<16xi32>], vector<16xf32>,
      %lt3A_2001 = arith.cmpf olt, %gather3A_2000, %get3A_213 : vector<16xf32>
      %jit3A_2002 = arith.constant 1 : i32
      %jit3A_2003 = arith.constant 0 : i32
      %broadcast_in_dim3A_2004 = vector.broadcast %jit3A_2002 : i32 to vector<16xi32>
      %broadcast_in_dim3A_2005 = vector.broadcast %jit3A_2003 : i32 to vector<16xi32>
      %select_n3A_2006 = arith.select %lt3A_2001, %broadcast_in_dim3A_2004, %broadcast_in_dim3A_2005 : vector<16xi1>, vector<16xi32>
      %add3A_2007 = arith.addi %add3A_1996, %select_n3A_2006 : vector<16xi32>
      %add3A_2008 = arith.constant 10 : i32
      %add3A_2009 = vector.broadcast %add3A_2008 : i32 to vector<16xi32>
      %add3A_2010 = arith.addi %mul3A_1895, %add3A_2009 : vector<16xi32>
      %gather3A_2011 = tpu.vector_load_idx %arg24[%add3A_1892, %add3A_2010] : memref<128x128xf32, #tpu.memory_space<vmem>>[vector<16xi32>, vector<16xi32>], vector<16xf32>,
      %lt3A_2012 = arith.cmpf olt, %gather3A_2011, %get3A_213 : vector<16xf32>
      %jit3A_2013 = arith.constant 1 : i32
      %jit3A_2014 = arith.constant 0 : i32
      %broadcast_in_dim3A_2015 = vector.broadcast %jit3A_2013 : i32 to vector<16xi32>
      %broadcast_in_dim3A_2016 = vector.broadcast %jit3A_2014 : i32 to vector<16xi32>
      %select_n3A_2017 = arith.select %lt3A_2012, %broadcast_in_dim3A_2015, %broadcast_in_dim3A_2016 : vector<16xi1>, vector<16xi32>
      %add3A_2018 = arith.addi %add3A_2007, %select_n3A_2017 : vector<16xi32>
      %add3A_2019 = arith.constant 11 : i32
      %add3A_2020 = vector.broadcast %add3A_2019 : i32 to vector<16xi32>
      %add3A_2021 = arith.addi %mul3A_1895, %add3A_2020 : vector<16xi32>
      %gather3A_2022 = tpu.vector_load_idx %arg24[%add3A_1892, %add3A_2021] : memref<128x128xf32, #tpu.memory_space<vmem>>[vector<16xi32>, vector<16xi32>], vector<16xf32>,
      %lt3A_2023 = arith.cmpf olt, %gather3A_2022, %get3A_213 : vector<16xf32>
      %jit3A_2024 = arith.constant 1 : i32
      %jit3A_2025 = arith.constant 0 : i32
      %broadcast_in_dim3A_2026 = vector.broadcast %jit3A_2024 : i32 to vector<16xi32>
      %broadcast_in_dim3A_2027 = vector.broadcast %jit3A_2025 : i32 to vector<16xi32>
      %select_n3A_2028 = arith.select %lt3A_2023, %broadcast_in_dim3A_2026, %broadcast_in_dim3A_2027 : vector<16xi1>, vector<16xi32>
      %add3A_2029 = arith.addi %add3A_2018, %select_n3A_2028 : vector<16xi32>
      %add3A_2030 = arith.constant 12 : i32
      %add3A_2031 = vector.broadcast %add3A_2030 : i32 to vector<16xi32>
      %add3A_2032 = arith.addi %mul3A_1895, %add3A_2031 : vector<16xi32>
      %gather3A_2033 = tpu.vector_load_idx %arg24[%add3A_1892, %add3A_2032] : memref<128x128xf32, #tpu.memory_space<vmem>>[vector<16xi32>, vector<16xi32>], vector<16xf32>,
      %lt3A_2034 = arith.cmpf olt, %gather3A_2033, %get3A_213 : vector<16xf32>
      %jit3A_2035 = arith.constant 1 : i32
      %jit3A_2036 = arith.constant 0 : i32
      %broadcast_in_dim3A_2037 = vector.broadcast %jit3A_2035 : i32 to vector<16xi32>
      %broadcast_in_dim3A_2038 = vector.broadcast %jit3A_2036 : i32 to vector<16xi32>
      %select_n3A_2039 = arith.select %lt3A_2034, %broadcast_in_dim3A_2037, %broadcast_in_dim3A_2038 : vector<16xi1>, vector<16xi32>
      %add3A_2040 = arith.addi %add3A_2029, %select_n3A_2039 : vector<16xi32>
      %add3A_2041 = arith.constant 13 : i32
      %add3A_2042 = vector.broadcast %add3A_2041 : i32 to vector<16xi32>
      %add3A_2043 = arith.addi %mul3A_1895, %add3A_2042 : vector<16xi32>
      %gather3A_2044 = tpu.vector_load_idx %arg24[%add3A_1892, %add3A_2043] : memref<128x128xf32, #tpu.memory_space<vmem>>[vector<16xi32>, vector<16xi32>], vector<16xf32>,
      %lt3A_2045 = arith.cmpf olt, %gather3A_2044, %get3A_213 : vector<16xf32>
      %jit3A_2046 = arith.constant 1 : i32
      %jit3A_2047 = arith.constant 0 : i32
      %broadcast_in_dim3A_2048 = vector.broadcast %jit3A_2046 : i32 to vector<16xi32>
      %broadcast_in_dim3A_2049 = vector.broadcast %jit3A_2047 : i32 to vector<16xi32>
      %select_n3A_2050 = arith.select %lt3A_2045, %broadcast_in_dim3A_2048, %broadcast_in_dim3A_2049 : vector<16xi1>, vector<16xi32>
      %add3A_2051 = arith.addi %add3A_2040, %select_n3A_2050 : vector<16xi32>
      %add3A_2052 = arith.constant 14 : i32
      %add3A_2053 = vector.broadcast %add3A_2052 : i32 to vector<16xi32>
      %add3A_2054 = arith.addi %mul3A_1895, %add3A_2053 : vector<16xi32>
      %gather3A_2055 = tpu.vector_load_idx %arg24[%add3A_1892, %add3A_2054] : memref<128x128xf32, #tpu.memory_space<vmem>>[vector<16xi32>, vector<16xi32>], vector<16xf32>,
      %lt3A_2056 = arith.cmpf olt, %gather3A_2055, %get3A_213 : vector<16xf32>
      %jit3A_2057 = arith.constant 1 : i32
      %jit3A_2058 = arith.constant 0 : i32
      %broadcast_in_dim3A_2059 = vector.broadcast %jit3A_2057 : i32 to vector<16xi32>
      %broadcast_in_dim3A_2060 = vector.broadcast %jit3A_2058 : i32 to vector<16xi32>
      %select_n3A_2061 = arith.select %lt3A_2056, %broadcast_in_dim3A_2059, %broadcast_in_dim3A_2060 : vector<16xi1>, vector<16xi32>
      %add3A_2062 = arith.addi %add3A_2051, %select_n3A_2061 : vector<16xi32>
      %add3A_2063 = arith.constant 15 : i32
      %add3A_2064 = vector.broadcast %add3A_2063 : i32 to vector<16xi32>
      %add3A_2065 = arith.addi %mul3A_1895, %add3A_2064 : vector<16xi32>
      %gather3A_2066 = tpu.vector_load_idx %arg24[%add3A_1892, %add3A_2065] : memref<128x128xf32, #tpu.memory_space<vmem>>[vector<16xi32>, vector<16xi32>], vector<16xf32>,
      %lt3A_2067 = arith.cmpf olt, %gather3A_2066, %get3A_213 : vector<16xf32>
      %jit3A_2068 = arith.constant 1 : i32
      %jit3A_2069 = arith.constant 0 : i32
      %broadcast_in_dim3A_2070 = vector.broadcast %jit3A_2068 : i32 to vector<16xi32>
      %broadcast_in_dim3A_2071 = vector.broadcast %jit3A_2069 : i32 to vector<16xi32>
      %select_n3A_2072 = arith.select %lt3A_2067, %broadcast_in_dim3A_2070, %broadcast_in_dim3A_2071 : vector<16xi1>, vector<16xi32>
      %add3A_2073 = arith.addi %add3A_2062, %select_n3A_2072 : vector<16xi32>
      %mul3A_2074 = arith.constant 128 : i32
      %mul3A_2075 = vector.broadcast %mul3A_2074 : i32 to vector<16xi32>
      %mul3A_2076 = arith.muli %select_n3A_329, %mul3A_2075 : vector<16xi32>
      %mul3A_2077 = arith.constant 16 : i32
      %mul3A_2078 = vector.broadcast %mul3A_2077 : i32 to vector<16xi32>
      %mul3A_2079 = arith.muli %add3A_414, %mul3A_2078 : vector<16xi32>
      %add3A_2080 = arith.addi %mul3A_2076, %mul3A_2079 : vector<16xi32>
      %add3A_2081 = arith.addi %add3A_2080, %add3A_2073 : vector<16xi32>
      %min3A_2082 = arith.constant 524287 : i32
      %min3A_2083 = vector.broadcast %min3A_2082 : i32 to vector<16xi32>
      %min3A_2084 = arith.minsi %add3A_2081, %min3A_2083 : vector<16xi32>
      %swap3A_2085 = arith.constant 16 : index
      %swap3A_2086 = tpu.vector_load %arg21[%swap3A_2085] {strides = array<i32>} : memref<128xi32, #tpu.memory_space<vmem>>, vector<16xi32>,
      tpu.vector_store %arg21[%swap3A_2085], %min3A_2084 {strides = array<i32>} : memref<128xi32, #tpu.memory_space<vmem>>, vector<16xi32>,
      %shift_right_logical3A_2087 = arith.constant 3 : i32
      %shift_right_logical3A_2088 = vector.broadcast %shift_right_logical3A_2087 : i32 to vector<16xi32>
      %shift_right_logical3A_2089 = arith.shrui %min3A_2084, %shift_right_logical3A_2088 : vector<16xi32>
      %swap3A_2090 = arith.constant 16 : index
      %swap3A_2091 = tpu.vector_load %arg22[%swap3A_2090] {strides = array<i32>} : memref<128xi32, #tpu.memory_space<vmem>>, vector<16xi32>,
      tpu.vector_store %arg22[%swap3A_2090], %shift_right_logical3A_2089 {strides = array<i32>} : memref<128xi32, #tpu.memory_space<vmem>>, vector<16xi32>,
      %shift_right_logical3A_2092 = arith.constant 3 : i32
      %shift_right_logical3A_2093 = vector.broadcast %shift_right_logical3A_2092 : i32 to vector<16xi32>
      %shift_right_logical3A_2094 = arith.shrui %min3A_2084, %shift_right_logical3A_2093 : vector<16xi32>
      %swap3A_2095 = arith.constant 16 : index
      %swap3A_2096 = tpu.vector_load %arg18[%swap3A_2095] {strides = array<i32>} : memref<128xi32, #tpu.memory_space<vmem>>, vector<16xi32>,
      tpu.vector_store %arg18[%swap3A_2095], %shift_right_logical3A_2094 {strides = array<i32>} : memref<128xi32, #tpu.memory_space<vmem>>, vector<16xi32>,
      %shift_right_logical3A_2097 = arith.constant 2 : i32
      %shift_right_logical3A_2098 = vector.broadcast %shift_right_logical3A_2097 : i32 to vector<16xi32>
      %shift_right_logical3A_2099 = arith.shrui %min3A_2084, %shift_right_logical3A_2098 : vector<16xi32>
      %swap3A_2100 = arith.constant 16 : index
      %swap3A_2101 = tpu.vector_load %arg19[%swap3A_2100] {strides = array<i32>} : memref<128xi32, #tpu.memory_space<vmem>>, vector<16xi32>,
      tpu.vector_store %arg19[%swap3A_2100], %shift_right_logical3A_2099 {strides = array<i32>} : memref<128xi32, #tpu.memory_space<vmem>>, vector<16xi32>,
      %shift_right_logical3A_2102 = arith.constant 7 : i32
      %shift_right_logical3A_2103 = vector.broadcast %shift_right_logical3A_2102 : i32 to vector<16xi32>
      %shift_right_logical3A_2104 = arith.shrui %min3A_2084, %shift_right_logical3A_2103 : vector<16xi32>
      %swap3A_2105 = arith.constant 16 : index
      %swap3A_2106 = tpu.vector_load %arg20[%swap3A_2105] {strides = array<i32>} : memref<128xi32, #tpu.memory_space<vmem>>, vector<16xi32>,
      tpu.vector_store %arg20[%swap3A_2105], %shift_right_logical3A_2104 {strides = array<i32>} : memref<128xi32, #tpu.memory_space<vmem>>, vector<16xi32>,
      %and3A_2107 = arith.constant 127 : i32
      %and3A_2108 = vector.broadcast %and3A_2107 : i32 to vector<16xi32>
      %and3A_2109 = arith.andi %min3A_2084, %and3A_2108 : vector<16xi32>
      %add3A_2110 = arith.constant 32 : i32
      %add3A_2111 = vector.broadcast %add3A_2110 : i32 to vector<16xi32>
      %add3A_2112 = arith.addi %add3A_2111, %iota3A : vector<16xi32>
      %mul3A_2113 = arith.constant 16 : i32
      %mul3A_2114 = vector.broadcast %mul3A_2113 : i32 to vector<16xi32>
      %mul3A_2115 = arith.muli %min3A_627, %mul3A_2114 : vector<16xi32>
      %broadcast_in_dim3A_2116 = arith.constant 0 : i32
      %broadcast_in_dim3A_2117 = vector.broadcast %broadcast_in_dim3A_2116 : i32 to vector<16xi32>
      %add3A_2118 = arith.constant 0 : i32
      %add3A_2119 = vector.broadcast %add3A_2118 : i32 to vector<16xi32>
      %add3A_2120 = arith.addi %mul3A_2115, %add3A_2119 : vector<16xi32>
      %gather3A_2121 = tpu.vector_load_idx %arg24[%add3A_2112, %add3A_2120] : memref<128x128xf32, #tpu.memory_space<vmem>>[vector<16xi32>, vector<16xi32>], vector<16xf32>,
      %lt3A_2122 = arith.cmpf olt, %gather3A_2121, %get3A_421 : vector<16xf32>
      %jit3A_2123 = arith.constant 1 : i32
      %jit3A_2124 = arith.constant 0 : i32
      %broadcast_in_dim3A_2125 = vector.broadcast %jit3A_2123 : i32 to vector<16xi32>
      %broadcast_in_dim3A_2126 = vector.broadcast %jit3A_2124 : i32 to vector<16xi32>
      %select_n3A_2127 = arith.select %lt3A_2122, %broadcast_in_dim3A_2125, %broadcast_in_dim3A_2126 : vector<16xi1>, vector<16xi32>
      %add3A_2128 = arith.addi %broadcast_in_dim3A_2117, %select_n3A_2127 : vector<16xi32>
      %add3A_2129 = arith.constant 1 : i32
      %add3A_2130 = vector.broadcast %add3A_2129 : i32 to vector<16xi32>
      %add3A_2131 = arith.addi %mul3A_2115, %add3A_2130 : vector<16xi32>
      %gather3A_2132 = tpu.vector_load_idx %arg24[%add3A_2112, %add3A_2131] : memref<128x128xf32, #tpu.memory_space<vmem>>[vector<16xi32>, vector<16xi32>], vector<16xf32>,
      %lt3A_2133 = arith.cmpf olt, %gather3A_2132, %get3A_421 : vector<16xf32>
      %jit3A_2134 = arith.constant 1 : i32
      %jit3A_2135 = arith.constant 0 : i32
      %broadcast_in_dim3A_2136 = vector.broadcast %jit3A_2134 : i32 to vector<16xi32>
      %broadcast_in_dim3A_2137 = vector.broadcast %jit3A_2135 : i32 to vector<16xi32>
      %select_n3A_2138 = arith.select %lt3A_2133, %broadcast_in_dim3A_2136, %broadcast_in_dim3A_2137 : vector<16xi1>, vector<16xi32>
      %add3A_2139 = arith.addi %add3A_2128, %select_n3A_2138 : vector<16xi32>
      %add3A_2140 = arith.constant 2 : i32
      %add3A_2141 = vector.broadcast %add3A_2140 : i32 to vector<16xi32>
      %add3A_2142 = arith.addi %mul3A_2115, %add3A_2141 : vector<16xi32>
      %gather3A_2143 = tpu.vector_load_idx %arg24[%add3A_2112, %add3A_2142] : memref<128x128xf32, #tpu.memory_space<vmem>>[vector<16xi32>, vector<16xi32>], vector<16xf32>,
      %lt3A_2144 = arith.cmpf olt, %gather3A_2143, %get3A_421 : vector<16xf32>
      %jit3A_2145 = arith.constant 1 : i32
      %jit3A_2146 = arith.constant 0 : i32
      %broadcast_in_dim3A_2147 = vector.broadcast %jit3A_2145 : i32 to vector<16xi32>
      %broadcast_in_dim3A_2148 = vector.broadcast %jit3A_2146 : i32 to vector<16xi32>
      %select_n3A_2149 = arith.select %lt3A_2144, %broadcast_in_dim3A_2147, %broadcast_in_dim3A_2148 : vector<16xi1>, vector<16xi32>
      %add3A_2150 = arith.addi %add3A_2139, %select_n3A_2149 : vector<16xi32>
      %add3A_2151 = arith.constant 3 : i32
      %add3A_2152 = vector.broadcast %add3A_2151 : i32 to vector<16xi32>
      %add3A_2153 = arith.addi %mul3A_2115, %add3A_2152 : vector<16xi32>
      %gather3A_2154 = tpu.vector_load_idx %arg24[%add3A_2112, %add3A_2153] : memref<128x128xf32, #tpu.memory_space<vmem>>[vector<16xi32>, vector<16xi32>], vector<16xf32>,
      %lt3A_2155 = arith.cmpf olt, %gather3A_2154, %get3A_421 : vector<16xf32>
      %jit3A_2156 = arith.constant 1 : i32
      %jit3A_2157 = arith.constant 0 : i32
      %broadcast_in_dim3A_2158 = vector.broadcast %jit3A_2156 : i32 to vector<16xi32>
      %broadcast_in_dim3A_2159 = vector.broadcast %jit3A_2157 : i32 to vector<16xi32>
      %select_n3A_2160 = arith.select %lt3A_2155, %broadcast_in_dim3A_2158, %broadcast_in_dim3A_2159 : vector<16xi1>, vector<16xi32>
      %add3A_2161 = arith.addi %add3A_2150, %select_n3A_2160 : vector<16xi32>
      %add3A_2162 = arith.constant 4 : i32
      %add3A_2163 = vector.broadcast %add3A_2162 : i32 to vector<16xi32>
      %add3A_2164 = arith.addi %mul3A_2115, %add3A_2163 : vector<16xi32>
      %gather3A_2165 = tpu.vector_load_idx %arg24[%add3A_2112, %add3A_2164] : memref<128x128xf32, #tpu.memory_space<vmem>>[vector<16xi32>, vector<16xi32>], vector<16xf32>,
      %lt3A_2166 = arith.cmpf olt, %gather3A_2165, %get3A_421 : vector<16xf32>
      %jit3A_2167 = arith.constant 1 : i32
      %jit3A_2168 = arith.constant 0 : i32
      %broadcast_in_dim3A_2169 = vector.broadcast %jit3A_2167 : i32 to vector<16xi32>
      %broadcast_in_dim3A_2170 = vector.broadcast %jit3A_2168 : i32 to vector<16xi32>
      %select_n3A_2171 = arith.select %lt3A_2166, %broadcast_in_dim3A_2169, %broadcast_in_dim3A_2170 : vector<16xi1>, vector<16xi32>
      %add3A_2172 = arith.addi %add3A_2161, %select_n3A_2171 : vector<16xi32>
      %add3A_2173 = arith.constant 5 : i32
      %add3A_2174 = vector.broadcast %add3A_2173 : i32 to vector<16xi32>
      %add3A_2175 = arith.addi %mul3A_2115, %add3A_2174 : vector<16xi32>
      %gather3A_2176 = tpu.vector_load_idx %arg24[%add3A_2112, %add3A_2175] : memref<128x128xf32, #tpu.memory_space<vmem>>[vector<16xi32>, vector<16xi32>], vector<16xf32>,
      %lt3A_2177 = arith.cmpf olt, %gather3A_2176, %get3A_421 : vector<16xf32>
      %jit3A_2178 = arith.constant 1 : i32
      %jit3A_2179 = arith.constant 0 : i32
      %broadcast_in_dim3A_2180 = vector.broadcast %jit3A_2178 : i32 to vector<16xi32>
      %broadcast_in_dim3A_2181 = vector.broadcast %jit3A_2179 : i32 to vector<16xi32>
      %select_n3A_2182 = arith.select %lt3A_2177, %broadcast_in_dim3A_2180, %broadcast_in_dim3A_2181 : vector<16xi1>, vector<16xi32>
      %add3A_2183 = arith.addi %add3A_2172, %select_n3A_2182 : vector<16xi32>
      %add3A_2184 = arith.constant 6 : i32
      %add3A_2185 = vector.broadcast %add3A_2184 : i32 to vector<16xi32>
      %add3A_2186 = arith.addi %mul3A_2115, %add3A_2185 : vector<16xi32>
      %gather3A_2187 = tpu.vector_load_idx %arg24[%add3A_2112, %add3A_2186] : memref<128x128xf32, #tpu.memory_space<vmem>>[vector<16xi32>, vector<16xi32>], vector<16xf32>,
      %lt3A_2188 = arith.cmpf olt, %gather3A_2187, %get3A_421 : vector<16xf32>
      %jit3A_2189 = arith.constant 1 : i32
      %jit3A_2190 = arith.constant 0 : i32
      %broadcast_in_dim3A_2191 = vector.broadcast %jit3A_2189 : i32 to vector<16xi32>
      %broadcast_in_dim3A_2192 = vector.broadcast %jit3A_2190 : i32 to vector<16xi32>
      %select_n3A_2193 = arith.select %lt3A_2188, %broadcast_in_dim3A_2191, %broadcast_in_dim3A_2192 : vector<16xi1>, vector<16xi32>
      %add3A_2194 = arith.addi %add3A_2183, %select_n3A_2193 : vector<16xi32>
      %add3A_2195 = arith.constant 7 : i32
      %add3A_2196 = vector.broadcast %add3A_2195 : i32 to vector<16xi32>
      %add3A_2197 = arith.addi %mul3A_2115, %add3A_2196 : vector<16xi32>
      %gather3A_2198 = tpu.vector_load_idx %arg24[%add3A_2112, %add3A_2197] : memref<128x128xf32, #tpu.memory_space<vmem>>[vector<16xi32>, vector<16xi32>], vector<16xf32>,
      %lt3A_2199 = arith.cmpf olt, %gather3A_2198, %get3A_421 : vector<16xf32>
      %jit3A_2200 = arith.constant 1 : i32
      %jit3A_2201 = arith.constant 0 : i32
      %broadcast_in_dim3A_2202 = vector.broadcast %jit3A_2200 : i32 to vector<16xi32>
      %broadcast_in_dim3A_2203 = vector.broadcast %jit3A_2201 : i32 to vector<16xi32>
      %select_n3A_2204 = arith.select %lt3A_2199, %broadcast_in_dim3A_2202, %broadcast_in_dim3A_2203 : vector<16xi1>, vector<16xi32>
      %add3A_2205 = arith.addi %add3A_2194, %select_n3A_2204 : vector<16xi32>
      %add3A_2206 = arith.constant 8 : i32
      %add3A_2207 = vector.broadcast %add3A_2206 : i32 to vector<16xi32>
      %add3A_2208 = arith.addi %mul3A_2115, %add3A_2207 : vector<16xi32>
      %gather3A_2209 = tpu.vector_load_idx %arg24[%add3A_2112, %add3A_2208] : memref<128x128xf32, #tpu.memory_space<vmem>>[vector<16xi32>, vector<16xi32>], vector<16xf32>,
      %lt3A_2210 = arith.cmpf olt, %gather3A_2209, %get3A_421 : vector<16xf32>
      %jit3A_2211 = arith.constant 1 : i32
      %jit3A_2212 = arith.constant 0 : i32
      %broadcast_in_dim3A_2213 = vector.broadcast %jit3A_2211 : i32 to vector<16xi32>
      %broadcast_in_dim3A_2214 = vector.broadcast %jit3A_2212 : i32 to vector<16xi32>
      %select_n3A_2215 = arith.select %lt3A_2210, %broadcast_in_dim3A_2213, %broadcast_in_dim3A_2214 : vector<16xi1>, vector<16xi32>
      %add3A_2216 = arith.addi %add3A_2205, %select_n3A_2215 : vector<16xi32>
      %add3A_2217 = arith.constant 9 : i32
      %add3A_2218 = vector.broadcast %add3A_2217 : i32 to vector<16xi32>
      %add3A_2219 = arith.addi %mul3A_2115, %add3A_2218 : vector<16xi32>
      %gather3A_2220 = tpu.vector_load_idx %arg24[%add3A_2112, %add3A_2219] : memref<128x128xf32, #tpu.memory_space<vmem>>[vector<16xi32>, vector<16xi32>], vector<16xf32>,
      %lt3A_2221 = arith.cmpf olt, %gather3A_2220, %get3A_421 : vector<16xf32>
      %jit3A_2222 = arith.constant 1 : i32
      %jit3A_2223 = arith.constant 0 : i32
      %broadcast_in_dim3A_2224 = vector.broadcast %jit3A_2222 : i32 to vector<16xi32>
      %broadcast_in_dim3A_2225 = vector.broadcast %jit3A_2223 : i32 to vector<16xi32>
      %select_n3A_2226 = arith.select %lt3A_2221, %broadcast_in_dim3A_2224, %broadcast_in_dim3A_2225 : vector<16xi1>, vector<16xi32>
      %add3A_2227 = arith.addi %add3A_2216, %select_n3A_2226 : vector<16xi32>
      %add3A_2228 = arith.constant 10 : i32
      %add3A_2229 = vector.broadcast %add3A_2228 : i32 to vector<16xi32>
      %add3A_2230 = arith.addi %mul3A_2115, %add3A_2229 : vector<16xi32>
      %gather3A_2231 = tpu.vector_load_idx %arg24[%add3A_2112, %add3A_2230] : memref<128x128xf32, #tpu.memory_space<vmem>>[vector<16xi32>, vector<16xi32>], vector<16xf32>,
      %lt3A_2232 = arith.cmpf olt, %gather3A_2231, %get3A_421 : vector<16xf32>
      %jit3A_2233 = arith.constant 1 : i32
      %jit3A_2234 = arith.constant 0 : i32
      %broadcast_in_dim3A_2235 = vector.broadcast %jit3A_2233 : i32 to vector<16xi32>
      %broadcast_in_dim3A_2236 = vector.broadcast %jit3A_2234 : i32 to vector<16xi32>
      %select_n3A_2237 = arith.select %lt3A_2232, %broadcast_in_dim3A_2235, %broadcast_in_dim3A_2236 : vector<16xi1>, vector<16xi32>
      %add3A_2238 = arith.addi %add3A_2227, %select_n3A_2237 : vector<16xi32>
      %add3A_2239 = arith.constant 11 : i32
      %add3A_2240 = vector.broadcast %add3A_2239 : i32 to vector<16xi32>
      %add3A_2241 = arith.addi %mul3A_2115, %add3A_2240 : vector<16xi32>
      %gather3A_2242 = tpu.vector_load_idx %arg24[%add3A_2112, %add3A_2241] : memref<128x128xf32, #tpu.memory_space<vmem>>[vector<16xi32>, vector<16xi32>], vector<16xf32>,
      %lt3A_2243 = arith.cmpf olt, %gather3A_2242, %get3A_421 : vector<16xf32>
      %jit3A_2244 = arith.constant 1 : i32
      %jit3A_2245 = arith.constant 0 : i32
      %broadcast_in_dim3A_2246 = vector.broadcast %jit3A_2244 : i32 to vector<16xi32>
      %broadcast_in_dim3A_2247 = vector.broadcast %jit3A_2245 : i32 to vector<16xi32>
      %select_n3A_2248 = arith.select %lt3A_2243, %broadcast_in_dim3A_2246, %broadcast_in_dim3A_2247 : vector<16xi1>, vector<16xi32>
      %add3A_2249 = arith.addi %add3A_2238, %select_n3A_2248 : vector<16xi32>
      %add3A_2250 = arith.constant 12 : i32
      %add3A_2251 = vector.broadcast %add3A_2250 : i32 to vector<16xi32>
      %add3A_2252 = arith.addi %mul3A_2115, %add3A_2251 : vector<16xi32>
      %gather3A_2253 = tpu.vector_load_idx %arg24[%add3A_2112, %add3A_2252] : memref<128x128xf32, #tpu.memory_space<vmem>>[vector<16xi32>, vector<16xi32>], vector<16xf32>,
      %lt3A_2254 = arith.cmpf olt, %gather3A_2253, %get3A_421 : vector<16xf32>
      %jit3A_2255 = arith.constant 1 : i32
      %jit3A_2256 = arith.constant 0 : i32
      %broadcast_in_dim3A_2257 = vector.broadcast %jit3A_2255 : i32 to vector<16xi32>
      %broadcast_in_dim3A_2258 = vector.broadcast %jit3A_2256 : i32 to vector<16xi32>
      %select_n3A_2259 = arith.select %lt3A_2254, %broadcast_in_dim3A_2257, %broadcast_in_dim3A_2258 : vector<16xi1>, vector<16xi32>
      %add3A_2260 = arith.addi %add3A_2249, %select_n3A_2259 : vector<16xi32>
      %add3A_2261 = arith.constant 13 : i32
      %add3A_2262 = vector.broadcast %add3A_2261 : i32 to vector<16xi32>
      %add3A_2263 = arith.addi %mul3A_2115, %add3A_2262 : vector<16xi32>
      %gather3A_2264 = tpu.vector_load_idx %arg24[%add3A_2112, %add3A_2263] : memref<128x128xf32, #tpu.memory_space<vmem>>[vector<16xi32>, vector<16xi32>], vector<16xf32>,
      %lt3A_2265 = arith.cmpf olt, %gather3A_2264, %get3A_421 : vector<16xf32>
      %jit3A_2266 = arith.constant 1 : i32
      %jit3A_2267 = arith.constant 0 : i32
      %broadcast_in_dim3A_2268 = vector.broadcast %jit3A_2266 : i32 to vector<16xi32>
      %broadcast_in_dim3A_2269 = vector.broadcast %jit3A_2267 : i32 to vector<16xi32>
      %select_n3A_2270 = arith.select %lt3A_2265, %broadcast_in_dim3A_2268, %broadcast_in_dim3A_2269 : vector<16xi1>, vector<16xi32>
      %add3A_2271 = arith.addi %add3A_2260, %select_n3A_2270 : vector<16xi32>
      %add3A_2272 = arith.constant 14 : i32
      %add3A_2273 = vector.broadcast %add3A_2272 : i32 to vector<16xi32>
      %add3A_2274 = arith.addi %mul3A_2115, %add3A_2273 : vector<16xi32>
      %gather3A_2275 = tpu.vector_load_idx %arg24[%add3A_2112, %add3A_2274] : memref<128x128xf32, #tpu.memory_space<vmem>>[vector<16xi32>, vector<16xi32>], vector<16xf32>,
      %lt3A_2276 = arith.cmpf olt, %gather3A_2275, %get3A_421 : vector<16xf32>
      %jit3A_2277 = arith.constant 1 : i32
      %jit3A_2278 = arith.constant 0 : i32
      %broadcast_in_dim3A_2279 = vector.broadcast %jit3A_2277 : i32 to vector<16xi32>
      %broadcast_in_dim3A_2280 = vector.broadcast %jit3A_2278 : i32 to vector<16xi32>
      %select_n3A_2281 = arith.select %lt3A_2276, %broadcast_in_dim3A_2279, %broadcast_in_dim3A_2280 : vector<16xi1>, vector<16xi32>
      %add3A_2282 = arith.addi %add3A_2271, %select_n3A_2281 : vector<16xi32>
      %add3A_2283 = arith.constant 15 : i32
      %add3A_2284 = vector.broadcast %add3A_2283 : i32 to vector<16xi32>
      %add3A_2285 = arith.addi %mul3A_2115, %add3A_2284 : vector<16xi32>
      %gather3A_2286 = tpu.vector_load_idx %arg24[%add3A_2112, %add3A_2285] : memref<128x128xf32, #tpu.memory_space<vmem>>[vector<16xi32>, vector<16xi32>], vector<16xf32>,
      %lt3A_2287 = arith.cmpf olt, %gather3A_2286, %get3A_421 : vector<16xf32>
      %jit3A_2288 = arith.constant 1 : i32
      %jit3A_2289 = arith.constant 0 : i32
      %broadcast_in_dim3A_2290 = vector.broadcast %jit3A_2288 : i32 to vector<16xi32>
      %broadcast_in_dim3A_2291 = vector.broadcast %jit3A_2289 : i32 to vector<16xi32>
      %select_n3A_2292 = arith.select %lt3A_2287, %broadcast_in_dim3A_2290, %broadcast_in_dim3A_2291 : vector<16xi1>, vector<16xi32>
      %add3A_2293 = arith.addi %add3A_2282, %select_n3A_2292 : vector<16xi32>
      %mul3A_2294 = arith.constant 128 : i32
      %mul3A_2295 = vector.broadcast %mul3A_2294 : i32 to vector<16xi32>
      %mul3A_2296 = arith.muli %select_n3A_537, %mul3A_2295 : vector<16xi32>
      %mul3A_2297 = arith.constant 16 : i32
      %mul3A_2298 = vector.broadcast %mul3A_2297 : i32 to vector<16xi32>
      %mul3A_2299 = arith.muli %add3A_622, %mul3A_2298 : vector<16xi32>
      %add3A_2300 = arith.addi %mul3A_2296, %mul3A_2299 : vector<16xi32>
      %add3A_2301 = arith.addi %add3A_2300, %add3A_2293 : vector<16xi32>
      %min3A_2302 = arith.constant 524287 : i32
      %min3A_2303 = vector.broadcast %min3A_2302 : i32 to vector<16xi32>
      %min3A_2304 = arith.minsi %add3A_2301, %min3A_2303 : vector<16xi32>
      %swap3A_2305 = arith.constant 32 : index
      %swap3A_2306 = tpu.vector_load %arg21[%swap3A_2305] {strides = array<i32>} : memref<128xi32, #tpu.memory_space<vmem>>, vector<16xi32>,
      tpu.vector_store %arg21[%swap3A_2305], %min3A_2304 {strides = array<i32>} : memref<128xi32, #tpu.memory_space<vmem>>, vector<16xi32>,
      %shift_right_logical3A_2307 = arith.constant 3 : i32
      %shift_right_logical3A_2308 = vector.broadcast %shift_right_logical3A_2307 : i32 to vector<16xi32>
      %shift_right_logical3A_2309 = arith.shrui %min3A_2304, %shift_right_logical3A_2308 : vector<16xi32>
      %swap3A_2310 = arith.constant 32 : index
      %swap3A_2311 = tpu.vector_load %arg22[%swap3A_2310] {strides = array<i32>} : memref<128xi32, #tpu.memory_space<vmem>>, vector<16xi32>,
      tpu.vector_store %arg22[%swap3A_2310], %shift_right_logical3A_2309 {strides = array<i32>} : memref<128xi32, #tpu.memory_space<vmem>>, vector<16xi32>,
      %shift_right_logical3A_2312 = arith.constant 3 : i32
      %shift_right_logical3A_2313 = vector.broadcast %shift_right_logical3A_2312 : i32 to vector<16xi32>
      %shift_right_logical3A_2314 = arith.shrui %min3A_2304, %shift_right_logical3A_2313 : vector<16xi32>
      %swap3A_2315 = arith.constant 32 : index
      %swap3A_2316 = tpu.vector_load %arg18[%swap3A_2315] {strides = array<i32>} : memref<128xi32, #tpu.memory_space<vmem>>, vector<16xi32>,
      tpu.vector_store %arg18[%swap3A_2315], %shift_right_logical3A_2314 {strides = array<i32>} : memref<128xi32, #tpu.memory_space<vmem>>, vector<16xi32>,
      %shift_right_logical3A_2317 = arith.constant 2 : i32
      %shift_right_logical3A_2318 = vector.broadcast %shift_right_logical3A_2317 : i32 to vector<16xi32>
      %shift_right_logical3A_2319 = arith.shrui %min3A_2304, %shift_right_logical3A_2318 : vector<16xi32>
      %swap3A_2320 = arith.constant 32 : index
      %swap3A_2321 = tpu.vector_load %arg19[%swap3A_2320] {strides = array<i32>} : memref<128xi32, #tpu.memory_space<vmem>>, vector<16xi32>,
      tpu.vector_store %arg19[%swap3A_2320], %shift_right_logical3A_2319 {strides = array<i32>} : memref<128xi32, #tpu.memory_space<vmem>>, vector<16xi32>,
      %shift_right_logical3A_2322 = arith.constant 7 : i32
      %shift_right_logical3A_2323 = vector.broadcast %shift_right_logical3A_2322 : i32 to vector<16xi32>
      %shift_right_logical3A_2324 = arith.shrui %min3A_2304, %shift_right_logical3A_2323 : vector<16xi32>
      %swap3A_2325 = arith.constant 32 : index
      %swap3A_2326 = tpu.vector_load %arg20[%swap3A_2325] {strides = array<i32>} : memref<128xi32, #tpu.memory_space<vmem>>, vector<16xi32>,
      tpu.vector_store %arg20[%swap3A_2325], %shift_right_logical3A_2324 {strides = array<i32>} : memref<128xi32, #tpu.memory_space<vmem>>, vector<16xi32>,
      %and3A_2327 = arith.constant 127 : i32
      %and3A_2328 = vector.broadcast %and3A_2327 : i32 to vector<16xi32>
      %and3A_2329 = arith.andi %min3A_2304, %and3A_2328 : vector<16xi32>
      %add3A_2330 = arith.constant 48 : i32
      %add3A_2331 = vector.broadcast %add3A_2330 : i32 to vector<16xi32>
      %add3A_2332 = arith.addi %add3A_2331, %iota3A : vector<16xi32>
      %mul3A_2333 = arith.constant 16 : i32
      %mul3A_2334 = vector.broadcast %mul3A_2333 : i32 to vector<16xi32>
      %mul3A_2335 = arith.muli %min3A_835, %mul3A_2334 : vector<16xi32>
      %broadcast_in_dim3A_2336 = arith.constant 0 : i32
      %broadcast_in_dim3A_2337 = vector.broadcast %broadcast_in_dim3A_2336 : i32 to vector<16xi32>
      %add3A_2338 = arith.constant 0 : i32
      %add3A_2339 = vector.broadcast %add3A_2338 : i32 to vector<16xi32>
      %add3A_2340 = arith.addi %mul3A_2335, %add3A_2339 : vector<16xi32>
      %gather3A_2341 = tpu.vector_load_idx %arg24[%add3A_2332, %add3A_2340] : memref<128x128xf32, #tpu.memory_space<vmem>>[vector<16xi32>, vector<16xi32>], vector<16xf32>,
      %lt3A_2342 = arith.cmpf olt, %gather3A_2341, %get3A_629 : vector<16xf32>
      %jit3A_2343 = arith.constant 1 : i32
      %jit3A_2344 = arith.constant 0 : i32
      %broadcast_in_dim3A_2345 = vector.broadcast %jit3A_2343 : i32 to vector<16xi32>
      %broadcast_in_dim3A_2346 = vector.broadcast %jit3A_2344 : i32 to vector<16xi32>
      %select_n3A_2347 = arith.select %lt3A_2342, %broadcast_in_dim3A_2345, %broadcast_in_dim3A_2346 : vector<16xi1>, vector<16xi32>
      %add3A_2348 = arith.addi %broadcast_in_dim3A_2337, %select_n3A_2347 : vector<16xi32>
      %add3A_2349 = arith.constant 1 : i32
      %add3A_2350 = vector.broadcast %add3A_2349 : i32 to vector<16xi32>
      %add3A_2351 = arith.addi %mul3A_2335, %add3A_2350 : vector<16xi32>
      %gather3A_2352 = tpu.vector_load_idx %arg24[%add3A_2332, %add3A_2351] : memref<128x128xf32, #tpu.memory_space<vmem>>[vector<16xi32>, vector<16xi32>], vector<16xf32>,
      %lt3A_2353 = arith.cmpf olt, %gather3A_2352, %get3A_629 : vector<16xf32>
      %jit3A_2354 = arith.constant 1 : i32
      %jit3A_2355 = arith.constant 0 : i32
      %broadcast_in_dim3A_2356 = vector.broadcast %jit3A_2354 : i32 to vector<16xi32>
      %broadcast_in_dim3A_2357 = vector.broadcast %jit3A_2355 : i32 to vector<16xi32>
      %select_n3A_2358 = arith.select %lt3A_2353, %broadcast_in_dim3A_2356, %broadcast_in_dim3A_2357 : vector<16xi1>, vector<16xi32>
      %add3A_2359 = arith.addi %add3A_2348, %select_n3A_2358 : vector<16xi32>
      %add3A_2360 = arith.constant 2 : i32
      %add3A_2361 = vector.broadcast %add3A_2360 : i32 to vector<16xi32>
      %add3A_2362 = arith.addi %mul3A_2335, %add3A_2361 : vector<16xi32>
      %gather3A_2363 = tpu.vector_load_idx %arg24[%add3A_2332, %add3A_2362] : memref<128x128xf32, #tpu.memory_space<vmem>>[vector<16xi32>, vector<16xi32>], vector<16xf32>,
      %lt3A_2364 = arith.cmpf olt, %gather3A_2363, %get3A_629 : vector<16xf32>
      %jit3A_2365 = arith.constant 1 : i32
      %jit3A_2366 = arith.constant 0 : i32
      %broadcast_in_dim3A_2367 = vector.broadcast %jit3A_2365 : i32 to vector<16xi32>
      %broadcast_in_dim3A_2368 = vector.broadcast %jit3A_2366 : i32 to vector<16xi32>
      %select_n3A_2369 = arith.select %lt3A_2364, %broadcast_in_dim3A_2367, %broadcast_in_dim3A_2368 : vector<16xi1>, vector<16xi32>
      %add3A_2370 = arith.addi %add3A_2359, %select_n3A_2369 : vector<16xi32>
      %add3A_2371 = arith.constant 3 : i32
      %add3A_2372 = vector.broadcast %add3A_2371 : i32 to vector<16xi32>
      %add3A_2373 = arith.addi %mul3A_2335, %add3A_2372 : vector<16xi32>
      %gather3A_2374 = tpu.vector_load_idx %arg24[%add3A_2332, %add3A_2373] : memref<128x128xf32, #tpu.memory_space<vmem>>[vector<16xi32>, vector<16xi32>], vector<16xf32>,
      %lt3A_2375 = arith.cmpf olt, %gather3A_2374, %get3A_629 : vector<16xf32>
      %jit3A_2376 = arith.constant 1 : i32
      %jit3A_2377 = arith.constant 0 : i32
      %broadcast_in_dim3A_2378 = vector.broadcast %jit3A_2376 : i32 to vector<16xi32>
      %broadcast_in_dim3A_2379 = vector.broadcast %jit3A_2377 : i32 to vector<16xi32>
      %select_n3A_2380 = arith.select %lt3A_2375, %broadcast_in_dim3A_2378, %broadcast_in_dim3A_2379 : vector<16xi1>, vector<16xi32>
      %add3A_2381 = arith.addi %add3A_2370, %select_n3A_2380 : vector<16xi32>
      %add3A_2382 = arith.constant 4 : i32
      %add3A_2383 = vector.broadcast %add3A_2382 : i32 to vector<16xi32>
      %add3A_2384 = arith.addi %mul3A_2335, %add3A_2383 : vector<16xi32>
      %gather3A_2385 = tpu.vector_load_idx %arg24[%add3A_2332, %add3A_2384] : memref<128x128xf32, #tpu.memory_space<vmem>>[vector<16xi32>, vector<16xi32>], vector<16xf32>,
      %lt3A_2386 = arith.cmpf olt, %gather3A_2385, %get3A_629 : vector<16xf32>
      %jit3A_2387 = arith.constant 1 : i32
      %jit3A_2388 = arith.constant 0 : i32
      %broadcast_in_dim3A_2389 = vector.broadcast %jit3A_2387 : i32 to vector<16xi32>
      %broadcast_in_dim3A_2390 = vector.broadcast %jit3A_2388 : i32 to vector<16xi32>
      %select_n3A_2391 = arith.select %lt3A_2386, %broadcast_in_dim3A_2389, %broadcast_in_dim3A_2390 : vector<16xi1>, vector<16xi32>
      %add3A_2392 = arith.addi %add3A_2381, %select_n3A_2391 : vector<16xi32>
      %add3A_2393 = arith.constant 5 : i32
      %add3A_2394 = vector.broadcast %add3A_2393 : i32 to vector<16xi32>
      %add3A_2395 = arith.addi %mul3A_2335, %add3A_2394 : vector<16xi32>
      %gather3A_2396 = tpu.vector_load_idx %arg24[%add3A_2332, %add3A_2395] : memref<128x128xf32, #tpu.memory_space<vmem>>[vector<16xi32>, vector<16xi32>], vector<16xf32>,
      %lt3A_2397 = arith.cmpf olt, %gather3A_2396, %get3A_629 : vector<16xf32>
      %jit3A_2398 = arith.constant 1 : i32
      %jit3A_2399 = arith.constant 0 : i32
      %broadcast_in_dim3A_2400 = vector.broadcast %jit3A_2398 : i32 to vector<16xi32>
      %broadcast_in_dim3A_2401 = vector.broadcast %jit3A_2399 : i32 to vector<16xi32>
      %select_n3A_2402 = arith.select %lt3A_2397, %broadcast_in_dim3A_2400, %broadcast_in_dim3A_2401 : vector<16xi1>, vector<16xi32>
      %add3A_2403 = arith.addi %add3A_2392, %select_n3A_2402 : vector<16xi32>
      %add3A_2404 = arith.constant 6 : i32
      %add3A_2405 = vector.broadcast %add3A_2404 : i32 to vector<16xi32>
      %add3A_2406 = arith.addi %mul3A_2335, %add3A_2405 : vector<16xi32>
      %gather3A_2407 = tpu.vector_load_idx %arg24[%add3A_2332, %add3A_2406] : memref<128x128xf32, #tpu.memory_space<vmem>>[vector<16xi32>, vector<16xi32>], vector<16xf32>,
      %lt3A_2408 = arith.cmpf olt, %gather3A_2407, %get3A_629 : vector<16xf32>
      %jit3A_2409 = arith.constant 1 : i32
      %jit3A_2410 = arith.constant 0 : i32
      %broadcast_in_dim3A_2411 = vector.broadcast %jit3A_2409 : i32 to vector<16xi32>
      %broadcast_in_dim3A_2412 = vector.broadcast %jit3A_2410 : i32 to vector<16xi32>
      %select_n3A_2413 = arith.select %lt3A_2408, %broadcast_in_dim3A_2411, %broadcast_in_dim3A_2412 : vector<16xi1>, vector<16xi32>
      %add3A_2414 = arith.addi %add3A_2403, %select_n3A_2413 : vector<16xi32>
      %add3A_2415 = arith.constant 7 : i32
      %add3A_2416 = vector.broadcast %add3A_2415 : i32 to vector<16xi32>
      %add3A_2417 = arith.addi %mul3A_2335, %add3A_2416 : vector<16xi32>
      %gather3A_2418 = tpu.vector_load_idx %arg24[%add3A_2332, %add3A_2417] : memref<128x128xf32, #tpu.memory_space<vmem>>[vector<16xi32>, vector<16xi32>], vector<16xf32>,
      %lt3A_2419 = arith.cmpf olt, %gather3A_2418, %get3A_629 : vector<16xf32>
      %jit3A_2420 = arith.constant 1 : i32
      %jit3A_2421 = arith.constant 0 : i32
      %broadcast_in_dim3A_2422 = vector.broadcast %jit3A_2420 : i32 to vector<16xi32>
      %broadcast_in_dim3A_2423 = vector.broadcast %jit3A_2421 : i32 to vector<16xi32>
      %select_n3A_2424 = arith.select %lt3A_2419, %broadcast_in_dim3A_2422, %broadcast_in_dim3A_2423 : vector<16xi1>, vector<16xi32>
      %add3A_2425 = arith.addi %add3A_2414, %select_n3A_2424 : vector<16xi32>
      %add3A_2426 = arith.constant 8 : i32
      %add3A_2427 = vector.broadcast %add3A_2426 : i32 to vector<16xi32>
      %add3A_2428 = arith.addi %mul3A_2335, %add3A_2427 : vector<16xi32>
      %gather3A_2429 = tpu.vector_load_idx %arg24[%add3A_2332, %add3A_2428] : memref<128x128xf32, #tpu.memory_space<vmem>>[vector<16xi32>, vector<16xi32>], vector<16xf32>,
      %lt3A_2430 = arith.cmpf olt, %gather3A_2429, %get3A_629 : vector<16xf32>
      %jit3A_2431 = arith.constant 1 : i32
      %jit3A_2432 = arith.constant 0 : i32
      %broadcast_in_dim3A_2433 = vector.broadcast %jit3A_2431 : i32 to vector<16xi32>
      %broadcast_in_dim3A_2434 = vector.broadcast %jit3A_2432 : i32 to vector<16xi32>
      %select_n3A_2435 = arith.select %lt3A_2430, %broadcast_in_dim3A_2433, %broadcast_in_dim3A_2434 : vector<16xi1>, vector<16xi32>
      %add3A_2436 = arith.addi %add3A_2425, %select_n3A_2435 : vector<16xi32>
      %add3A_2437 = arith.constant 9 : i32
      %add3A_2438 = vector.broadcast %add3A_2437 : i32 to vector<16xi32>
      %add3A_2439 = arith.addi %mul3A_2335, %add3A_2438 : vector<16xi32>
      %gather3A_2440 = tpu.vector_load_idx %arg24[%add3A_2332, %add3A_2439] : memref<128x128xf32, #tpu.memory_space<vmem>>[vector<16xi32>, vector<16xi32>], vector<16xf32>,
      %lt3A_2441 = arith.cmpf olt, %gather3A_2440, %get3A_629 : vector<16xf32>
      %jit3A_2442 = arith.constant 1 : i32
      %jit3A_2443 = arith.constant 0 : i32
      %broadcast_in_dim3A_2444 = vector.broadcast %jit3A_2442 : i32 to vector<16xi32>
      %broadcast_in_dim3A_2445 = vector.broadcast %jit3A_2443 : i32 to vector<16xi32>
      %select_n3A_2446 = arith.select %lt3A_2441, %broadcast_in_dim3A_2444, %broadcast_in_dim3A_2445 : vector<16xi1>, vector<16xi32>
      %add3A_2447 = arith.addi %add3A_2436, %select_n3A_2446 : vector<16xi32>
      %add3A_2448 = arith.constant 10 : i32
      %add3A_2449 = vector.broadcast %add3A_2448 : i32 to vector<16xi32>
      %add3A_2450 = arith.addi %mul3A_2335, %add3A_2449 : vector<16xi32>
      %gather3A_2451 = tpu.vector_load_idx %arg24[%add3A_2332, %add3A_2450] : memref<128x128xf32, #tpu.memory_space<vmem>>[vector<16xi32>, vector<16xi32>], vector<16xf32>,
      %lt3A_2452 = arith.cmpf olt, %gather3A_2451, %get3A_629 : vector<16xf32>
      %jit3A_2453 = arith.constant 1 : i32
      %jit3A_2454 = arith.constant 0 : i32
      %broadcast_in_dim3A_2455 = vector.broadcast %jit3A_2453 : i32 to vector<16xi32>
      %broadcast_in_dim3A_2456 = vector.broadcast %jit3A_2454 : i32 to vector<16xi32>
      %select_n3A_2457 = arith.select %lt3A_2452, %broadcast_in_dim3A_2455, %broadcast_in_dim3A_2456 : vector<16xi1>, vector<16xi32>
      %add3A_2458 = arith.addi %add3A_2447, %select_n3A_2457 : vector<16xi32>
      %add3A_2459 = arith.constant 11 : i32
      %add3A_2460 = vector.broadcast %add3A_2459 : i32 to vector<16xi32>
      %add3A_2461 = arith.addi %mul3A_2335, %add3A_2460 : vector<16xi32>
      %gather3A_2462 = tpu.vector_load_idx %arg24[%add3A_2332, %add3A_2461] : memref<128x128xf32, #tpu.memory_space<vmem>>[vector<16xi32>, vector<16xi32>], vector<16xf32>,
      %lt3A_2463 = arith.cmpf olt, %gather3A_2462, %get3A_629 : vector<16xf32>
      %jit3A_2464 = arith.constant 1 : i32
      %jit3A_2465 = arith.constant 0 : i32
      %broadcast_in_dim3A_2466 = vector.broadcast %jit3A_2464 : i32 to vector<16xi32>
      %broadcast_in_dim3A_2467 = vector.broadcast %jit3A_2465 : i32 to vector<16xi32>
      %select_n3A_2468 = arith.select %lt3A_2463, %broadcast_in_dim3A_2466, %broadcast_in_dim3A_2467 : vector<16xi1>, vector<16xi32>
      %add3A_2469 = arith.addi %add3A_2458, %select_n3A_2468 : vector<16xi32>
      %add3A_2470 = arith.constant 12 : i32
      %add3A_2471 = vector.broadcast %add3A_2470 : i32 to vector<16xi32>
      %add3A_2472 = arith.addi %mul3A_2335, %add3A_2471 : vector<16xi32>
      %gather3A_2473 = tpu.vector_load_idx %arg24[%add3A_2332, %add3A_2472] : memref<128x128xf32, #tpu.memory_space<vmem>>[vector<16xi32>, vector<16xi32>], vector<16xf32>,
      %lt3A_2474 = arith.cmpf olt, %gather3A_2473, %get3A_629 : vector<16xf32>
      %jit3A_2475 = arith.constant 1 : i32
      %jit3A_2476 = arith.constant 0 : i32
      %broadcast_in_dim3A_2477 = vector.broadcast %jit3A_2475 : i32 to vector<16xi32>
      %broadcast_in_dim3A_2478 = vector.broadcast %jit3A_2476 : i32 to vector<16xi32>
      %select_n3A_2479 = arith.select %lt3A_2474, %broadcast_in_dim3A_2477, %broadcast_in_dim3A_2478 : vector<16xi1>, vector<16xi32>
      %add3A_2480 = arith.addi %add3A_2469, %select_n3A_2479 : vector<16xi32>
      %add3A_2481 = arith.constant 13 : i32
      %add3A_2482 = vector.broadcast %add3A_2481 : i32 to vector<16xi32>
      %add3A_2483 = arith.addi %mul3A_2335, %add3A_2482 : vector<16xi32>
      %gather3A_2484 = tpu.vector_load_idx %arg24[%add3A_2332, %add3A_2483] : memref<128x128xf32, #tpu.memory_space<vmem>>[vector<16xi32>, vector<16xi32>], vector<16xf32>,
      %lt3A_2485 = arith.cmpf olt, %gather3A_2484, %get3A_629 : vector<16xf32>
      %jit3A_2486 = arith.constant 1 : i32
      %jit3A_2487 = arith.constant 0 : i32
      %broadcast_in_dim3A_2488 = vector.broadcast %jit3A_2486 : i32 to vector<16xi32>
      %broadcast_in_dim3A_2489 = vector.broadcast %jit3A_2487 : i32 to vector<16xi32>
      %select_n3A_2490 = arith.select %lt3A_2485, %broadcast_in_dim3A_2488, %broadcast_in_dim3A_2489 : vector<16xi1>, vector<16xi32>
      %add3A_2491 = arith.addi %add3A_2480, %select_n3A_2490 : vector<16xi32>
      %add3A_2492 = arith.constant 14 : i32
      %add3A_2493 = vector.broadcast %add3A_2492 : i32 to vector<16xi32>
      %add3A_2494 = arith.addi %mul3A_2335, %add3A_2493 : vector<16xi32>
      %gather3A_2495 = tpu.vector_load_idx %arg24[%add3A_2332, %add3A_2494] : memref<128x128xf32, #tpu.memory_space<vmem>>[vector<16xi32>, vector<16xi32>], vector<16xf32>,
      %lt3A_2496 = arith.cmpf olt, %gather3A_2495, %get3A_629 : vector<16xf32>
      %jit3A_2497 = arith.constant 1 : i32
      %jit3A_2498 = arith.constant 0 : i32
      %broadcast_in_dim3A_2499 = vector.broadcast %jit3A_2497 : i32 to vector<16xi32>
      %broadcast_in_dim3A_2500 = vector.broadcast %jit3A_2498 : i32 to vector<16xi32>
      %select_n3A_2501 = arith.select %lt3A_2496, %broadcast_in_dim3A_2499, %broadcast_in_dim3A_2500 : vector<16xi1>, vector<16xi32>
      %add3A_2502 = arith.addi %add3A_2491, %select_n3A_2501 : vector<16xi32>
      %add3A_2503 = arith.constant 15 : i32
      %add3A_2504 = vector.broadcast %add3A_2503 : i32 to vector<16xi32>
      %add3A_2505 = arith.addi %mul3A_2335, %add3A_2504 : vector<16xi32>
      %gather3A_2506 = tpu.vector_load_idx %arg24[%add3A_2332, %add3A_2505] : memref<128x128xf32, #tpu.memory_space<vmem>>[vector<16xi32>, vector<16xi32>], vector<16xf32>,
      %lt3A_2507 = arith.cmpf olt, %gather3A_2506, %get3A_629 : vector<16xf32>
      %jit3A_2508 = arith.constant 1 : i32
      %jit3A_2509 = arith.constant 0 : i32
      %broadcast_in_dim3A_2510 = vector.broadcast %jit3A_2508 : i32 to vector<16xi32>
      %broadcast_in_dim3A_2511 = vector.broadcast %jit3A_2509 : i32 to vector<16xi32>
      %select_n3A_2512 = arith.select %lt3A_2507, %broadcast_in_dim3A_2510, %broadcast_in_dim3A_2511 : vector<16xi1>, vector<16xi32>
      %add3A_2513 = arith.addi %add3A_2502, %select_n3A_2512 : vector<16xi32>
      %mul3A_2514 = arith.constant 128 : i32
      %mul3A_2515 = vector.broadcast %mul3A_2514 : i32 to vector<16xi32>
      %mul3A_2516 = arith.muli %select_n3A_745, %mul3A_2515 : vector<16xi32>
      %mul3A_2517 = arith.constant 16 : i32
      %mul3A_2518 = vector.broadcast %mul3A_2517 : i32 to vector<16xi32>
      %mul3A_2519 = arith.muli %add3A_830, %mul3A_2518 : vector<16xi32>
      %add3A_2520 = arith.addi %mul3A_2516, %mul3A_2519 : vector<16xi32>
      %add3A_2521 = arith.addi %add3A_2520, %add3A_2513 : vector<16xi32>
      %min3A_2522 = arith.constant 524287 : i32
      %min3A_2523 = vector.broadcast %min3A_2522 : i32 to vector<16xi32>
      %min3A_2524 = arith.minsi %add3A_2521, %min3A_2523 : vector<16xi32>
      %swap3A_2525 = arith.constant 48 : index
      %swap3A_2526 = tpu.vector_load %arg21[%swap3A_2525] {strides = array<i32>} : memref<128xi32, #tpu.memory_space<vmem>>, vector<16xi32>,
      tpu.vector_store %arg21[%swap3A_2525], %min3A_2524 {strides = array<i32>} : memref<128xi32, #tpu.memory_space<vmem>>, vector<16xi32>,
      %shift_right_logical3A_2527 = arith.constant 3 : i32
      %shift_right_logical3A_2528 = vector.broadcast %shift_right_logical3A_2527 : i32 to vector<16xi32>
      %shift_right_logical3A_2529 = arith.shrui %min3A_2524, %shift_right_logical3A_2528 : vector<16xi32>
      %swap3A_2530 = arith.constant 48 : index
      %swap3A_2531 = tpu.vector_load %arg22[%swap3A_2530] {strides = array<i32>} : memref<128xi32, #tpu.memory_space<vmem>>, vector<16xi32>,
      tpu.vector_store %arg22[%swap3A_2530], %shift_right_logical3A_2529 {strides = array<i32>} : memref<128xi32, #tpu.memory_space<vmem>>, vector<16xi32>,
      %shift_right_logical3A_2532 = arith.constant 3 : i32
      %shift_right_logical3A_2533 = vector.broadcast %shift_right_logical3A_2532 : i32 to vector<16xi32>
      %shift_right_logical3A_2534 = arith.shrui %min3A_2524, %shift_right_logical3A_2533 : vector<16xi32>
      %swap3A_2535 = arith.constant 48 : index
      %swap3A_2536 = tpu.vector_load %arg18[%swap3A_2535] {strides = array<i32>} : memref<128xi32, #tpu.memory_space<vmem>>, vector<16xi32>,
      tpu.vector_store %arg18[%swap3A_2535], %shift_right_logical3A_2534 {strides = array<i32>} : memref<128xi32, #tpu.memory_space<vmem>>, vector<16xi32>,
      %shift_right_logical3A_2537 = arith.constant 2 : i32
      %shift_right_logical3A_2538 = vector.broadcast %shift_right_logical3A_2537 : i32 to vector<16xi32>
      %shift_right_logical3A_2539 = arith.shrui %min3A_2524, %shift_right_logical3A_2538 : vector<16xi32>
      %swap3A_2540 = arith.constant 48 : index
      %swap3A_2541 = tpu.vector_load %arg19[%swap3A_2540] {strides = array<i32>} : memref<128xi32, #tpu.memory_space<vmem>>, vector<16xi32>,
      tpu.vector_store %arg19[%swap3A_2540], %shift_right_logical3A_2539 {strides = array<i32>} : memref<128xi32, #tpu.memory_space<vmem>>, vector<16xi32>,
      %shift_right_logical3A_2542 = arith.constant 7 : i32
      %shift_right_logical3A_2543 = vector.broadcast %shift_right_logical3A_2542 : i32 to vector<16xi32>
      %shift_right_logical3A_2544 = arith.shrui %min3A_2524, %shift_right_logical3A_2543 : vector<16xi32>
      %swap3A_2545 = arith.constant 48 : index
      %swap3A_2546 = tpu.vector_load %arg20[%swap3A_2545] {strides = array<i32>} : memref<128xi32, #tpu.memory_space<vmem>>, vector<16xi32>,
      tpu.vector_store %arg20[%swap3A_2545], %shift_right_logical3A_2544 {strides = array<i32>} : memref<128xi32, #tpu.memory_space<vmem>>, vector<16xi32>,
      %and3A_2547 = arith.constant 127 : i32
      %and3A_2548 = vector.broadcast %and3A_2547 : i32 to vector<16xi32>
      %and3A_2549 = arith.andi %min3A_2524, %and3A_2548 : vector<16xi32>
      %add3A_2550 = arith.constant 64 : i32
      %add3A_2551 = vector.broadcast %add3A_2550 : i32 to vector<16xi32>
      %add3A_2552 = arith.addi %add3A_2551, %iota3A : vector<16xi32>
      %mul3A_2553 = arith.constant 16 : i32
      %mul3A_2554 = vector.broadcast %mul3A_2553 : i32 to vector<16xi32>
      %mul3A_2555 = arith.muli %min3A_1043, %mul3A_2554 : vector<16xi32>
      %broadcast_in_dim3A_2556 = arith.constant 0 : i32
      %broadcast_in_dim3A_2557 = vector.broadcast %broadcast_in_dim3A_2556 : i32 to vector<16xi32>
      %add3A_2558 = arith.constant 0 : i32
      %add3A_2559 = vector.broadcast %add3A_2558 : i32 to vector<16xi32>
      %add3A_2560 = arith.addi %mul3A_2555, %add3A_2559 : vector<16xi32>
      %gather3A_2561 = tpu.vector_load_idx %arg24[%add3A_2552, %add3A_2560] : memref<128x128xf32, #tpu.memory_space<vmem>>[vector<16xi32>, vector<16xi32>], vector<16xf32>,
      %lt3A_2562 = arith.cmpf olt, %gather3A_2561, %get3A_837 : vector<16xf32>
      %jit3A_2563 = arith.constant 1 : i32
      %jit3A_2564 = arith.constant 0 : i32
      %broadcast_in_dim3A_2565 = vector.broadcast %jit3A_2563 : i32 to vector<16xi32>
      %broadcast_in_dim3A_2566 = vector.broadcast %jit3A_2564 : i32 to vector<16xi32>
      %select_n3A_2567 = arith.select %lt3A_2562, %broadcast_in_dim3A_2565, %broadcast_in_dim3A_2566 : vector<16xi1>, vector<16xi32>
      %add3A_2568 = arith.addi %broadcast_in_dim3A_2557, %select_n3A_2567 : vector<16xi32>
      %add3A_2569 = arith.constant 1 : i32
      %add3A_2570 = vector.broadcast %add3A_2569 : i32 to vector<16xi32>
      %add3A_2571 = arith.addi %mul3A_2555, %add3A_2570 : vector<16xi32>
      %gather3A_2572 = tpu.vector_load_idx %arg24[%add3A_2552, %add3A_2571] : memref<128x128xf32, #tpu.memory_space<vmem>>[vector<16xi32>, vector<16xi32>], vector<16xf32>,
      %lt3A_2573 = arith.cmpf olt, %gather3A_2572, %get3A_837 : vector<16xf32>
      %jit3A_2574 = arith.constant 1 : i32
      %jit3A_2575 = arith.constant 0 : i32
      %broadcast_in_dim3A_2576 = vector.broadcast %jit3A_2574 : i32 to vector<16xi32>
      %broadcast_in_dim3A_2577 = vector.broadcast %jit3A_2575 : i32 to vector<16xi32>
      %select_n3A_2578 = arith.select %lt3A_2573, %broadcast_in_dim3A_2576, %broadcast_in_dim3A_2577 : vector<16xi1>, vector<16xi32>
      %add3A_2579 = arith.addi %add3A_2568, %select_n3A_2578 : vector<16xi32>
      %add3A_2580 = arith.constant 2 : i32
      %add3A_2581 = vector.broadcast %add3A_2580 : i32 to vector<16xi32>
      %add3A_2582 = arith.addi %mul3A_2555, %add3A_2581 : vector<16xi32>
      %gather3A_2583 = tpu.vector_load_idx %arg24[%add3A_2552, %add3A_2582] : memref<128x128xf32, #tpu.memory_space<vmem>>[vector<16xi32>, vector<16xi32>], vector<16xf32>,
      %lt3A_2584 = arith.cmpf olt, %gather3A_2583, %get3A_837 : vector<16xf32>
      %jit3A_2585 = arith.constant 1 : i32
      %jit3A_2586 = arith.constant 0 : i32
      %broadcast_in_dim3A_2587 = vector.broadcast %jit3A_2585 : i32 to vector<16xi32>
      %broadcast_in_dim3A_2588 = vector.broadcast %jit3A_2586 : i32 to vector<16xi32>
      %select_n3A_2589 = arith.select %lt3A_2584, %broadcast_in_dim3A_2587, %broadcast_in_dim3A_2588 : vector<16xi1>, vector<16xi32>
      %add3A_2590 = arith.addi %add3A_2579, %select_n3A_2589 : vector<16xi32>
      %add3A_2591 = arith.constant 3 : i32
      %add3A_2592 = vector.broadcast %add3A_2591 : i32 to vector<16xi32>
      %add3A_2593 = arith.addi %mul3A_2555, %add3A_2592 : vector<16xi32>
      %gather3A_2594 = tpu.vector_load_idx %arg24[%add3A_2552, %add3A_2593] : memref<128x128xf32, #tpu.memory_space<vmem>>[vector<16xi32>, vector<16xi32>], vector<16xf32>,
      %lt3A_2595 = arith.cmpf olt, %gather3A_2594, %get3A_837 : vector<16xf32>
      %jit3A_2596 = arith.constant 1 : i32
      %jit3A_2597 = arith.constant 0 : i32
      %broadcast_in_dim3A_2598 = vector.broadcast %jit3A_2596 : i32 to vector<16xi32>
      %broadcast_in_dim3A_2599 = vector.broadcast %jit3A_2597 : i32 to vector<16xi32>
      %select_n3A_2600 = arith.select %lt3A_2595, %broadcast_in_dim3A_2598, %broadcast_in_dim3A_2599 : vector<16xi1>, vector<16xi32>
      %add3A_2601 = arith.addi %add3A_2590, %select_n3A_2600 : vector<16xi32>
      %add3A_2602 = arith.constant 4 : i32
      %add3A_2603 = vector.broadcast %add3A_2602 : i32 to vector<16xi32>
      %add3A_2604 = arith.addi %mul3A_2555, %add3A_2603 : vector<16xi32>
      %gather3A_2605 = tpu.vector_load_idx %arg24[%add3A_2552, %add3A_2604] : memref<128x128xf32, #tpu.memory_space<vmem>>[vector<16xi32>, vector<16xi32>], vector<16xf32>,
      %lt3A_2606 = arith.cmpf olt, %gather3A_2605, %get3A_837 : vector<16xf32>
      %jit3A_2607 = arith.constant 1 : i32
      %jit3A_2608 = arith.constant 0 : i32
      %broadcast_in_dim3A_2609 = vector.broadcast %jit3A_2607 : i32 to vector<16xi32>
      %broadcast_in_dim3A_2610 = vector.broadcast %jit3A_2608 : i32 to vector<16xi32>
      %select_n3A_2611 = arith.select %lt3A_2606, %broadcast_in_dim3A_2609, %broadcast_in_dim3A_2610 : vector<16xi1>, vector<16xi32>
      %add3A_2612 = arith.addi %add3A_2601, %select_n3A_2611 : vector<16xi32>
      %add3A_2613 = arith.constant 5 : i32
      %add3A_2614 = vector.broadcast %add3A_2613 : i32 to vector<16xi32>
      %add3A_2615 = arith.addi %mul3A_2555, %add3A_2614 : vector<16xi32>
      %gather3A_2616 = tpu.vector_load_idx %arg24[%add3A_2552, %add3A_2615] : memref<128x128xf32, #tpu.memory_space<vmem>>[vector<16xi32>, vector<16xi32>], vector<16xf32>,
      %lt3A_2617 = arith.cmpf olt, %gather3A_2616, %get3A_837 : vector<16xf32>
      %jit3A_2618 = arith.constant 1 : i32
      %jit3A_2619 = arith.constant 0 : i32
      %broadcast_in_dim3A_2620 = vector.broadcast %jit3A_2618 : i32 to vector<16xi32>
      %broadcast_in_dim3A_2621 = vector.broadcast %jit3A_2619 : i32 to vector<16xi32>
      %select_n3A_2622 = arith.select %lt3A_2617, %broadcast_in_dim3A_2620, %broadcast_in_dim3A_2621 : vector<16xi1>, vector<16xi32>
      %add3A_2623 = arith.addi %add3A_2612, %select_n3A_2622 : vector<16xi32>
      %add3A_2624 = arith.constant 6 : i32
      %add3A_2625 = vector.broadcast %add3A_2624 : i32 to vector<16xi32>
      %add3A_2626 = arith.addi %mul3A_2555, %add3A_2625 : vector<16xi32>
      %gather3A_2627 = tpu.vector_load_idx %arg24[%add3A_2552, %add3A_2626] : memref<128x128xf32, #tpu.memory_space<vmem>>[vector<16xi32>, vector<16xi32>], vector<16xf32>,
      %lt3A_2628 = arith.cmpf olt, %gather3A_2627, %get3A_837 : vector<16xf32>
      %jit3A_2629 = arith.constant 1 : i32
      %jit3A_2630 = arith.constant 0 : i32
      %broadcast_in_dim3A_2631 = vector.broadcast %jit3A_2629 : i32 to vector<16xi32>
      %broadcast_in_dim3A_2632 = vector.broadcast %jit3A_2630 : i32 to vector<16xi32>
      %select_n3A_2633 = arith.select %lt3A_2628, %broadcast_in_dim3A_2631, %broadcast_in_dim3A_2632 : vector<16xi1>, vector<16xi32>
      %add3A_2634 = arith.addi %add3A_2623, %select_n3A_2633 : vector<16xi32>
      %add3A_2635 = arith.constant 7 : i32
      %add3A_2636 = vector.broadcast %add3A_2635 : i32 to vector<16xi32>
      %add3A_2637 = arith.addi %mul3A_2555, %add3A_2636 : vector<16xi32>
      %gather3A_2638 = tpu.vector_load_idx %arg24[%add3A_2552, %add3A_2637] : memref<128x128xf32, #tpu.memory_space<vmem>>[vector<16xi32>, vector<16xi32>], vector<16xf32>,
      %lt3A_2639 = arith.cmpf olt, %gather3A_2638, %get3A_837 : vector<16xf32>
      %jit3A_2640 = arith.constant 1 : i32
      %jit3A_2641 = arith.constant 0 : i32
      %broadcast_in_dim3A_2642 = vector.broadcast %jit3A_2640 : i32 to vector<16xi32>
      %broadcast_in_dim3A_2643 = vector.broadcast %jit3A_2641 : i32 to vector<16xi32>
      %select_n3A_2644 = arith.select %lt3A_2639, %broadcast_in_dim3A_2642, %broadcast_in_dim3A_2643 : vector<16xi1>, vector<16xi32>
      %add3A_2645 = arith.addi %add3A_2634, %select_n3A_2644 : vector<16xi32>
      %add3A_2646 = arith.constant 8 : i32
      %add3A_2647 = vector.broadcast %add3A_2646 : i32 to vector<16xi32>
      %add3A_2648 = arith.addi %mul3A_2555, %add3A_2647 : vector<16xi32>
      %gather3A_2649 = tpu.vector_load_idx %arg24[%add3A_2552, %add3A_2648] : memref<128x128xf32, #tpu.memory_space<vmem>>[vector<16xi32>, vector<16xi32>], vector<16xf32>,
      %lt3A_2650 = arith.cmpf olt, %gather3A_2649, %get3A_837 : vector<16xf32>
      %jit3A_2651 = arith.constant 1 : i32
      %jit3A_2652 = arith.constant 0 : i32
      %broadcast_in_dim3A_2653 = vector.broadcast %jit3A_2651 : i32 to vector<16xi32>
      %broadcast_in_dim3A_2654 = vector.broadcast %jit3A_2652 : i32 to vector<16xi32>
      %select_n3A_2655 = arith.select %lt3A_2650, %broadcast_in_dim3A_2653, %broadcast_in_dim3A_2654 : vector<16xi1>, vector<16xi32>
      %add3A_2656 = arith.addi %add3A_2645, %select_n3A_2655 : vector<16xi32>
      %add3A_2657 = arith.constant 9 : i32
      %add3A_2658 = vector.broadcast %add3A_2657 : i32 to vector<16xi32>
      %add3A_2659 = arith.addi %mul3A_2555, %add3A_2658 : vector<16xi32>
      %gather3A_2660 = tpu.vector_load_idx %arg24[%add3A_2552, %add3A_2659] : memref<128x128xf32, #tpu.memory_space<vmem>>[vector<16xi32>, vector<16xi32>], vector<16xf32>,
      %lt3A_2661 = arith.cmpf olt, %gather3A_2660, %get3A_837 : vector<16xf32>
      %jit3A_2662 = arith.constant 1 : i32
      %jit3A_2663 = arith.constant 0 : i32
      %broadcast_in_dim3A_2664 = vector.broadcast %jit3A_2662 : i32 to vector<16xi32>
      %broadcast_in_dim3A_2665 = vector.broadcast %jit3A_2663 : i32 to vector<16xi32>
      %select_n3A_2666 = arith.select %lt3A_2661, %broadcast_in_dim3A_2664, %broadcast_in_dim3A_2665 : vector<16xi1>, vector<16xi32>
      %add3A_2667 = arith.addi %add3A_2656, %select_n3A_2666 : vector<16xi32>
      %add3A_2668 = arith.constant 10 : i32
      %add3A_2669 = vector.broadcast %add3A_2668 : i32 to vector<16xi32>
      %add3A_2670 = arith.addi %mul3A_2555, %add3A_2669 : vector<16xi32>
      %gather3A_2671 = tpu.vector_load_idx %arg24[%add3A_2552, %add3A_2670] : memref<128x128xf32, #tpu.memory_space<vmem>>[vector<16xi32>, vector<16xi32>], vector<16xf32>,
      %lt3A_2672 = arith.cmpf olt, %gather3A_2671, %get3A_837 : vector<16xf32>
      %jit3A_2673 = arith.constant 1 : i32
      %jit3A_2674 = arith.constant 0 : i32
      %broadcast_in_dim3A_2675 = vector.broadcast %jit3A_2673 : i32 to vector<16xi32>
      %broadcast_in_dim3A_2676 = vector.broadcast %jit3A_2674 : i32 to vector<16xi32>
      %select_n3A_2677 = arith.select %lt3A_2672, %broadcast_in_dim3A_2675, %broadcast_in_dim3A_2676 : vector<16xi1>, vector<16xi32>
      %add3A_2678 = arith.addi %add3A_2667, %select_n3A_2677 : vector<16xi32>
      %add3A_2679 = arith.constant 11 : i32
      %add3A_2680 = vector.broadcast %add3A_2679 : i32 to vector<16xi32>
      %add3A_2681 = arith.addi %mul3A_2555, %add3A_2680 : vector<16xi32>
      %gather3A_2682 = tpu.vector_load_idx %arg24[%add3A_2552, %add3A_2681] : memref<128x128xf32, #tpu.memory_space<vmem>>[vector<16xi32>, vector<16xi32>], vector<16xf32>,
      %lt3A_2683 = arith.cmpf olt, %gather3A_2682, %get3A_837 : vector<16xf32>
      %jit3A_2684 = arith.constant 1 : i32
      %jit3A_2685 = arith.constant 0 : i32
      %broadcast_in_dim3A_2686 = vector.broadcast %jit3A_2684 : i32 to vector<16xi32>
      %broadcast_in_dim3A_2687 = vector.broadcast %jit3A_2685 : i32 to vector<16xi32>
      %select_n3A_2688 = arith.select %lt3A_2683, %broadcast_in_dim3A_2686, %broadcast_in_dim3A_2687 : vector<16xi1>, vector<16xi32>
      %add3A_2689 = arith.addi %add3A_2678, %select_n3A_2688 : vector<16xi32>
      %add3A_2690 = arith.constant 12 : i32
      %add3A_2691 = vector.broadcast %add3A_2690 : i32 to vector<16xi32>
      %add3A_2692 = arith.addi %mul3A_2555, %add3A_2691 : vector<16xi32>
      %gather3A_2693 = tpu.vector_load_idx %arg24[%add3A_2552, %add3A_2692] : memref<128x128xf32, #tpu.memory_space<vmem>>[vector<16xi32>, vector<16xi32>], vector<16xf32>,
      %lt3A_2694 = arith.cmpf olt, %gather3A_2693, %get3A_837 : vector<16xf32>
      %jit3A_2695 = arith.constant 1 : i32
      %jit3A_2696 = arith.constant 0 : i32
      %broadcast_in_dim3A_2697 = vector.broadcast %jit3A_2695 : i32 to vector<16xi32>
      %broadcast_in_dim3A_2698 = vector.broadcast %jit3A_2696 : i32 to vector<16xi32>
      %select_n3A_2699 = arith.select %lt3A_2694, %broadcast_in_dim3A_2697, %broadcast_in_dim3A_2698 : vector<16xi1>, vector<16xi32>
      %add3A_2700 = arith.addi %add3A_2689, %select_n3A_2699 : vector<16xi32>
      %add3A_2701 = arith.constant 13 : i32
      %add3A_2702 = vector.broadcast %add3A_2701 : i32 to vector<16xi32>
      %add3A_2703 = arith.addi %mul3A_2555, %add3A_2702 : vector<16xi32>
      %gather3A_2704 = tpu.vector_load_idx %arg24[%add3A_2552, %add3A_2703] : memref<128x128xf32, #tpu.memory_space<vmem>>[vector<16xi32>, vector<16xi32>], vector<16xf32>,
      %lt3A_2705 = arith.cmpf olt, %gather3A_2704, %get3A_837 : vector<16xf32>
      %jit3A_2706 = arith.constant 1 : i32
      %jit3A_2707 = arith.constant 0 : i32
      %broadcast_in_dim3A_2708 = vector.broadcast %jit3A_2706 : i32 to vector<16xi32>
      %broadcast_in_dim3A_2709 = vector.broadcast %jit3A_2707 : i32 to vector<16xi32>
      %select_n3A_2710 = arith.select %lt3A_2705, %broadcast_in_dim3A_2708, %broadcast_in_dim3A_2709 : vector<16xi1>, vector<16xi32>
      %add3A_2711 = arith.addi %add3A_2700, %select_n3A_2710 : vector<16xi32>
      %add3A_2712 = arith.constant 14 : i32
      %add3A_2713 = vector.broadcast %add3A_2712 : i32 to vector<16xi32>
      %add3A_2714 = arith.addi %mul3A_2555, %add3A_2713 : vector<16xi32>
      %gather3A_2715 = tpu.vector_load_idx %arg24[%add3A_2552, %add3A_2714] : memref<128x128xf32, #tpu.memory_space<vmem>>[vector<16xi32>, vector<16xi32>], vector<16xf32>,
      %lt3A_2716 = arith.cmpf olt, %gather3A_2715, %get3A_837 : vector<16xf32>
      %jit3A_2717 = arith.constant 1 : i32
      %jit3A_2718 = arith.constant 0 : i32
      %broadcast_in_dim3A_2719 = vector.broadcast %jit3A_2717 : i32 to vector<16xi32>
      %broadcast_in_dim3A_2720 = vector.broadcast %jit3A_2718 : i32 to vector<16xi32>
      %select_n3A_2721 = arith.select %lt3A_2716, %broadcast_in_dim3A_2719, %broadcast_in_dim3A_2720 : vector<16xi1>, vector<16xi32>
      %add3A_2722 = arith.addi %add3A_2711, %select_n3A_2721 : vector<16xi32>
      %add3A_2723 = arith.constant 15 : i32
      %add3A_2724 = vector.broadcast %add3A_2723 : i32 to vector<16xi32>
      %add3A_2725 = arith.addi %mul3A_2555, %add3A_2724 : vector<16xi32>
      %gather3A_2726 = tpu.vector_load_idx %arg24[%add3A_2552, %add3A_2725] : memref<128x128xf32, #tpu.memory_space<vmem>>[vector<16xi32>, vector<16xi32>], vector<16xf32>,
      %lt3A_2727 = arith.cmpf olt, %gather3A_2726, %get3A_837 : vector<16xf32>
      %jit3A_2728 = arith.constant 1 : i32
      %jit3A_2729 = arith.constant 0 : i32
      %broadcast_in_dim3A_2730 = vector.broadcast %jit3A_2728 : i32 to vector<16xi32>
      %broadcast_in_dim3A_2731 = vector.broadcast %jit3A_2729 : i32 to vector<16xi32>
      %select_n3A_2732 = arith.select %lt3A_2727, %broadcast_in_dim3A_2730, %broadcast_in_dim3A_2731 : vector<16xi1>, vector<16xi32>
      %add3A_2733 = arith.addi %add3A_2722, %select_n3A_2732 : vector<16xi32>
      %mul3A_2734 = arith.constant 128 : i32
      %mul3A_2735 = vector.broadcast %mul3A_2734 : i32 to vector<16xi32>
      %mul3A_2736 = arith.muli %select_n3A_953, %mul3A_2735 : vector<16xi32>
      %mul3A_2737 = arith.constant 16 : i32
      %mul3A_2738 = vector.broadcast %mul3A_2737 : i32 to vector<16xi32>
      %mul3A_2739 = arith.muli %add3A_1038, %mul3A_2738 : vector<16xi32>
      %add3A_2740 = arith.addi %mul3A_2736, %mul3A_2739 : vector<16xi32>
      %add3A_2741 = arith.addi %add3A_2740, %add3A_2733 : vector<16xi32>
      %min3A_2742 = arith.constant 524287 : i32
      %min3A_2743 = vector.broadcast %min3A_2742 : i32 to vector<16xi32>
      %min3A_2744 = arith.minsi %add3A_2741, %min3A_2743 : vector<16xi32>
      %swap3A_2745 = arith.constant 64 : index
      %swap3A_2746 = tpu.vector_load %arg21[%swap3A_2745] {strides = array<i32>} : memref<128xi32, #tpu.memory_space<vmem>>, vector<16xi32>,
      tpu.vector_store %arg21[%swap3A_2745], %min3A_2744 {strides = array<i32>} : memref<128xi32, #tpu.memory_space<vmem>>, vector<16xi32>,
      %shift_right_logical3A_2747 = arith.constant 3 : i32
      %shift_right_logical3A_2748 = vector.broadcast %shift_right_logical3A_2747 : i32 to vector<16xi32>
      %shift_right_logical3A_2749 = arith.shrui %min3A_2744, %shift_right_logical3A_2748 : vector<16xi32>
      %swap3A_2750 = arith.constant 64 : index
      %swap3A_2751 = tpu.vector_load %arg22[%swap3A_2750] {strides = array<i32>} : memref<128xi32, #tpu.memory_space<vmem>>, vector<16xi32>,
      tpu.vector_store %arg22[%swap3A_2750], %shift_right_logical3A_2749 {strides = array<i32>} : memref<128xi32, #tpu.memory_space<vmem>>, vector<16xi32>,
      %shift_right_logical3A_2752 = arith.constant 3 : i32
      %shift_right_logical3A_2753 = vector.broadcast %shift_right_logical3A_2752 : i32 to vector<16xi32>
      %shift_right_logical3A_2754 = arith.shrui %min3A_2744, %shift_right_logical3A_2753 : vector<16xi32>
      %swap3A_2755 = arith.constant 64 : index
      %swap3A_2756 = tpu.vector_load %arg18[%swap3A_2755] {strides = array<i32>} : memref<128xi32, #tpu.memory_space<vmem>>, vector<16xi32>,
      tpu.vector_store %arg18[%swap3A_2755], %shift_right_logical3A_2754 {strides = array<i32>} : memref<128xi32, #tpu.memory_space<vmem>>, vector<16xi32>,
      %shift_right_logical3A_2757 = arith.constant 2 : i32
      %shift_right_logical3A_2758 = vector.broadcast %shift_right_logical3A_2757 : i32 to vector<16xi32>
      %shift_right_logical3A_2759 = arith.shrui %min3A_2744, %shift_right_logical3A_2758 : vector<16xi32>
      %swap3A_2760 = arith.constant 64 : index
      %swap3A_2761 = tpu.vector_load %arg19[%swap3A_2760] {strides = array<i32>} : memref<128xi32, #tpu.memory_space<vmem>>, vector<16xi32>,
      tpu.vector_store %arg19[%swap3A_2760], %shift_right_logical3A_2759 {strides = array<i32>} : memref<128xi32, #tpu.memory_space<vmem>>, vector<16xi32>,
      %shift_right_logical3A_2762 = arith.constant 7 : i32
      %shift_right_logical3A_2763 = vector.broadcast %shift_right_logical3A_2762 : i32 to vector<16xi32>
      %shift_right_logical3A_2764 = arith.shrui %min3A_2744, %shift_right_logical3A_2763 : vector<16xi32>
      %swap3A_2765 = arith.constant 64 : index
      %swap3A_2766 = tpu.vector_load %arg20[%swap3A_2765] {strides = array<i32>} : memref<128xi32, #tpu.memory_space<vmem>>, vector<16xi32>,
      tpu.vector_store %arg20[%swap3A_2765], %shift_right_logical3A_2764 {strides = array<i32>} : memref<128xi32, #tpu.memory_space<vmem>>, vector<16xi32>,
      %and3A_2767 = arith.constant 127 : i32
      %and3A_2768 = vector.broadcast %and3A_2767 : i32 to vector<16xi32>
      %and3A_2769 = arith.andi %min3A_2744, %and3A_2768 : vector<16xi32>
      %add3A_2770 = arith.constant 80 : i32
      %add3A_2771 = vector.broadcast %add3A_2770 : i32 to vector<16xi32>
      %add3A_2772 = arith.addi %add3A_2771, %iota3A : vector<16xi32>
      %mul3A_2773 = arith.constant 16 : i32
      %mul3A_2774 = vector.broadcast %mul3A_2773 : i32 to vector<16xi32>
      %mul3A_2775 = arith.muli %min3A_1251, %mul3A_2774 : vector<16xi32>
      %broadcast_in_dim3A_2776 = arith.constant 0 : i32
      %broadcast_in_dim3A_2777 = vector.broadcast %broadcast_in_dim3A_2776 : i32 to vector<16xi32>
      %add3A_2778 = arith.constant 0 : i32
      %add3A_2779 = vector.broadcast %add3A_2778 : i32 to vector<16xi32>
      %add3A_2780 = arith.addi %mul3A_2775, %add3A_2779 : vector<16xi32>
      %gather3A_2781 = tpu.vector_load_idx %arg24[%add3A_2772, %add3A_2780] : memref<128x128xf32, #tpu.memory_space<vmem>>[vector<16xi32>, vector<16xi32>], vector<16xf32>,
      %lt3A_2782 = arith.cmpf olt, %gather3A_2781, %get3A_1045 : vector<16xf32>
      %jit3A_2783 = arith.constant 1 : i32
      %jit3A_2784 = arith.constant 0 : i32
      %broadcast_in_dim3A_2785 = vector.broadcast %jit3A_2783 : i32 to vector<16xi32>
      %broadcast_in_dim3A_2786 = vector.broadcast %jit3A_2784 : i32 to vector<16xi32>
      %select_n3A_2787 = arith.select %lt3A_2782, %broadcast_in_dim3A_2785, %broadcast_in_dim3A_2786 : vector<16xi1>, vector<16xi32>
      %add3A_2788 = arith.addi %broadcast_in_dim3A_2777, %select_n3A_2787 : vector<16xi32>
      %add3A_2789 = arith.constant 1 : i32
      %add3A_2790 = vector.broadcast %add3A_2789 : i32 to vector<16xi32>
      %add3A_2791 = arith.addi %mul3A_2775, %add3A_2790 : vector<16xi32>
      %gather3A_2792 = tpu.vector_load_idx %arg24[%add3A_2772, %add3A_2791] : memref<128x128xf32, #tpu.memory_space<vmem>>[vector<16xi32>, vector<16xi32>], vector<16xf32>,
      %lt3A_2793 = arith.cmpf olt, %gather3A_2792, %get3A_1045 : vector<16xf32>
      %jit3A_2794 = arith.constant 1 : i32
      %jit3A_2795 = arith.constant 0 : i32
      %broadcast_in_dim3A_2796 = vector.broadcast %jit3A_2794 : i32 to vector<16xi32>
      %broadcast_in_dim3A_2797 = vector.broadcast %jit3A_2795 : i32 to vector<16xi32>
      %select_n3A_2798 = arith.select %lt3A_2793, %broadcast_in_dim3A_2796, %broadcast_in_dim3A_2797 : vector<16xi1>, vector<16xi32>
      %add3A_2799 = arith.addi %add3A_2788, %select_n3A_2798 : vector<16xi32>
      %add3A_2800 = arith.constant 2 : i32
      %add3A_2801 = vector.broadcast %add3A_2800 : i32 to vector<16xi32>
      %add3A_2802 = arith.addi %mul3A_2775, %add3A_2801 : vector<16xi32>
      %gather3A_2803 = tpu.vector_load_idx %arg24[%add3A_2772, %add3A_2802] : memref<128x128xf32, #tpu.memory_space<vmem>>[vector<16xi32>, vector<16xi32>], vector<16xf32>,
      %lt3A_2804 = arith.cmpf olt, %gather3A_2803, %get3A_1045 : vector<16xf32>
      %jit3A_2805 = arith.constant 1 : i32
      %jit3A_2806 = arith.constant 0 : i32
      %broadcast_in_dim3A_2807 = vector.broadcast %jit3A_2805 : i32 to vector<16xi32>
      %broadcast_in_dim3A_2808 = vector.broadcast %jit3A_2806 : i32 to vector<16xi32>
      %select_n3A_2809 = arith.select %lt3A_2804, %broadcast_in_dim3A_2807, %broadcast_in_dim3A_2808 : vector<16xi1>, vector<16xi32>
      %add3A_2810 = arith.addi %add3A_2799, %select_n3A_2809 : vector<16xi32>
      %add3A_2811 = arith.constant 3 : i32
      %add3A_2812 = vector.broadcast %add3A_2811 : i32 to vector<16xi32>
      %add3A_2813 = arith.addi %mul3A_2775, %add3A_2812 : vector<16xi32>
      %gather3A_2814 = tpu.vector_load_idx %arg24[%add3A_2772, %add3A_2813] : memref<128x128xf32, #tpu.memory_space<vmem>>[vector<16xi32>, vector<16xi32>], vector<16xf32>,
      %lt3A_2815 = arith.cmpf olt, %gather3A_2814, %get3A_1045 : vector<16xf32>
      %jit3A_2816 = arith.constant 1 : i32
      %jit3A_2817 = arith.constant 0 : i32
      %broadcast_in_dim3A_2818 = vector.broadcast %jit3A_2816 : i32 to vector<16xi32>
      %broadcast_in_dim3A_2819 = vector.broadcast %jit3A_2817 : i32 to vector<16xi32>
      %select_n3A_2820 = arith.select %lt3A_2815, %broadcast_in_dim3A_2818, %broadcast_in_dim3A_2819 : vector<16xi1>, vector<16xi32>
      %add3A_2821 = arith.addi %add3A_2810, %select_n3A_2820 : vector<16xi32>
      %add3A_2822 = arith.constant 4 : i32
      %add3A_2823 = vector.broadcast %add3A_2822 : i32 to vector<16xi32>
      %add3A_2824 = arith.addi %mul3A_2775, %add3A_2823 : vector<16xi32>
      %gather3A_2825 = tpu.vector_load_idx %arg24[%add3A_2772, %add3A_2824] : memref<128x128xf32, #tpu.memory_space<vmem>>[vector<16xi32>, vector<16xi32>], vector<16xf32>,
      %lt3A_2826 = arith.cmpf olt, %gather3A_2825, %get3A_1045 : vector<16xf32>
      %jit3A_2827 = arith.constant 1 : i32
      %jit3A_2828 = arith.constant 0 : i32
      %broadcast_in_dim3A_2829 = vector.broadcast %jit3A_2827 : i32 to vector<16xi32>
      %broadcast_in_dim3A_2830 = vector.broadcast %jit3A_2828 : i32 to vector<16xi32>
      %select_n3A_2831 = arith.select %lt3A_2826, %broadcast_in_dim3A_2829, %broadcast_in_dim3A_2830 : vector<16xi1>, vector<16xi32>
      %add3A_2832 = arith.addi %add3A_2821, %select_n3A_2831 : vector<16xi32>
      %add3A_2833 = arith.constant 5 : i32
      %add3A_2834 = vector.broadcast %add3A_2833 : i32 to vector<16xi32>
      %add3A_2835 = arith.addi %mul3A_2775, %add3A_2834 : vector<16xi32>
      %gather3A_2836 = tpu.vector_load_idx %arg24[%add3A_2772, %add3A_2835] : memref<128x128xf32, #tpu.memory_space<vmem>>[vector<16xi32>, vector<16xi32>], vector<16xf32>,
      %lt3A_2837 = arith.cmpf olt, %gather3A_2836, %get3A_1045 : vector<16xf32>
      %jit3A_2838 = arith.constant 1 : i32
      %jit3A_2839 = arith.constant 0 : i32
      %broadcast_in_dim3A_2840 = vector.broadcast %jit3A_2838 : i32 to vector<16xi32>
      %broadcast_in_dim3A_2841 = vector.broadcast %jit3A_2839 : i32 to vector<16xi32>
      %select_n3A_2842 = arith.select %lt3A_2837, %broadcast_in_dim3A_2840, %broadcast_in_dim3A_2841 : vector<16xi1>, vector<16xi32>
      %add3A_2843 = arith.addi %add3A_2832, %select_n3A_2842 : vector<16xi32>
      %add3A_2844 = arith.constant 6 : i32
      %add3A_2845 = vector.broadcast %add3A_2844 : i32 to vector<16xi32>
      %add3A_2846 = arith.addi %mul3A_2775, %add3A_2845 : vector<16xi32>
      %gather3A_2847 = tpu.vector_load_idx %arg24[%add3A_2772, %add3A_2846] : memref<128x128xf32, #tpu.memory_space<vmem>>[vector<16xi32>, vector<16xi32>], vector<16xf32>,
      %lt3A_2848 = arith.cmpf olt, %gather3A_2847, %get3A_1045 : vector<16xf32>
      %jit3A_2849 = arith.constant 1 : i32
      %jit3A_2850 = arith.constant 0 : i32
      %broadcast_in_dim3A_2851 = vector.broadcast %jit3A_2849 : i32 to vector<16xi32>
      %broadcast_in_dim3A_2852 = vector.broadcast %jit3A_2850 : i32 to vector<16xi32>
      %select_n3A_2853 = arith.select %lt3A_2848, %broadcast_in_dim3A_2851, %broadcast_in_dim3A_2852 : vector<16xi1>, vector<16xi32>
      %add3A_2854 = arith.addi %add3A_2843, %select_n3A_2853 : vector<16xi32>
      %add3A_2855 = arith.constant 7 : i32
      %add3A_2856 = vector.broadcast %add3A_2855 : i32 to vector<16xi32>
      %add3A_2857 = arith.addi %mul3A_2775, %add3A_2856 : vector<16xi32>
      %gather3A_2858 = tpu.vector_load_idx %arg24[%add3A_2772, %add3A_2857] : memref<128x128xf32, #tpu.memory_space<vmem>>[vector<16xi32>, vector<16xi32>], vector<16xf32>,
      %lt3A_2859 = arith.cmpf olt, %gather3A_2858, %get3A_1045 : vector<16xf32>
      %jit3A_2860 = arith.constant 1 : i32
      %jit3A_2861 = arith.constant 0 : i32
      %broadcast_in_dim3A_2862 = vector.broadcast %jit3A_2860 : i32 to vector<16xi32>
      %broadcast_in_dim3A_2863 = vector.broadcast %jit3A_2861 : i32 to vector<16xi32>
      %select_n3A_2864 = arith.select %lt3A_2859, %broadcast_in_dim3A_2862, %broadcast_in_dim3A_2863 : vector<16xi1>, vector<16xi32>
      %add3A_2865 = arith.addi %add3A_2854, %select_n3A_2864 : vector<16xi32>
      %add3A_2866 = arith.constant 8 : i32
      %add3A_2867 = vector.broadcast %add3A_2866 : i32 to vector<16xi32>
      %add3A_2868 = arith.addi %mul3A_2775, %add3A_2867 : vector<16xi32>
      %gather3A_2869 = tpu.vector_load_idx %arg24[%add3A_2772, %add3A_2868] : memref<128x128xf32, #tpu.memory_space<vmem>>[vector<16xi32>, vector<16xi32>], vector<16xf32>,
      %lt3A_2870 = arith.cmpf olt, %gather3A_2869, %get3A_1045 : vector<16xf32>
      %jit3A_2871 = arith.constant 1 : i32
      %jit3A_2872 = arith.constant 0 : i32
      %broadcast_in_dim3A_2873 = vector.broadcast %jit3A_2871 : i32 to vector<16xi32>
      %broadcast_in_dim3A_2874 = vector.broadcast %jit3A_2872 : i32 to vector<16xi32>
      %select_n3A_2875 = arith.select %lt3A_2870, %broadcast_in_dim3A_2873, %broadcast_in_dim3A_2874 : vector<16xi1>, vector<16xi32>
      %add3A_2876 = arith.addi %add3A_2865, %select_n3A_2875 : vector<16xi32>
      %add3A_2877 = arith.constant 9 : i32
      %add3A_2878 = vector.broadcast %add3A_2877 : i32 to vector<16xi32>
      %add3A_2879 = arith.addi %mul3A_2775, %add3A_2878 : vector<16xi32>
      %gather3A_2880 = tpu.vector_load_idx %arg24[%add3A_2772, %add3A_2879] : memref<128x128xf32, #tpu.memory_space<vmem>>[vector<16xi32>, vector<16xi32>], vector<16xf32>,
      %lt3A_2881 = arith.cmpf olt, %gather3A_2880, %get3A_1045 : vector<16xf32>
      %jit3A_2882 = arith.constant 1 : i32
      %jit3A_2883 = arith.constant 0 : i32
      %broadcast_in_dim3A_2884 = vector.broadcast %jit3A_2882 : i32 to vector<16xi32>
      %broadcast_in_dim3A_2885 = vector.broadcast %jit3A_2883 : i32 to vector<16xi32>
      %select_n3A_2886 = arith.select %lt3A_2881, %broadcast_in_dim3A_2884, %broadcast_in_dim3A_2885 : vector<16xi1>, vector<16xi32>
      %add3A_2887 = arith.addi %add3A_2876, %select_n3A_2886 : vector<16xi32>
      %add3A_2888 = arith.constant 10 : i32
      %add3A_2889 = vector.broadcast %add3A_2888 : i32 to vector<16xi32>
      %add3A_2890 = arith.addi %mul3A_2775, %add3A_2889 : vector<16xi32>
      %gather3A_2891 = tpu.vector_load_idx %arg24[%add3A_2772, %add3A_2890] : memref<128x128xf32, #tpu.memory_space<vmem>>[vector<16xi32>, vector<16xi32>], vector<16xf32>,
      %lt3A_2892 = arith.cmpf olt, %gather3A_2891, %get3A_1045 : vector<16xf32>
      %jit3A_2893 = arith.constant 1 : i32
      %jit3A_2894 = arith.constant 0 : i32
      %broadcast_in_dim3A_2895 = vector.broadcast %jit3A_2893 : i32 to vector<16xi32>
      %broadcast_in_dim3A_2896 = vector.broadcast %jit3A_2894 : i32 to vector<16xi32>
      %select_n3A_2897 = arith.select %lt3A_2892, %broadcast_in_dim3A_2895, %broadcast_in_dim3A_2896 : vector<16xi1>, vector<16xi32>
      %add3A_2898 = arith.addi %add3A_2887, %select_n3A_2897 : vector<16xi32>
      %add3A_2899 = arith.constant 11 : i32
      %add3A_2900 = vector.broadcast %add3A_2899 : i32 to vector<16xi32>
      %add3A_2901 = arith.addi %mul3A_2775, %add3A_2900 : vector<16xi32>
      %gather3A_2902 = tpu.vector_load_idx %arg24[%add3A_2772, %add3A_2901] : memref<128x128xf32, #tpu.memory_space<vmem>>[vector<16xi32>, vector<16xi32>], vector<16xf32>,
      %lt3A_2903 = arith.cmpf olt, %gather3A_2902, %get3A_1045 : vector<16xf32>
      %jit3A_2904 = arith.constant 1 : i32
      %jit3A_2905 = arith.constant 0 : i32
      %broadcast_in_dim3A_2906 = vector.broadcast %jit3A_2904 : i32 to vector<16xi32>
      %broadcast_in_dim3A_2907 = vector.broadcast %jit3A_2905 : i32 to vector<16xi32>
      %select_n3A_2908 = arith.select %lt3A_2903, %broadcast_in_dim3A_2906, %broadcast_in_dim3A_2907 : vector<16xi1>, vector<16xi32>
      %add3A_2909 = arith.addi %add3A_2898, %select_n3A_2908 : vector<16xi32>
      %add3A_2910 = arith.constant 12 : i32
      %add3A_2911 = vector.broadcast %add3A_2910 : i32 to vector<16xi32>
      %add3A_2912 = arith.addi %mul3A_2775, %add3A_2911 : vector<16xi32>
      %gather3A_2913 = tpu.vector_load_idx %arg24[%add3A_2772, %add3A_2912] : memref<128x128xf32, #tpu.memory_space<vmem>>[vector<16xi32>, vector<16xi32>], vector<16xf32>,
      %lt3A_2914 = arith.cmpf olt, %gather3A_2913, %get3A_1045 : vector<16xf32>
      %jit3A_2915 = arith.constant 1 : i32
      %jit3A_2916 = arith.constant 0 : i32
      %broadcast_in_dim3A_2917 = vector.broadcast %jit3A_2915 : i32 to vector<16xi32>
      %broadcast_in_dim3A_2918 = vector.broadcast %jit3A_2916 : i32 to vector<16xi32>
      %select_n3A_2919 = arith.select %lt3A_2914, %broadcast_in_dim3A_2917, %broadcast_in_dim3A_2918 : vector<16xi1>, vector<16xi32>
      %add3A_2920 = arith.addi %add3A_2909, %select_n3A_2919 : vector<16xi32>
      %add3A_2921 = arith.constant 13 : i32
      %add3A_2922 = vector.broadcast %add3A_2921 : i32 to vector<16xi32>
      %add3A_2923 = arith.addi %mul3A_2775, %add3A_2922 : vector<16xi32>
      %gather3A_2924 = tpu.vector_load_idx %arg24[%add3A_2772, %add3A_2923] : memref<128x128xf32, #tpu.memory_space<vmem>>[vector<16xi32>, vector<16xi32>], vector<16xf32>,
      %lt3A_2925 = arith.cmpf olt, %gather3A_2924, %get3A_1045 : vector<16xf32>
      %jit3A_2926 = arith.constant 1 : i32
      %jit3A_2927 = arith.constant 0 : i32
      %broadcast_in_dim3A_2928 = vector.broadcast %jit3A_2926 : i32 to vector<16xi32>
      %broadcast_in_dim3A_2929 = vector.broadcast %jit3A_2927 : i32 to vector<16xi32>
      %select_n3A_2930 = arith.select %lt3A_2925, %broadcast_in_dim3A_2928, %broadcast_in_dim3A_2929 : vector<16xi1>, vector<16xi32>
      %add3A_2931 = arith.addi %add3A_2920, %select_n3A_2930 : vector<16xi32>
      %add3A_2932 = arith.constant 14 : i32
      %add3A_2933 = vector.broadcast %add3A_2932 : i32 to vector<16xi32>
      %add3A_2934 = arith.addi %mul3A_2775, %add3A_2933 : vector<16xi32>
      %gather3A_2935 = tpu.vector_load_idx %arg24[%add3A_2772, %add3A_2934] : memref<128x128xf32, #tpu.memory_space<vmem>>[vector<16xi32>, vector<16xi32>], vector<16xf32>,
      %lt3A_2936 = arith.cmpf olt, %gather3A_2935, %get3A_1045 : vector<16xf32>
      %jit3A_2937 = arith.constant 1 : i32
      %jit3A_2938 = arith.constant 0 : i32
      %broadcast_in_dim3A_2939 = vector.broadcast %jit3A_2937 : i32 to vector<16xi32>
      %broadcast_in_dim3A_2940 = vector.broadcast %jit3A_2938 : i32 to vector<16xi32>
      %select_n3A_2941 = arith.select %lt3A_2936, %broadcast_in_dim3A_2939, %broadcast_in_dim3A_2940 : vector<16xi1>, vector<16xi32>
      %add3A_2942 = arith.addi %add3A_2931, %select_n3A_2941 : vector<16xi32>
      %add3A_2943 = arith.constant 15 : i32
      %add3A_2944 = vector.broadcast %add3A_2943 : i32 to vector<16xi32>
      %add3A_2945 = arith.addi %mul3A_2775, %add3A_2944 : vector<16xi32>
      %gather3A_2946 = tpu.vector_load_idx %arg24[%add3A_2772, %add3A_2945] : memref<128x128xf32, #tpu.memory_space<vmem>>[vector<16xi32>, vector<16xi32>], vector<16xf32>,
      %lt3A_2947 = arith.cmpf olt, %gather3A_2946, %get3A_1045 : vector<16xf32>
      %jit3A_2948 = arith.constant 1 : i32
      %jit3A_2949 = arith.constant 0 : i32
      %broadcast_in_dim3A_2950 = vector.broadcast %jit3A_2948 : i32 to vector<16xi32>
      %broadcast_in_dim3A_2951 = vector.broadcast %jit3A_2949 : i32 to vector<16xi32>
      %select_n3A_2952 = arith.select %lt3A_2947, %broadcast_in_dim3A_2950, %broadcast_in_dim3A_2951 : vector<16xi1>, vector<16xi32>
      %add3A_2953 = arith.addi %add3A_2942, %select_n3A_2952 : vector<16xi32>
      %mul3A_2954 = arith.constant 128 : i32
      %mul3A_2955 = vector.broadcast %mul3A_2954 : i32 to vector<16xi32>
      %mul3A_2956 = arith.muli %select_n3A_1161, %mul3A_2955 : vector<16xi32>
      %mul3A_2957 = arith.constant 16 : i32
      %mul3A_2958 = vector.broadcast %mul3A_2957 : i32 to vector<16xi32>
      %mul3A_2959 = arith.muli %add3A_1246, %mul3A_2958 : vector<16xi32>
      %add3A_2960 = arith.addi %mul3A_2956, %mul3A_2959 : vector<16xi32>
      %add3A_2961 = arith.addi %add3A_2960, %add3A_2953 : vector<16xi32>
      %min3A_2962 = arith.constant 524287 : i32
      %min3A_2963 = vector.broadcast %min3A_2962 : i32 to vector<16xi32>
      %min3A_2964 = arith.minsi %add3A_2961, %min3A_2963 : vector<16xi32>
      %swap3A_2965 = arith.constant 80 : index
      %swap3A_2966 = tpu.vector_load %arg21[%swap3A_2965] {strides = array<i32>} : memref<128xi32, #tpu.memory_space<vmem>>, vector<16xi32>,
      tpu.vector_store %arg21[%swap3A_2965], %min3A_2964 {strides = array<i32>} : memref<128xi32, #tpu.memory_space<vmem>>, vector<16xi32>,
      %shift_right_logical3A_2967 = arith.constant 3 : i32
      %shift_right_logical3A_2968 = vector.broadcast %shift_right_logical3A_2967 : i32 to vector<16xi32>
      %shift_right_logical3A_2969 = arith.shrui %min3A_2964, %shift_right_logical3A_2968 : vector<16xi32>
      %swap3A_2970 = arith.constant 80 : index
      %swap3A_2971 = tpu.vector_load %arg22[%swap3A_2970] {strides = array<i32>} : memref<128xi32, #tpu.memory_space<vmem>>, vector<16xi32>,
      tpu.vector_store %arg22[%swap3A_2970], %shift_right_logical3A_2969 {strides = array<i32>} : memref<128xi32, #tpu.memory_space<vmem>>, vector<16xi32>,
      %shift_right_logical3A_2972 = arith.constant 3 : i32
      %shift_right_logical3A_2973 = vector.broadcast %shift_right_logical3A_2972 : i32 to vector<16xi32>
      %shift_right_logical3A_2974 = arith.shrui %min3A_2964, %shift_right_logical3A_2973 : vector<16xi32>
      %swap3A_2975 = arith.constant 80 : index
      %swap3A_2976 = tpu.vector_load %arg18[%swap3A_2975] {strides = array<i32>} : memref<128xi32, #tpu.memory_space<vmem>>, vector<16xi32>,
      tpu.vector_store %arg18[%swap3A_2975], %shift_right_logical3A_2974 {strides = array<i32>} : memref<128xi32, #tpu.memory_space<vmem>>, vector<16xi32>,
      %shift_right_logical3A_2977 = arith.constant 2 : i32
      %shift_right_logical3A_2978 = vector.broadcast %shift_right_logical3A_2977 : i32 to vector<16xi32>
      %shift_right_logical3A_2979 = arith.shrui %min3A_2964, %shift_right_logical3A_2978 : vector<16xi32>
      %swap3A_2980 = arith.constant 80 : index
      %swap3A_2981 = tpu.vector_load %arg19[%swap3A_2980] {strides = array<i32>} : memref<128xi32, #tpu.memory_space<vmem>>, vector<16xi32>,
      tpu.vector_store %arg19[%swap3A_2980], %shift_right_logical3A_2979 {strides = array<i32>} : memref<128xi32, #tpu.memory_space<vmem>>, vector<16xi32>,
      %shift_right_logical3A_2982 = arith.constant 7 : i32
      %shift_right_logical3A_2983 = vector.broadcast %shift_right_logical3A_2982 : i32 to vector<16xi32>
      %shift_right_logical3A_2984 = arith.shrui %min3A_2964, %shift_right_logical3A_2983 : vector<16xi32>
      %swap3A_2985 = arith.constant 80 : index
      %swap3A_2986 = tpu.vector_load %arg20[%swap3A_2985] {strides = array<i32>} : memref<128xi32, #tpu.memory_space<vmem>>, vector<16xi32>,
      tpu.vector_store %arg20[%swap3A_2985], %shift_right_logical3A_2984 {strides = array<i32>} : memref<128xi32, #tpu.memory_space<vmem>>, vector<16xi32>,
      %and3A_2987 = arith.constant 127 : i32
      %and3A_2988 = vector.broadcast %and3A_2987 : i32 to vector<16xi32>
      %and3A_2989 = arith.andi %min3A_2964, %and3A_2988 : vector<16xi32>
      %add3A_2990 = arith.constant 96 : i32
      %add3A_2991 = vector.broadcast %add3A_2990 : i32 to vector<16xi32>
      %add3A_2992 = arith.addi %add3A_2991, %iota3A : vector<16xi32>
      %mul3A_2993 = arith.constant 16 : i32
      %mul3A_2994 = vector.broadcast %mul3A_2993 : i32 to vector<16xi32>
      %mul3A_2995 = arith.muli %min3A_1459, %mul3A_2994 : vector<16xi32>
      %broadcast_in_dim3A_2996 = arith.constant 0 : i32
      %broadcast_in_dim3A_2997 = vector.broadcast %broadcast_in_dim3A_2996 : i32 to vector<16xi32>
      %add3A_2998 = arith.constant 0 : i32
      %add3A_2999 = vector.broadcast %add3A_2998 : i32 to vector<16xi32>
      %add3A_3000 = arith.addi %mul3A_2995, %add3A_2999 : vector<16xi32>
      %gather3A_3001 = tpu.vector_load_idx %arg24[%add3A_2992, %add3A_3000] : memref<128x128xf32, #tpu.memory_space<vmem>>[vector<16xi32>, vector<16xi32>], vector<16xf32>,
      %lt3A_3002 = arith.cmpf olt, %gather3A_3001, %get3A_1253 : vector<16xf32>
      %jit3A_3003 = arith.constant 1 : i32
      %jit3A_3004 = arith.constant 0 : i32
      %broadcast_in_dim3A_3005 = vector.broadcast %jit3A_3003 : i32 to vector<16xi32>
      %broadcast_in_dim3A_3006 = vector.broadcast %jit3A_3004 : i32 to vector<16xi32>
      %select_n3A_3007 = arith.select %lt3A_3002, %broadcast_in_dim3A_3005, %broadcast_in_dim3A_3006 : vector<16xi1>, vector<16xi32>
      %add3A_3008 = arith.addi %broadcast_in_dim3A_2997, %select_n3A_3007 : vector<16xi32>
      %add3A_3009 = arith.constant 1 : i32
      %add3A_3010 = vector.broadcast %add3A_3009 : i32 to vector<16xi32>
      %add3A_3011 = arith.addi %mul3A_2995, %add3A_3010 : vector<16xi32>
      %gather3A_3012 = tpu.vector_load_idx %arg24[%add3A_2992, %add3A_3011] : memref<128x128xf32, #tpu.memory_space<vmem>>[vector<16xi32>, vector<16xi32>], vector<16xf32>,
      %lt3A_3013 = arith.cmpf olt, %gather3A_3012, %get3A_1253 : vector<16xf32>
      %jit3A_3014 = arith.constant 1 : i32
      %jit3A_3015 = arith.constant 0 : i32
      %broadcast_in_dim3A_3016 = vector.broadcast %jit3A_3014 : i32 to vector<16xi32>
      %broadcast_in_dim3A_3017 = vector.broadcast %jit3A_3015 : i32 to vector<16xi32>
      %select_n3A_3018 = arith.select %lt3A_3013, %broadcast_in_dim3A_3016, %broadcast_in_dim3A_3017 : vector<16xi1>, vector<16xi32>
      %add3A_3019 = arith.addi %add3A_3008, %select_n3A_3018 : vector<16xi32>
      %add3A_3020 = arith.constant 2 : i32
      %add3A_3021 = vector.broadcast %add3A_3020 : i32 to vector<16xi32>
      %add3A_3022 = arith.addi %mul3A_2995, %add3A_3021 : vector<16xi32>
      %gather3A_3023 = tpu.vector_load_idx %arg24[%add3A_2992, %add3A_3022] : memref<128x128xf32, #tpu.memory_space<vmem>>[vector<16xi32>, vector<16xi32>], vector<16xf32>,
      %lt3A_3024 = arith.cmpf olt, %gather3A_3023, %get3A_1253 : vector<16xf32>
      %jit3A_3025 = arith.constant 1 : i32
      %jit3A_3026 = arith.constant 0 : i32
      %broadcast_in_dim3A_3027 = vector.broadcast %jit3A_3025 : i32 to vector<16xi32>
      %broadcast_in_dim3A_3028 = vector.broadcast %jit3A_3026 : i32 to vector<16xi32>
      %select_n3A_3029 = arith.select %lt3A_3024, %broadcast_in_dim3A_3027, %broadcast_in_dim3A_3028 : vector<16xi1>, vector<16xi32>
      %add3A_3030 = arith.addi %add3A_3019, %select_n3A_3029 : vector<16xi32>
      %add3A_3031 = arith.constant 3 : i32
      %add3A_3032 = vector.broadcast %add3A_3031 : i32 to vector<16xi32>
      %add3A_3033 = arith.addi %mul3A_2995, %add3A_3032 : vector<16xi32>
      %gather3A_3034 = tpu.vector_load_idx %arg24[%add3A_2992, %add3A_3033] : memref<128x128xf32, #tpu.memory_space<vmem>>[vector<16xi32>, vector<16xi32>], vector<16xf32>,
      %lt3A_3035 = arith.cmpf olt, %gather3A_3034, %get3A_1253 : vector<16xf32>
      %jit3A_3036 = arith.constant 1 : i32
      %jit3A_3037 = arith.constant 0 : i32
      %broadcast_in_dim3A_3038 = vector.broadcast %jit3A_3036 : i32 to vector<16xi32>
      %broadcast_in_dim3A_3039 = vector.broadcast %jit3A_3037 : i32 to vector<16xi32>
      %select_n3A_3040 = arith.select %lt3A_3035, %broadcast_in_dim3A_3038, %broadcast_in_dim3A_3039 : vector<16xi1>, vector<16xi32>
      %add3A_3041 = arith.addi %add3A_3030, %select_n3A_3040 : vector<16xi32>
      %add3A_3042 = arith.constant 4 : i32
      %add3A_3043 = vector.broadcast %add3A_3042 : i32 to vector<16xi32>
      %add3A_3044 = arith.addi %mul3A_2995, %add3A_3043 : vector<16xi32>
      %gather3A_3045 = tpu.vector_load_idx %arg24[%add3A_2992, %add3A_3044] : memref<128x128xf32, #tpu.memory_space<vmem>>[vector<16xi32>, vector<16xi32>], vector<16xf32>,
      %lt3A_3046 = arith.cmpf olt, %gather3A_3045, %get3A_1253 : vector<16xf32>
      %jit3A_3047 = arith.constant 1 : i32
      %jit3A_3048 = arith.constant 0 : i32
      %broadcast_in_dim3A_3049 = vector.broadcast %jit3A_3047 : i32 to vector<16xi32>
      %broadcast_in_dim3A_3050 = vector.broadcast %jit3A_3048 : i32 to vector<16xi32>
      %select_n3A_3051 = arith.select %lt3A_3046, %broadcast_in_dim3A_3049, %broadcast_in_dim3A_3050 : vector<16xi1>, vector<16xi32>
      %add3A_3052 = arith.addi %add3A_3041, %select_n3A_3051 : vector<16xi32>
      %add3A_3053 = arith.constant 5 : i32
      %add3A_3054 = vector.broadcast %add3A_3053 : i32 to vector<16xi32>
      %add3A_3055 = arith.addi %mul3A_2995, %add3A_3054 : vector<16xi32>
      %gather3A_3056 = tpu.vector_load_idx %arg24[%add3A_2992, %add3A_3055] : memref<128x128xf32, #tpu.memory_space<vmem>>[vector<16xi32>, vector<16xi32>], vector<16xf32>,
      %lt3A_3057 = arith.cmpf olt, %gather3A_3056, %get3A_1253 : vector<16xf32>
      %jit3A_3058 = arith.constant 1 : i32
      %jit3A_3059 = arith.constant 0 : i32
      %broadcast_in_dim3A_3060 = vector.broadcast %jit3A_3058 : i32 to vector<16xi32>
      %broadcast_in_dim3A_3061 = vector.broadcast %jit3A_3059 : i32 to vector<16xi32>
      %select_n3A_3062 = arith.select %lt3A_3057, %broadcast_in_dim3A_3060, %broadcast_in_dim3A_3061 : vector<16xi1>, vector<16xi32>
      %add3A_3063 = arith.addi %add3A_3052, %select_n3A_3062 : vector<16xi32>
      %add3A_3064 = arith.constant 6 : i32
      %add3A_3065 = vector.broadcast %add3A_3064 : i32 to vector<16xi32>
      %add3A_3066 = arith.addi %mul3A_2995, %add3A_3065 : vector<16xi32>
      %gather3A_3067 = tpu.vector_load_idx %arg24[%add3A_2992, %add3A_3066] : memref<128x128xf32, #tpu.memory_space<vmem>>[vector<16xi32>, vector<16xi32>], vector<16xf32>,
      %lt3A_3068 = arith.cmpf olt, %gather3A_3067, %get3A_1253 : vector<16xf32>
      %jit3A_3069 = arith.constant 1 : i32
      %jit3A_3070 = arith.constant 0 : i32
      %broadcast_in_dim3A_3071 = vector.broadcast %jit3A_3069 : i32 to vector<16xi32>
      %broadcast_in_dim3A_3072 = vector.broadcast %jit3A_3070 : i32 to vector<16xi32>
      %select_n3A_3073 = arith.select %lt3A_3068, %broadcast_in_dim3A_3071, %broadcast_in_dim3A_3072 : vector<16xi1>, vector<16xi32>
      %add3A_3074 = arith.addi %add3A_3063, %select_n3A_3073 : vector<16xi32>
      %add3A_3075 = arith.constant 7 : i32
      %add3A_3076 = vector.broadcast %add3A_3075 : i32 to vector<16xi32>
      %add3A_3077 = arith.addi %mul3A_2995, %add3A_3076 : vector<16xi32>
      %gather3A_3078 = tpu.vector_load_idx %arg24[%add3A_2992, %add3A_3077] : memref<128x128xf32, #tpu.memory_space<vmem>>[vector<16xi32>, vector<16xi32>], vector<16xf32>,
      %lt3A_3079 = arith.cmpf olt, %gather3A_3078, %get3A_1253 : vector<16xf32>
      %jit3A_3080 = arith.constant 1 : i32
      %jit3A_3081 = arith.constant 0 : i32
      %broadcast_in_dim3A_3082 = vector.broadcast %jit3A_3080 : i32 to vector<16xi32>
      %broadcast_in_dim3A_3083 = vector.broadcast %jit3A_3081 : i32 to vector<16xi32>
      %select_n3A_3084 = arith.select %lt3A_3079, %broadcast_in_dim3A_3082, %broadcast_in_dim3A_3083 : vector<16xi1>, vector<16xi32>
      %add3A_3085 = arith.addi %add3A_3074, %select_n3A_3084 : vector<16xi32>
      %add3A_3086 = arith.constant 8 : i32
      %add3A_3087 = vector.broadcast %add3A_3086 : i32 to vector<16xi32>
      %add3A_3088 = arith.addi %mul3A_2995, %add3A_3087 : vector<16xi32>
      %gather3A_3089 = tpu.vector_load_idx %arg24[%add3A_2992, %add3A_3088] : memref<128x128xf32, #tpu.memory_space<vmem>>[vector<16xi32>, vector<16xi32>], vector<16xf32>,
      %lt3A_3090 = arith.cmpf olt, %gather3A_3089, %get3A_1253 : vector<16xf32>
      %jit3A_3091 = arith.constant 1 : i32
      %jit3A_3092 = arith.constant 0 : i32
      %broadcast_in_dim3A_3093 = vector.broadcast %jit3A_3091 : i32 to vector<16xi32>
      %broadcast_in_dim3A_3094 = vector.broadcast %jit3A_3092 : i32 to vector<16xi32>
      %select_n3A_3095 = arith.select %lt3A_3090, %broadcast_in_dim3A_3093, %broadcast_in_dim3A_3094 : vector<16xi1>, vector<16xi32>
      %add3A_3096 = arith.addi %add3A_3085, %select_n3A_3095 : vector<16xi32>
      %add3A_3097 = arith.constant 9 : i32
      %add3A_3098 = vector.broadcast %add3A_3097 : i32 to vector<16xi32>
      %add3A_3099 = arith.addi %mul3A_2995, %add3A_3098 : vector<16xi32>
      %gather3A_3100 = tpu.vector_load_idx %arg24[%add3A_2992, %add3A_3099] : memref<128x128xf32, #tpu.memory_space<vmem>>[vector<16xi32>, vector<16xi32>], vector<16xf32>,
      %lt3A_3101 = arith.cmpf olt, %gather3A_3100, %get3A_1253 : vector<16xf32>
      %jit3A_3102 = arith.constant 1 : i32
      %jit3A_3103 = arith.constant 0 : i32
      %broadcast_in_dim3A_3104 = vector.broadcast %jit3A_3102 : i32 to vector<16xi32>
      %broadcast_in_dim3A_3105 = vector.broadcast %jit3A_3103 : i32 to vector<16xi32>
      %select_n3A_3106 = arith.select %lt3A_3101, %broadcast_in_dim3A_3104, %broadcast_in_dim3A_3105 : vector<16xi1>, vector<16xi32>
      %add3A_3107 = arith.addi %add3A_3096, %select_n3A_3106 : vector<16xi32>
      %add3A_3108 = arith.constant 10 : i32
      %add3A_3109 = vector.broadcast %add3A_3108 : i32 to vector<16xi32>
      %add3A_3110 = arith.addi %mul3A_2995, %add3A_3109 : vector<16xi32>
      %gather3A_3111 = tpu.vector_load_idx %arg24[%add3A_2992, %add3A_3110] : memref<128x128xf32, #tpu.memory_space<vmem>>[vector<16xi32>, vector<16xi32>], vector<16xf32>,
      %lt3A_3112 = arith.cmpf olt, %gather3A_3111, %get3A_1253 : vector<16xf32>
      %jit3A_3113 = arith.constant 1 : i32
      %jit3A_3114 = arith.constant 0 : i32
      %broadcast_in_dim3A_3115 = vector.broadcast %jit3A_3113 : i32 to vector<16xi32>
      %broadcast_in_dim3A_3116 = vector.broadcast %jit3A_3114 : i32 to vector<16xi32>
      %select_n3A_3117 = arith.select %lt3A_3112, %broadcast_in_dim3A_3115, %broadcast_in_dim3A_3116 : vector<16xi1>, vector<16xi32>
      %add3A_3118 = arith.addi %add3A_3107, %select_n3A_3117 : vector<16xi32>
      %add3A_3119 = arith.constant 11 : i32
      %add3A_3120 = vector.broadcast %add3A_3119 : i32 to vector<16xi32>
      %add3A_3121 = arith.addi %mul3A_2995, %add3A_3120 : vector<16xi32>
      %gather3A_3122 = tpu.vector_load_idx %arg24[%add3A_2992, %add3A_3121] : memref<128x128xf32, #tpu.memory_space<vmem>>[vector<16xi32>, vector<16xi32>], vector<16xf32>,
      %lt3A_3123 = arith.cmpf olt, %gather3A_3122, %get3A_1253 : vector<16xf32>
      %jit3A_3124 = arith.constant 1 : i32
      %jit3A_3125 = arith.constant 0 : i32
      %broadcast_in_dim3A_3126 = vector.broadcast %jit3A_3124 : i32 to vector<16xi32>
      %broadcast_in_dim3A_3127 = vector.broadcast %jit3A_3125 : i32 to vector<16xi32>
      %select_n3A_3128 = arith.select %lt3A_3123, %broadcast_in_dim3A_3126, %broadcast_in_dim3A_3127 : vector<16xi1>, vector<16xi32>
      %add3A_3129 = arith.addi %add3A_3118, %select_n3A_3128 : vector<16xi32>
      %add3A_3130 = arith.constant 12 : i32
      %add3A_3131 = vector.broadcast %add3A_3130 : i32 to vector<16xi32>
      %add3A_3132 = arith.addi %mul3A_2995, %add3A_3131 : vector<16xi32>
      %gather3A_3133 = tpu.vector_load_idx %arg24[%add3A_2992, %add3A_3132] : memref<128x128xf32, #tpu.memory_space<vmem>>[vector<16xi32>, vector<16xi32>], vector<16xf32>,
      %lt3A_3134 = arith.cmpf olt, %gather3A_3133, %get3A_1253 : vector<16xf32>
      %jit3A_3135 = arith.constant 1 : i32
      %jit3A_3136 = arith.constant 0 : i32
      %broadcast_in_dim3A_3137 = vector.broadcast %jit3A_3135 : i32 to vector<16xi32>
      %broadcast_in_dim3A_3138 = vector.broadcast %jit3A_3136 : i32 to vector<16xi32>
      %select_n3A_3139 = arith.select %lt3A_3134, %broadcast_in_dim3A_3137, %broadcast_in_dim3A_3138 : vector<16xi1>, vector<16xi32>
      %add3A_3140 = arith.addi %add3A_3129, %select_n3A_3139 : vector<16xi32>
      %add3A_3141 = arith.constant 13 : i32
      %add3A_3142 = vector.broadcast %add3A_3141 : i32 to vector<16xi32>
      %add3A_3143 = arith.addi %mul3A_2995, %add3A_3142 : vector<16xi32>
      %gather3A_3144 = tpu.vector_load_idx %arg24[%add3A_2992, %add3A_3143] : memref<128x128xf32, #tpu.memory_space<vmem>>[vector<16xi32>, vector<16xi32>], vector<16xf32>,
      %lt3A_3145 = arith.cmpf olt, %gather3A_3144, %get3A_1253 : vector<16xf32>
      %jit3A_3146 = arith.constant 1 : i32
      %jit3A_3147 = arith.constant 0 : i32
      %broadcast_in_dim3A_3148 = vector.broadcast %jit3A_3146 : i32 to vector<16xi32>
      %broadcast_in_dim3A_3149 = vector.broadcast %jit3A_3147 : i32 to vector<16xi32>
      %select_n3A_3150 = arith.select %lt3A_3145, %broadcast_in_dim3A_3148, %broadcast_in_dim3A_3149 : vector<16xi1>, vector<16xi32>
      %add3A_3151 = arith.addi %add3A_3140, %select_n3A_3150 : vector<16xi32>
      %add3A_3152 = arith.constant 14 : i32
      %add3A_3153 = vector.broadcast %add3A_3152 : i32 to vector<16xi32>
      %add3A_3154 = arith.addi %mul3A_2995, %add3A_3153 : vector<16xi32>
      %gather3A_3155 = tpu.vector_load_idx %arg24[%add3A_2992, %add3A_3154] : memref<128x128xf32, #tpu.memory_space<vmem>>[vector<16xi32>, vector<16xi32>], vector<16xf32>,
      %lt3A_3156 = arith.cmpf olt, %gather3A_3155, %get3A_1253 : vector<16xf32>
      %jit3A_3157 = arith.constant 1 : i32
      %jit3A_3158 = arith.constant 0 : i32
      %broadcast_in_dim3A_3159 = vector.broadcast %jit3A_3157 : i32 to vector<16xi32>
      %broadcast_in_dim3A_3160 = vector.broadcast %jit3A_3158 : i32 to vector<16xi32>
      %select_n3A_3161 = arith.select %lt3A_3156, %broadcast_in_dim3A_3159, %broadcast_in_dim3A_3160 : vector<16xi1>, vector<16xi32>
      %add3A_3162 = arith.addi %add3A_3151, %select_n3A_3161 : vector<16xi32>
      %add3A_3163 = arith.constant 15 : i32
      %add3A_3164 = vector.broadcast %add3A_3163 : i32 to vector<16xi32>
      %add3A_3165 = arith.addi %mul3A_2995, %add3A_3164 : vector<16xi32>
      %gather3A_3166 = tpu.vector_load_idx %arg24[%add3A_2992, %add3A_3165] : memref<128x128xf32, #tpu.memory_space<vmem>>[vector<16xi32>, vector<16xi32>], vector<16xf32>,
      %lt3A_3167 = arith.cmpf olt, %gather3A_3166, %get3A_1253 : vector<16xf32>
      %jit3A_3168 = arith.constant 1 : i32
      %jit3A_3169 = arith.constant 0 : i32
      %broadcast_in_dim3A_3170 = vector.broadcast %jit3A_3168 : i32 to vector<16xi32>
      %broadcast_in_dim3A_3171 = vector.broadcast %jit3A_3169 : i32 to vector<16xi32>
      %select_n3A_3172 = arith.select %lt3A_3167, %broadcast_in_dim3A_3170, %broadcast_in_dim3A_3171 : vector<16xi1>, vector<16xi32>
      %add3A_3173 = arith.addi %add3A_3162, %select_n3A_3172 : vector<16xi32>
      %mul3A_3174 = arith.constant 128 : i32
      %mul3A_3175 = vector.broadcast %mul3A_3174 : i32 to vector<16xi32>
      %mul3A_3176 = arith.muli %select_n3A_1369, %mul3A_3175 : vector<16xi32>
      %mul3A_3177 = arith.constant 16 : i32
      %mul3A_3178 = vector.broadcast %mul3A_3177 : i32 to vector<16xi32>
      %mul3A_3179 = arith.muli %add3A_1454, %mul3A_3178 : vector<16xi32>
      %add3A_3180 = arith.addi %mul3A_3176, %mul3A_3179 : vector<16xi32>
      %add3A_3181 = arith.addi %add3A_3180, %add3A_3173 : vector<16xi32>
      %min3A_3182 = arith.constant 524287 : i32
      %min3A_3183 = vector.broadcast %min3A_3182 : i32 to vector<16xi32>
      %min3A_3184 = arith.minsi %add3A_3181, %min3A_3183 : vector<16xi32>
      %swap3A_3185 = arith.constant 96 : index
      %swap3A_3186 = tpu.vector_load %arg21[%swap3A_3185] {strides = array<i32>} : memref<128xi32, #tpu.memory_space<vmem>>, vector<16xi32>,
      tpu.vector_store %arg21[%swap3A_3185], %min3A_3184 {strides = array<i32>} : memref<128xi32, #tpu.memory_space<vmem>>, vector<16xi32>,
      %shift_right_logical3A_3187 = arith.constant 3 : i32
      %shift_right_logical3A_3188 = vector.broadcast %shift_right_logical3A_3187 : i32 to vector<16xi32>
      %shift_right_logical3A_3189 = arith.shrui %min3A_3184, %shift_right_logical3A_3188 : vector<16xi32>
      %swap3A_3190 = arith.constant 96 : index
      %swap3A_3191 = tpu.vector_load %arg22[%swap3A_3190] {strides = array<i32>} : memref<128xi32, #tpu.memory_space<vmem>>, vector<16xi32>,
      tpu.vector_store %arg22[%swap3A_3190], %shift_right_logical3A_3189 {strides = array<i32>} : memref<128xi32, #tpu.memory_space<vmem>>, vector<16xi32>,
      %shift_right_logical3A_3192 = arith.constant 3 : i32
      %shift_right_logical3A_3193 = vector.broadcast %shift_right_logical3A_3192 : i32 to vector<16xi32>
      %shift_right_logical3A_3194 = arith.shrui %min3A_3184, %shift_right_logical3A_3193 : vector<16xi32>
      %swap3A_3195 = arith.constant 96 : index
      %swap3A_3196 = tpu.vector_load %arg18[%swap3A_3195] {strides = array<i32>} : memref<128xi32, #tpu.memory_space<vmem>>, vector<16xi32>,
      tpu.vector_store %arg18[%swap3A_3195], %shift_right_logical3A_3194 {strides = array<i32>} : memref<128xi32, #tpu.memory_space<vmem>>, vector<16xi32>,
      %shift_right_logical3A_3197 = arith.constant 2 : i32
      %shift_right_logical3A_3198 = vector.broadcast %shift_right_logical3A_3197 : i32 to vector<16xi32>
      %shift_right_logical3A_3199 = arith.shrui %min3A_3184, %shift_right_logical3A_3198 : vector<16xi32>
      %swap3A_3200 = arith.constant 96 : index
      %swap3A_3201 = tpu.vector_load %arg19[%swap3A_3200] {strides = array<i32>} : memref<128xi32, #tpu.memory_space<vmem>>, vector<16xi32>,
      tpu.vector_store %arg19[%swap3A_3200], %shift_right_logical3A_3199 {strides = array<i32>} : memref<128xi32, #tpu.memory_space<vmem>>, vector<16xi32>,
      %shift_right_logical3A_3202 = arith.constant 7 : i32
      %shift_right_logical3A_3203 = vector.broadcast %shift_right_logical3A_3202 : i32 to vector<16xi32>
      %shift_right_logical3A_3204 = arith.shrui %min3A_3184, %shift_right_logical3A_3203 : vector<16xi32>
      %swap3A_3205 = arith.constant 96 : index
      %swap3A_3206 = tpu.vector_load %arg20[%swap3A_3205] {strides = array<i32>} : memref<128xi32, #tpu.memory_space<vmem>>, vector<16xi32>,
      tpu.vector_store %arg20[%swap3A_3205], %shift_right_logical3A_3204 {strides = array<i32>} : memref<128xi32, #tpu.memory_space<vmem>>, vector<16xi32>,
      %and3A_3207 = arith.constant 127 : i32
      %and3A_3208 = vector.broadcast %and3A_3207 : i32 to vector<16xi32>
      %and3A_3209 = arith.andi %min3A_3184, %and3A_3208 : vector<16xi32>
      %add3A_3210 = arith.constant 112 : i32
      %add3A_3211 = vector.broadcast %add3A_3210 : i32 to vector<16xi32>
      %add3A_3212 = arith.addi %add3A_3211, %iota3A : vector<16xi32>
      %mul3A_3213 = arith.constant 16 : i32
      %mul3A_3214 = vector.broadcast %mul3A_3213 : i32 to vector<16xi32>
      %mul3A_3215 = arith.muli %min3A_1667, %mul3A_3214 : vector<16xi32>
      %broadcast_in_dim3A_3216 = arith.constant 0 : i32
      %broadcast_in_dim3A_3217 = vector.broadcast %broadcast_in_dim3A_3216 : i32 to vector<16xi32>
      %add3A_3218 = arith.constant 0 : i32
      %add3A_3219 = vector.broadcast %add3A_3218 : i32 to vector<16xi32>
      %add3A_3220 = arith.addi %mul3A_3215, %add3A_3219 : vector<16xi32>
      %gather3A_3221 = tpu.vector_load_idx %arg24[%add3A_3212, %add3A_3220] : memref<128x128xf32, #tpu.memory_space<vmem>>[vector<16xi32>, vector<16xi32>], vector<16xf32>,
      %lt3A_3222 = arith.cmpf olt, %gather3A_3221, %get3A_1461 : vector<16xf32>
      %jit3A_3223 = arith.constant 1 : i32
      %jit3A_3224 = arith.constant 0 : i32
      %broadcast_in_dim3A_3225 = vector.broadcast %jit3A_3223 : i32 to vector<16xi32>
      %broadcast_in_dim3A_3226 = vector.broadcast %jit3A_3224 : i32 to vector<16xi32>
      %select_n3A_3227 = arith.select %lt3A_3222, %broadcast_in_dim3A_3225, %broadcast_in_dim3A_3226 : vector<16xi1>, vector<16xi32>
      %add3A_3228 = arith.addi %broadcast_in_dim3A_3217, %select_n3A_3227 : vector<16xi32>
      %add3A_3229 = arith.constant 1 : i32
      %add3A_3230 = vector.broadcast %add3A_3229 : i32 to vector<16xi32>
      %add3A_3231 = arith.addi %mul3A_3215, %add3A_3230 : vector<16xi32>
      %gather3A_3232 = tpu.vector_load_idx %arg24[%add3A_3212, %add3A_3231] : memref<128x128xf32, #tpu.memory_space<vmem>>[vector<16xi32>, vector<16xi32>], vector<16xf32>,
      %lt3A_3233 = arith.cmpf olt, %gather3A_3232, %get3A_1461 : vector<16xf32>
      %jit3A_3234 = arith.constant 1 : i32
      %jit3A_3235 = arith.constant 0 : i32
      %broadcast_in_dim3A_3236 = vector.broadcast %jit3A_3234 : i32 to vector<16xi32>
      %broadcast_in_dim3A_3237 = vector.broadcast %jit3A_3235 : i32 to vector<16xi32>
      %select_n3A_3238 = arith.select %lt3A_3233, %broadcast_in_dim3A_3236, %broadcast_in_dim3A_3237 : vector<16xi1>, vector<16xi32>
      %add3A_3239 = arith.addi %add3A_3228, %select_n3A_3238 : vector<16xi32>
      %add3A_3240 = arith.constant 2 : i32
      %add3A_3241 = vector.broadcast %add3A_3240 : i32 to vector<16xi32>
      %add3A_3242 = arith.addi %mul3A_3215, %add3A_3241 : vector<16xi32>
      %gather3A_3243 = tpu.vector_load_idx %arg24[%add3A_3212, %add3A_3242] : memref<128x128xf32, #tpu.memory_space<vmem>>[vector<16xi32>, vector<16xi32>], vector<16xf32>,
      %lt3A_3244 = arith.cmpf olt, %gather3A_3243, %get3A_1461 : vector<16xf32>
      %jit3A_3245 = arith.constant 1 : i32
      %jit3A_3246 = arith.constant 0 : i32
      %broadcast_in_dim3A_3247 = vector.broadcast %jit3A_3245 : i32 to vector<16xi32>
      %broadcast_in_dim3A_3248 = vector.broadcast %jit3A_3246 : i32 to vector<16xi32>
      %select_n3A_3249 = arith.select %lt3A_3244, %broadcast_in_dim3A_3247, %broadcast_in_dim3A_3248 : vector<16xi1>, vector<16xi32>
      %add3A_3250 = arith.addi %add3A_3239, %select_n3A_3249 : vector<16xi32>
      %add3A_3251 = arith.constant 3 : i32
      %add3A_3252 = vector.broadcast %add3A_3251 : i32 to vector<16xi32>
      %add3A_3253 = arith.addi %mul3A_3215, %add3A_3252 : vector<16xi32>
      %gather3A_3254 = tpu.vector_load_idx %arg24[%add3A_3212, %add3A_3253] : memref<128x128xf32, #tpu.memory_space<vmem>>[vector<16xi32>, vector<16xi32>], vector<16xf32>,
      %lt3A_3255 = arith.cmpf olt, %gather3A_3254, %get3A_1461 : vector<16xf32>
      %jit3A_3256 = arith.constant 1 : i32
      %jit3A_3257 = arith.constant 0 : i32
      %broadcast_in_dim3A_3258 = vector.broadcast %jit3A_3256 : i32 to vector<16xi32>
      %broadcast_in_dim3A_3259 = vector.broadcast %jit3A_3257 : i32 to vector<16xi32>
      %select_n3A_3260 = arith.select %lt3A_3255, %broadcast_in_dim3A_3258, %broadcast_in_dim3A_3259 : vector<16xi1>, vector<16xi32>
      %add3A_3261 = arith.addi %add3A_3250, %select_n3A_3260 : vector<16xi32>
      %add3A_3262 = arith.constant 4 : i32
      %add3A_3263 = vector.broadcast %add3A_3262 : i32 to vector<16xi32>
      %add3A_3264 = arith.addi %mul3A_3215, %add3A_3263 : vector<16xi32>
      %gather3A_3265 = tpu.vector_load_idx %arg24[%add3A_3212, %add3A_3264] : memref<128x128xf32, #tpu.memory_space<vmem>>[vector<16xi32>, vector<16xi32>], vector<16xf32>,
      %lt3A_3266 = arith.cmpf olt, %gather3A_3265, %get3A_1461 : vector<16xf32>
      %jit3A_3267 = arith.constant 1 : i32
      %jit3A_3268 = arith.constant 0 : i32
      %broadcast_in_dim3A_3269 = vector.broadcast %jit3A_3267 : i32 to vector<16xi32>
      %broadcast_in_dim3A_3270 = vector.broadcast %jit3A_3268 : i32 to vector<16xi32>
      %select_n3A_3271 = arith.select %lt3A_3266, %broadcast_in_dim3A_3269, %broadcast_in_dim3A_3270 : vector<16xi1>, vector<16xi32>
      %add3A_3272 = arith.addi %add3A_3261, %select_n3A_3271 : vector<16xi32>
      %add3A_3273 = arith.constant 5 : i32
      %add3A_3274 = vector.broadcast %add3A_3273 : i32 to vector<16xi32>
      %add3A_3275 = arith.addi %mul3A_3215, %add3A_3274 : vector<16xi32>
      %gather3A_3276 = tpu.vector_load_idx %arg24[%add3A_3212, %add3A_3275] : memref<128x128xf32, #tpu.memory_space<vmem>>[vector<16xi32>, vector<16xi32>], vector<16xf32>,
      %lt3A_3277 = arith.cmpf olt, %gather3A_3276, %get3A_1461 : vector<16xf32>
      %jit3A_3278 = arith.constant 1 : i32
      %jit3A_3279 = arith.constant 0 : i32
      %broadcast_in_dim3A_3280 = vector.broadcast %jit3A_3278 : i32 to vector<16xi32>
      %broadcast_in_dim3A_3281 = vector.broadcast %jit3A_3279 : i32 to vector<16xi32>
      %select_n3A_3282 = arith.select %lt3A_3277, %broadcast_in_dim3A_3280, %broadcast_in_dim3A_3281 : vector<16xi1>, vector<16xi32>
      %add3A_3283 = arith.addi %add3A_3272, %select_n3A_3282 : vector<16xi32>
      %add3A_3284 = arith.constant 6 : i32
      %add3A_3285 = vector.broadcast %add3A_3284 : i32 to vector<16xi32>
      %add3A_3286 = arith.addi %mul3A_3215, %add3A_3285 : vector<16xi32>
      %gather3A_3287 = tpu.vector_load_idx %arg24[%add3A_3212, %add3A_3286] : memref<128x128xf32, #tpu.memory_space<vmem>>[vector<16xi32>, vector<16xi32>], vector<16xf32>,
      %lt3A_3288 = arith.cmpf olt, %gather3A_3287, %get3A_1461 : vector<16xf32>
      %jit3A_3289 = arith.constant 1 : i32
      %jit3A_3290 = arith.constant 0 : i32
      %broadcast_in_dim3A_3291 = vector.broadcast %jit3A_3289 : i32 to vector<16xi32>
      %broadcast_in_dim3A_3292 = vector.broadcast %jit3A_3290 : i32 to vector<16xi32>
      %select_n3A_3293 = arith.select %lt3A_3288, %broadcast_in_dim3A_3291, %broadcast_in_dim3A_3292 : vector<16xi1>, vector<16xi32>
      %add3A_3294 = arith.addi %add3A_3283, %select_n3A_3293 : vector<16xi32>
      %add3A_3295 = arith.constant 7 : i32
      %add3A_3296 = vector.broadcast %add3A_3295 : i32 to vector<16xi32>
      %add3A_3297 = arith.addi %mul3A_3215, %add3A_3296 : vector<16xi32>
      %gather3A_3298 = tpu.vector_load_idx %arg24[%add3A_3212, %add3A_3297] : memref<128x128xf32, #tpu.memory_space<vmem>>[vector<16xi32>, vector<16xi32>], vector<16xf32>,
      %lt3A_3299 = arith.cmpf olt, %gather3A_3298, %get3A_1461 : vector<16xf32>
      %jit3A_3300 = arith.constant 1 : i32
      %jit3A_3301 = arith.constant 0 : i32
      %broadcast_in_dim3A_3302 = vector.broadcast %jit3A_3300 : i32 to vector<16xi32>
      %broadcast_in_dim3A_3303 = vector.broadcast %jit3A_3301 : i32 to vector<16xi32>
      %select_n3A_3304 = arith.select %lt3A_3299, %broadcast_in_dim3A_3302, %broadcast_in_dim3A_3303 : vector<16xi1>, vector<16xi32>
      %add3A_3305 = arith.addi %add3A_3294, %select_n3A_3304 : vector<16xi32>
      %add3A_3306 = arith.constant 8 : i32
      %add3A_3307 = vector.broadcast %add3A_3306 : i32 to vector<16xi32>
      %add3A_3308 = arith.addi %mul3A_3215, %add3A_3307 : vector<16xi32>
      %gather3A_3309 = tpu.vector_load_idx %arg24[%add3A_3212, %add3A_3308] : memref<128x128xf32, #tpu.memory_space<vmem>>[vector<16xi32>, vector<16xi32>], vector<16xf32>,
      %lt3A_3310 = arith.cmpf olt, %gather3A_3309, %get3A_1461 : vector<16xf32>
      %jit3A_3311 = arith.constant 1 : i32
      %jit3A_3312 = arith.constant 0 : i32
      %broadcast_in_dim3A_3313 = vector.broadcast %jit3A_3311 : i32 to vector<16xi32>
      %broadcast_in_dim3A_3314 = vector.broadcast %jit3A_3312 : i32 to vector<16xi32>
      %select_n3A_3315 = arith.select %lt3A_3310, %broadcast_in_dim3A_3313, %broadcast_in_dim3A_3314 : vector<16xi1>, vector<16xi32>
      %add3A_3316 = arith.addi %add3A_3305, %select_n3A_3315 : vector<16xi32>
      %add3A_3317 = arith.constant 9 : i32
      %add3A_3318 = vector.broadcast %add3A_3317 : i32 to vector<16xi32>
      %add3A_3319 = arith.addi %mul3A_3215, %add3A_3318 : vector<16xi32>
      %gather3A_3320 = tpu.vector_load_idx %arg24[%add3A_3212, %add3A_3319] : memref<128x128xf32, #tpu.memory_space<vmem>>[vector<16xi32>, vector<16xi32>], vector<16xf32>,
      %lt3A_3321 = arith.cmpf olt, %gather3A_3320, %get3A_1461 : vector<16xf32>
      %jit3A_3322 = arith.constant 1 : i32
      %jit3A_3323 = arith.constant 0 : i32
      %broadcast_in_dim3A_3324 = vector.broadcast %jit3A_3322 : i32 to vector<16xi32>
      %broadcast_in_dim3A_3325 = vector.broadcast %jit3A_3323 : i32 to vector<16xi32>
      %select_n3A_3326 = arith.select %lt3A_3321, %broadcast_in_dim3A_3324, %broadcast_in_dim3A_3325 : vector<16xi1>, vector<16xi32>
      %add3A_3327 = arith.addi %add3A_3316, %select_n3A_3326 : vector<16xi32>
      %add3A_3328 = arith.constant 10 : i32
      %add3A_3329 = vector.broadcast %add3A_3328 : i32 to vector<16xi32>
      %add3A_3330 = arith.addi %mul3A_3215, %add3A_3329 : vector<16xi32>
      %gather3A_3331 = tpu.vector_load_idx %arg24[%add3A_3212, %add3A_3330] : memref<128x128xf32, #tpu.memory_space<vmem>>[vector<16xi32>, vector<16xi32>], vector<16xf32>,
      %lt3A_3332 = arith.cmpf olt, %gather3A_3331, %get3A_1461 : vector<16xf32>
      %jit3A_3333 = arith.constant 1 : i32
      %jit3A_3334 = arith.constant 0 : i32
      %broadcast_in_dim3A_3335 = vector.broadcast %jit3A_3333 : i32 to vector<16xi32>
      %broadcast_in_dim3A_3336 = vector.broadcast %jit3A_3334 : i32 to vector<16xi32>
      %select_n3A_3337 = arith.select %lt3A_3332, %broadcast_in_dim3A_3335, %broadcast_in_dim3A_3336 : vector<16xi1>, vector<16xi32>
      %add3A_3338 = arith.addi %add3A_3327, %select_n3A_3337 : vector<16xi32>
      %add3A_3339 = arith.constant 11 : i32
      %add3A_3340 = vector.broadcast %add3A_3339 : i32 to vector<16xi32>
      %add3A_3341 = arith.addi %mul3A_3215, %add3A_3340 : vector<16xi32>
      %gather3A_3342 = tpu.vector_load_idx %arg24[%add3A_3212, %add3A_3341] : memref<128x128xf32, #tpu.memory_space<vmem>>[vector<16xi32>, vector<16xi32>], vector<16xf32>,
      %lt3A_3343 = arith.cmpf olt, %gather3A_3342, %get3A_1461 : vector<16xf32>
      %jit3A_3344 = arith.constant 1 : i32
      %jit3A_3345 = arith.constant 0 : i32
      %broadcast_in_dim3A_3346 = vector.broadcast %jit3A_3344 : i32 to vector<16xi32>
      %broadcast_in_dim3A_3347 = vector.broadcast %jit3A_3345 : i32 to vector<16xi32>
      %select_n3A_3348 = arith.select %lt3A_3343, %broadcast_in_dim3A_3346, %broadcast_in_dim3A_3347 : vector<16xi1>, vector<16xi32>
      %add3A_3349 = arith.addi %add3A_3338, %select_n3A_3348 : vector<16xi32>
      %add3A_3350 = arith.constant 12 : i32
      %add3A_3351 = vector.broadcast %add3A_3350 : i32 to vector<16xi32>
      %add3A_3352 = arith.addi %mul3A_3215, %add3A_3351 : vector<16xi32>
      %gather3A_3353 = tpu.vector_load_idx %arg24[%add3A_3212, %add3A_3352] : memref<128x128xf32, #tpu.memory_space<vmem>>[vector<16xi32>, vector<16xi32>], vector<16xf32>,
      %lt3A_3354 = arith.cmpf olt, %gather3A_3353, %get3A_1461 : vector<16xf32>
      %jit3A_3355 = arith.constant 1 : i32
      %jit3A_3356 = arith.constant 0 : i32
      %broadcast_in_dim3A_3357 = vector.broadcast %jit3A_3355 : i32 to vector<16xi32>
      %broadcast_in_dim3A_3358 = vector.broadcast %jit3A_3356 : i32 to vector<16xi32>
      %select_n3A_3359 = arith.select %lt3A_3354, %broadcast_in_dim3A_3357, %broadcast_in_dim3A_3358 : vector<16xi1>, vector<16xi32>
      %add3A_3360 = arith.addi %add3A_3349, %select_n3A_3359 : vector<16xi32>
      %add3A_3361 = arith.constant 13 : i32
      %add3A_3362 = vector.broadcast %add3A_3361 : i32 to vector<16xi32>
      %add3A_3363 = arith.addi %mul3A_3215, %add3A_3362 : vector<16xi32>
      %gather3A_3364 = tpu.vector_load_idx %arg24[%add3A_3212, %add3A_3363] : memref<128x128xf32, #tpu.memory_space<vmem>>[vector<16xi32>, vector<16xi32>], vector<16xf32>,
      %lt3A_3365 = arith.cmpf olt, %gather3A_3364, %get3A_1461 : vector<16xf32>
      %jit3A_3366 = arith.constant 1 : i32
      %jit3A_3367 = arith.constant 0 : i32
      %broadcast_in_dim3A_3368 = vector.broadcast %jit3A_3366 : i32 to vector<16xi32>
      %broadcast_in_dim3A_3369 = vector.broadcast %jit3A_3367 : i32 to vector<16xi32>
      %select_n3A_3370 = arith.select %lt3A_3365, %broadcast_in_dim3A_3368, %broadcast_in_dim3A_3369 : vector<16xi1>, vector<16xi32>
      %add3A_3371 = arith.addi %add3A_3360, %select_n3A_3370 : vector<16xi32>
      %add3A_3372 = arith.constant 14 : i32
      %add3A_3373 = vector.broadcast %add3A_3372 : i32 to vector<16xi32>
      %add3A_3374 = arith.addi %mul3A_3215, %add3A_3373 : vector<16xi32>
      %gather3A_3375 = tpu.vector_load_idx %arg24[%add3A_3212, %add3A_3374] : memref<128x128xf32, #tpu.memory_space<vmem>>[vector<16xi32>, vector<16xi32>], vector<16xf32>,
      %lt3A_3376 = arith.cmpf olt, %gather3A_3375, %get3A_1461 : vector<16xf32>
      %jit3A_3377 = arith.constant 1 : i32
      %jit3A_3378 = arith.constant 0 : i32
      %broadcast_in_dim3A_3379 = vector.broadcast %jit3A_3377 : i32 to vector<16xi32>
      %broadcast_in_dim3A_3380 = vector.broadcast %jit3A_3378 : i32 to vector<16xi32>
      %select_n3A_3381 = arith.select %lt3A_3376, %broadcast_in_dim3A_3379, %broadcast_in_dim3A_3380 : vector<16xi1>, vector<16xi32>
      %add3A_3382 = arith.addi %add3A_3371, %select_n3A_3381 : vector<16xi32>
      %add3A_3383 = arith.constant 15 : i32
      %add3A_3384 = vector.broadcast %add3A_3383 : i32 to vector<16xi32>
      %add3A_3385 = arith.addi %mul3A_3215, %add3A_3384 : vector<16xi32>
      %gather3A_3386 = tpu.vector_load_idx %arg24[%add3A_3212, %add3A_3385] : memref<128x128xf32, #tpu.memory_space<vmem>>[vector<16xi32>, vector<16xi32>], vector<16xf32>,
      %lt3A_3387 = arith.cmpf olt, %gather3A_3386, %get3A_1461 : vector<16xf32>
      %jit3A_3388 = arith.constant 1 : i32
      %jit3A_3389 = arith.constant 0 : i32
      %broadcast_in_dim3A_3390 = vector.broadcast %jit3A_3388 : i32 to vector<16xi32>
      %broadcast_in_dim3A_3391 = vector.broadcast %jit3A_3389 : i32 to vector<16xi32>
      %select_n3A_3392 = arith.select %lt3A_3387, %broadcast_in_dim3A_3390, %broadcast_in_dim3A_3391 : vector<16xi1>, vector<16xi32>
      %add3A_3393 = arith.addi %add3A_3382, %select_n3A_3392 : vector<16xi32>
      %mul3A_3394 = arith.constant 128 : i32
      %mul3A_3395 = vector.broadcast %mul3A_3394 : i32 to vector<16xi32>
      %mul3A_3396 = arith.muli %select_n3A_1577, %mul3A_3395 : vector<16xi32>
      %mul3A_3397 = arith.constant 16 : i32
      %mul3A_3398 = vector.broadcast %mul3A_3397 : i32 to vector<16xi32>
      %mul3A_3399 = arith.muli %add3A_1662, %mul3A_3398 : vector<16xi32>
      %add3A_3400 = arith.addi %mul3A_3396, %mul3A_3399 : vector<16xi32>
      %add3A_3401 = arith.addi %add3A_3400, %add3A_3393 : vector<16xi32>
      %min3A_3402 = arith.constant 524287 : i32
      %min3A_3403 = vector.broadcast %min3A_3402 : i32 to vector<16xi32>
      %min3A_3404 = arith.minsi %add3A_3401, %min3A_3403 : vector<16xi32>
      %swap3A_3405 = arith.constant 112 : index
      %swap3A_3406 = tpu.vector_load %arg21[%swap3A_3405] {strides = array<i32>} : memref<128xi32, #tpu.memory_space<vmem>>, vector<16xi32>,
      tpu.vector_store %arg21[%swap3A_3405], %min3A_3404 {strides = array<i32>} : memref<128xi32, #tpu.memory_space<vmem>>, vector<16xi32>,
      %shift_right_logical3A_3407 = arith.constant 3 : i32
      %shift_right_logical3A_3408 = vector.broadcast %shift_right_logical3A_3407 : i32 to vector<16xi32>
      %shift_right_logical3A_3409 = arith.shrui %min3A_3404, %shift_right_logical3A_3408 : vector<16xi32>
      %swap3A_3410 = arith.constant 112 : index
      %swap3A_3411 = tpu.vector_load %arg22[%swap3A_3410] {strides = array<i32>} : memref<128xi32, #tpu.memory_space<vmem>>, vector<16xi32>,
      tpu.vector_store %arg22[%swap3A_3410], %shift_right_logical3A_3409 {strides = array<i32>} : memref<128xi32, #tpu.memory_space<vmem>>, vector<16xi32>,
      %shift_right_logical3A_3412 = arith.constant 3 : i32
      %shift_right_logical3A_3413 = vector.broadcast %shift_right_logical3A_3412 : i32 to vector<16xi32>
      %shift_right_logical3A_3414 = arith.shrui %min3A_3404, %shift_right_logical3A_3413 : vector<16xi32>
      %swap3A_3415 = arith.constant 112 : index
      %swap3A_3416 = tpu.vector_load %arg18[%swap3A_3415] {strides = array<i32>} : memref<128xi32, #tpu.memory_space<vmem>>, vector<16xi32>,
      tpu.vector_store %arg18[%swap3A_3415], %shift_right_logical3A_3414 {strides = array<i32>} : memref<128xi32, #tpu.memory_space<vmem>>, vector<16xi32>,
      %shift_right_logical3A_3417 = arith.constant 2 : i32
      %shift_right_logical3A_3418 = vector.broadcast %shift_right_logical3A_3417 : i32 to vector<16xi32>
      %shift_right_logical3A_3419 = arith.shrui %min3A_3404, %shift_right_logical3A_3418 : vector<16xi32>
      %swap3A_3420 = arith.constant 112 : index
      %swap3A_3421 = tpu.vector_load %arg19[%swap3A_3420] {strides = array<i32>} : memref<128xi32, #tpu.memory_space<vmem>>, vector<16xi32>,
      tpu.vector_store %arg19[%swap3A_3420], %shift_right_logical3A_3419 {strides = array<i32>} : memref<128xi32, #tpu.memory_space<vmem>>, vector<16xi32>,
      %shift_right_logical3A_3422 = arith.constant 7 : i32
      %shift_right_logical3A_3423 = vector.broadcast %shift_right_logical3A_3422 : i32 to vector<16xi32>
      %shift_right_logical3A_3424 = arith.shrui %min3A_3404, %shift_right_logical3A_3423 : vector<16xi32>
      %swap3A_3425 = arith.constant 112 : index
      %swap3A_3426 = tpu.vector_load %arg20[%swap3A_3425] {strides = array<i32>} : memref<128xi32, #tpu.memory_space<vmem>>, vector<16xi32>,
      tpu.vector_store %arg20[%swap3A_3425], %shift_right_logical3A_3424 {strides = array<i32>} : memref<128xi32, #tpu.memory_space<vmem>>, vector<16xi32>,
      %and3A_3427 = arith.constant 127 : i32
      %and3A_3428 = vector.broadcast %and3A_3427 : i32 to vector<16xi32>
      %and3A_3429 = arith.andi %min3A_3404, %and3A_3428 : vector<16xi32>
      %dma_start3A_3430 = arith.constant 0 : i32
      %dma_start3A_3431 = arith.constant 0 : i32
      %dma_start3A_3432 = tpu.memref_slice %arg6[%dma_start3A_3430, %dma_start3A_3431] : memref<65536x128xf32, #tpu.memory_space<hbm>> -> memref<65536x128xf32, #tpu.memory_space<hbm>>
      tpu.enqueue_indirect_dma source(%dma_start3A_3432 : memref<65536x128xf32, #tpu.memory_space<hbm>>) target(%arg25 : memref<128x128xf32, #tpu.memory_space<vmem>>) offsets(%arg18 : memref<128xi32, #tpu.memory_space<vmem>>) semaphore(%arg29 : memref<!tpu.dma_semaphore, #tpu.memory_space<semaphore_mem>>)
      %dma_start3A_3433 = arith.constant 0 : i32
      %dma_start3A_3434 = arith.constant 0 : i32
      %dma_start3A_3435 = tpu.memref_slice %arg7[%dma_start3A_3433, %dma_start3A_3434] : memref<131072x128xf32, #tpu.memory_space<hbm>> -> memref<131072x128xf32, #tpu.memory_space<hbm>>
      tpu.enqueue_indirect_dma source(%dma_start3A_3435 : memref<131072x128xf32, #tpu.memory_space<hbm>>) target(%arg26 : memref<128x128xf32, #tpu.memory_space<vmem>>) offsets(%arg19 : memref<128xi32, #tpu.memory_space<vmem>>) semaphore(%arg30 : memref<!tpu.dma_semaphore, #tpu.memory_space<semaphore_mem>>)
      %dma_start3A_3436 = arith.constant 0 : i32
      %dma_start3A_3437 = arith.constant 0 : i32
      %dma_start3A_3438 = tpu.memref_slice %arg8[%dma_start3A_3436, %dma_start3A_3437] : memref<4096x128xf32, #tpu.memory_space<hbm>> -> memref<4096x128xf32, #tpu.memory_space<hbm>>
      tpu.enqueue_indirect_dma source(%dma_start3A_3438 : memref<4096x128xf32, #tpu.memory_space<hbm>>) target(%arg27 : memref<128x128xf32, #tpu.memory_space<vmem>>) offsets(%arg20 : memref<128xi32, #tpu.memory_space<vmem>>) semaphore(%arg31 : memref<!tpu.dma_semaphore, #tpu.memory_space<semaphore_mem>>)
      %dma_wait3A_3439 = arith.constant 0 : i32
      %dma_wait3A_3440 = arith.constant 0 : i32
      %dma_wait3A_3441 = tpu.memref_slice %arg6[%dma_wait3A_3439, %dma_wait3A_3440] : memref<65536x128xf32, #tpu.memory_space<hbm>> -> memref<65536x128xf32, #tpu.memory_space<hbm>>
      tpu.wait_indirect_dma semaphore(%arg29 : memref<!tpu.dma_semaphore, #tpu.memory_space<semaphore_mem>>) src(%dma_wait3A_3441 : memref<65536x128xf32, #tpu.memory_space<hbm>>) dst(%arg25 : memref<128x128xf32, #tpu.memory_space<vmem>>)
      %dma_wait3A_3442 = arith.constant 0 : i32
      %dma_wait3A_3443 = arith.constant 0 : i32
      %dma_wait3A_3444 = tpu.memref_slice %arg7[%dma_wait3A_3442, %dma_wait3A_3443] : memref<131072x128xf32, #tpu.memory_space<hbm>> -> memref<131072x128xf32, #tpu.memory_space<hbm>>
      tpu.wait_indirect_dma semaphore(%arg30 : memref<!tpu.dma_semaphore, #tpu.memory_space<semaphore_mem>>) src(%dma_wait3A_3444 : memref<131072x128xf32, #tpu.memory_space<hbm>>) dst(%arg26 : memref<128x128xf32, #tpu.memory_space<vmem>>)
      %dma_wait3A_3445 = arith.constant 0 : i32
      %dma_wait3A_3446 = arith.constant 0 : i32
      %dma_wait3A_3447 = tpu.memref_slice %arg8[%dma_wait3A_3445, %dma_wait3A_3446] : memref<4096x128xf32, #tpu.memory_space<hbm>> -> memref<4096x128xf32, #tpu.memory_space<hbm>>
      tpu.wait_indirect_dma semaphore(%arg31 : memref<!tpu.dma_semaphore, #tpu.memory_space<semaphore_mem>>) src(%dma_wait3A_3447 : memref<4096x128xf32, #tpu.memory_space<hbm>>) dst(%arg27 : memref<128x128xf32, #tpu.memory_space<vmem>>)
      %add3A_3448 = arith.constant 0 : i32
      %add3A_3449 = vector.broadcast %add3A_3448 : i32 to vector<16xi32>
      %add3A_3450 = arith.addi %add3A_3449, %iota3A : vector<16xi32>
      %gather3A_3451 = tpu.vector_load_idx %arg27[%add3A_3450, %and3A_1889] : memref<128x128xf32, #tpu.memory_space<vmem>>[vector<16xi32>, vector<16xi32>], vector<16xf32>,
      %swap3A_3452 = arith.constant 0 : index
      %swap3A_3453 = tpu.vector_load %arg23[%swap3A_3452] {strides = array<i32>} : memref<128xf32, #tpu.memory_space<vmem>>, vector<16xf32>,
      tpu.vector_store %arg23[%swap3A_3452], %gather3A_3451 {strides = array<i32>} : memref<128xf32, #tpu.memory_space<vmem>>, vector<16xf32>,
      %add3A_3454 = arith.constant 16 : i32
      %add3A_3455 = vector.broadcast %add3A_3454 : i32 to vector<16xi32>
      %add3A_3456 = arith.addi %add3A_3455, %iota3A : vector<16xi32>
      %gather3A_3457 = tpu.vector_load_idx %arg27[%add3A_3456, %and3A_2109] : memref<128x128xf32, #tpu.memory_space<vmem>>[vector<16xi32>, vector<16xi32>], vector<16xf32>,
      %swap3A_3458 = arith.constant 16 : index
      %swap3A_3459 = tpu.vector_load %arg23[%swap3A_3458] {strides = array<i32>} : memref<128xf32, #tpu.memory_space<vmem>>, vector<16xf32>,
      tpu.vector_store %arg23[%swap3A_3458], %gather3A_3457 {strides = array<i32>} : memref<128xf32, #tpu.memory_space<vmem>>, vector<16xf32>,
      %add3A_3460 = arith.constant 32 : i32
      %add3A_3461 = vector.broadcast %add3A_3460 : i32 to vector<16xi32>
      %add3A_3462 = arith.addi %add3A_3461, %iota3A : vector<16xi32>
      %gather3A_3463 = tpu.vector_load_idx %arg27[%add3A_3462, %and3A_2329] : memref<128x128xf32, #tpu.memory_space<vmem>>[vector<16xi32>, vector<16xi32>], vector<16xf32>,
      %swap3A_3464 = arith.constant 32 : index
      %swap3A_3465 = tpu.vector_load %arg23[%swap3A_3464] {strides = array<i32>} : memref<128xf32, #tpu.memory_space<vmem>>, vector<16xf32>,
      tpu.vector_store %arg23[%swap3A_3464], %gather3A_3463 {strides = array<i32>} : memref<128xf32, #tpu.memory_space<vmem>>, vector<16xf32>,
      %add3A_3466 = arith.constant 48 : i32
      %add3A_3467 = vector.broadcast %add3A_3466 : i32 to vector<16xi32>
      %add3A_3468 = arith.addi %add3A_3467, %iota3A : vector<16xi32>
      %gather3A_3469 = tpu.vector_load_idx %arg27[%add3A_3468, %and3A_2549] : memref<128x128xf32, #tpu.memory_space<vmem>>[vector<16xi32>, vector<16xi32>], vector<16xf32>,
      %swap3A_3470 = arith.constant 48 : index
      %swap3A_3471 = tpu.vector_load %arg23[%swap3A_3470] {strides = array<i32>} : memref<128xf32, #tpu.memory_space<vmem>>, vector<16xf32>,
      tpu.vector_store %arg23[%swap3A_3470], %gather3A_3469 {strides = array<i32>} : memref<128xf32, #tpu.memory_space<vmem>>, vector<16xf32>,
      %add3A_3472 = arith.constant 64 : i32
      %add3A_3473 = vector.broadcast %add3A_3472 : i32 to vector<16xi32>
      %add3A_3474 = arith.addi %add3A_3473, %iota3A : vector<16xi32>
      %gather3A_3475 = tpu.vector_load_idx %arg27[%add3A_3474, %and3A_2769] : memref<128x128xf32, #tpu.memory_space<vmem>>[vector<16xi32>, vector<16xi32>], vector<16xf32>,
      %swap3A_3476 = arith.constant 64 : index
      %swap3A_3477 = tpu.vector_load %arg23[%swap3A_3476] {strides = array<i32>} : memref<128xf32, #tpu.memory_space<vmem>>, vector<16xf32>,
      tpu.vector_store %arg23[%swap3A_3476], %gather3A_3475 {strides = array<i32>} : memref<128xf32, #tpu.memory_space<vmem>>, vector<16xf32>,
      %add3A_3478 = arith.constant 80 : i32
      %add3A_3479 = vector.broadcast %add3A_3478 : i32 to vector<16xi32>
      %add3A_3480 = arith.addi %add3A_3479, %iota3A : vector<16xi32>
      %gather3A_3481 = tpu.vector_load_idx %arg27[%add3A_3480, %and3A_2989] : memref<128x128xf32, #tpu.memory_space<vmem>>[vector<16xi32>, vector<16xi32>], vector<16xf32>,
      %swap3A_3482 = arith.constant 80 : index
      %swap3A_3483 = tpu.vector_load %arg23[%swap3A_3482] {strides = array<i32>} : memref<128xf32, #tpu.memory_space<vmem>>, vector<16xf32>,
      tpu.vector_store %arg23[%swap3A_3482], %gather3A_3481 {strides = array<i32>} : memref<128xf32, #tpu.memory_space<vmem>>, vector<16xf32>,
      %add3A_3484 = arith.constant 96 : i32
      %add3A_3485 = vector.broadcast %add3A_3484 : i32 to vector<16xi32>
      %add3A_3486 = arith.addi %add3A_3485, %iota3A : vector<16xi32>
      %gather3A_3487 = tpu.vector_load_idx %arg27[%add3A_3486, %and3A_3209] : memref<128x128xf32, #tpu.memory_space<vmem>>[vector<16xi32>, vector<16xi32>], vector<16xf32>,
      %swap3A_3488 = arith.constant 96 : index
      %swap3A_3489 = tpu.vector_load %arg23[%swap3A_3488] {strides = array<i32>} : memref<128xf32, #tpu.memory_space<vmem>>, vector<16xf32>,
      tpu.vector_store %arg23[%swap3A_3488], %gather3A_3487 {strides = array<i32>} : memref<128xf32, #tpu.memory_space<vmem>>, vector<16xf32>,
      %add3A_3490 = arith.constant 112 : i32
      %add3A_3491 = vector.broadcast %add3A_3490 : i32 to vector<16xi32>
      %add3A_3492 = arith.addi %add3A_3491, %iota3A : vector<16xi32>
      %gather3A_3493 = tpu.vector_load_idx %arg27[%add3A_3492, %and3A_3429] : memref<128x128xf32, #tpu.memory_space<vmem>>[vector<16xi32>, vector<16xi32>], vector<16xf32>,
      %swap3A_3494 = arith.constant 112 : index
      %swap3A_3495 = tpu.vector_load %arg23[%swap3A_3494] {strides = array<i32>} : memref<128xf32, #tpu.memory_space<vmem>>, vector<16xf32>,
      tpu.vector_store %arg23[%swap3A_3494], %gather3A_3493 {strides = array<i32>} : memref<128xf32, #tpu.memory_space<vmem>>, vector<16xf32>,
      %mul3A_3496 = arith.constant 128 : i32
      %mul3A_3497 = arith.muli %scan3A_10, %mul3A_3496 : i32
      %add3A_3498 = arith.addi %mul3A_4, %mul3A_3497 : i32
      %add3A_3499 = arith.addi %mul3A_2, %scan3A_10 : i32
      "tpu.region"() ({
        %run_scoped3A = tpu.sem_alloc : memref<!tpu.dma_semaphore, #tpu.memory_space<semaphore_mem>>
        %dma_start3A_3502 = arith.constant 0 : i32
        %dma_start3A_3503 = tpu.memref_slice %arg9[%add3A_3499, %dma_start3A_3502] : memref<512x128xi32, #tpu.memory_space<hbm>> -> memref<1x128xi32, #tpu.memory_space<hbm>>
        %dma_start3A_3504 = tpu.memref_squeeze %dma_start3A_3503 : memref<1x128xi32, #tpu.memory_space<hbm>> -> memref<128xi32, #tpu.memory_space<hbm>>
        %dma_start3A_3505 = arith.constant 0 : i32
        %dma_start3A_3506 = tpu.memref_slice %arg9[%add3A_3499, %dma_start3A_3505] : memref<512x128xi32, #tpu.memory_space<hbm>> -> memref<1x128xi32, #tpu.memory_space<hbm>>
        %dma_start3A_3507 = tpu.memref_squeeze %dma_start3A_3506 : memref<1x128xi32, #tpu.memory_space<hbm>> -> memref<128xi32, #tpu.memory_space<hbm>>
        tpu.enqueue_dma source(%arg21 : memref<128xi32, #tpu.memory_space<vmem>>) target(%dma_start3A_3507 : memref<128xi32, #tpu.memory_space<hbm>>) target_semaphore(%run_scoped3A : memref<!tpu.dma_semaphore, #tpu.memory_space<semaphore_mem>>)
        %dma_wait3A_3508 = arith.constant 0 : i32
        %dma_wait3A_3509 = tpu.memref_slice %arg9[%add3A_3499, %dma_wait3A_3508] : memref<512x128xi32, #tpu.memory_space<hbm>> -> memref<1x128xi32, #tpu.memory_space<hbm>>
        %dma_wait3A_3510 = tpu.memref_squeeze %dma_wait3A_3509 : memref<1x128xi32, #tpu.memory_space<hbm>> -> memref<128xi32, #tpu.memory_space<hbm>>
        %dma_wait3A_3511 = arith.constant 0 : i32
        %dma_wait3A_3512 = tpu.memref_slice %arg9[%add3A_3499, %dma_wait3A_3511] : memref<512x128xi32, #tpu.memory_space<hbm>> -> memref<1x128xi32, #tpu.memory_space<hbm>>
        %dma_wait3A_3513 = tpu.memref_squeeze %dma_wait3A_3512 : memref<1x128xi32, #tpu.memory_space<hbm>> -> memref<128xi32, #tpu.memory_space<hbm>>
        tpu.wait_dma2 semaphore(%run_scoped3A : memref<!tpu.dma_semaphore, #tpu.memory_space<semaphore_mem>>) src(%arg21 : memref<128xi32, #tpu.memory_space<vmem>>) dst(%dma_wait3A_3513 : memref<128xi32, #tpu.memory_space<hbm>>)
        tpu.yield
      }) : () -> ()
      %add3A_3500 = arith.addi %mul3A_2, %scan3A_10 : i32
      "tpu.region"() ({
        %run_scoped3A = tpu.sem_alloc : memref<!tpu.dma_semaphore, #tpu.memory_space<semaphore_mem>>
        %dma_start3A_3502 = arith.constant 0 : i32
        %dma_start3A_3503 = tpu.memref_slice %arg10[%add3A_3500, %dma_start3A_3502] : memref<512x128xi32, #tpu.memory_space<hbm>> -> memref<1x128xi32, #tpu.memory_space<hbm>>
        %dma_start3A_3504 = tpu.memref_squeeze %dma_start3A_3503 : memref<1x128xi32, #tpu.memory_space<hbm>> -> memref<128xi32, #tpu.memory_space<hbm>>
        %dma_start3A_3505 = arith.constant 0 : i32
        %dma_start3A_3506 = tpu.memref_slice %arg10[%add3A_3500, %dma_start3A_3505] : memref<512x128xi32, #tpu.memory_space<hbm>> -> memref<1x128xi32, #tpu.memory_space<hbm>>
        %dma_start3A_3507 = tpu.memref_squeeze %dma_start3A_3506 : memref<1x128xi32, #tpu.memory_space<hbm>> -> memref<128xi32, #tpu.memory_space<hbm>>
        tpu.enqueue_dma source(%arg22 : memref<128xi32, #tpu.memory_space<vmem>>) target(%dma_start3A_3507 : memref<128xi32, #tpu.memory_space<hbm>>) target_semaphore(%run_scoped3A : memref<!tpu.dma_semaphore, #tpu.memory_space<semaphore_mem>>)
        %dma_wait3A_3508 = arith.constant 0 : i32
        %dma_wait3A_3509 = tpu.memref_slice %arg10[%add3A_3500, %dma_wait3A_3508] : memref<512x128xi32, #tpu.memory_space<hbm>> -> memref<1x128xi32, #tpu.memory_space<hbm>>
        %dma_wait3A_3510 = tpu.memref_squeeze %dma_wait3A_3509 : memref<1x128xi32, #tpu.memory_space<hbm>> -> memref<128xi32, #tpu.memory_space<hbm>>
        %dma_wait3A_3511 = arith.constant 0 : i32
        %dma_wait3A_3512 = tpu.memref_slice %arg10[%add3A_3500, %dma_wait3A_3511] : memref<512x128xi32, #tpu.memory_space<hbm>> -> memref<1x128xi32, #tpu.memory_space<hbm>>
        %dma_wait3A_3513 = tpu.memref_squeeze %dma_wait3A_3512 : memref<1x128xi32, #tpu.memory_space<hbm>> -> memref<128xi32, #tpu.memory_space<hbm>>
        tpu.wait_dma2 semaphore(%run_scoped3A : memref<!tpu.dma_semaphore, #tpu.memory_space<semaphore_mem>>) src(%arg22 : memref<128xi32, #tpu.memory_space<vmem>>) dst(%dma_wait3A_3513 : memref<128xi32, #tpu.memory_space<hbm>>)
        tpu.yield
      }) : () -> ()
      %add3A_3501 = arith.addi %mul3A_2, %scan3A_10 : i32
      "tpu.region"() ({
        %run_scoped3A = tpu.sem_alloc : memref<!tpu.dma_semaphore, #tpu.memory_space<semaphore_mem>>
        %dma_start3A_3502 = arith.constant 0 : i32
        %dma_start3A_3503 = tpu.memref_slice %arg13[%add3A_3501, %dma_start3A_3502] : memref<512x128xf32, #tpu.memory_space<hbm>> -> memref<1x128xf32, #tpu.memory_space<hbm>>
        %dma_start3A_3504 = tpu.memref_squeeze %dma_start3A_3503 : memref<1x128xf32, #tpu.memory_space<hbm>> -> memref<128xf32, #tpu.memory_space<hbm>>
        %dma_start3A_3505 = arith.constant 0 : i32
        %dma_start3A_3506 = tpu.memref_slice %arg13[%add3A_3501, %dma_start3A_3505] : memref<512x128xf32, #tpu.memory_space<hbm>> -> memref<1x128xf32, #tpu.memory_space<hbm>>
        %dma_start3A_3507 = tpu.memref_squeeze %dma_start3A_3506 : memref<1x128xf32, #tpu.memory_space<hbm>> -> memref<128xf32, #tpu.memory_space<hbm>>
        tpu.enqueue_dma source(%arg23 : memref<128xf32, #tpu.memory_space<vmem>>) target(%dma_start3A_3507 : memref<128xf32, #tpu.memory_space<hbm>>) target_semaphore(%run_scoped3A : memref<!tpu.dma_semaphore, #tpu.memory_space<semaphore_mem>>)
        %dma_wait3A_3508 = arith.constant 0 : i32
        %dma_wait3A_3509 = tpu.memref_slice %arg13[%add3A_3501, %dma_wait3A_3508] : memref<512x128xf32, #tpu.memory_space<hbm>> -> memref<1x128xf32, #tpu.memory_space<hbm>>
        %dma_wait3A_3510 = tpu.memref_squeeze %dma_wait3A_3509 : memref<1x128xf32, #tpu.memory_space<hbm>> -> memref<128xf32, #tpu.memory_space<hbm>>
        %dma_wait3A_3511 = arith.constant 0 : i32
        %dma_wait3A_3512 = tpu.memref_slice %arg13[%add3A_3501, %dma_wait3A_3511] : memref<512x128xf32, #tpu.memory_space<hbm>> -> memref<1x128xf32, #tpu.memory_space<hbm>>
        %dma_wait3A_3513 = tpu.memref_squeeze %dma_wait3A_3512 : memref<1x128xf32, #tpu.memory_space<hbm>> -> memref<128xf32, #tpu.memory_space<hbm>>
        tpu.wait_dma2 semaphore(%run_scoped3A : memref<!tpu.dma_semaphore, #tpu.memory_space<semaphore_mem>>) src(%arg23 : memref<128xf32, #tpu.memory_space<vmem>>) dst(%dma_wait3A_3513 : memref<128xf32, #tpu.memory_space<hbm>>)
        tpu.yield
      }) : () -> ()
      "tpu.region"() ({
        %run_scoped3A = tpu.sem_alloc : memref<!tpu.dma_semaphore, #tpu.memory_space<semaphore_mem>>
        %dma_start3A_3502 = arith.constant 0 : i32
        %dma_start3A_3503 = tpu.memref_slice %arg11[%add3A_3498, %dma_start3A_3502] : memref<65536x128xf32, #tpu.memory_space<hbm>> -> memref<128x128xf32, #tpu.memory_space<hbm>>
        %dma_start3A_3504 = arith.constant 0 : i32
        %dma_start3A_3505 = tpu.memref_slice %arg11[%add3A_3498, %dma_start3A_3504] : memref<65536x128xf32, #tpu.memory_space<hbm>> -> memref<128x128xf32, #tpu.memory_space<hbm>>
        tpu.enqueue_dma source(%arg25 : memref<128x128xf32, #tpu.memory_space<vmem>>) target(%dma_start3A_3505 : memref<128x128xf32, #tpu.memory_space<hbm>>) target_semaphore(%run_scoped3A : memref<!tpu.dma_semaphore, #tpu.memory_space<semaphore_mem>>)
        %dma_wait3A_3506 = arith.constant 0 : i32
        %dma_wait3A_3507 = tpu.memref_slice %arg11[%add3A_3498, %dma_wait3A_3506] : memref<65536x128xf32, #tpu.memory_space<hbm>> -> memref<128x128xf32, #tpu.memory_space<hbm>>
        %dma_wait3A_3508 = arith.constant 0 : i32
        %dma_wait3A_3509 = tpu.memref_slice %arg11[%add3A_3498, %dma_wait3A_3508] : memref<65536x128xf32, #tpu.memory_space<hbm>> -> memref<128x128xf32, #tpu.memory_space<hbm>>
        tpu.wait_dma2 semaphore(%run_scoped3A : memref<!tpu.dma_semaphore, #tpu.memory_space<semaphore_mem>>) src(%arg25 : memref<128x128xf32, #tpu.memory_space<vmem>>) dst(%dma_wait3A_3509 : memref<128x128xf32, #tpu.memory_space<hbm>>)
        tpu.yield
      }) : () -> ()
      "tpu.region"() ({
        %run_scoped3A = tpu.sem_alloc : memref<!tpu.dma_semaphore, #tpu.memory_space<semaphore_mem>>
        %dma_start3A_3502 = arith.constant 0 : i32
        %dma_start3A_3503 = tpu.memref_slice %arg12[%add3A_3498, %dma_start3A_3502] : memref<65536x128xf32, #tpu.memory_space<hbm>> -> memref<128x128xf32, #tpu.memory_space<hbm>>
        %dma_start3A_3504 = arith.constant 0 : i32
        %dma_start3A_3505 = tpu.memref_slice %arg12[%add3A_3498, %dma_start3A_3504] : memref<65536x128xf32, #tpu.memory_space<hbm>> -> memref<128x128xf32, #tpu.memory_space<hbm>>
        tpu.enqueue_dma source(%arg26 : memref<128x128xf32, #tpu.memory_space<vmem>>) target(%dma_start3A_3505 : memref<128x128xf32, #tpu.memory_space<hbm>>) target_semaphore(%run_scoped3A : memref<!tpu.dma_semaphore, #tpu.memory_space<semaphore_mem>>)
        %dma_wait3A_3506 = arith.constant 0 : i32
        %dma_wait3A_3507 = tpu.memref_slice %arg12[%add3A_3498, %dma_wait3A_3506] : memref<65536x128xf32, #tpu.memory_space<hbm>> -> memref<128x128xf32, #tpu.memory_space<hbm>>
        %dma_wait3A_3508 = arith.constant 0 : i32
        %dma_wait3A_3509 = tpu.memref_slice %arg12[%add3A_3498, %dma_wait3A_3508] : memref<65536x128xf32, #tpu.memory_space<hbm>> -> memref<128x128xf32, #tpu.memory_space<hbm>>
        tpu.wait_dma2 semaphore(%run_scoped3A : memref<!tpu.dma_semaphore, #tpu.memory_space<semaphore_mem>>) src(%arg26 : memref<128x128xf32, #tpu.memory_space<vmem>>) dst(%dma_wait3A_3509 : memref<128x128xf32, #tpu.memory_space<hbm>>)
        tpu.yield
      }) : () -> ()
    }
    %scan3A_9 = arith.constant 16 : i32
    return
  }
}

module attributes {stable_mosaic.version = 14 : i64} {
  func.func @_dyn_body(%arg0: i32, %arg1: memref<1024x128xf32, #tpu.memory_space<vmem>>, %arg2: memref<1024x128xf32, #tpu.memory_space<vmem>>, %arg3: memref<1x1x1024xi32, #tpu.memory_space<vmem>>, %arg4: memref<1024x128xf32, #tpu.memory_space<vmem>>, %arg5: memref<128x128xf32, #tpu.memory_space<vmem>>, %arg6: memref<32x128xf32, #tpu.memory_space<vmem>>, %arg7: memref<1024x128xf32, #tpu.memory_space<vmem>>, %arg8: memref<1024x160xf32, #tpu.memory_space<vmem>>) attributes {dimension_semantics = [#tpu.dimension_semantics<arbitrary>], iteration_bounds = array<i64: 64>, scalar_prefetch = 0 : i64, scratch_operands = 0 : i64, tpu.core_type = #tpu.core_type<tc>, window_params = [{transform_indices = @transform_0, window_bounds = array<i64: 1024, 128>}, {transform_indices = @transform_1, window_bounds = array<i64: 1024, 128>}, {transform_indices = @transform_2, window_bounds = array<i64: 1, 1, 1024>}, {transform_indices = @transform_3, window_bounds = array<i64: 1024, 128>}, {pipeline_mode = #tpu.pipeline_mode<synchronous>, transform_indices = @transform_4, window_bounds = array<i64: 128, 128>}, {pipeline_mode = #tpu.pipeline_mode<synchronous>, transform_indices = @transform_5, window_bounds = array<i64: 32, 128>}, {transform_indices = @transform_6, window_bounds = array<i64: 1024, 128>}, {transform_indices = @transform_7, window_bounds = array<i64: 1024, 160>}]} {
    %get3A = arith.constant 0 : index
    %get3A_0 = arith.constant 0 : index
    %get3A_1 = vector.load %arg1[%get3A, %get3A_0] : memref<1024x128xf32, #tpu.memory_space<vmem>>, vector<1024x128xf32>
    %get3A_2 = arith.constant 0 : index
    %get3A_3 = arith.constant 0 : index
    %get3A_4 = vector.load %arg2[%get3A_2, %get3A_3] : memref<1024x128xf32, #tpu.memory_space<vmem>>, vector<1024x128xf32>
    %get3A_5 = arith.constant 0 : index
    %get3A_6 = arith.constant 0 : index
    %get3A_7 = arith.constant 0 : index
    %get3A_8 = vector.load %arg3[%get3A_5, %get3A_6, %get3A_7] : memref<1x1x1024xi32, #tpu.memory_space<vmem>>, vector<1x1x1024xi32>
    %get3A_9 = vector.shape_cast %get3A_8 : vector<1x1x1024xi32> to vector<1024xi32>
    %and3A = arith.constant 3 : i32
    %and3A_10 = vector.broadcast %and3A : i32 to vector<1024xi32>
    %and3A_11 = arith.andi %get3A_9, %and3A_10 : vector<1024xi32>
    %reshape3A = vector.shape_cast %and3A_11 : vector<1024xi32> to vector<1024x1xi32>
    %lt3A = arith.constant 2 : i32
    %lt3A_12 = vector.broadcast %lt3A : i32 to vector<1024x1xi32>
    %lt3A_13 = arith.cmpi slt, %reshape3A, %lt3A_12 : vector<1024x1xi32>
    %eq3A = arith.constant 0 : i32
    %eq3A_14 = vector.broadcast %eq3A : i32 to vector<1024x1xi32>
    %eq3A_15 = arith.cmpi eq, %reshape3A, %eq3A_14 : vector<1024x1xi32>
    %slice3A = vector.extract_strided_slice %get3A_4 {offsets = [0, 0], sizes = [1024, 32], strides = [1, 1]} : vector<1024x128xf32> to vector<1024x32xf32>
    %slice3A_16 = vector.extract_strided_slice %get3A_4 {offsets = [0, 32], sizes = [1024, 32], strides = [1, 1]} : vector<1024x128xf32> to vector<1024x32xf32>
    %broadcast_in_dim3A = vector.shape_cast %eq3A_15 : vector<1024x1xi1> to vector<1024x1xi1>
    %broadcast_in_dim3A_17 = vector.broadcast %broadcast_in_dim3A : vector<1024x1xi1> to vector<1024x32xi1>
    %select_n3A = arith.select %broadcast_in_dim3A_17, %slice3A, %slice3A_16 : vector<1024x32xi1>, vector<1024x32xf32>
    %eq3A_18 = arith.constant 2 : i32
    %eq3A_19 = vector.broadcast %eq3A_18 : i32 to vector<1024x1xi32>
    %eq3A_20 = arith.cmpi eq, %reshape3A, %eq3A_19 : vector<1024x1xi32>
    %slice3A_21 = vector.extract_strided_slice %get3A_4 {offsets = [0, 64], sizes = [1024, 32], strides = [1, 1]} : vector<1024x128xf32> to vector<1024x32xf32>
    %slice3A_22 = vector.extract_strided_slice %get3A_4 {offsets = [0, 96], sizes = [1024, 32], strides = [1, 1]} : vector<1024x128xf32> to vector<1024x32xf32>
    %broadcast_in_dim3A_23 = vector.shape_cast %eq3A_20 : vector<1024x1xi1> to vector<1024x1xi1>
    %broadcast_in_dim3A_24 = vector.broadcast %broadcast_in_dim3A_23 : vector<1024x1xi1> to vector<1024x32xi1>
    %select_n3A_25 = arith.select %broadcast_in_dim3A_24, %slice3A_21, %slice3A_22 : vector<1024x32xi1>, vector<1024x32xf32>
    %broadcast_in_dim3A_26 = vector.shape_cast %lt3A_13 : vector<1024x1xi1> to vector<1024x1xi1>
    %broadcast_in_dim3A_27 = vector.broadcast %broadcast_in_dim3A_26 : vector<1024x1xi1> to vector<1024x32xi1>
    %select_n3A_28 = arith.select %broadcast_in_dim3A_27, %select_n3A, %select_n3A_25 : vector<1024x32xi1>, vector<1024x32xf32>
    %get3A_29 = arith.constant 0 : index
    %get3A_30 = arith.constant 0 : index
    %get3A_31 = vector.load %arg5[%get3A_29, %get3A_30] : memref<128x128xf32, #tpu.memory_space<vmem>>, vector<128x128xf32>
    %dot_general3A = arith.constant dense<0.000000e+00> : vector<1024x128xf32>
    %dot_general3A_32 = tpu.matmul %get3A_1, %get3A_31, %dot_general3A {dimension_numbers = #tpu.dot_dimension_numbers<[1], [0], [0], [1], [0, 0, 1, 1], [], []>, precision = #tpu.contract_precision<fp32>, transpose_lhs_hint = false} : vector<1024x128xf32>, vector<128x128xf32>, vector<1024x128xf32> -> vector<1024x128xf32>
    %get3A_33 = arith.constant 0 : index
    %get3A_34 = arith.constant 0 : index
    %get3A_35 = vector.load %arg6[%get3A_33, %get3A_34] : memref<32x128xf32, #tpu.memory_space<vmem>>, vector<32x128xf32>
    %dot_general3A_36 = arith.constant dense<0.000000e+00> : vector<1024x128xf32>
    %dot_general3A_37 = tpu.matmul %select_n3A_28, %get3A_35, %dot_general3A_36 {dimension_numbers = #tpu.dot_dimension_numbers<[1], [0], [0], [1], [0, 0, 1, 1], [], []>, precision = #tpu.contract_precision<fp32>, transpose_lhs_hint = false} : vector<1024x32xf32>, vector<32x128xf32>, vector<1024x128xf32> -> vector<1024x128xf32>
    %add3A = arith.addf %dot_general3A_32, %dot_general3A_37 : vector<1024x128xf32>
    %get3A_38 = arith.constant 0 : index
    %get3A_39 = arith.constant 0 : index
    %get3A_40 = vector.load %arg4[%get3A_38, %get3A_39] : memref<1024x128xf32, #tpu.memory_space<vmem>>, vector<1024x128xf32>
    %add3A_41 = arith.addf %add3A, %get3A_40 : vector<1024x128xf32>
    %swap3A = arith.constant 0 : index
    %swap3A_42 = arith.constant 0 : index
    %swap3A_43 = vector.load %arg7[%swap3A, %swap3A_42] : memref<1024x128xf32, #tpu.memory_space<vmem>>, vector<1024x128xf32>
    tpu.vector_store %arg7[%swap3A, %swap3A_42], %add3A_41 {strides = array<i32>} : memref<1024x128xf32, #tpu.memory_space<vmem>>, vector<1024x128xf32>,
    %concatenate3A = tpu.concatenate %get3A_1, %select_n3A_28 in 1 : vector<1024x128xf32>, vector<1024x32xf32> -> vector<1024x160xf32>
    %swap3A_44 = arith.constant 0 : index
    %swap3A_45 = arith.constant 0 : index
    %swap3A_46 = vector.load %arg8[%swap3A_44, %swap3A_45] : memref<1024x160xf32, #tpu.memory_space<vmem>>, vector<1024x160xf32>
    tpu.vector_store %arg8[%swap3A_44, %swap3A_45], %concatenate3A {strides = array<i32>} : memref<1024x160xf32, #tpu.memory_space<vmem>>, vector<1024x160xf32>,
    return
  }
  func.func @transform_0(%arg0: i32) -> (i32, i32) {
    %c0_i32 = arith.constant 0 : i32
    %c0_i32_0 = arith.constant 0 : i32
    return %arg0, %c0_i32 : i32, i32
  }
  func.func @transform_1(%arg0: i32) -> (i32, i32) {
    %c0_i32 = arith.constant 0 : i32
    %c0_i32_0 = arith.constant 0 : i32
    return %arg0, %c0_i32 : i32, i32
  }
  func.func @transform_2(%arg0: i32) -> (i32, i32, i32) {
    %c0_i32 = arith.constant 0 : i32
    %c0_i32_0 = arith.constant 0 : i32
    %c0_i32_1 = arith.constant 0 : i32
    return %arg0, %c0_i32, %c0_i32_0 : i32, i32, i32
  }
  func.func @transform_3(%arg0: i32) -> (i32, i32) {
    %c0_i32 = arith.constant 0 : i32
    %c0_i32_0 = arith.constant 0 : i32
    return %arg0, %c0_i32 : i32, i32
  }
  func.func @transform_4(%arg0: i32) -> (i32, i32) {
    %c0_i32 = arith.constant 0 : i32
    %c0_i32_0 = arith.constant 0 : i32
    %c0_i32_1 = arith.constant 0 : i32
    return %c0_i32, %c0_i32_0 : i32, i32
  }
  func.func @transform_5(%arg0: i32) -> (i32, i32) {
    %c0_i32 = arith.constant 0 : i32
    %c0_i32_0 = arith.constant 0 : i32
    %c0_i32_1 = arith.constant 0 : i32
    return %c0_i32, %c0_i32_0 : i32, i32
  }
  func.func @transform_6(%arg0: i32) -> (i32, i32) {
    %c0_i32 = arith.constant 0 : i32
    %c0_i32_0 = arith.constant 0 : i32
    return %arg0, %c0_i32 : i32, i32
  }
  func.func @transform_7(%arg0: i32) -> (i32, i32) {
    %c0_i32 = arith.constant 0 : i32
    %c0_i32_0 = arith.constant 0 : i32
    return %arg0, %c0_i32 : i32, i32
  }
}

</mosaic_0001>

<sc_bundles>
// kernel: kernel.4.cloned.1.call-start
scs
__scs_entry_jumppad:
0x0: {  	(pc) =	sbr.rel $0x88, $3  }
0x1: {  	(tag) =	ssettag $0x0;
	lr =	simm.s32 $0x1  }
0x2: {  	[smem:$0x3F97] =	sst lr;
	_ =	strace $0xD0000000  }
0x3: {  	_ = 	snop  }
0x4: {  	_ = 	snop  }
0x5: {  	_ = 	snop  }
0x6: {  	_ = 	snop  }
0x7: {  	_ = 	snop  }
__scs_overlays_trampoline_lowered:
0x8: {  	[smem:$0x3FA6] =	sst s0  }
0x9: {  	[smem:$0x3FA7] =	sst s1  }
0xa: {  	[smem:$0x3FA8] =	sst s2  }
0xb: {  	[smem:$0x3FA9] =	sst s3  }
0xc: {  	[smem:$0x3FAA] =	sst s4  }
0xd: {  	[smem:$0x3FAB] =	sst s5  }
0xe: {  	[smem:$0x3FAC] =	sst s6  }
0xf: {  	[smem:$0x3FAD] =	sst s7  }
0x10: {  	[smem:$0x3FAE] =	sst s8  }
0x11: {  	[smem:$0x3FAF] =	sst s9;
	s0 =	simm.s32 @!p0 $0x0  }
0x12: {  	s1 =	sld [smem:$0x3F95];
	s0 =	simm.s32 @p0 $0x1  }
0x13: {  	[smem:$0x3FB0] =	sst s0;
	s0 =	simm.s32 @!p1 $0x0  }
0x14: {  	s2 =	sld [smem:$0x3F94];
	s0 =	simm.s32 @p1 $0x1  }
0x15: {  	[smem:$0x3FB1] =	sst s0;
	s0 =	simm.s32 @!p2 $0x0  }
0x16: {  	s3 =	sld [smem:$0x3FDB];
	s0 =	simm.s32 @p2 $0x1  }
0x17: {  	s4 =	simm.s32 $0x1BF5;
	[smem:$0x3FB3] =	sst s0  }
0x18: {  	s0 =	sld [smem:$0x3F96];
	_ =	swait.ge [sflag:s4], $0x0  }
0x19: {  	s7 =	sld [smem:$0x3F97]  }
0x1a: {  	s8 =	sadd.s32 $0xFFFFE003, lr  }
0x1b: {  	s9 =	sadd.s32 $0xFFFFFEF7, lr;
	s5 =	simm.s32 $0xFFFFFFFF;
	p2 =	slt.u32 s8, $0xFFFFF086  }
0x1c: {  	p1 =	slt.u32 s9, $0xF7A;
	s5 =	simm.s32 @!p2 $0x0  }
0x1d: {  	s5 =	simm.s32 @p1 $0x1;
	p0 =	seq.s32 s7, s2  }
0x1e: {  	s7 =	smul.u32 @!p0 $0xF7A, s2;
	p2 =	seq.s32 @!p0 s5, $0x0  }
0x1f: {  	s9 =	smul.u32 $0xF7A, s1;
	s8 =	simm.s32 @!p0 $0x1BF5;
	p2 =	por !p2, p0  }
0x20: {  	[sflag:s8] =	ssyncset.s32 @!p0 $0xFFFFF086;
	s6 =	sadd.s32 @!p0 s3, s7;
	s7 =	simm.s32 @!p0 $0x108  }
0x21: {  	s3 =	sadd.s32 s3, s9;
	s6 =	sadd.s32 @!p0 $0x88, s6;
	s7 =	simm.s32 @p2 $0x1082  }
0x22: {  	[simem:s7], [sflag:s8] =	dma.local @!p0 [hbm:s6], $0xF7A  }
0x23: {  	s9 =	sor.u32 $0xD0000000, s2;
	s6 =	simm.s32 $0x108;
	_ =	swait.ge @!p0 [sflag:s8], $0x0  }
0x24: {  	s3 =	sadd.s32 $0x88, s3;
	s6 =	simm.s32 @!p1 $0x1082;
	[sflag:s4] =	ssyncset.s32 $0xFFFFF086  }
0x25: {  	[simem:s6], [sflag:s4] =	dma.local [hbm:s3], $0xF7A  }
0x26: {  	[smem:$0x3F97] =	sst s1;
	(tag) =	ssettag s2;
	_ =	strace s9  }
0x27: {  	s1 =	sld [smem:$0x3FA7]  }
0x28: {  	s2 =	sld [smem:$0x3FA8]  }
0x29: {  	s4 =	sld [smem:$0x3FAA]  }
0x2a: {  	p0 =	seq.s32 s5, $0x0;
	s5 =	sld [smem:$0x3FAB]  }
0x2b: {  	s6 =	sld [smem:$0x3FAC]  }
0x2c: {  	s7 =	sld [smem:$0x3FAD]  }
0x2d: {  	s3 =	simm.s32 $0x108;
	s8 =	sld [smem:$0x3FAE]  }
0x2e: {  	s3 =	simm.s32 @!p0 $0x1082;
	s9 =	sld [smem:$0x3FAF]  }
0x2f: {  	lr =	sadd.s32 s0, s3;
	s0 =	sld [smem:$0x3FA6]  }
0x30: {  	s3 =	sld [smem:$0x3FA9]  }
0x31: {  	[smem:$0x3FB2] =	sst s10  }
0x32: {  	s10 =	sld [smem:$0x3FB0];
	_ =	sdelay $0x3  }
0x33: {  	p0 =	seq.s32 s10, $0x1;
	s10 =	sld [smem:$0x3FB2];
	_ =	sdelay $0x3  }
0x34: {  	[smem:$0x3FB2] =	sst s10  }
0x35: {  	s10 =	sld [smem:$0x3FB1];
	_ =	sdelay $0x3  }
0x36: {  	p1 =	seq.s32 s10, $0x1;
	s10 =	sld [smem:$0x3FB2];
	_ =	sdelay $0x3  }
0x37: {  	[smem:$0x3FB2] =	sst s10  }
0x38: {  	s10 =	sld [smem:$0x3FB3]  }
0x39: {  	_ = 	snop;
	(pc) =	sbr.ind lr, $3  }
0x3a: {  	_ = 	snop  }
0x3b: {  	_ = 	snop  }
0x3c: {  	p2 =	seq.s32 s10, $0x1;
	s10 =	sld [smem:$0x3FB2]  }
0x3d: {  	_ =	shalt  }
0x3e: {  	_ =	shalt  }
0x3f: {  	_ =	shalt  }
0x40: {  	_ =	shalt  }
0x41: {  	_ =	shalt  }
0x42: {  	_ =	shalt  }
0x43: {  	_ =	shalt  }
0x44: {  	_ =	shalt  }
0x45: {  	_ =	shalt  }
0x46: {  	_ =	shalt  }
0x47: {  	_ =	shalt  }
0x48: {  	_ =	shalt  }
0x49: {  	_ =	shalt  }
0x4a: {  	_ =	shalt  }
0x4b: {  	_ =	shalt  }
0x4c: {  	_ =	shalt  }
0x4d: {  	_ =	shalt  }
0x4e: {  	_ =	shalt  }
0x4f: {  	_ =	shalt  }
0x50: {  	_ =	shalt  }
0x51: {  	_ =	shalt  }
0x52: {  	_ =	shalt  }
0x53: {  	_ =	shalt  }
0x54: {  	_ =	shalt  }
0x55: {  	_ =	shalt  }
0x56: {  	_ =	shalt  }
0x57: {  	_ =	shalt  }
0x58: {  	_ =	shalt  }
0x59: {  	_ =	shalt  }
0x5a: {  	_ =	shalt  }
0x5b: {  	_ =	shalt  }
0x5c: {  	_ =	shalt  }
0x5d: {  	_ =	shalt  }
0x5e: {  	_ =	shalt  }
0x5f: {  	_ =	shalt  }
0x60: {  	_ =	shalt  }
0x61: {  	_ =	shalt  }
0x62: {  	_ =	shalt  }
0x63: {  	_ =	shalt  }
0x64: {  	_ =	shalt  }
0x65: {  	_ =	shalt  }
0x66: {  	_ =	shalt  }
0x67: {  	_ =	shalt  }
0x68: {  	_ =	shalt  }
0x69: {  	_ =	shalt  }
0x6a: {  	_ =	shalt  }
0x6b: {  	_ =	shalt  }
0x6c: {  	_ =	shalt  }
0x6d: {  	_ =	shalt  }
0x6e: {  	_ =	shalt  }
0x6f: {  	_ =	shalt  }
0x70: {  	_ =	shalt  }
0x71: {  	_ =	shalt  }
0x72: {  	_ =	shalt  }
0x73: {  	_ =	shalt  }
0x74: {  	_ =	shalt  }
0x75: {  	_ =	shalt  }
0x76: {  	_ =	shalt  }
0x77: {  	_ =	shalt  }
0x78: {  	_ =	shalt  }
0x79: {  	_ =	shalt  }
0x7a: {  	_ =	shalt  }
0x7b: {  	_ =	shalt  }
0x7c: {  	_ =	shalt  }
0x7d: {  	_ =	shalt  }
0x7e: {  	_ =	shalt  }
0x7f: {  	_ =	shalt  }
0x80: {  	_ =	shalt  }
0x81: {  	_ =	shalt  }
0x82: {  	_ =	shalt  }
0x83: {  	_ =	shalt  }
0x84: {  	_ =	shalt  }
0x85: {  	_ =	shalt  }
0x86: {  	_ =	shalt  }
0x87: {  	_ =	shalt  }
.Lfunc_end0:
.L_simem_size_0:
called_computation.2_lowered:
.L_overlay_start_0:
0x88: {  	s2 =	sld [smem:$0x3FD9]  }
0x89: {  	s3 =	sld [smem:$0x3FFE];
	_ =	sdelay $0x1  }
0x8a: {  	s1 =	srdreg.scid  }
0x8b: {  	s0 =	sand.u32 $0x1, s1  }
0x8c: {  	s14 =	sshll.u32 s0, $0xA;
	s2 =	sadd.s32 s3, s2  }
0x8d: {  	s2 =	sadd.s32 s2, s14  }
0x8e: {  	[smem:$0x3FBE] =	sst s2  }
0x8f: {  	_ = 	snop  }
0x90: {  	s2 =	sld [smem:$0x3FD0];
	_ =	sdelay $0x2  }
0x91: {  	s4 =	simm.s32 $0xB;
	s5 =	simm.s32 $0x10;
	s15 =	sld [smem:$0x3FC9]  }
0x92: {  	[smem:s5], [sflag:s4] =	dma.local [hbm:s2], $0x1  }
0x93: {  	_ =	swait.eq [sflag:s4], $0x1  }
0x94: {  	s16 =	sld [smem:$0x10]  }
0x95: {  	s17 =	sld [smem:$0x11];
	[sflag:s4] =	ssyncset.done $0x0  }
0x96: {  	s6 =	sld [smem:$0x12];
	[sflag:s4] =	ssyncadd.s32 $0xFFFFFFFF  }
0x97: {  	s18 =	sld [smem:$0x13];
	(tm) =	ssettm $0x1  }
0x98: {  	s7 =	sld [smem:$0x3FFB];
	_ =	sdelay $0x3  }
0x99: {  	_ =	strace s7  }
0x9a: {  	s7 =	sld [smem:$0x3FFC];
	_ =	sdelay $0x3  }
0x9b: {  	_ =	strace s7  }
0x9c: {  	s7 =	sld [smem:$0x3FFD];
	_ =	sdelay $0x3  }
0x9d: {  	_ =	strace s7  }
0x9e: {  	_ =	strace $0x8FFFFFFF  }
0x9f: {  	s19 =	sld [smem:$0x3FDB];
	_ =	sdelay $0x1  }
0xa0: {  	s8 =	simm.s32 $_scs_section_size  }
0xa1: {  	s9 =	simm.s32 $_size__tile_overlayer_lowered;
	s10 =	simm.s32 $_tile_overlayer_lowered  }
0xa2: {  	s22 =	simm.s32 $0x1BFF;
	s21 =	sshll.u32 s10, $0x1;
	s7 =	sadd.s32 s8, s19  }
0xa3: {  	s11 =	simm.s32 $0x0;
	s20 =	sshll.u32 s9, $0x1;
	s9 =	sadd.s32 s21, s7  }
0xa4: {  	[timem:s11], [sflag:s22] =	dma.local [hbm:s9], s20  }
0xa5: {  	_ =	swait.ge [sflag:s22], s20  }
0xa6: {  	s8 =	ssub.s32 $0x0, s20;
	[sflag:s22] =	ssyncset.done $0x0  }
0xa7: {  	[sflag:s22] =	ssyncadd.s32 s8;
	_ =	sdelay $0x1  }
0xa8: {  	s23 =	simm.s32 $0x1B8B  }
0xa9: {  	_ =	swait.ge [sflag:s23], $0x1  }
0xaa: {  	[sflag:s23] =	ssyncset.done $0x0  }
0xab: {  	s25 =	simm.s32 $0x1B8E;
	s24 =	sld [smem:$0x3FFE];
	[sflag:s23] =	ssyncadd.s32 $0xFFFFFFFF  }
0xac: {  	s26 =	simm.s32 $execute0_lowered;
	[smem:$0x3FD2] =	sst s25  }
0xad: {  	s9 =	sshll.u32 s26, $0x1;
	_ =	strace $0x8000004C;
	[dreg:$0x1] =	wrdreg $0xFFFFFFFF  }
0xae: {  	s28 =	simm.s32 $_size_execute0_lowered;
	s7 =	sadd.s32 s7, s9;
	[dreg:$0x0] =	wrdreg $0x0  }
0xaf: {  	s9 =	sshll.u32 s28, $0x1;
	[dreg:$0x2] =	wrdreg s7  }
0xb0: {  	[dreg:$0x3] =	wrdreg s9  }
0xb1: {  	[dreg:$0x4] =	wrdreg $0xC0  }
0xb2: {  	_ =	task [dreg:s11], $0x5FFFF  }
0xb3: {  	[dreg:$0x1] =	wrdreg $0xFFFFFFFF  }
0xb4: {  	[dreg:$0x0] =	wrdreg $0x60  }
0xb5: {  	[dreg:$0x2] =	wrdreg s24  }
0xb6: {  	[dreg:$0x3] =	wrdreg s15  }
0xb7: {  	[dreg:$0x4] =	wrdreg s16  }
0xb8: {  	[dreg:$0x5] =	wrdreg s18  }
0xb9: {  	[dreg:$0x6] =	wrdreg s17  }
0xba: {  	[dreg:$0x7] =	wrdreg s6  }
0xbb: {  	[dreg:$0x8] =	wrdreg $0x9  }
0xbc: {  	_ =	task.clear_ibuf [dreg:s11], $0x9FFFF;
	_ =	strace $0x9000004C  }
0xbd: {  	s29 =	simm.s32 $0x9;
	_ =	strace $0x8000004E  }
0xbe: {  	_ =	swait.ge [sflag:s29], $0x1  }
0xbf: {  	[sflag:s29] =	ssyncadd.s32 $0xFFFFFFFF  }
0xc0: {  	_ =	strace $0x9000004E  }
0xc1: {  	_ =	sfence  }
0xc2: {  	s30 =	sld [smem:$0x0];
	_ =	sdelay $0x2  }
0xc3: {  	s31 =	sshll.u32 s1, $0xD;
	s1 =	sshrl.u32 s1, $0x2  }
0xc4: {  	s3 =	sand.u32 $0x4000, s31;
	s1 =	sadd.s32 s1, s30  }
0xc5: {  	s0 =	sor.u32 s3, s0;
	s1 =	sshll.u32 s1, $0x11  }
0xc6: {  	s0 =	sor.u32 s1, s0  }
0xc7: {  	s0 =	sadd.s32 $0x8F2B, s0  }
0xc8: {  	[sflag:s0] =	ssyncadd.remote.s32 $0x1  }
0xc9: {  	_ =	sfence.sel $0xFFFF  }
0xca: {  	[dreg:$0x0] =	wrdreg $0xFFFFFFFF;
	(pc) =	sbr.abs _section_cstart, $3  }
0xcb: {  	[dreg:$0x1] =	wrdreg $0xFFFFFFFF  }
0xcc: {  	_ =	task.clear_ibuf [dreg:s11], $0x2FFFF;
	_ =	strace $0x9FFFFFFF  }
0xcd: {  	(tm) =	ssettm $0x7FFFFFFF  }
tec
execute0_lowered:
.L_overlay_start_1:
0x0: {  	(tag) =	ssettag $0x1  }
0x1: {  	s0 =	rddreg [dreg:$0x0]  }
0x2: {  	s1 =	rddreg [dreg:$0x1]  }
0x3: {  	s21 =	rddreg [dreg:$0x2]  }
0x4: {  	s6 =	rddreg [dreg:$0x3]  }
0x5: {  	v0 =	vlaneseq.u32;
	s7 =	rddreg [dreg:$0x4]  }
0x6: {  	[dreg:$0x8] =	wrdreg s1;
	v34 =	vmul.u32 $0x80, v0  }
0x7: {  	[dreg:$0xa] =	wrdreg s21;
	s1 =	simm.s32 $0x0  }
0x8: {  	[smem:$0x7FF] =	sst s1;
	v0 =	vor.u32 $0xE, v34  }
0x9: {  	s4 =	rddreg [dreg:$0x5];
	_ =	strace $0x8000004D;
	v40 =	vor.u32 $0x804, v34;
	[tilespmem:$0x1FDB0] =	vst v0  }
0xa: {  	v31 =	vor.u32 $0x800, v34;
	[tilespmem:$0x1FFB0] =	vst v40  }
0xb: {  	v30 =	vor.u32 $0x801, v34;
	[tilespmem:$0x1FFC0] =	vst v31  }
0xc: {  	v12 =	vor.u32 $0x1000, v34;
	[tilespmem:$0x1FFD0] =	vst v30  }
0xd: {  	v10 =	vor.u32 $0x1800, v34;
	[tilespmem:$0x1FFE0] =	vst v12  }
0xe: {  	v0 =	vor.u32 $0xF, v34;
	[tilespmem:$0x1FFF0] =	vst v10  }
0xf: {  	[tilespmem:$0x1FDC0] =	vst v0;
	v0 =	vor.u32 $0x80E, v34  }
0x10: {  	[tilespmem:$0x1FDD0] =	vst v0;
	v0 =	vor.u32 $0x80F, v34  }
0x11: {  	[tilespmem:$0x1FDE0] =	vst v0;
	v0 =	vor.u32 $0x1001, v34  }
0x12: {  	[tilespmem:$0x1FDF0] =	vst v0;
	v0 =	vor.u32 $0x1002, v34  }
0x13: {  	[tilespmem:$0x1FE00] =	vst v0;
	v0 =	vor.u32 $0x1003, v34  }
0x14: {  	[tilespmem:$0x1FE10] =	vst v0;
	v0 =	vor.u32 $0x1004, v34  }
0x15: {  	[tilespmem:$0x1FE20] =	vst v0;
	v0 =	vor.u32 $0x1005, v34  }
0x16: {  	[tilespmem:$0x1FE30] =	vst v0;
	v0 =	vor.u32 $0x1006, v34  }
0x17: {  	[tilespmem:$0x1FE40] =	vst v0;
	v0 =	vor.u32 $0x1007, v34  }
0x18: {  	[tilespmem:$0x1FE50] =	vst v0;
	v0 =	vor.u32 $0x1008, v34  }
0x19: {  	[tilespmem:$0x1FE60] =	vst v0;
	v0 =	vor.u32 $0x1009, v34  }
0x1a: {  	[tilespmem:$0x1FE70] =	vst v0;
	v0 =	vor.u32 $0x100A, v34  }
0x1b: {  	[tilespmem:$0x1FE80] =	vst v0;
	v0 =	vor.u32 $0x100B, v34  }
0x1c: {  	s8 =	srdreg.scid;
	s24 =	stileid.u32;
	s14 =	simm.s32 $0x9080;
	[tilespmem:$0x1FE90] =	vst v0;
	v0 =	vor.u32 $0x100C, v34  }
0x1d: {  	s15 =	simm.s32 $0x9400;
	s16 =	simm.s32 $0x1;
	s17 =	simm.s32 $0x9100;
	[tilespmem:$0x1FEA0] =	vst v0;
	v0 =	vor.u32 $0x100D, v34  }
0x1e: {  	s18 =	simm.s32 $0xD400;
	s19 =	simm.s32 $0x9180;
	s20 =	simm.s32 $0x11400;
	[tilespmem:$0x1FEB0] =	vst v0;
	v0 =	vor.u32 $0x100E, v34  }
0x1f: {  	s28 =	simm.s32 $0x9300;
	s29 =	simm.s32 $0x9380;
	s2 =	sadd.s32 $0xE02200, s0;
	[tilespmem:$0x1FEC0] =	vst v0;
	v0 =	vor.u32 $0x100F, v34  }
0x20: {  	s30 =	simm.s32 $0x0;
	s22 =	sadd.s32 $0xE02000, s0;
	s5 =	sadd.s32 $0xE03200, s0;
	[tilespmem:$0x1FED0] =	vst v0;
	v0 =	vor.u32 $0x1801, v34  }
0x21: {  	v44 =	vimm.s32 $0x7FF;
	s23 =	sadd.s32 $0x1600000, s0;
	s8 =	sand.u32 $0x1, s8;
	s9 =	sshll.u32 s24, $0x9;
	[tilespmem:$0x1FEE0] =	vst v0;
	v0 =	vor.u32 $0x1802, v34  }
0x22: {  	v2 =	vimm.s32 $0x0;
	s10 =	sshll.u32 s24, $0x10;
	s21 =	simm.s32 $0x9200;
	s24 =	simm.s32 $0x3;
	v45 =	vor.u32 $0x1, v34;
	[tilespmem:$0x1FEF0] =	vst v0;
	v0 =	vor.u32 $0x1803, v34  }
0x23: {  	s25 =	ssub.s32 $0x2, s8;
	s12 =	sadd.s32 s9, s0;
	s0 =	sadd.s32 s10, s0;
	v47 =	vor.u32 $0x2, v34;
	v48 =	vor.u32 $0x3, v34;
	[tilespmem:$0x1FF00] =	vst v0;
	v0 =	vor.u32 $0x1804, v34  }
0x24: {  	s26 =	sshll.u32 s8, $0xF;
	s13 =	sshll.u32 s8, $0x8;
	v49 =	vor.u32 $0x4, v34;
	v51 =	vor.u32 $0x5, v34;
	[dreg:$0xd] =	wrdreg s2;
	[tilespmem:$0x1FF10] =	vst v0;
	v0 =	vor.u32 $0x1805, v34  }
0x25: {  	s7 =	sadd.s32 s10, s7;
	s6 =	sadd.s32 s9, s6;
	v55 =	vor.u32 $0x9, v34;
	v58 =	vor.u32 $0xA, v34;
	[dreg:$0xe] =	wrdreg s22;
	[tilespmem:$0x1FF20] =	vst v0;
	v0 =	vor.u32 $0x1806, v34  }
0x26: {  	s4 =	sadd.s32 s9, s4;
	s10 =	simm.s32 $0x5;
	v59 =	vor.u32 $0xB, v34;
	v60 =	vor.u32 $0xC, v34;
	[dreg:$0x7] =	wrdreg s5;
	[tilespmem:$0x1FF30] =	vst v0;
	v0 =	vor.u32 $0x1807, v34  }
0x27: {  	v61 =	vor.u32 $0xD, v34;
	[dreg:$0x9] =	wrdreg s23;
	v39 =	vor.u32 $0x802, v34;
	s11 =	sshrl.u32 s25, $0x1;
	s0 =	sadd.s32 s26, s0;
	[tilespmem:$0x1FF40] =	vst v0;
	v0 =	vor.u32 $0x1808, v34  }
0x28: {  	v43 =	vor.u32 $0x803, v34;
	v50 =	vor.u32 $0x805, v34;
	s8 =	sadd.s32 s13, s12;
	s7 =	sadd.s32 s26, s7;
	s9 =	sadd.s32 s13, s4;
	[tilespmem:$0x1FF50] =	vst v0;
	v0 =	vor.u32 $0x1809, v34  }
0x29: {  	v42 =	vor.u32 $0x806, v34;
	v36 =	vor.u32 $0x807, v34;
	s12 =	simm.s32 $0x9000;
	s22 =	simm.s32 $0x15400;
	s23 =	simm.s32 $0x2;
	[tilespmem:$0x1FF60] =	vst v0;
	v0 =	vor.u32 $0x180A, v34  }
0x2a: {  	v52 =	vor.u32 $0x6, v34;
	v56 =	vor.u32 $0x808, v34;
	s26 =	simm.s32 $0x9280;
	s5 =	ssub.s32 s25, s11;
	s0 =	sadd.s32 $0xE15200, s0;
	[tilespmem:$0x1FF70] =	vst v0;
	v0 =	vor.u32 $0x180B, v34  }
0x2b: {  	v53 =	vor.u32 $0x7, v34;
	v54 =	vor.u32 $0x8, v34;
	s31 =	sadd.s32 $0xE00000, s8;
	s8 =	sadd.s32 $0xE13200, s8;
	s11 =	simm.s32 $0x1000;
	[tilespmem:$0x1FF80] =	vst v0;
	v0 =	vor.u32 $0x180C, v34  }
0x2c: {  	v46 =	vor.u32 $0x809, v34;
	v57 =	vor.u32 $0x80A, v34;
	s25 =	simm.s32 $0x4;
	s5 =	smax.u32 s5, $0x1;
	[dreg:$0xb] =	wrdreg s31;
	[tilespmem:$0x1FF90] =	vst v0;
	v0 =	vor.u32 $0x180D, v34  }
0x2d: {  	v62 =	vor.u32 $0x80B, v34;
	v63 =	vor.u32 $0x80C, v34;
	v33 =	vor.u32 $0x80D, v34;
	[dreg:$0xc] =	wrdreg s8;
	s8 =	sadd.s32 s13, s6;
	s13 =	simm.s32 $0x80;
	[tilespmem:$0x1FFA0] =	vst v0  }
.LBB2_1:
0x2e: {  	s2 =	rddreg [dreg:$0xe]  }
0x2f: {  	[tilespmem:s1], [sflag:$0x5] =	stream.linear.gather [hbm4b:s2+s1], $0x1000, $0x38;
	[tilespmem:$0x19400] =	vst v63  }
0x30: {  	_ =	swait.ge [sflag:s10], $0x1000  }
0x31: {  	[sflag:s10] =	ssyncset.done $0x0  }
0x32: {  	s6 =	rddreg [dreg:$0xd];
	[sflag:s10] =	ssyncadd.s32 $0xFFFFF000  }
0x33: {  	[tilespmem:s11], [sflag:$0x5] =	stream.linear.gather [hbm4b:s6+s1], $0x8000, $0x38;
	[tilespmem:$0x19400] =	vst v63  }
0x34: {  	_ =	swait.ge [sflag:s10], $0x8000  }
0x35: {  	s31 =	smov.u32 s7;
	[sflag:s10] =	ssyncset.done $0x0  }
0x36: {  	s4 =	simm.s32 $0x0;
	s6 =	smov.u32 s0;
	[sflag:s10] =	ssyncadd.s32 $0xFFFF8000  }
.LBB2_2:
0x37: {  	s2 =	rddreg [dreg:$0xb]  }
0x38: {  	s2 =	sadd.s32 s4, s2  }
0x39: {  	[tilespmem:s12], [sflag:$0x5] =	stream.linear.gather [hbm4b:s2+s1], $0x80, $0x38;
	[tilespmem:$0x19400] =	vst v63  }
0x3a: {  	_ =	swait.ge [sflag:s10], $0x80  }
0x3b: {  	[sflag:s10] =	ssyncset.done $0x0  }
0x3c: {  	[sflag:s10] =	ssyncadd.s32 $0xFFFFFF80  }
0x3d: {  	v10 =	vld [tilespmem:$0x9000]  }
0x3e: {  	v1 =	vld.idx.msk [tilespmem:v44+s1+$0x0], $0xffff;
	_ =	sdelay $0x4  }
0x3f: {  	vm0 =	vlt.f32 v1, v10  }
0x40: {  	v1 =	vsel vm0, $0x800, v2  }
0x41: {  	v3 =	vor.u32 $0x3FF, v1;
	_ =	sdelay $0x4  }
0x42: {  	v3 =	vld.idx.msk [tilespmem:v3+s1+$0x0], $0xffff;
	_ =	sdelay $0x4  }
0x43: {  	vm14 =	vlt.f32 v3, v10;
	v3 =	vor.u32 $0x400, v1  }
0x44: {  	v1 =	vsel vm14, v3, v1  }
0x45: {  	v3 =	vor.u32 $0x1FF, v1;
	_ =	sdelay $0x4  }
0x46: {  	v3 =	vld.idx.msk [tilespmem:v3+s1+$0x0], $0xffff;
	_ =	sdelay $0x4  }
0x47: {  	vm15 =	vlt.f32 v3, v10;
	v3 =	vor.u32 $0x200, v1  }
0x48: {  	v1 =	vsel vm15, v3, v1  }
0x49: {  	v3 =	vor.u32 $0xFF, v1;
	_ =	sdelay $0x4  }
0x4a: {  	v3 =	vld.idx.msk [tilespmem:v3+s1+$0x0], $0xffff;
	_ =	sdelay $0x4  }
0x4b: {  	vm4 =	vlt.f32 v3, v10;
	v3 =	vor.u32 $0x100, v1  }
0x4c: {  	v1 =	vsel vm4, v3, v1  }
0x4d: {  	v3 =	vadd.s32 $0x7F, v1;
	_ =	sdelay $0x4  }
0x4e: {  	v3 =	vld.idx.msk [tilespmem:v3+s1+$0x0], $0xffff;
	_ =	sdelay $0x4  }
0x4f: {  	vm5 =	vlt.f32 v3, v10;
	v3 =	vadd.s32 $0x80, v1  }
0x50: {  	v1 =	vsel vm5, v3, v1  }
0x51: {  	v3 =	vadd.s32 $0x3F, v1;
	_ =	sdelay $0x4  }
0x52: {  	v3 =	vld.idx.msk [tilespmem:v3+s1+$0x0], $0xffff;
	_ =	sdelay $0x4  }
0x53: {  	vm6 =	vlt.f32 v3, v10;
	v3 =	vadd.s32 $0x40, v1  }
0x54: {  	v1 =	vsel vm6, v3, v1  }
0x55: {  	v3 =	vadd.s32 $0x1F, v1;
	_ =	sdelay $0x4  }
0x56: {  	v3 =	vld.idx.msk [tilespmem:v3+s1+$0x0], $0xffff;
	_ =	sdelay $0x4  }
0x57: {  	vm7 =	vlt.f32 v3, v10;
	v3 =	vadd.s32 $0x20, v1  }
0x58: {  	v1 =	vsel vm7, v3, v1  }
0x59: {  	v3 =	vadd.s32 $0xF, v1;
	_ =	sdelay $0x4  }
0x5a: {  	v3 =	vld.idx.msk [tilespmem:v3+s1+$0x0], $0xffff;
	_ =	sdelay $0x4  }
0x5b: {  	vm8 =	vlt.f32 v3, v10;
	v3 =	vadd.s32 $0x10, v1  }
0x5c: {  	v1 =	vsel vm8, v3, v1  }
0x5d: {  	v3 =	vadd.s32 $0x7, v1;
	_ =	sdelay $0x4  }
0x5e: {  	v3 =	vld.idx.msk [tilespmem:v3+s1+$0x0], $0xffff;
	_ =	sdelay $0x4  }
0x5f: {  	vm9 =	vlt.f32 v3, v10;
	v3 =	vadd.s32 $0x8, v1  }
0x60: {  	v1 =	vsel vm9, v3, v1  }
0x61: {  	v3 =	vadd.s32 $0x3, v1;
	_ =	sdelay $0x4  }
0x62: {  	v3 =	vld.idx.msk [tilespmem:v3+s1+$0x0], $0xffff;
	_ =	sdelay $0x4  }
0x63: {  	vm10 =	vlt.f32 v3, v10;
	v3 =	vadd.s32 $0x4, v1  }
0x64: {  	v1 =	vsel vm10, v3, v1  }
0x65: {  	v3 =	vadd.s32 $0x1, v1;
	_ =	sdelay $0x4  }
0x66: {  	v3 =	vld.idx.msk [tilespmem:v3+s1+$0x0], $0xffff;
	_ =	sdelay $0x4  }
0x67: {  	vm11 =	vlt.f32 v3, v10;
	v3 =	vadd.s32 $0x2, v1  }
0x68: {  	v1 =	vsel vm11, v3, v1;
	_ =	sdelay $0x4  }
0x69: {  	v3 =	vld.idx.msk [tilespmem:v1+s1+$0x0], $0xffff;
	_ =	sdelay $0x4  }
0x6a: {  	vm12 =	vlt.f32 v3, v10  }
0x6b: {  	v3 =	vsel vm12, $0x1, v2  }
0x6c: {  	v1 =	vadd.s32 v3, v1;
	_ =	sdelay $0x4  }
0x6d: {  	v3 =	vld.idx.msk [tilespmem:v1+s1+$0x0], $0xffff;
	_ =	sdelay $0x4  }
0x6e: {  	vm13 =	vlt.f32 v3, v10  }
0x6f: {  	v3 =	vsel vm13, $0x1, v2  }
0x70: {  	v20 =	vadd.s32 v3, v1  }
0x71: {  	v1 =	vmin.u32 v20, $0xFFF  }
0x72: {  	v3 =	vshll.u32 v1, $0x3  }
0x73: {  	v4 =	vand.u32 $0x7F, v1;
	v3 =	vand.u32 $0x7C00, v3  }
0x74: {  	v3 =	vor.u32 v4, v3  }
0x75: {  	v4 =	vor.u32 $0x80, v3  }
0x76: {  	v5 =	vor.u32 $0x100, v3  }
0x77: {  	v6 =	vor.u32 $0x180, v3  }
0x78: {  	v13 =	vld [tilespmem:$0x9010];
	v7 =	vor.u32 $0x200, v3  }
0x79: {  	v8 =	vor.u32 $0x280, v3;
	v18 =	vld.idx.msk [tilespmem:v3+s11+$0x0], $0xffff  }
0x7a: {  	v30 =	vor.u32 $0x300, v3;
	v19 =	vld.idx.msk [tilespmem:v4+s11+$0x0], $0xffff  }
0x7b: {  	v3 =	vor.u32 $0x380, v3;
	v16 =	vld.idx.msk [tilespmem:v5+s11+$0x0], $0xffff  }
0x7c: {  	v27 =	vld.idx.msk [tilespmem:v6+s11+$0x0], $0xffff  }
0x7d: {  	v24 =	vld.idx.msk [tilespmem:v7+s11+$0x0], $0xffff  }
0x7e: {  	v8 =	vld.idx.msk [tilespmem:v8+s11+$0x0], $0xffff  }
0x7f: {  	v28 =	vld.idx.msk [tilespmem:v30+s11+$0x0], $0xffff  }
0x80: {  	v29 =	vld.idx.msk [tilespmem:v3+s11+$0x0], $0xffff;
	[tilespmem:$0x9080] =	vst v1  }
0x81: {  	v1 =	vld.idx.msk [tilespmem:v44+s1+$0x0], $0xffff;
	_ =	sdelay $0x4  }
0x82: {  	vm14 =	vlt.f32 v1, v13  }
0x83: {  	v1 =	vsel vm14, $0x800, v2  }
0x84: {  	v3 =	vor.u32 $0x3FF, v1;
	_ =	sdelay $0x4  }
0x85: {  	v3 =	vld.idx.msk [tilespmem:v3+s1+$0x0], $0xffff;
	_ =	sdelay $0x4  }
0x86: {  	vm15 =	vlt.f32 v3, v13;
	v3 =	vor.u32 $0x400, v1  }
0x87: {  	v1 =	vsel vm15, v3, v1  }
0x88: {  	v3 =	vor.u32 $0x1FF, v1;
	_ =	sdelay $0x4  }
0x89: {  	v3 =	vld.idx.msk [tilespmem:v3+s1+$0x0], $0xffff;
	_ =	sdelay $0x4  }
0x8a: {  	vm4 =	vlt.f32 v3, v13;
	v3 =	vor.u32 $0x200, v1  }
0x8b: {  	v1 =	vsel vm4, v3, v1  }
0x8c: {  	v3 =	vor.u32 $0xFF, v1;
	_ =	sdelay $0x4  }
0x8d: {  	v3 =	vld.idx.msk [tilespmem:v3+s1+$0x0], $0xffff;
	_ =	sdelay $0x4  }
0x8e: {  	vm5 =	vlt.f32 v3, v13;
	v3 =	vor.u32 $0x100, v1  }
0x8f: {  	v1 =	vsel vm5, v3, v1  }
0x90: {  	v3 =	vadd.s32 $0x7F, v1;
	_ =	sdelay $0x4  }
0x91: {  	v3 =	vld.idx.msk [tilespmem:v3+s1+$0x0], $0xffff;
	_ =	sdelay $0x4  }
0x92: {  	vm6 =	vlt.f32 v3, v13;
	v3 =	vadd.s32 $0x80, v1  }
0x93: {  	v1 =	vsel vm6, v3, v1  }
0x94: {  	v3 =	vadd.s32 $0x3F, v1;
	_ =	sdelay $0x4  }
0x95: {  	v3 =	vld.idx.msk [tilespmem:v3+s1+$0x0], $0xffff;
	_ =	sdelay $0x4  }
0x96: {  	vm7 =	vlt.f32 v3, v13;
	v3 =	vadd.s32 $0x40, v1  }
0x97: {  	v1 =	vsel vm7, v3, v1  }
0x98: {  	v3 =	vadd.s32 $0x1F, v1;
	_ =	sdelay $0x4  }
0x99: {  	v3 =	vld.idx.msk [tilespmem:v3+s1+$0x0], $0xffff;
	_ =	sdelay $0x4  }
0x9a: {  	vm8 =	vlt.f32 v3, v13;
	v3 =	vadd.s32 $0x20, v1  }
0x9b: {  	v1 =	vsel vm8, v3, v1  }
0x9c: {  	v3 =	vadd.s32 $0xF, v1;
	_ =	sdelay $0x4  }
0x9d: {  	v3 =	vld.idx.msk [tilespmem:v3+s1+$0x0], $0xffff;
	_ =	sdelay $0x4  }
0x9e: {  	vm9 =	vlt.f32 v3, v13;
	v3 =	vadd.s32 $0x10, v1  }
0x9f: {  	v1 =	vsel vm9, v3, v1  }
0xa0: {  	v3 =	vadd.s32 $0x7, v1;
	_ =	sdelay $0x4  }
0xa1: {  	v3 =	vld.idx.msk [tilespmem:v3+s1+$0x0], $0xffff;
	_ =	sdelay $0x4  }
0xa2: {  	vm10 =	vlt.f32 v3, v13;
	v3 =	vadd.s32 $0x8, v1  }
0xa3: {  	v1 =	vsel vm10, v3, v1  }
0xa4: {  	v3 =	vadd.s32 $0x3, v1;
	_ =	sdelay $0x4  }
0xa5: {  	v3 =	vld.idx.msk [tilespmem:v3+s1+$0x0], $0xffff;
	_ =	sdelay $0x4  }
0xa6: {  	vm11 =	vlt.f32 v3, v13;
	v3 =	vadd.s32 $0x4, v1  }
0xa7: {  	v1 =	vsel vm11, v3, v1  }
0xa8: {  	v3 =	vadd.s32 $0x1, v1;
	_ =	sdelay $0x4  }
0xa9: {  	v3 =	vld.idx.msk [tilespmem:v3+s1+$0x0], $0xffff;
	_ =	sdelay $0x4  }
0xaa: {  	vm12 =	vlt.f32 v3, v13;
	v3 =	vadd.s32 $0x2, v1  }
0xab: {  	v1 =	vsel vm12, v3, v1;
	_ =	sdelay $0x4  }
0xac: {  	v3 =	vld.idx.msk [tilespmem:v1+s1+$0x0], $0xffff;
	_ =	sdelay $0x4  }
0xad: {  	vm13 =	vlt.f32 v3, v13  }
0xae: {  	v3 =	vsel vm13, $0x1, v2  }
0xaf: {  	v1 =	vadd.s32 v3, v1;
	_ =	sdelay $0x4  }
0xb0: {  	v3 =	vld.idx.msk [tilespmem:v1+s1+$0x0], $0xffff;
	_ =	sdelay $0x4  }
0xb1: {  	vm14 =	vlt.f32 v3, v13  }
0xb2: {  	v3 =	vsel vm14, $0x1, v2  }
0xb3: {  	v25 =	vadd.s32 v3, v1  }
0xb4: {  	v3 =	vmin.u32 v25, $0xFFF  }
0xb5: {  	v1 =	vshll.u32 v3, $0x3  }
0xb6: {  	v31 =	vand.u32 $0x7F, v3;
	v1 =	vand.u32 $0x7C00, v1  }
0xb7: {  	v4 =	vor.u32 v31, v1  }
0xb8: {  	v35 =	vor.u32 $0x180, v4;
	_ =	sdelay $0x4  }
0xb9: {  	v9 =	vor.u32 $0x200, v4;
	v0 =	vld.idx.msk [tilespmem:v35+s11+$0x0], $0xffff;
	_ =	sdelay $0x3  }
0xba: {  	v1 =	vor.u32 $0x80, v4  }
0xbb: {  	v32 =	vor.u32 $0x100, v4;
	[tilespmem:$0x1FA70] =	vst v0;
	v0 =	vld.idx.msk [tilespmem:v9+s11+$0x0], $0xffff  }
0xbc: {  	v12 =	vor.u32 $0x280, v4;
	_ =	sdelay $0x1  }
0xbd: {  	v22 =	vld.idx.msk [tilespmem:v4+s11+$0x0], $0xffff  }
0xbe: {  	v21 =	vld.idx.msk [tilespmem:v1+s11+$0x0], $0xffff  }
0xbf: {  	v6 =	vld.idx.msk [tilespmem:v32+s11+$0x0], $0xffff;
	[tilespmem:$0x1FA80] =	vst v0  }
0xc0: {  	v14 =	vor.u32 $0x300, v4;
	v0 =	vld.idx.msk [tilespmem:v12+s11+$0x0], $0xffff;
	_ =	sdelay $0x4  }
0xc1: {  	[tilespmem:$0x1FA90] =	vst v0;
	v0 =	vld.idx.msk [tilespmem:v14+s11+$0x0], $0xffff  }
0xc2: {  	v4 =	vor.u32 $0x380, v4;
	_ =	sdelay $0x3  }
0xc3: {  	v12 =	vld [tilespmem:$0x9020];
	[tilespmem:$0x1FAA0] =	vst v0  }
0xc4: {  	v0 =	vld.idx.msk [tilespmem:v4+s11+$0x0], $0xffff;
	[tilespmem:$0x9090] =	vst v3  }
0xc5: {  	v3 =	vld.idx.msk [tilespmem:v44+s1+$0x0], $0xffff;
	_ =	sdelay $0x4  }
0xc6: {  	vm15 =	vlt.f32 v3, v12  }
0xc7: {  	v3 =	vsel vm15, $0x800, v2  }
0xc8: {  	v37 =	vor.u32 $0x3FF, v3;
	_ =	sdelay $0x4  }
0xc9: {  	v4 =	vld.idx.msk [tilespmem:v37+s1+$0x0], $0xffff;
	_ =	sdelay $0x4  }
0xca: {  	v38 =	vor.u32 $0x400, v3;
	vm4 =	vlt.f32 v4, v12  }
0xcb: {  	v3 =	vsel vm4, v38, v3  }
0xcc: {  	v4 =	vor.u32 $0x1FF, v3;
	_ =	sdelay $0x4  }
0xcd: {  	v4 =	vld.idx.msk [tilespmem:v4+s1+$0x0], $0xffff;
	_ =	sdelay $0x4  }
0xce: {  	v40 =	vor.u32 $0x200, v3;
	vm5 =	vlt.f32 v4, v12  }
0xcf: {  	v3 =	vsel vm5, v40, v3  }
0xd0: {  	v4 =	vor.u32 $0xFF, v3;
	_ =	sdelay $0x4  }
0xd1: {  	v4 =	vld.idx.msk [tilespmem:v4+s1+$0x0], $0xffff;
	_ =	sdelay $0x4  }
0xd2: {  	v41 =	vor.u32 $0x100, v3;
	vm6 =	vlt.f32 v4, v12  }
0xd3: {  	v3 =	vsel vm6, v41, v3  }
0xd4: {  	v4 =	vadd.s32 $0x7F, v3;
	_ =	sdelay $0x4  }
0xd5: {  	v4 =	vld.idx.msk [tilespmem:v4+s1+$0x0], $0xffff;
	_ =	sdelay $0x4  }
0xd6: {  	v9 =	vadd.s32 $0x80, v3;
	vm7 =	vlt.f32 v4, v12  }
0xd7: {  	v3 =	vsel vm7, v9, v3  }
0xd8: {  	v4 =	vadd.s32 $0x3F, v3;
	_ =	sdelay $0x4  }
0xd9: {  	v4 =	vld.idx.msk [tilespmem:v4+s1+$0x0], $0xffff;
	_ =	sdelay $0x4  }
0xda: {  	v11 =	vadd.s32 $0x40, v3;
	vm8 =	vlt.f32 v4, v12  }
0xdb: {  	v3 =	vsel vm8, v11, v3  }
0xdc: {  	v4 =	vadd.s32 $0x1F, v3;
	_ =	sdelay $0x4  }
0xdd: {  	v4 =	vld.idx.msk [tilespmem:v4+s1+$0x0], $0xffff;
	_ =	sdelay $0x4  }
0xde: {  	v14 =	vadd.s32 $0x20, v3;
	vm9 =	vlt.f32 v4, v12  }
0xdf: {  	v3 =	vsel vm9, v14, v3  }
0xe0: {  	v4 =	vadd.s32 $0xF, v3;
	_ =	sdelay $0x4  }
0xe1: {  	v4 =	vld.idx.msk [tilespmem:v4+s1+$0x0], $0xffff;
	_ =	sdelay $0x4  }
0xe2: {  	v15 =	vadd.s32 $0x10, v3;
	vm10 =	vlt.f32 v4, v12  }
0xe3: {  	v3 =	vsel vm10, v15, v3  }
0xe4: {  	v4 =	vadd.s32 $0x7, v3;
	_ =	sdelay $0x4  }
0xe5: {  	v4 =	vld.idx.msk [tilespmem:v4+s1+$0x0], $0xffff;
	_ =	sdelay $0x4  }
0xe6: {  	v17 =	vadd.s32 $0x8, v3;
	vm11 =	vlt.f32 v4, v12  }
0xe7: {  	v3 =	vsel vm11, v17, v3  }
0xe8: {  	v4 =	vadd.s32 $0x3, v3;
	_ =	sdelay $0x4  }
0xe9: {  	v4 =	vld.idx.msk [tilespmem:v4+s1+$0x0], $0xffff;
	_ =	sdelay $0x4  }
0xea: {  	v23 =	vadd.s32 $0x4, v3;
	vm12 =	vlt.f32 v4, v12  }
0xeb: {  	v3 =	vsel vm12, v23, v3  }
0xec: {  	v4 =	vadd.s32 $0x1, v3;
	_ =	sdelay $0x4  }
0xed: {  	v4 =	vld.idx.msk [tilespmem:v4+s1+$0x0], $0xffff;
	_ =	sdelay $0x4  }
0xee: {  	v26 =	vadd.s32 $0x2, v3;
	vm13 =	vlt.f32 v4, v12  }
0xef: {  	v3 =	vsel vm13, v26, v3;
	_ =	sdelay $0x4  }
0xf0: {  	v4 =	vld.idx.msk [tilespmem:v3+s1+$0x0], $0xffff;
	_ =	sdelay $0x4  }
0xf1: {  	vm14 =	vlt.f32 v4, v12  }
0xf2: {  	v4 =	vsel vm14, $0x1, v2  }
0xf3: {  	v3 =	vadd.s32 v4, v3;
	_ =	sdelay $0x4  }
0xf4: {  	v4 =	vld.idx.msk [tilespmem:v3+s1+$0x0], $0xffff;
	_ =	sdelay $0x4  }
0xf5: {  	vm15 =	vlt.f32 v4, v12  }
0xf6: {  	v4 =	vsel vm15, $0x1, v2  }
0xf7: {  	v26 =	vadd.s32 v4, v3  }
0xf8: {  	v3 =	vmin.u32 v26, $0xFFF  }
0xf9: {  	v30 =	vshll.u32 v3, $0x3  }
0xfa: {  	v31 =	vand.u32 $0x7F, v3;
	v4 =	vand.u32 $0x7C00, v30  }
0xfb: {  	v4 =	vor.u32 v31, v4;
	_ =	sdelay $0x4  }
0xfc: {  	[tilespmem:$0x1FAB0] =	vst v0;
	v32 =	vor.u32 $0x100, v4;
	v0 =	vld.idx.msk [tilespmem:v4+s11+$0x0], $0xffff;
	_ =	sdelay $0x4  }
0xfd: {  	v35 =	vor.u32 $0x180, v4;
	[tilespmem:$0x1FAC0] =	vst v0;
	v0 =	vld.idx.msk [tilespmem:v32+s11+$0x0], $0xffff;
	_ =	sdelay $0x4  }
0xfe: {  	v37 =	vor.u32 $0x200, v4;
	[tilespmem:$0x1FAD0] =	vst v0;
	v0 =	vld.idx.msk [tilespmem:v35+s11+$0x0], $0xffff;
	_ =	sdelay $0x4  }
0xff: {  	v15 =	vor.u32 $0x280, v4;
	[tilespmem:$0x1FAE0] =	vst v0;
	v0 =	vld.idx.msk [tilespmem:v37+s11+$0x0], $0xffff;
	_ =	sdelay $0x4  }
0x100: {  	v38 =	vor.u32 $0x300, v4;
	[tilespmem:$0x1FAF0] =	vst v0;
	v0 =	vld.idx.msk [tilespmem:v15+s11+$0x0], $0xffff;
	_ =	sdelay $0x4  }
0x101: {  	v5 =	vor.u32 $0x80, v4;
	[tilespmem:$0x1FB00] =	vst v0;
	v0 =	vld.idx.msk [tilespmem:v38+s11+$0x0], $0xffff  }
0x102: {  	v4 =	vor.u32 $0x380, v4;
	_ =	sdelay $0x2  }
0x103: {  	v9 =	vld [tilespmem:$0x9030]  }
0x104: {  	v23 =	vld.idx.msk [tilespmem:v5+s11+$0x0], $0xffff;
	[tilespmem:$0x1FB10] =	vst v0  }
0x105: {  	v0 =	vld.idx.msk [tilespmem:v4+s11+$0x0], $0xffff;
	[tilespmem:$0x90A0] =	vst v3  }
0x106: {  	v3 =	vld.idx.msk [tilespmem:v44+s1+$0x0], $0xffff;
	_ =	sdelay $0x4  }
0x107: {  	vm4 =	vlt.f32 v3, v9  }
0x108: {  	v3 =	vsel vm4, $0x800, v2  }
0x109: {  	v40 =	vor.u32 $0x3FF, v3;
	_ =	sdelay $0x4  }
0x10a: {  	v4 =	vld.idx.msk [tilespmem:v40+s1+$0x0], $0xffff;
	_ =	sdelay $0x4  }
0x10b: {  	v41 =	vor.u32 $0x400, v3;
	vm5 =	vlt.f32 v4, v9  }
0x10c: {  	v3 =	vsel vm5, v41, v3  }
0x10d: {  	v4 =	vor.u32 $0x1FF, v3;
	_ =	sdelay $0x4  }
0x10e: {  	v4 =	vld.idx.msk [tilespmem:v4+s1+$0x0], $0xffff;
	_ =	sdelay $0x4  }
0x10f: {  	v11 =	vor.u32 $0x200, v3;
	vm6 =	vlt.f32 v4, v9  }
0x110: {  	v3 =	vsel vm6, v11, v3  }
0x111: {  	v4 =	vor.u32 $0xFF, v3;
	_ =	sdelay $0x4  }
0x112: {  	v4 =	vld.idx.msk [tilespmem:v4+s1+$0x0], $0xffff;
	_ =	sdelay $0x4  }
0x113: {  	v14 =	vor.u32 $0x100, v3;
	vm7 =	vlt.f32 v4, v9  }
0x114: {  	v3 =	vsel vm7, v14, v3  }
0x115: {  	v4 =	vadd.s32 $0x7F, v3;
	_ =	sdelay $0x4  }
0x116: {  	v4 =	vld.idx.msk [tilespmem:v4+s1+$0x0], $0xffff;
	_ =	sdelay $0x4  }
0x117: {  	v15 =	vadd.s32 $0x80, v3;
	vm8 =	vlt.f32 v4, v9  }
0x118: {  	v3 =	vsel vm8, v15, v3  }
0x119: {  	v4 =	vadd.s32 $0x3F, v3;
	_ =	sdelay $0x4  }
0x11a: {  	v4 =	vld.idx.msk [tilespmem:v4+s1+$0x0], $0xffff;
	_ =	sdelay $0x4  }
0x11b: {  	v17 =	vadd.s32 $0x40, v3;
	vm9 =	vlt.f32 v4, v9  }
0x11c: {  	v3 =	vsel vm9, v17, v3  }
0x11d: {  	v4 =	vadd.s32 $0x1F, v3;
	_ =	sdelay $0x4  }
0x11e: {  	v4 =	vld.idx.msk [tilespmem:v4+s1+$0x0], $0xffff;
	_ =	sdelay $0x4  }
0x11f: {  	v30 =	vadd.s32 $0x20, v3;
	vm10 =	vlt.f32 v4, v9  }
0x120: {  	v3 =	vsel vm10, v30, v3  }
0x121: {  	v4 =	vadd.s32 $0xF, v3;
	_ =	sdelay $0x4  }
0x122: {  	v4 =	vld.idx.msk [tilespmem:v4+s1+$0x0], $0xffff;
	_ =	sdelay $0x4  }
0x123: {  	v31 =	vadd.s32 $0x10, v3;
	vm11 =	vlt.f32 v4, v9  }
0x124: {  	v3 =	vsel vm11, v31, v3  }
0x125: {  	v4 =	vadd.s32 $0x7, v3;
	_ =	sdelay $0x4  }
0x126: {  	v4 =	vld.idx.msk [tilespmem:v4+s1+$0x0], $0xffff;
	_ =	sdelay $0x4  }
0x127: {  	v32 =	vadd.s32 $0x8, v3;
	vm12 =	vlt.f32 v4, v9  }
0x128: {  	v3 =	vsel vm12, v32, v3  }
0x129: {  	v4 =	vadd.s32 $0x3, v3;
	_ =	sdelay $0x4  }
0x12a: {  	v4 =	vld.idx.msk [tilespmem:v4+s1+$0x0], $0xffff;
	_ =	sdelay $0x4  }
0x12b: {  	v35 =	vadd.s32 $0x4, v3;
	vm13 =	vlt.f32 v4, v9  }
0x12c: {  	v3 =	vsel vm13, v35, v3  }
0x12d: {  	v4 =	vadd.s32 $0x1, v3;
	_ =	sdelay $0x4  }
0x12e: {  	v4 =	vld.idx.msk [tilespmem:v4+s1+$0x0], $0xffff;
	_ =	sdelay $0x4  }
0x12f: {  	v37 =	vadd.s32 $0x2, v3;
	vm14 =	vlt.f32 v4, v9  }
0x130: {  	v3 =	vsel vm14, v37, v3;
	_ =	sdelay $0x4  }
0x131: {  	v4 =	vld.idx.msk [tilespmem:v3+s1+$0x0], $0xffff;
	_ =	sdelay $0x4  }
0x132: {  	vm15 =	vlt.f32 v4, v9  }
0x133: {  	v4 =	vsel vm15, $0x1, v2  }
0x134: {  	v3 =	vadd.s32 v4, v3;
	_ =	sdelay $0x4  }
0x135: {  	v4 =	vld.idx.msk [tilespmem:v3+s1+$0x0], $0xffff;
	_ =	sdelay $0x4  }
0x136: {  	vm4 =	vlt.f32 v4, v9  }
0x137: {  	v4 =	vsel vm4, $0x1, v2  }
0x138: {  	[tilespmem:$0x1FB20] =	vst v0;
	v0 =	vadd.s32 v4, v3  }
0x139: {  	v3 =	vmin.u32 v0, $0xFFF  }
0x13a: {  	v38 =	vshll.u32 v3, $0x3  }
0x13b: {  	v40 =	vand.u32 $0x7F, v3;
	v4 =	vand.u32 $0x7C00, v38  }
0x13c: {  	v4 =	vor.u32 v40, v4;
	_ =	sdelay $0x4  }
0x13d: {  	[tilespmem:$0x1FC10] =	vst v0;
	v5 =	vor.u32 $0x80, v4;
	v0 =	vld.idx.msk [tilespmem:v4+s11+$0x0], $0xffff;
	_ =	sdelay $0x4  }
0x13e: {  	v41 =	vor.u32 $0x100, v4;
	[tilespmem:$0x1FB30] =	vst v0;
	v0 =	vld.idx.msk [tilespmem:v5+s11+$0x0], $0xffff;
	_ =	sdelay $0x4  }
0x13f: {  	v11 =	vor.u32 $0x180, v4;
	[tilespmem:$0x1FB40] =	vst v0;
	v0 =	vld.idx.msk [tilespmem:v41+s11+$0x0], $0xffff;
	_ =	sdelay $0x4  }
0x140: {  	v37 =	vor.u32 $0x200, v4;
	[tilespmem:$0x1FB50] =	vst v0;
	v0 =	vld.idx.msk [tilespmem:v11+s11+$0x0], $0xffff;
	_ =	sdelay $0x4  }
0x141: {  	v32 =	vor.u32 $0x280, v4;
	[tilespmem:$0x1FB60] =	vst v0;
	v0 =	vld.idx.msk [tilespmem:v37+s11+$0x0], $0xffff;
	_ =	sdelay $0x4  }
0x142: {  	v38 =	vor.u32 $0x300, v4;
	[tilespmem:$0x1FB70] =	vst v0;
	v0 =	vld.idx.msk [tilespmem:v32+s11+$0x0], $0xffff;
	_ =	sdelay $0x4  }
0x143: {  	[tilespmem:$0x1FB80] =	vst v0;
	v0 =	vld.idx.msk [tilespmem:v38+s11+$0x0], $0xffff  }
0x144: {  	v4 =	vor.u32 $0x380, v4;
	_ =	sdelay $0x3  }
0x145: {  	v7 =	vld [tilespmem:$0x9040];
	[tilespmem:$0x1FB90] =	vst v0  }
0x146: {  	v0 =	vld.idx.msk [tilespmem:v4+s11+$0x0], $0xffff;
	[tilespmem:$0x90B0] =	vst v3  }
0x147: {  	v3 =	vld.idx.msk [tilespmem:v44+s1+$0x0], $0xffff;
	_ =	sdelay $0x4  }
0x148: {  	vm5 =	vlt.f32 v3, v7  }
0x149: {  	v3 =	vsel vm5, $0x800, v2  }
0x14a: {  	v40 =	vor.u32 $0x3FF, v3;
	_ =	sdelay $0x4  }
0x14b: {  	v4 =	vld.idx.msk [tilespmem:v40+s1+$0x0], $0xffff;
	_ =	sdelay $0x4  }
0x14c: {  	v41 =	vor.u32 $0x400, v3;
	vm6 =	vlt.f32 v4, v7  }
0x14d: {  	v3 =	vsel vm6, v41, v3  }
0x14e: {  	v4 =	vor.u32 $0x1FF, v3;
	_ =	sdelay $0x4  }
0x14f: {  	v4 =	vld.idx.msk [tilespmem:v4+s1+$0x0], $0xffff;
	_ =	sdelay $0x4  }
0x150: {  	v11 =	vor.u32 $0x200, v3;
	vm7 =	vlt.f32 v4, v7  }
0x151: {  	v3 =	vsel vm7, v11, v3  }
0x152: {  	v4 =	vor.u32 $0xFF, v3;
	_ =	sdelay $0x4  }
0x153: {  	v4 =	vld.idx.msk [tilespmem:v4+s1+$0x0], $0xffff;
	_ =	sdelay $0x4  }
0x154: {  	v14 =	vor.u32 $0x100, v3;
	vm8 =	vlt.f32 v4, v7  }
0x155: {  	v3 =	vsel vm8, v14, v3  }
0x156: {  	v4 =	vadd.s32 $0x7F, v3;
	_ =	sdelay $0x4  }
0x157: {  	v4 =	vld.idx.msk [tilespmem:v4+s1+$0x0], $0xffff;
	_ =	sdelay $0x4  }
0x158: {  	v15 =	vadd.s32 $0x80, v3;
	vm9 =	vlt.f32 v4, v7  }
0x159: {  	v3 =	vsel vm9, v15, v3  }
0x15a: {  	v4 =	vadd.s32 $0x3F, v3;
	_ =	sdelay $0x4  }
0x15b: {  	v4 =	vld.idx.msk [tilespmem:v4+s1+$0x0], $0xffff;
	_ =	sdelay $0x4  }
0x15c: {  	v17 =	vadd.s32 $0x40, v3;
	vm10 =	vlt.f32 v4, v7  }
0x15d: {  	v3 =	vsel vm10, v17, v3  }
0x15e: {  	v4 =	vadd.s32 $0x1F, v3;
	_ =	sdelay $0x4  }
0x15f: {  	v4 =	vld.idx.msk [tilespmem:v4+s1+$0x0], $0xffff;
	_ =	sdelay $0x4  }
0x160: {  	v30 =	vadd.s32 $0x20, v3;
	vm11 =	vlt.f32 v4, v7  }
0x161: {  	v3 =	vsel vm11, v30, v3  }
0x162: {  	v4 =	vadd.s32 $0xF, v3;
	_ =	sdelay $0x4  }
0x163: {  	v4 =	vld.idx.msk [tilespmem:v4+s1+$0x0], $0xffff;
	_ =	sdelay $0x4  }
0x164: {  	v31 =	vadd.s32 $0x10, v3;
	vm12 =	vlt.f32 v4, v7  }
0x165: {  	v3 =	vsel vm12, v31, v3  }
0x166: {  	v4 =	vadd.s32 $0x7, v3;
	_ =	sdelay $0x4  }
0x167: {  	v4 =	vld.idx.msk [tilespmem:v4+s1+$0x0], $0xffff;
	_ =	sdelay $0x4  }
0x168: {  	v32 =	vadd.s32 $0x8, v3;
	vm13 =	vlt.f32 v4, v7  }
0x169: {  	v3 =	vsel vm13, v32, v3  }
0x16a: {  	v4 =	vadd.s32 $0x3, v3;
	_ =	sdelay $0x4  }
0x16b: {  	v4 =	vld.idx.msk [tilespmem:v4+s1+$0x0], $0xffff;
	_ =	sdelay $0x4  }
0x16c: {  	v35 =	vadd.s32 $0x4, v3;
	vm14 =	vlt.f32 v4, v7  }
0x16d: {  	v3 =	vsel vm14, v35, v3  }
0x16e: {  	v4 =	vadd.s32 $0x1, v3;
	_ =	sdelay $0x4  }
0x16f: {  	v4 =	vld.idx.msk [tilespmem:v4+s1+$0x0], $0xffff;
	_ =	sdelay $0x4  }
0x170: {  	v37 =	vadd.s32 $0x2, v3;
	vm15 =	vlt.f32 v4, v7  }
0x171: {  	v3 =	vsel vm15, v37, v3;
	_ =	sdelay $0x4  }
0x172: {  	v4 =	vld.idx.msk [tilespmem:v3+s1+$0x0], $0xffff;
	_ =	sdelay $0x4  }
0x173: {  	vm4 =	vlt.f32 v4, v7  }
0x174: {  	v4 =	vsel vm4, $0x1, v2  }
0x175: {  	v3 =	vadd.s32 v4, v3;
	_ =	sdelay $0x4  }
0x176: {  	v4 =	vld.idx.msk [tilespmem:v3+s1+$0x0], $0xffff;
	_ =	sdelay $0x4  }
0x177: {  	vm5 =	vlt.f32 v4, v7  }
0x178: {  	v4 =	vsel vm5, $0x1, v2  }
0x179: {  	[tilespmem:$0x1FBA0] =	vst v0;
	v0 =	vadd.s32 v4, v3  }
0x17a: {  	v3 =	vmin.u32 v0, $0xFFF  }
0x17b: {  	v38 =	vshll.u32 v3, $0x3  }
0x17c: {  	v40 =	vand.u32 $0x7F, v3;
	v4 =	vand.u32 $0x7C00, v38  }
0x17d: {  	v4 =	vor.u32 v40, v4;
	_ =	sdelay $0x4  }
0x17e: {  	[tilespmem:$0x1FCA0] =	vst v0;
	v5 =	vor.u32 $0x80, v4;
	v0 =	vld.idx.msk [tilespmem:v4+s11+$0x0], $0xffff;
	_ =	sdelay $0x4  }
0x17f: {  	v41 =	vor.u32 $0x100, v4;
	[tilespmem:$0x1FBB0] =	vst v0;
	v0 =	vld.idx.msk [tilespmem:v5+s11+$0x0], $0xffff;
	_ =	sdelay $0x4  }
0x180: {  	v11 =	vor.u32 $0x180, v4;
	[tilespmem:$0x1FBC0] =	vst v0;
	v0 =	vld.idx.msk [tilespmem:v41+s11+$0x0], $0xffff;
	_ =	sdelay $0x4  }
0x181: {  	v35 =	vor.u32 $0x200, v4;
	[tilespmem:$0x1FBD0] =	vst v0;
	v0 =	vld.idx.msk [tilespmem:v11+s11+$0x0], $0xffff;
	_ =	sdelay $0x4  }
0x182: {  	v37 =	vor.u32 $0x280, v4;
	[tilespmem:$0x1FBE0] =	vst v0;
	v0 =	vld.idx.msk [tilespmem:v35+s11+$0x0], $0xffff;
	_ =	sdelay $0x4  }
0x183: {  	v14 =	vor.u32 $0x300, v4;
	[tilespmem:$0x1FBF0] =	vst v0;
	v0 =	vld.idx.msk [tilespmem:v37+s11+$0x0], $0xffff;
	_ =	sdelay $0x4  }
0x184: {  	[tilespmem:$0x1FC00] =	vst v0;
	v0 =	vld.idx.msk [tilespmem:v14+s11+$0x0], $0xffff  }
0x185: {  	v4 =	vor.u32 $0x380, v4;
	_ =	sdelay $0x3  }
0x186: {  	v5 =	vld [tilespmem:$0x9050];
	[tilespmem:$0x1FC20] =	vst v0  }
0x187: {  	v0 =	vld.idx.msk [tilespmem:v4+s11+$0x0], $0xffff;
	[tilespmem:$0x90C0] =	vst v3  }
0x188: {  	v3 =	vld.idx.msk [tilespmem:v44+s1+$0x0], $0xffff;
	_ =	sdelay $0x4  }
0x189: {  	vm6 =	vlt.f32 v3, v5  }
0x18a: {  	v3 =	vsel vm6, $0x800, v2  }
0x18b: {  	v15 =	vor.u32 $0x3FF, v3;
	_ =	sdelay $0x4  }
0x18c: {  	v4 =	vld.idx.msk [tilespmem:v15+s1+$0x0], $0xffff;
	_ =	sdelay $0x4  }
0x18d: {  	v17 =	vor.u32 $0x400, v3;
	vm7 =	vlt.f32 v4, v5  }
0x18e: {  	v3 =	vsel vm7, v17, v3  }
0x18f: {  	v4 =	vor.u32 $0x1FF, v3;
	_ =	sdelay $0x4  }
0x190: {  	v4 =	vld.idx.msk [tilespmem:v4+s1+$0x0], $0xffff;
	_ =	sdelay $0x4  }
0x191: {  	v30 =	vor.u32 $0x200, v3;
	vm8 =	vlt.f32 v4, v5  }
0x192: {  	v3 =	vsel vm8, v30, v3  }
0x193: {  	v4 =	vor.u32 $0xFF, v3;
	_ =	sdelay $0x4  }
0x194: {  	v4 =	vld.idx.msk [tilespmem:v4+s1+$0x0], $0xffff;
	_ =	sdelay $0x4  }
0x195: {  	v31 =	vor.u32 $0x100, v3;
	vm9 =	vlt.f32 v4, v5  }
0x196: {  	v3 =	vsel vm9, v31, v3  }
0x197: {  	v4 =	vadd.s32 $0x7F, v3;
	_ =	sdelay $0x4  }
0x198: {  	v4 =	vld.idx.msk [tilespmem:v4+s1+$0x0], $0xffff;
	_ =	sdelay $0x4  }
0x199: {  	v32 =	vadd.s32 $0x80, v3;
	vm10 =	vlt.f32 v4, v5  }
0x19a: {  	v3 =	vsel vm10, v32, v3  }
0x19b: {  	v4 =	vadd.s32 $0x3F, v3;
	_ =	sdelay $0x4  }
0x19c: {  	v4 =	vld.idx.msk [tilespmem:v4+s1+$0x0], $0xffff;
	_ =	sdelay $0x4  }
0x19d: {  	v35 =	vadd.s32 $0x40, v3;
	vm11 =	vlt.f32 v4, v5  }
0x19e: {  	v3 =	vsel vm11, v35, v3  }
0x19f: {  	v4 =	vadd.s32 $0x1F, v3;
	_ =	sdelay $0x4  }
0x1a0: {  	v4 =	vld.idx.msk [tilespmem:v4+s1+$0x0], $0xffff;
	_ =	sdelay $0x4  }
0x1a1: {  	v37 =	vadd.s32 $0x20, v3;
	vm12 =	vlt.f32 v4, v5  }
0x1a2: {  	v3 =	vsel vm12, v37, v3  }
0x1a3: {  	v4 =	vadd.s32 $0xF, v3;
	_ =	sdelay $0x4  }
0x1a4: {  	v4 =	vld.idx.msk [tilespmem:v4+s1+$0x0], $0xffff;
	_ =	sdelay $0x4  }
0x1a5: {  	v38 =	vadd.s32 $0x10, v3;
	vm13 =	vlt.f32 v4, v5  }
0x1a6: {  	v3 =	vsel vm13, v38, v3  }
0x1a7: {  	v4 =	vadd.s32 $0x7, v3;
	_ =	sdelay $0x4  }
0x1a8: {  	v4 =	vld.idx.msk [tilespmem:v4+s1+$0x0], $0xffff;
	_ =	sdelay $0x4  }
0x1a9: {  	v40 =	vadd.s32 $0x8, v3;
	vm14 =	vlt.f32 v4, v5  }
0x1aa: {  	v3 =	vsel vm14, v40, v3  }
0x1ab: {  	v4 =	vadd.s32 $0x3, v3;
	_ =	sdelay $0x4  }
0x1ac: {  	v4 =	vld.idx.msk [tilespmem:v4+s1+$0x0], $0xffff;
	_ =	sdelay $0x4  }
0x1ad: {  	v41 =	vadd.s32 $0x4, v3;
	vm15 =	vlt.f32 v4, v5  }
0x1ae: {  	v3 =	vsel vm15, v41, v3  }
0x1af: {  	v4 =	vadd.s32 $0x1, v3;
	_ =	sdelay $0x4  }
0x1b0: {  	v4 =	vld.idx.msk [tilespmem:v4+s1+$0x0], $0xffff;
	_ =	sdelay $0x4  }
0x1b1: {  	v11 =	vadd.s32 $0x2, v3;
	vm4 =	vlt.f32 v4, v5  }
0x1b2: {  	v3 =	vsel vm4, v11, v3;
	_ =	sdelay $0x4  }
0x1b3: {  	v4 =	vld.idx.msk [tilespmem:v3+s1+$0x0], $0xffff;
	_ =	sdelay $0x4  }
0x1b4: {  	vm5 =	vlt.f32 v4, v5  }
0x1b5: {  	v4 =	vsel vm5, $0x1, v2  }
0x1b6: {  	v3 =	vadd.s32 v4, v3;
	_ =	sdelay $0x4  }
0x1b7: {  	v4 =	vld.idx.msk [tilespmem:v3+s1+$0x0], $0xffff;
	_ =	sdelay $0x4  }
0x1b8: {  	vm6 =	vlt.f32 v4, v5  }
0x1b9: {  	v4 =	vsel vm6, $0x1, v2  }
0x1ba: {  	v37 =	vadd.s32 v4, v3  }
0x1bb: {  	v3 =	vmin.u32 v37, $0xFFF  }
0x1bc: {  	v14 =	vshll.u32 v3, $0x3  }
0x1bd: {  	v15 =	vand.u32 $0x7F, v3;
	v4 =	vand.u32 $0x7C00, v14  }
0x1be: {  	v4 =	vor.u32 v15, v4;
	_ =	sdelay $0x4  }
0x1bf: {  	[tilespmem:$0x1FC30] =	vst v0;
	v0 =	vld.idx.msk [tilespmem:v4+s11+$0x0], $0xffff;
	_ =	sdelay $0x2  }
0x1c0: {  	v32 =	vor.u32 $0x80, v4;
	_ =	sdelay $0x1  }
0x1c1: {  	[tilespmem:$0x1FC40] =	vst v0;
	v0 =	vor.u32 $0x280, v4;
	_ =	sdelay $0x2  }
0x1c2: {  	v17 =	vor.u32 $0x100, v4;
	v1 =	vld.idx.msk [tilespmem:v32+s11+$0x0], $0xffff;
	_ =	sdelay $0x1  }
0x1c3: {  	v40 =	vor.u32 $0x300, v4;
	v0 =	vld.idx.msk [tilespmem:v0+s11+$0x0], $0xffff;
	_ =	sdelay $0x2  }
0x1c4: {  	v38 =	vor.u32 $0x180, v4;
	[tilespmem:$0x1FC50] =	vst v1;
	v1 =	vld.idx.msk [tilespmem:v17+s11+$0x0], $0xffff;
	_ =	sdelay $0x1  }
0x1c5: {  	v41 =	vor.u32 $0x200, v4;
	v4 =	vor.u32 $0x380, v4;
	[tilespmem:$0x1FC90] =	vst v0;
	v0 =	vld.idx.msk [tilespmem:v40+s11+$0x0], $0xffff;
	_ =	sdelay $0x2  }
0x1c6: {  	[tilespmem:$0x1FC60] =	vst v1;
	v1 =	vld.idx.msk [tilespmem:v38+s11+$0x0], $0xffff;
	_ =	sdelay $0x1  }
0x1c7: {  	[tilespmem:$0x1FCB0] =	vst v0;
	v0 =	vld.idx.msk [tilespmem:v4+s11+$0x0], $0xffff;
	_ =	sdelay $0x2  }
0x1c8: {  	v32 =	vld [tilespmem:$0x9060];
	[tilespmem:$0x1FC70] =	vst v1  }
0x1c9: {  	v1 =	vld.idx.msk [tilespmem:v41+s11+$0x0], $0xffff;
	[tilespmem:$0x90D0] =	vst v3  }
0x1ca: {  	[tilespmem:$0x1FCC0] =	vst v0;
	v0 =	vld.idx.msk [tilespmem:v44+s1+$0x0], $0xffff;
	_ =	sdelay $0x4  }
0x1cb: {  	vm7 =	vlt.f32 v0, v32  }
0x1cc: {  	v0 =	vsel vm7, $0x800, v2  }
0x1cd: {  	v3 =	vor.u32 $0x3FF, v0;
	_ =	sdelay $0x4  }
0x1ce: {  	v3 =	vld.idx.msk [tilespmem:v3+s1+$0x0], $0xffff;
	_ =	sdelay $0x4  }
0x1cf: {  	vm8 =	vlt.f32 v3, v32;
	v3 =	vor.u32 $0x400, v0  }
0x1d0: {  	v0 =	vsel vm8, v3, v0  }
0x1d1: {  	v3 =	vor.u32 $0x1FF, v0;
	_ =	sdelay $0x4  }
0x1d2: {  	v3 =	vld.idx.msk [tilespmem:v3+s1+$0x0], $0xffff;
	_ =	sdelay $0x4  }
0x1d3: {  	vm9 =	vlt.f32 v3, v32;
	v3 =	vor.u32 $0x200, v0  }
0x1d4: {  	v0 =	vsel vm9, v3, v0  }
0x1d5: {  	v3 =	vor.u32 $0xFF, v0;
	_ =	sdelay $0x4  }
0x1d6: {  	v3 =	vld.idx.msk [tilespmem:v3+s1+$0x0], $0xffff;
	_ =	sdelay $0x4  }
0x1d7: {  	vm10 =	vlt.f32 v3, v32;
	v3 =	vor.u32 $0x100, v0  }
0x1d8: {  	v0 =	vsel vm10, v3, v0  }
0x1d9: {  	v3 =	vadd.s32 $0x7F, v0;
	_ =	sdelay $0x4  }
0x1da: {  	v3 =	vld.idx.msk [tilespmem:v3+s1+$0x0], $0xffff;
	_ =	sdelay $0x4  }
0x1db: {  	vm11 =	vlt.f32 v3, v32;
	v3 =	vadd.s32 $0x80, v0  }
0x1dc: {  	v0 =	vsel vm11, v3, v0  }
0x1dd: {  	v3 =	vadd.s32 $0x3F, v0;
	_ =	sdelay $0x4  }
0x1de: {  	v3 =	vld.idx.msk [tilespmem:v3+s1+$0x0], $0xffff;
	_ =	sdelay $0x4  }
0x1df: {  	vm12 =	vlt.f32 v3, v32;
	v3 =	vadd.s32 $0x40, v0  }
0x1e0: {  	v0 =	vsel vm12, v3, v0  }
0x1e1: {  	v3 =	vadd.s32 $0x1F, v0;
	_ =	sdelay $0x4  }
0x1e2: {  	v3 =	vld.idx.msk [tilespmem:v3+s1+$0x0], $0xffff;
	_ =	sdelay $0x4  }
0x1e3: {  	vm13 =	vlt.f32 v3, v32;
	v3 =	vadd.s32 $0x20, v0  }
0x1e4: {  	v0 =	vsel vm13, v3, v0  }
0x1e5: {  	v3 =	vadd.s32 $0xF, v0;
	_ =	sdelay $0x4  }
0x1e6: {  	v3 =	vld.idx.msk [tilespmem:v3+s1+$0x0], $0xffff;
	_ =	sdelay $0x4  }
0x1e7: {  	vm14 =	vlt.f32 v3, v32;
	v3 =	vadd.s32 $0x10, v0  }
0x1e8: {  	v0 =	vsel vm14, v3, v0  }
0x1e9: {  	v3 =	vadd.s32 $0x7, v0;
	_ =	sdelay $0x4  }
0x1ea: {  	v3 =	vld.idx.msk [tilespmem:v3+s1+$0x0], $0xffff;
	_ =	sdelay $0x4  }
0x1eb: {  	vm15 =	vlt.f32 v3, v32;
	v3 =	vadd.s32 $0x8, v0  }
0x1ec: {  	v0 =	vsel vm15, v3, v0  }
0x1ed: {  	v3 =	vadd.s32 $0x3, v0;
	_ =	sdelay $0x4  }
0x1ee: {  	v3 =	vld.idx.msk [tilespmem:v3+s1+$0x0], $0xffff;
	_ =	sdelay $0x4  }
0x1ef: {  	vm4 =	vlt.f32 v3, v32;
	v3 =	vadd.s32 $0x4, v0  }
0x1f0: {  	v0 =	vsel vm4, v3, v0  }
0x1f1: {  	v3 =	vadd.s32 $0x1, v0;
	_ =	sdelay $0x4  }
0x1f2: {  	v3 =	vld.idx.msk [tilespmem:v3+s1+$0x0], $0xffff;
	_ =	sdelay $0x4  }
0x1f3: {  	vm5 =	vlt.f32 v3, v32;
	v3 =	vadd.s32 $0x2, v0  }
0x1f4: {  	v0 =	vsel vm5, v3, v0;
	_ =	sdelay $0x4  }
0x1f5: {  	v3 =	vld.idx.msk [tilespmem:v0+s1+$0x0], $0xffff;
	_ =	sdelay $0x4  }
0x1f6: {  	vm6 =	vlt.f32 v3, v32  }
0x1f7: {  	v3 =	vsel vm6, $0x1, v2  }
0x1f8: {  	v0 =	vadd.s32 v3, v0;
	_ =	sdelay $0x4  }
0x1f9: {  	v3 =	vld.idx.msk [tilespmem:v0+s1+$0x0], $0xffff;
	_ =	sdelay $0x4  }
0x1fa: {  	vm7 =	vlt.f32 v3, v32  }
0x1fb: {  	v3 =	vsel vm7, $0x1, v2  }
0x1fc: {  	v38 =	vadd.s32 v3, v0  }
0x1fd: {  	v0 =	vmin.u32 v38, $0xFFF  }
0x1fe: {  	v3 =	vshll.u32 v0, $0x3  }
0x1ff: {  	v4 =	vand.u32 $0x7F, v0;
	v3 =	vand.u32 $0x7C00, v3  }
0x200: {  	v3 =	vor.u32 v4, v3  }
0x201: {  	[tilespmem:$0x1FC80] =	vst v1;
	v1 =	vor.u32 $0x100, v3;
	_ =	sdelay $0x4  }
0x202: {  	v1 =	vld.idx.msk [tilespmem:v1+s11+$0x0], $0xffff;
	_ =	sdelay $0x4  }
0x203: {  	[tilespmem:$0x1FCF0] =	vst v1;
	v1 =	vor.u32 $0x300, v3  }
0x204: {  	v35 =	vor.u32 $0x80, v3  }
0x205: {  	v15 =	vmov v39;
	v39 =	vor.u32 $0x180, v3  }
0x206: {  	v11 =	vor.u32 $0x200, v3  }
0x207: {  	v30 =	vor.u32 $0x280, v3;
	v31 =	vld.idx.msk [tilespmem:v3+s11+$0x0], $0xffff  }
0x208: {  	v1 =	vld.idx.msk [tilespmem:v1+s11+$0x0], $0xffff  }
0x209: {  	v14 =	vld.idx.msk [tilespmem:v35+s11+$0x0], $0xffff;
	v3 =	vor.u32 $0x380, v3  }
0x20a: {  	v40 =	vld.idx.msk [tilespmem:v39+s11+$0x0], $0xffff  }
0x20b: {  	v41 =	vld.idx.msk [tilespmem:v11+s11+$0x0], $0xffff  }
0x20c: {  	v17 =	vmov v43;
	v43 =	vld.idx.msk [tilespmem:v30+s11+$0x0], $0xffff  }
0x20d: {  	v35 =	vld [tilespmem:$0x9070];
	[tilespmem:$0x1FD30] =	vst v1  }
0x20e: {  	v1 =	vld.idx.msk [tilespmem:v3+s11+$0x0], $0xffff;
	[tilespmem:$0x90E0] =	vst v0  }
0x20f: {  	v0 =	vld.idx.msk [tilespmem:v44+s1+$0x0], $0xffff;
	_ =	sdelay $0x4  }
0x210: {  	vm8 =	vlt.f32 v0, v35  }
0x211: {  	v0 =	vsel vm8, $0x800, v2  }
0x212: {  	[tilespmem:$0x1FD40] =	vst v1;
	v1 =	vor.u32 $0x3FF, v0;
	_ =	sdelay $0x4  }
0x213: {  	v1 =	vld.idx.msk [tilespmem:v1+s1+$0x0], $0xffff;
	_ =	sdelay $0x4  }
0x214: {  	vm9 =	vlt.f32 v1, v35;
	v1 =	vor.u32 $0x400, v0  }
0x215: {  	v0 =	vsel vm9, v1, v0  }
0x216: {  	v1 =	vor.u32 $0x1FF, v0;
	_ =	sdelay $0x4  }
0x217: {  	v1 =	vld.idx.msk [tilespmem:v1+s1+$0x0], $0xffff;
	_ =	sdelay $0x4  }
0x218: {  	vm10 =	vlt.f32 v1, v35;
	v1 =	vor.u32 $0x200, v0  }
0x219: {  	v0 =	vsel vm10, v1, v0  }
0x21a: {  	v1 =	vor.u32 $0xFF, v0;
	_ =	sdelay $0x4  }
0x21b: {  	v1 =	vld.idx.msk [tilespmem:v1+s1+$0x0], $0xffff;
	_ =	sdelay $0x4  }
0x21c: {  	vm11 =	vlt.f32 v1, v35;
	v1 =	vor.u32 $0x100, v0  }
0x21d: {  	v0 =	vsel vm11, v1, v0  }
0x21e: {  	v1 =	vadd.s32 $0x7F, v0;
	_ =	sdelay $0x4  }
0x21f: {  	v1 =	vld.idx.msk [tilespmem:v1+s1+$0x0], $0xffff;
	_ =	sdelay $0x4  }
0x220: {  	vm12 =	vlt.f32 v1, v35;
	v1 =	vadd.s32 $0x80, v0  }
0x221: {  	v0 =	vsel vm12, v1, v0  }
0x222: {  	v1 =	vadd.s32 $0x3F, v0;
	_ =	sdelay $0x4  }
0x223: {  	v1 =	vld.idx.msk [tilespmem:v1+s1+$0x0], $0xffff;
	_ =	sdelay $0x4  }
0x224: {  	vm13 =	vlt.f32 v1, v35;
	v1 =	vadd.s32 $0x40, v0  }
0x225: {  	v0 =	vsel vm13, v1, v0  }
0x226: {  	v1 =	vadd.s32 $0x1F, v0;
	_ =	sdelay $0x4  }
0x227: {  	v1 =	vld.idx.msk [tilespmem:v1+s1+$0x0], $0xffff;
	_ =	sdelay $0x4  }
0x228: {  	vm14 =	vlt.f32 v1, v35;
	v1 =	vadd.s32 $0x20, v0  }
0x229: {  	v0 =	vsel vm14, v1, v0  }
0x22a: {  	v1 =	vadd.s32 $0xF, v0;
	_ =	sdelay $0x4  }
0x22b: {  	v1 =	vld.idx.msk [tilespmem:v1+s1+$0x0], $0xffff;
	_ =	sdelay $0x4  }
0x22c: {  	vm15 =	vlt.f32 v1, v35;
	v1 =	vadd.s32 $0x10, v0  }
0x22d: {  	v0 =	vsel vm15, v1, v0  }
0x22e: {  	v1 =	vadd.s32 $0x7, v0;
	_ =	sdelay $0x4  }
0x22f: {  	v1 =	vld.idx.msk [tilespmem:v1+s1+$0x0], $0xffff;
	_ =	sdelay $0x4  }
0x230: {  	vm4 =	vlt.f32 v1, v35;
	v1 =	vadd.s32 $0x8, v0  }
0x231: {  	v0 =	vsel vm4, v1, v0  }
0x232: {  	v1 =	vadd.s32 $0x3, v0;
	_ =	sdelay $0x4  }
0x233: {  	v1 =	vld.idx.msk [tilespmem:v1+s1+$0x0], $0xffff;
	_ =	sdelay $0x4  }
0x234: {  	vm5 =	vlt.f32 v1, v35;
	v1 =	vadd.s32 $0x4, v0  }
0x235: {  	v0 =	vsel vm5, v1, v0  }
0x236: {  	v1 =	vadd.s32 $0x1, v0;
	_ =	sdelay $0x4  }
0x237: {  	v1 =	vld.idx.msk [tilespmem:v1+s1+$0x0], $0xffff;
	_ =	sdelay $0x4  }
0x238: {  	vm6 =	vlt.f32 v1, v35;
	v1 =	vadd.s32 $0x2, v0  }
0x239: {  	v0 =	vsel vm6, v1, v0;
	_ =	sdelay $0x4  }
0x23a: {  	v1 =	vld.idx.msk [tilespmem:v0+s1+$0x0], $0xffff;
	_ =	sdelay $0x4  }
0x23b: {  	vm7 =	vlt.f32 v1, v35  }
0x23c: {  	v1 =	vsel vm7, $0x1, v2  }
0x23d: {  	v0 =	vadd.s32 v1, v0;
	_ =	sdelay $0x4  }
0x23e: {  	v1 =	vld.idx.msk [tilespmem:v0+s1+$0x0], $0xffff;
	_ =	sdelay $0x4  }
0x23f: {  	vm8 =	vlt.f32 v1, v35  }
0x240: {  	v1 =	vsel vm8, $0x1, v2  }
0x241: {  	[tilespmem:$0x1FD10] =	vst v41;
	v41 =	vadd.s32 v1, v0  }
0x242: {  	vm1 =	vlt.f32 v19, v10;
	vm2 =	vlt.f32 v16, v10;
	v1 =	vmin.u32 v41, $0xFFF  }
0x243: {  	v19 =	vsel vm1, $0x1, v2;
	vm9 =	vlt.f32 v18, v10;
	v0 =	vshll.u32 v1, $0x3  }
0x244: {  	v18 =	vsel vm9, $0x1, v2;
	v11 =	vand.u32 $0x7F, v1;
	v0 =	vand.u32 $0x7C00, v0  }
0x245: {  	v30 =	vsel vm2, $0x1, v2;
	v18 =	vadd.s32 v18, v19;
	v0 =	vor.u32 v11, v0  }
0x246: {  	[tilespmem:$0x1FCE0] =	vst v14;
	v18 =	vadd.s32 v30, v18;
	vm10 =	vlt.f32 v27, v10;
	v14 =	vor.u32 $0x80, v0  }
0x247: {  	[tilespmem:$0x1FCD0] =	vst v31;
	v31 =	vsel vm10, $0x1, v2;
	vm11 =	vlt.f32 v24, v10;
	v19 =	vor.u32 $0x180, v0  }
0x248: {  	v18 =	vadd.s32 v31, v18;
	v4 =	vsel vm11, $0x1, v2  }
0x249: {  	v16 =	vadd.s32 v4, v18;
	vm12 =	vlt.f32 v8, v10  }
0x24a: {  	[tilespmem:$0x1FD20] =	vst v43;
	v39 =	vor.u32 $0x100, v0;
	v43 =	vor.u32 $0x200, v0;
	v11 =	vor.u32 $0x280, v0;
	v24 =	vld.idx.msk [tilespmem:v0+s11+$0x0], $0xffff  }
0x24b: {  	[tilespmem:$0x1FD00] =	vst v40;
	v40 =	vor.u32 $0x380, v0;
	v3 =	vld.idx.msk [tilespmem:v14+s11+$0x0], $0xffff;
	v14 =	vor.u32 $0x300, v0;
	v0 =	vsel vm12, $0x1, v2  }
0x24c: {  	v16 =	vadd.s32 v0, v16;
	v0 =	vld.idx.msk [tilespmem:v19+s11+$0x0], $0xffff;
	_ =	sdelay $0x4  }
0x24d: {  	[tilespmem:$0x1FD70] =	vst v0;
	v0 =	vld.idx.msk [tilespmem:v11+s11+$0x0], $0xffff;
	_ =	sdelay $0x4  }
0x24e: {  	[tilespmem:$0x1FD80] =	vst v0;
	v0 =	vld.idx.msk [tilespmem:v14+s11+$0x0], $0xffff;
	_ =	sdelay $0x1  }
0x24f: {  	[tilespmem:$0x1FD50] =	vst v3;
	v3 =	vld.idx.msk [tilespmem:v39+s11+$0x0], $0xffff  }
0x250: {  	vm13 =	vlt.f32 v28, v10  }
0x251: {  	v44 =	vsel vm13, $0x1, v2;
	vm14 =	vlt.f32 v29, v10  }
0x252: {  	v4 =	vsel vm14, $0x1, v2;
	v16 =	vadd.s32 v44, v16;
	[tilespmem:$0x1FD90] =	vst v0;
	v0 =	vld.idx.msk [tilespmem:v40+s11+$0x0], $0xffff  }
0x253: {  	v19 =	vadd.s32 v4, v16  }
0x254: {  	v8 =	vmin.u32 v19, $0x7;
	[tilespmem:$0x1FD60] =	vst v3  }
0x255: {  	s3 =	rddreg [dreg:$0x7];
	v18 =	vld.idx.msk [tilespmem:v43+s11+$0x0], $0xffff;
	v27 =	vshll.u32 v8, $0x4;
	[tilespmem:$0x90F0] =	vst v1  }
0x256: {  	v16 =	vor.u32 v48, v27;
	[tilespmem:s15], [sflag:$0x1] =	stream.indirect.gather [hbm4b:s3+s13], $0x80, s14, s13, $0xb8;
	[tilespmem:$0x19400] =	vst v63  }
0x257: {  	[tilespmem:$0x1FDA0] =	vst v0  }
0x258: {  	v11 =	vor.u32 v45, v27;
	_ =	swait.ge [sflag:s16], $0x4000  }
0x259: {  	v14 =	vor.u32 v47, v27;
	[sflag:s16] =	ssyncset.done $0x0  }
0x25a: {  	v4 =	vor.u32 v49, v27;
	[sflag:s16] =	ssyncadd.s32 $0xFFFFC000  }
0x25b: {  	v39 =	vld.idx.msk [tilespmem:v16+s15+$0x0], $0xffff;
	v16 =	vor.u32 v54, v27;
	_ =	sdelay $0x1  }
0x25c: {  	v30 =	vmov v57;
	v57 =	vmov v58;
	v28 =	vld.idx.msk [tilespmem:v11+s15+$0x0], $0xffff  }
0x25d: {  	v31 =	vmovc v46;
	v46 =	vmov v56;
	v44 =	vor.u32 v52, v27;
	v40 =	vor.u32 v55, v27;
	v29 =	vld.idx.msk [tilespmem:v14+s15+$0x0], $0xffff  }
0x25e: {  	v56 =	vmovc v60;
	v8 =	vmov v47;
	v1 =	vor.u32 v34, v27;
	v0 =	vor.u32 v51, v27;
	v43 =	vld.idx.msk [tilespmem:v4+s15+$0x0], $0xffff  }
0x25f: {  	v14 =	vmovc v45;
	v45 =	vor.u32 v53, v27;
	v4 =	vmovc v62;
	v62 =	vmov v55;
	v55 =	vmov v49;
	v47 =	vld.idx.msk [tilespmem:v16+s15+$0x0], $0xffff  }
0x260: {  	v49 =	vor.u32 v58, v27;
	v58 =	vmovc v51;
	v51 =	vor.u32 v59, v27;
	v11 =	vmovc v33;
	v33 =	vmov v63;
	v16 =	vld [tilespmem:$0x1FDB0]  }
0x261: {  	v63 =	vmovc v59;
	v59 =	vmovc v52;
	v52 =	vor.u32 v60, v27;
	v60 =	vmov v53;
	v53 =	vor.u32 v61, v27  }
0x262: {  	v3 =	vmov v48;
	v48 =	vld.idx.msk [tilespmem:v40+s15+$0x0], $0xffff  }
0x263: {  	v1 =	vld.idx.msk [tilespmem:v1+s15+$0x0], $0xffff  }
0x264: {  	v40 =	vmov v36;
	v45 =	vld.idx.msk [tilespmem:v45+s15+$0x0], $0xffff  }
0x265: {  	v36 =	vmovc v42;
	v42 =	vmovc v50;
	v50 =	vmov v61;
	v61 =	vmov v54;
	v54 =	vor.u32 v16, v27;
	v16 =	vld [tilespmem:$0x1FDC0]  }
0x266: {  	vm0 =	vlt.f32 v22, v13;
	v22 =	vld.idx.msk [tilespmem:v53+s15+$0x0], $0xffff  }
0x267: {  	vm6 =	vlt.f32 v48, v10;
	v48 =	vmov v3;
	v3 =	vld [tilespmem:$0x1FA70];
	_ =	sdelay $0x2  }
0x268: {  	v0 =	vld.idx.msk [tilespmem:v0+s15+$0x0], $0xffff;
	v27 =	vor.u32 v16, v27  }
0x269: {  	vm12 =	vlt.f32 v1, v10;
	vm8 =	vlt.f32 v45, v10;
	v45 =	vmovc v14;
	v14 =	vsel vm0, $0x1, v2  }
0x26a: {  	vm0 =	vlt.f32 v22, v10;
	v22 =	vsel vm12, $0x1, v2;
	vm12 =	vlt.f32 v3, v13;
	v3 =	vld [tilespmem:$0x1FA80];
	_ =	sdelay $0x1  }
0x26b: {  	v1 =	vld.idx.msk [tilespmem:v54+s15+$0x0], $0xffff  }
0x26c: {  	vm1 =	vlt.f32 v21, v13;
	vm10 =	vlt.f32 v0, v10;
	v0 =	vld.idx.msk [tilespmem:v27+s15+$0x0], $0xffff  }
0x26d: {  	vm11 =	vlt.f32 v6, v13;
	vm15 =	vlt.f32 v39, v10;
	v16 =	vsel vm1, $0x1, v2  }
0x26e: {  	v6 =	vadd.s32 v14, v16;
	v14 =	vsel vm15, $0x1, v2;
	vm15 =	vlt.f32 v3, v13;
	v3 =	vld [tilespmem:$0x1FA90];
	_ =	sdelay $0x1  }
0x26f: {  	v21 =	vshll.u32 v19, $0x4;
	vm1 =	vlt.f32 v1, v10  }
0x270: {  	v1 =	vsel vm11, $0x1, v2;
	vm11 =	vlt.f32 v0, v10;
	v0 =	vshll.u32 v20, $0x7  }
0x271: {  	v44 =	vld.idx.msk [tilespmem:v44+s15+$0x0], $0xffff;
	v0 =	vadd.s32 v21, v0  }
0x272: {  	v0 =	vor.u32 v22, v0;
	v22 =	vsel vm8, $0x1, v2;
	vm8 =	vlt.f32 v3, v13;
	v3 =	vld [tilespmem:$0x1FAA0];
	_ =	sdelay $0x2  }
0x273: {  	v49 =	vld.idx.msk [tilespmem:v49+s15+$0x0], $0xffff  }
0x274: {  	v51 =	vld.idx.msk [tilespmem:v51+s15+$0x0], $0xffff;
	vm9 =	vlt.f32 v44, v10  }
0x275: {  	v21 =	vsel vm9, $0x1, v2;
	vm9 =	vlt.f32 v3, v13;
	v3 =	vld [tilespmem:$0x1FAB0]  }
0x276: {  	v52 =	vld.idx.msk [tilespmem:v52+s15+$0x0], $0xffff;
	vm13 =	vlt.f32 v28, v10  }
0x277: {  	vm14 =	vlt.f32 v29, v10;
	vm2 =	vlt.f32 v43, v10;
	v27 =	vsel vm13, $0x1, v2  }
0x278: {  	v28 =	vsel vm14, $0x1, v2;
	v19 =	vsel vm10, $0x1, v2;
	v0 =	vadd.s32 v27, v0  }
0x279: {  	vm7 =	vlt.f32 v47, v10;
	vm5 =	vlt.f32 v49, v10;
	v0 =	vadd.s32 v28, v0  }
0x27a: {  	v16 =	vsel vm2, $0x1, v2;
	v0 =	vadd.s32 v14, v0;
	vm10 =	vlt.f32 v3, v13;
	v3 =	vld [tilespmem:$0x1FAC0]  }
0x27b: {  	vm4 =	vlt.f32 v51, v10;
	vm3 =	vlt.f32 v52, v10;
	v0 =	vadd.s32 v16, v0  }
0x27c: {  	v52 =	vmovc v59;
	v59 =	vmovc v63;
	v29 =	vsel vm12, $0x1, v2;
	v1 =	vadd.s32 v1, v6;
	v0 =	vadd.s32 v19, v0  }
0x27d: {  	v63 =	vmovc v33;
	v33 =	vmovc v11;
	v11 =	vsel vm4, $0x1, v2;
	v1 =	vadd.s32 v29, v1;
	v0 =	vadd.s32 v21, v0  }
0x27e: {  	v29 =	vsel vm6, $0x1, v2;
	v27 =	vsel vm7, $0x1, v2;
	v0 =	vadd.s32 v22, v0  }
0x27f: {  	v20 =	vsel vm15, $0x1, v2;
	v0 =	vadd.s32 v27, v0;
	vm12 =	vlt.f32 v3, v12;
	v3 =	vld [tilespmem:$0x1FAD0]  }
0x280: {  	v10 =	vsel vm5, $0x1, v2;
	v1 =	vadd.s32 v20, v1;
	v0 =	vadd.s32 v29, v0  }
0x281: {  	v53 =	vmovc v60;
	v60 =	vmovc v56;
	v20 =	vsel vm1, $0x1, v2;
	v28 =	vsel vm8, $0x1, v2;
	v0 =	vadd.s32 v10, v0  }
0x282: {  	v56 =	vmovc v46;
	v46 =	vmovc v31;
	v1 =	vadd.s32 v28, v1;
	v16 =	vsel vm3, $0x1, v2;
	v0 =	vadd.s32 v11, v0  }
0x283: {  	v31 =	vld [tilespmem:$0x1FFC0];
	v51 =	vmovc v58;
	v58 =	vmovc v57;
	v19 =	vsel vm0, $0x1, v2;
	v14 =	vsel vm9, $0x1, v2;
	v0 =	vadd.s32 v16, v0  }
0x284: {  	v57 =	vmovc v30;
	v1 =	vadd.s32 v14, v1;
	v0 =	vadd.s32 v19, v0;
	vm14 =	vlt.f32 v3, v12;
	v3 =	vld [tilespmem:$0x1FAE0]  }
0x285: {  	v30 =	vld [tilespmem:$0x1FFD0];
	v54 =	vmovc v61;
	v61 =	vmovc v50;
	v22 =	vsel vm11, $0x1, v2;
	v21 =	vsel vm10, $0x1, v2;
	v0 =	vadd.s32 v20, v0  }
0x286: {  	v50 =	vmovc v42;
	v42 =	vmovc v36;
	v36 =	vmov v40;
	v40 =	vld [tilespmem:$0x1FFB0];
	v1 =	vadd.s32 v21, v1;
	v0 =	vadd.s32 v22, v0  }
0x287: {  	v10 =	vmin.u32 v0, $0x7FFFF;
	v0 =	vmin.u32 v1, $0x7  }
0x288: {  	v0 =	vshll.u32 v0, $0x4  }
0x289: {  	v27 =	vshrl.u32 v10, $0x3;
	[tilespmem:$0x9280] =	vst v10;
	v28 =	vor.u32 v31, v0;
	vm15 =	vlt.f32 v3, v12;
	v3 =	vld [tilespmem:$0x1FAF0]  }
0x28a: {  	vm13 =	vlt.f32 v23, v12;
	v14 =	vsel vm12, $0x1, v2;
	[tilespmem:$0x9300] =	vst v27;
	v11 =	vor.u32 v30, v0  }
0x28b: {  	v43 =	vmovc v17;
	v29 =	vshrl.u32 v10, $0x2;
	[tilespmem:$0x9100] =	vst v27;
	v6 =	vor.u32 v17, v0;
	v17 =	vor.u32 v40, v0  }
0x28c: {  	v39 =	vmovc v15;
	[tilespmem:$0x9180] =	vst v29;
	v30 =	vshrl.u32 v10, $0x7;
	v19 =	vor.u32 v15, v0;
	v15 =	vsel vm13, $0x1, v2  }
0x28d: {  	[tilespmem:$0x9200] =	vst v30;
	v21 =	vadd.s32 v14, v15;
	v16 =	vsel vm14, $0x1, v2  }
0x28e: {  	v47 =	vmovc v8;
	v21 =	vadd.s32 v16, v21;
	v8 =	vld.idx.msk [tilespmem:v28+s15+$0x0], $0xffff;
	v40 =	vsel vm15, $0x1, v2;
	vm4 =	vlt.f32 v3, v12  }
0x28f: {  	v28 =	vor.u32 v50, v0;
	v11 =	vld.idx.msk [tilespmem:v11+s15+$0x0], $0xffff;
	v21 =	vadd.s32 v40, v21;
	v14 =	vsel vm4, $0x1, v2  }
0x290: {  	v17 =	vld.idx.msk [tilespmem:v17+s15+$0x0], $0xffff;
	v21 =	vadd.s32 v14, v21;
	v14 =	vor.u32 v57, v0  }
0x291: {  	v3 =	vld [tilespmem:$0x1FDD0]  }
0x292: {  	v19 =	vld.idx.msk [tilespmem:v19+s15+$0x0], $0xffff  }
0x293: {  	v22 =	vor.u32 v42, v0;
	v6 =	vld.idx.msk [tilespmem:v6+s15+$0x0], $0xffff  }
0x294: {  	v30 =	vor.u32 v36, v0;
	vm5 =	vlt.f32 v8, v13;
	v8 =	vld.idx.msk [tilespmem:v28+s15+$0x0], $0xffff  }
0x295: {  	v28 =	vor.u32 v56, v0;
	vm9 =	vlt.f32 v17, v13;
	v17 =	vld.idx.msk [tilespmem:v14+s15+$0x0], $0xffff  }
0x296: {  	v1 =	vshll.u32 v1, $0x4;
	v15 =	vshll.u32 v25, $0x7;
	v14 =	vor.u32 v3, v0;
	v3 =	vld [tilespmem:$0x1FDE0]  }
0x297: {  	v29 =	vor.u32 v46, v0;
	v1 =	vadd.s32 v1, v15  }
0x298: {  	vm6 =	vlt.f32 v11, v13;
	v11 =	vld.idx.msk [tilespmem:v22+s15+$0x0], $0xffff;
	vm8 =	vlt.f32 v6, v13;
	v16 =	vsel vm5, $0x1, v2  }
0x299: {  	v22 =	vld.idx.msk [tilespmem:v30+s15+$0x0], $0xffff;
	v6 =	vor.u32 v4, v0;
	v30 =	vsel vm6, $0x1, v2;
	v1 =	vor.u32 v16, v1  }
0x29a: {  	v1 =	vadd.s32 v30, v1;
	v30 =	vor.u32 v33, v0;
	vm10 =	vlt.f32 v8, v13;
	v8 =	vld.idx.msk [tilespmem:v28+s15+$0x0], $0xffff  }
0x29b: {  	vm7 =	vlt.f32 v19, v13;
	v28 =	vor.u32 v63, v0;
	v0 =	vor.u32 v3, v0;
	v3 =	vld [tilespmem:$0x1FB00]  }
0x29c: {  	v40 =	vsel vm7, $0x1, v2  }
0x29d: {  	v25 =	vsel vm8, $0x1, v2;
	v1 =	vadd.s32 v40, v1;
	vm11 =	vlt.f32 v11, v13;
	v11 =	vld.idx.msk [tilespmem:v29+s15+$0x0], $0xffff  }
0x29e: {  	v27 =	vsel vm9, $0x1, v2;
	v1 =	vadd.s32 v25, v1;
	v6 =	vld.idx.msk [tilespmem:v6+s15+$0x0], $0xffff  }
0x29f: {  	vm12 =	vlt.f32 v22, v13;
	v1 =	vadd.s32 v27, v1;
	v29 =	vsel vm10, $0x1, v2;
	v30 =	vld.idx.msk [tilespmem:v30+s15+$0x0], $0xffff  }
0x2a0: {  	v40 =	vsel vm11, $0x1, v2;
	v1 =	vadd.s32 v29, v1;
	vm13 =	vlt.f32 v3, v12;
	v3 =	vld [tilespmem:$0x1FB10]  }
0x2a1: {  	v15 =	vsel vm12, $0x1, v2;
	v1 =	vadd.s32 v40, v1;
	v27 =	vld.idx.msk [tilespmem:v28+s15+$0x0], $0xffff  }
0x2a2: {  	v1 =	vadd.s32 v15, v1;
	vm14 =	vlt.f32 v8, v13  }
0x2a3: {  	vm15 =	vlt.f32 v11, v13;
	vm6 =	vlt.f32 v6, v13;
	v29 =	vsel vm14, $0x1, v2;
	v14 =	vld.idx.msk [tilespmem:v14+s15+$0x0], $0xffff  }
0x2a4: {  	v40 =	vsel vm15, $0x1, v2;
	v25 =	vsel vm6, $0x1, v2;
	v1 =	vadd.s32 v29, v1;
	v0 =	vld.idx.msk [tilespmem:v0+s15+$0x0], $0xffff  }
0x2a5: {  	v1 =	vadd.s32 v40, v1;
	vm5 =	vlt.f32 v17, v13;
	vm4 =	vlt.f32 v3, v12;
	v3 =	vld [tilespmem:$0x1FB20]  }
0x2a6: {  	vm9 =	vlt.f32 v30, v13;
	v23 =	vsel vm5, $0x1, v2;
	vm8 =	vlt.f32 v27, v13  }
0x2a7: {  	v19 =	vsel vm9, $0x1, v2;
	v1 =	vadd.s32 v23, v1;
	v8 =	vsel vm8, $0x1, v2  }
0x2a8: {  	v1 =	vadd.s32 v25, v1;
	vm10 =	vlt.f32 v14, v13;
	v28 =	vsel vm13, $0x1, v2  }
0x2a9: {  	v1 =	vadd.s32 v8, v1;
	v11 =	vadd.s32 v28, v21;
	v28 =	vsel vm10, $0x1, v2  }
0x2aa: {  	vm11 =	vlt.f32 v0, v13;
	v16 =	vsel vm4, $0x1, v2;
	vm7 =	vlt.f32 v3, v12;
	v3 =	vld [tilespmem:$0x1FFE0]  }
0x2ab: {  	v0 =	vadd.s32 v19, v1;
	v11 =	vadd.s32 v16, v11;
	v27 =	vsel vm7, $0x1, v2  }
0x2ac: {  	v29 =	vsel vm11, $0x1, v2;
	v0 =	vadd.s32 v28, v0;
	v1 =	vadd.s32 v27, v11  }
0x2ad: {  	v0 =	vadd.s32 v29, v0;
	v30 =	vmin.u32 v1, $0x7  }
0x2ae: {  	v13 =	vmin.u32 v0, $0x7FFFF;
	v0 =	vshll.u32 v30, $0x4  }
0x2af: {  	v8 =	vor.u32 v3, v0;
	v3 =	vld [tilespmem:$0x1FDF0];
	_ =	sdelay $0x4  }
0x2b0: {  	v14 =	vor.u32 v3, v0;
	v3 =	vld [tilespmem:$0x1FE00];
	_ =	sdelay $0x4  }
0x2b1: {  	v30 =	vor.u32 v3, v0;
	v3 =	vld [tilespmem:$0x1FE10];
	_ =	sdelay $0x2  }
0x2b2: {  	v40 =	vshrl.u32 v13, $0x3  }
0x2b3: {  	[tilespmem:$0x9310] =	vst v40  }
0x2b4: {  	[tilespmem:$0x9110] =	vst v40;
	v40 =	vor.u32 v3, v0;
	v3 =	vld [tilespmem:$0x1FB30];
	_ =	sdelay $0x4  }
0x2b5: {  	vm12 =	vlt.f32 v3, v9;
	v3 =	vld [tilespmem:$0x1FB40];
	_ =	sdelay $0x4  }
0x2b6: {  	vm13 =	vlt.f32 v3, v9;
	v3 =	vld [tilespmem:$0x1FE20];
	_ =	sdelay $0x3  }
0x2b7: {  	v28 =	vshrl.u32 v13, $0x2  }
0x2b8: {  	[tilespmem:$0x9190] =	vst v28;
	v28 =	vor.u32 v3, v0;
	v3 =	vld [tilespmem:$0x1FB50];
	_ =	sdelay $0x4  }
0x2b9: {  	vm14 =	vlt.f32 v3, v9;
	v3 =	vld [tilespmem:$0x1FB60];
	_ =	sdelay $0x4  }
0x2ba: {  	vm15 =	vlt.f32 v3, v9;
	v3 =	vld [tilespmem:$0x1FE30];
	_ =	sdelay $0x4  }
0x2bb: {  	v15 =	vor.u32 v3, v0;
	v3 =	vld [tilespmem:$0x1FB70];
	_ =	sdelay $0x4  }
0x2bc: {  	vm4 =	vlt.f32 v3, v9;
	v3 =	vld [tilespmem:$0x1FE40]  }
0x2bd: {  	[tilespmem:$0x9290] =	vst v13;
	v29 =	vshrl.u32 v13, $0x7  }
0x2be: {  	[tilespmem:$0x9210] =	vst v29  }
0x2bf: {  	v11 =	vld.idx.msk [tilespmem:v14+s15+$0x0], $0xffff  }
0x2c0: {  	v6 =	vld.idx.msk [tilespmem:v40+s15+$0x0], $0xffff  }
0x2c1: {  	v40 =	vor.u32 v3, v0;
	v3 =	vld [tilespmem:$0x1FE50];
	_ =	sdelay $0x4  }
0x2c2: {  	vm6 =	vlt.f32 v11, v12;
	v11 =	vor.u32 v3, v0;
	v3 =	vld [tilespmem:$0x1FE60];
	_ =	sdelay $0x4  }
0x2c3: {  	v21 =	vor.u32 v3, v0;
	v3 =	vld [tilespmem:$0x1FE70]  }
0x2c4: {  	v25 =	vsel vm12, $0x1, v2;
	v27 =	vsel vm13, $0x1, v2  }
0x2c5: {  	v19 =	vadd.s32 v25, v27;
	v14 =	vsel vm14, $0x1, v2  }
0x2c6: {  	v8 =	vld.idx.msk [tilespmem:v8+s15+$0x0], $0xffff;
	v19 =	vadd.s32 v14, v19;
	v29 =	vsel vm15, $0x1, v2  }
0x2c7: {  	v17 =	vld.idx.msk [tilespmem:v30+s15+$0x0], $0xffff;
	v19 =	vadd.s32 v29, v19;
	v30 =	vsel vm4, $0x1, v2  }
0x2c8: {  	v19 =	vadd.s32 v30, v19;
	v30 =	vor.u32 v3, v0;
	v3 =	vld [tilespmem:$0x1FE80];
	_ =	sdelay $0x4  }
0x2c9: {  	vm5 =	vlt.f32 v8, v12;
	v8 =	vor.u32 v3, v0;
	v3 =	vld [tilespmem:$0x1FB80];
	_ =	sdelay $0x4  }
0x2ca: {  	vm10 =	vlt.f32 v3, v9;
	v3 =	vld [tilespmem:$0x1FE90]  }
0x2cb: {  	v1 =	vshll.u32 v1, $0x4;
	v27 =	vshll.u32 v26, $0x7  }
0x2cc: {  	v1 =	vadd.s32 v1, v27;
	v14 =	vld.idx.msk [tilespmem:v28+s15+$0x0], $0xffff;
	v28 =	vsel vm5, $0x1, v2  }
0x2cd: {  	vm7 =	vlt.f32 v17, v12;
	v1 =	vor.u32 v28, v1;
	v29 =	vsel vm6, $0x1, v2  }
0x2ce: {  	vm8 =	vlt.f32 v6, v12;
	v6 =	vsel vm7, $0x1, v2;
	v1 =	vadd.s32 v29, v1  }
0x2cf: {  	v1 =	vadd.s32 v6, v1;
	v6 =	vor.u32 v3, v0;
	v3 =	vld [tilespmem:$0x1FEA0];
	_ =	sdelay $0x4  }
0x2d0: {  	v17 =	vor.u32 v3, v0;
	v3 =	vld [tilespmem:$0x1FEB0];
	_ =	sdelay $0x3  }
0x2d1: {  	v22 =	vld.idx.msk [tilespmem:v30+s15+$0x0], $0xffff  }
0x2d2: {  	v30 =	vor.u32 v3, v0;
	v3 =	vld [tilespmem:$0x1FEC0];
	_ =	sdelay $0x1  }
0x2d3: {  	v23 =	vld.idx.msk [tilespmem:v15+s15+$0x0], $0xffff  }
0x2d4: {  	vm9 =	vlt.f32 v14, v12;
	v25 =	vld.idx.msk [tilespmem:v40+s15+$0x0], $0xffff;
	v40 =	vsel vm8, $0x1, v2  }
0x2d5: {  	v14 =	vsel vm9, $0x1, v2;
	v1 =	vadd.s32 v40, v1;
	v11 =	vld.idx.msk [tilespmem:v11+s15+$0x0], $0xffff  }
0x2d6: {  	v1 =	vadd.s32 v14, v1;
	v14 =	vor.u32 v3, v0;
	v3 =	vld [tilespmem:$0x1FED0]  }
0x2d7: {  	v21 =	vld.idx.msk [tilespmem:v21+s15+$0x0], $0xffff  }
0x2d8: {  	vm11 =	vlt.f32 v23, v12  }
0x2d9: {  	v23 =	vsel vm11, $0x1, v2;
	v8 =	vld.idx.msk [tilespmem:v8+s15+$0x0], $0xffff  }
0x2da: {  	v1 =	vadd.s32 v23, v1;
	vm12 =	vlt.f32 v25, v12;
	v6 =	vld.idx.msk [tilespmem:v6+s15+$0x0], $0xffff  }
0x2db: {  	v40 =	vsel vm12, $0x1, v2;
	vm13 =	vlt.f32 v11, v12;
	v0 =	vor.u32 v3, v0;
	v3 =	vld [tilespmem:$0x1FB90]  }
0x2dc: {  	v1 =	vadd.s32 v40, v1;
	v16 =	vsel vm13, $0x1, v2;
	vm14 =	vlt.f32 v21, v12;
	v17 =	vld.idx.msk [tilespmem:v17+s15+$0x0], $0xffff  }
0x2dd: {  	v1 =	vadd.s32 v16, v1;
	v26 =	vsel vm14, $0x1, v2;
	vm4 =	vlt.f32 v22, v12  }
0x2de: {  	v1 =	vadd.s32 v26, v1;
	v29 =	vsel vm4, $0x1, v2;
	v27 =	vld.idx.msk [tilespmem:v30+s15+$0x0], $0xffff  }
0x2df: {  	v1 =	vadd.s32 v29, v1;
	vm5 =	vlt.f32 v8, v12;
	v30 =	vld.idx.msk [tilespmem:v14+s15+$0x0], $0xffff  }
0x2e0: {  	v40 =	vsel vm5, $0x1, v2;
	vm7 =	vlt.f32 v6, v12;
	vm15 =	vlt.f32 v3, v9;
	v3 =	vld [tilespmem:$0x1FBA0]  }
0x2e1: {  	v1 =	vadd.s32 v40, v1;
	v20 =	vsel vm7, $0x1, v2;
	vm8 =	vlt.f32 v17, v12;
	v0 =	vld.idx.msk [tilespmem:v0+s15+$0x0], $0xffff  }
0x2e2: {  	v15 =	vsel vm10, $0x1, v2;
	v1 =	vadd.s32 v20, v1;
	v17 =	vsel vm8, $0x1, v2  }
0x2e3: {  	v11 =	vadd.s32 v15, v19;
	v1 =	vadd.s32 v17, v1;
	vm9 =	vlt.f32 v27, v12  }
0x2e4: {  	v21 =	vsel vm9, $0x1, v2;
	vm10 =	vlt.f32 v30, v12;
	v28 =	vsel vm15, $0x1, v2  }
0x2e5: {  	v22 =	vsel vm10, $0x1, v2;
	v11 =	vadd.s32 v28, v11;
	vm6 =	vlt.f32 v3, v9;
	v3 =	vld [tilespmem:$0x1FFF0]  }
0x2e6: {  	vm11 =	vlt.f32 v0, v12;
	v0 =	vadd.s32 v21, v1;
	v14 =	vsel vm6, $0x1, v2  }
0x2e7: {  	v23 =	vsel vm11, $0x1, v2;
	v0 =	vadd.s32 v22, v0;
	v1 =	vadd.s32 v14, v11  }
0x2e8: {  	v0 =	vadd.s32 v23, v0;
	v25 =	vmin.u32 v1, $0x7  }
0x2e9: {  	v12 =	vmin.u32 v0, $0x7FFFF;
	v0 =	vshll.u32 v25, $0x4  }
0x2ea: {  	v8 =	vor.u32 v3, v0;
	v3 =	vld [tilespmem:$0x1FEE0];
	_ =	sdelay $0x4  }
0x2eb: {  	v27 =	vor.u32 v3, v0;
	v3 =	vld [tilespmem:$0x1FEF0];
	_ =	sdelay $0x4  }
0x2ec: {  	v29 =	vor.u32 v3, v0;
	v3 =	vld [tilespmem:$0x1FF00];
	_ =	sdelay $0x4  }
0x2ed: {  	v40 =	vor.u32 v3, v0;
	v3 =	vld [tilespmem:$0x1FBB0];
	_ =	sdelay $0x4  }
0x2ee: {  	vm12 =	vlt.f32 v3, v7;
	v3 =	vld [tilespmem:$0x1FBC0];
	_ =	sdelay $0x4  }
0x2ef: {  	vm13 =	vlt.f32 v3, v7;
	v3 =	vld [tilespmem:$0x1FF10];
	_ =	sdelay $0x4  }
0x2f0: {  	v25 =	vor.u32 v3, v0;
	v3 =	vld [tilespmem:$0x1FBD0];
	_ =	sdelay $0x3  }
0x2f1: {  	[tilespmem:$0x92A0] =	vst v12;
	v26 =	vshrl.u32 v12, $0x3  }
0x2f2: {  	[tilespmem:$0x9320] =	vst v26;
	vm14 =	vlt.f32 v3, v7;
	v3 =	vld [tilespmem:$0x1FF20]  }
0x2f3: {  	v28 =	vshrl.u32 v12, $0x2;
	[tilespmem:$0x9120] =	vst v26  }
0x2f4: {  	v30 =	vshrl.u32 v12, $0x7;
	[tilespmem:$0x91A0] =	vst v28  }
0x2f5: {  	[tilespmem:$0x9220] =	vst v30  }
0x2f6: {  	v11 =	vld.idx.msk [tilespmem:v27+s15+$0x0], $0xffff  }
0x2f7: {  	v27 =	vor.u32 v3, v0;
	v3 =	vld [tilespmem:$0x1FBE0];
	_ =	sdelay $0x4  }
0x2f8: {  	vm15 =	vlt.f32 v3, v7;
	v3 =	vld [tilespmem:$0x1FBF0];
	_ =	sdelay $0x4  }
0x2f9: {  	vm4 =	vlt.f32 v3, v7;
	v3 =	vld [tilespmem:$0x1FF30];
	_ =	sdelay $0x2  }
0x2fa: {  	v6 =	vld.idx.msk [tilespmem:v8+s15+$0x0], $0xffff  }
0x2fb: {  	v17 =	vld.idx.msk [tilespmem:v29+s15+$0x0], $0xffff;
	v14 =	vsel vm12, $0x1, v2;
	v26 =	vsel vm13, $0x1, v2  }
0x2fc: {  	v8 =	vadd.s32 v14, v26;
	v14 =	vor.u32 v3, v0;
	v3 =	vld [tilespmem:$0x1FF40];
	_ =	sdelay $0x4  }
0x2fd: {  	vm7 =	vlt.f32 v17, v9;
	v17 =	vor.u32 v3, v0;
	v3 =	vld [tilespmem:$0x1FC00];
	_ =	sdelay $0x4  }
0x2fe: {  	vm9 =	vlt.f32 v3, v7;
	v3 =	vld [tilespmem:$0x1FF50];
	_ =	sdelay $0x3  }
0x2ff: {  	v22 =	vld.idx.msk [tilespmem:v27+s15+$0x0], $0xffff  }
0x300: {  	v27 =	vor.u32 v3, v0;
	v3 =	vld [tilespmem:$0x1FC10];
	_ =	sdelay $0x1  }
0x301: {  	v28 =	vsel vm14, $0x1, v2  }
0x302: {  	v8 =	vadd.s32 v28, v8;
	v29 =	vsel vm15, $0x1, v2  }
0x303: {  	v8 =	vadd.s32 v29, v8;
	v30 =	vsel vm4, $0x1, v2  }
0x304: {  	v8 =	vadd.s32 v30, v8;
	v30 =	vshll.u32 v3, $0x7;
	v3 =	vld [tilespmem:$0x1FF60];
	_ =	sdelay $0x4  }
0x305: {  	vm5 =	vlt.f32 v6, v9;
	v6 =	vor.u32 v3, v0;
	v3 =	vld [tilespmem:$0x1FF70];
	_ =	sdelay $0x4  }
0x306: {  	v23 =	vor.u32 v3, v0;
	v3 =	vld [tilespmem:$0x1FF80];
	_ =	sdelay $0x1  }
0x307: {  	v1 =	vshll.u32 v1, $0x4  }
0x308: {  	vm6 =	vlt.f32 v11, v9;
	v11 =	vsel vm5, $0x1, v2;
	v1 =	vadd.s32 v1, v30  }
0x309: {  	v21 =	vsel vm6, $0x1, v2;
	v1 =	vor.u32 v11, v1  }
0x30a: {  	v1 =	vadd.s32 v21, v1;
	v21 =	vor.u32 v3, v0;
	v3 =	vld [tilespmem:$0x1FF90];
	_ =	sdelay $0x2  }
0x30b: {  	v19 =	vld.idx.msk [tilespmem:v40+s15+$0x0], $0xffff;
	_ =	sdelay $0x1  }
0x30c: {  	v28 =	vor.u32 v3, v0;
	v3 =	vld [tilespmem:$0x1FFA0];
	_ =	sdelay $0x2  }
0x30d: {  	vm8 =	vlt.f32 v19, v9;
	v19 =	vsel vm7, $0x1, v2;
	v40 =	vld.idx.msk [tilespmem:v25+s15+$0x0], $0xffff  }
0x30e: {  	v1 =	vadd.s32 v19, v1;
	v19 =	vld.idx.msk [tilespmem:v27+s15+$0x0], $0xffff  }
0x30f: {  	v27 =	vor.u32 v3, v0;
	v3 =	vld [tilespmem:$0x1FC20];
	_ =	sdelay $0x1  }
0x310: {  	vm11 =	vlt.f32 v22, v9;
	v22 =	vld.idx.msk [tilespmem:v14+s15+$0x0], $0xffff;
	_ =	sdelay $0x1  }
0x311: {  	v17 =	vld.idx.msk [tilespmem:v17+s15+$0x0], $0xffff  }
0x312: {  	vm10 =	vlt.f32 v40, v9;
	vm14 =	vlt.f32 v3, v7;
	v3 =	vld [tilespmem:$0x1FC30]  }
0x313: {  	v25 =	vsel vm8, $0x1, v2;
	v40 =	vsel vm10, $0x1, v2;
	v14 =	vsel vm11, $0x1, v2  }
0x314: {  	v49 =	vmovc v55;
	vm12 =	vlt.f32 v22, v9;
	v30 =	vor.u32 $0x180E, v34;
	v1 =	vadd.s32 v25, v1;
	v6 =	vld.idx.msk [tilespmem:v6+s15+$0x0], $0xffff  }
0x315: {  	v55 =	vmovc v62;
	v25 =	vor.u32 v30, v0;
	v1 =	vadd.s32 v40, v1;
	v40 =	vor.u32 $0x180F, v34;
	v20 =	vld.idx.msk [tilespmem:v23+s15+$0x0], $0xffff  }
0x316: {  	v62 =	vmovc v4;
	v4 =	vsel vm9, $0x1, v2;
	vm13 =	vlt.f32 v17, v9;
	v17 =	vld.idx.msk [tilespmem:v21+s15+$0x0], $0xffff;
	v0 =	vor.u32 v40, v0  }
0x317: {  	v1 =	vadd.s32 v14, v1;
	v14 =	vsel vm12, $0x1, v2;
	vm5 =	vlt.f32 v3, v7;
	v3 =	vld [tilespmem:$0x1FC40]  }
0x318: {  	v8 =	vadd.s32 v4, v8;
	v26 =	vsel vm13, $0x1, v2;
	v1 =	vadd.s32 v14, v1;
	v29 =	vld.idx.msk [tilespmem:v28+s15+$0x0], $0xffff  }
0x319: {  	v1 =	vadd.s32 v26, v1;
	vm15 =	vlt.f32 v19, v9;
	vm4 =	vlt.f32 v6, v9;
	v14 =	vld.idx.msk [tilespmem:v27+s15+$0x0], $0xffff  }
0x31a: {  	v26 =	vsel vm4, $0x1, v2;
	vm6 =	vlt.f32 v20, v9;
	v40 =	vsel vm15, $0x1, v2;
	v27 =	vld.idx.msk [tilespmem:v25+s15+$0x0], $0xffff  }
0x31b: {  	v20 =	vsel vm6, $0x1, v2;
	vm7 =	vlt.f32 v17, v9;
	v1 =	vadd.s32 v40, v1;
	v0 =	vld.idx.msk [tilespmem:v0+s15+$0x0], $0xffff  }
0x31c: {  	v17 =	vsel vm7, $0x1, v2;
	v1 =	vadd.s32 v26, v1;
	vm12 =	vlt.f32 v3, v5;
	v3 =	vld [tilespmem:$0x1FC50]  }
0x31d: {  	v1 =	vadd.s32 v20, v1;
	vm8 =	vlt.f32 v29, v9;
	v30 =	vsel vm14, $0x1, v2  }
0x31e: {  	v1 =	vadd.s32 v17, v1;
	v11 =	vsel vm8, $0x1, v2;
	v8 =	vadd.s32 v30, v8  }
0x31f: {  	v1 =	vadd.s32 v11, v1;
	vm9 =	vlt.f32 v14, v9;
	vm10 =	vlt.f32 v27, v9  }
0x320: {  	vm11 =	vlt.f32 v0, v9;
	v28 =	vsel vm5, $0x1, v2;
	v29 =	vsel vm9, $0x1, v2  }
0x321: {  	v30 =	vsel vm10, $0x1, v2;
	v0 =	vadd.s32 v29, v1;
	vm13 =	vlt.f32 v3, v5;
	v3 =	vld [tilespmem:$0x1FC60]  }
0x322: {  	v8 =	vadd.s32 v28, v8;
	v1 =	vsel vm11, $0x1, v2;
	v0 =	vadd.s32 v30, v0  }
0x323: {  	v40 =	vmin.u32 v8, $0x7;
	v0 =	vadd.s32 v1, v0  }
0x324: {  	v29 =	vor.u32 $0x2004, v34;
	v6 =	vmin.u32 v0, $0x7FFFF;
	v0 =	vshll.u32 v40, $0x4  }
0x325: {  	[tilespmem:$0x92B0] =	vst v6;
	v4 =	vshrl.u32 v6, $0x3;
	v30 =	vor.u32 v29, v0  }
0x326: {  	v40 =	vor.u32 $0x2005, v34;
	[tilespmem:$0x9330] =	vst v4;
	vm14 =	vlt.f32 v3, v5;
	v3 =	vld [tilespmem:$0x1FC70]  }
0x327: {  	v1 =	vor.u32 $0x2000, v34;
	v26 =	vshrl.u32 v6, $0x2;
	v21 =	vor.u32 v40, v0;
	[tilespmem:$0x9130] =	vst v4  }
0x328: {  	v23 =	vor.u32 $0x2001, v34;
	v14 =	vor.u32 v1, v0;
	v28 =	vshrl.u32 v6, $0x7;
	[tilespmem:$0x91B0] =	vst v26  }
0x329: {  	v25 =	vor.u32 $0x2002, v34;
	v17 =	vor.u32 v23, v0;
	[tilespmem:$0x9230] =	vst v28  }
0x32a: {  	v19 =	vor.u32 v25, v0;
	v9 =	vld.idx.msk [tilespmem:v30+s15+$0x0], $0xffff  }
0x32b: {  	v27 =	vor.u32 $0x2003, v34;
	vm15 =	vlt.f32 v3, v5;
	v3 =	vld [tilespmem:$0x1FC80]  }
0x32c: {  	v20 =	vor.u32 v27, v0;
	v28 =	vld.idx.msk [tilespmem:v21+s15+$0x0], $0xffff  }
0x32d: {  	v11 =	vld.idx.msk [tilespmem:v14+s15+$0x0], $0xffff;
	v30 =	vor.u32 $0x2007, v34  }
0x32e: {  	v29 =	vor.u32 $0x2006, v34;
	v17 =	vld.idx.msk [tilespmem:v17+s15+$0x0], $0xffff;
	v40 =	vor.u32 v30, v0  }
0x32f: {  	v16 =	vor.u32 $0x2009, v34;
	v19 =	vld.idx.msk [tilespmem:v19+s15+$0x0], $0xffff;
	vm9 =	vlt.f32 v9, v7;
	v9 =	vor.u32 v29, v0  }
0x330: {  	v8 =	vshll.u32 v8, $0x4;
	v14 =	vsel vm12, $0x1, v2;
	vm4 =	vlt.f32 v3, v5;
	v3 =	vld [tilespmem:$0x1FC90]  }
0x331: {  	v15 =	vsel vm13, $0x1, v2;
	v20 =	vld.idx.msk [tilespmem:v20+s15+$0x0], $0xffff;
	vm10 =	vlt.f32 v28, v7;
	v28 =	vor.u32 v16, v0  }
0x332: {  	v4 =	vor.u32 $0x200D, v34;
	v22 =	vadd.s32 v14, v15;
	v15 =	vor.u32 $0x2008, v34  }
0x333: {  	v30 =	vor.u32 $0x200B, v34;
	v25 =	vsel vm14, $0x1, v2;
	vm5 =	vlt.f32 v11, v7;
	v11 =	vld.idx.msk [tilespmem:v40+s15+$0x0], $0xffff  }
0x334: {  	v29 =	vor.u32 $0x200A, v34;
	v22 =	vadd.s32 v25, v22;
	v25 =	vor.u32 v15, v0;
	v9 =	vld.idx.msk [tilespmem:v9+s15+$0x0], $0xffff  }
0x335: {  	vm6 =	vlt.f32 v17, v7;
	v14 =	vor.u32 v29, v0;
	vm11 =	vlt.f32 v3, v5;
	v3 =	vld [tilespmem:$0x1FCA0]  }
0x336: {  	vm7 =	vlt.f32 v19, v7;
	vm8 =	vlt.f32 v20, v7;
	v16 =	vor.u32 $0x200F, v34;
	v28 =	vld.idx.msk [tilespmem:v28+s15+$0x0], $0xffff  }
0x337: {  	v21 =	vsel vm5, $0x1, v2;
	v17 =	vsel vm6, $0x1, v2;
	v19 =	vsel vm7, $0x1, v2  }
0x338: {  	v20 =	vsel vm8, $0x1, v2;
	v23 =	vsel vm9, $0x1, v2;
	v26 =	vsel vm15, $0x1, v2  }
0x339: {  	v40 =	vor.u32 $0x200C, v34;
	v15 =	vor.u32 $0x200E, v34;
	v22 =	vadd.s32 v26, v22;
	v25 =	vld.idx.msk [tilespmem:v25+s15+$0x0], $0xffff  }
0x33a: {  	vm13 =	vlt.f32 v11, v7;
	v14 =	vld.idx.msk [tilespmem:v14+s15+$0x0], $0xffff;
	v27 =	vsel vm4, $0x1, v2;
	v26 =	vshll.u32 v3, $0x7  }
0x33b: {  	vm12 =	vlt.f32 v9, v7;
	vm4 =	vlt.f32 v28, v7;
	v3 =	vld [tilespmem:$0x1FCB0];
	v8 =	vadd.s32 v8, v26  }
0x33c: {  	v22 =	vadd.s32 v27, v22;
	v8 =	vor.u32 v21, v8;
	v21 =	vor.u32 v30, v0  }
0x33d: {  	v27 =	vsel vm10, $0x1, v2;
	v8 =	vadd.s32 v17, v8;
	v17 =	vor.u32 v40, v0  }
0x33e: {  	vm15 =	vlt.f32 v25, v7;
	v8 =	vadd.s32 v19, v8;
	v19 =	vor.u32 v4, v0  }
0x33f: {  	vm6 =	vlt.f32 v14, v7;
	v8 =	vadd.s32 v20, v8;
	v20 =	vor.u32 v15, v0  }
0x340: {  	v0 =	vor.u32 v16, v0;
	vm14 =	vlt.f32 v3, v5;
	v3 =	vld [tilespmem:$0x1FCC0];
	v8 =	vadd.s32 v23, v8  }
0x341: {  	v26 =	vsel vm12, $0x1, v2;
	v40 =	vsel vm15, $0x1, v2;
	v8 =	vadd.s32 v27, v8;
	v21 =	vld.idx.msk [tilespmem:v21+s15+$0x0], $0xffff  }
0x342: {  	v23 =	vsel vm11, $0x1, v2;
	v27 =	vsel vm13, $0x1, v2;
	v8 =	vadd.s32 v26, v8;
	v29 =	vld.idx.msk [tilespmem:v17+s15+$0x0], $0xffff  }
0x343: {  	v30 =	vsel vm14, $0x1, v2;
	v9 =	vadd.s32 v23, v22;
	v8 =	vadd.s32 v27, v8;
	v19 =	vld.idx.msk [tilespmem:v19+s15+$0x0], $0xffff  }
0x344: {  	v4 =	vsel vm4, $0x1, v2;
	v9 =	vadd.s32 v30, v9;
	v8 =	vadd.s32 v40, v8;
	v20 =	vld.idx.msk [tilespmem:v20+s15+$0x0], $0xffff  }
0x345: {  	v26 =	vsel vm6, $0x1, v2;
	vm5 =	vlt.f32 v3, v5;
	v0 =	vld.idx.msk [tilespmem:v0+s15+$0x0], $0xffff;
	v8 =	vadd.s32 v4, v8  }
0x346: {  	v3 =	vld [tilespmem:$0x1FCD0];
	v25 =	vsel vm5, $0x1, v2;
	vm7 =	vlt.f32 v21, v7;
	v8 =	vadd.s32 v26, v8  }
0x347: {  	v9 =	vadd.s32 v25, v9;
	v21 =	vsel vm7, $0x1, v2;
	vm8 =	vlt.f32 v29, v7  }
0x348: {  	v11 =	vsel vm8, $0x1, v2;
	vm9 =	vlt.f32 v19, v7;
	v8 =	vadd.s32 v21, v8  }
0x349: {  	v27 =	vsel vm9, $0x1, v2;
	vm10 =	vlt.f32 v20, v7;
	v8 =	vadd.s32 v11, v8  }
0x34a: {  	vm11 =	vlt.f32 v0, v7;
	v28 =	vsel vm10, $0x1, v2;
	v0 =	vadd.s32 v27, v8  }
0x34b: {  	vm12 =	vlt.f32 v3, v32;
	v3 =	vld [tilespmem:$0x1FCE0];
	v7 =	vsel vm11, $0x1, v2;
	v0 =	vadd.s32 v28, v0  }
0x34c: {  	v29 =	vmin.u32 v9, $0x7;
	v0 =	vadd.s32 v7, v0  }
0x34d: {  	v7 =	vor.u32 $0x2800, v34;
	v8 =	vmin.u32 v0, $0x7FFFF;
	v0 =	vshll.u32 v29, $0x4  }
0x34e: {  	v22 =	vor.u32 $0x2801, v34;
	[tilespmem:$0x92C0] =	vst v8;
	v30 =	vshrl.u32 v8, $0x3;
	v40 =	vor.u32 v7, v0  }
0x34f: {  	v17 =	vor.u32 v22, v0;
	[tilespmem:$0x9340] =	vst v30  }
0x350: {  	v23 =	vor.u32 $0x2802, v34;
	v25 =	vshrl.u32 v8, $0x2;
	vm13 =	vlt.f32 v3, v32;
	v3 =	vld [tilespmem:$0x1FCF0];
	[tilespmem:$0x9140] =	vst v30  }
0x351: {  	v26 =	vor.u32 $0x2803, v34;
	v19 =	vor.u32 v23, v0;
	v27 =	vshrl.u32 v8, $0x7;
	[tilespmem:$0x91C0] =	vst v25  }
0x352: {  	v28 =	vor.u32 $0x2804, v34;
	v20 =	vor.u32 v26, v0;
	[tilespmem:$0x9240] =	vst v27  }
0x353: {  	v29 =	vor.u32 v28, v0;
	v14 =	vld.idx.msk [tilespmem:v40+s15+$0x0], $0xffff  }
0x354: {  	v17 =	vld.idx.msk [tilespmem:v17+s15+$0x0], $0xffff  }
0x355: {  	vm14 =	vlt.f32 v3, v32;
	v3 =	vld [tilespmem:$0x1FD00]  }
0x356: {  	v19 =	vld.idx.msk [tilespmem:v19+s15+$0x0], $0xffff  }
0x357: {  	v16 =	vor.u32 $0x280E, v34;
	v9 =	vshll.u32 v9, $0x4;
	v20 =	vld.idx.msk [tilespmem:v20+s15+$0x0], $0xffff  }
0x358: {  	v30 =	vsel vm12, $0x1, v2;
	v4 =	vsel vm13, $0x1, v2;
	v40 =	vor.u32 $0x2805, v34;
	v11 =	vld.idx.msk [tilespmem:v29+s15+$0x0], $0xffff  }
0x359: {  	v21 =	vadd.s32 v30, v4;
	v30 =	vor.u32 $0x2807, v34;
	v22 =	vor.u32 v40, v0  }
0x35a: {  	v4 =	vor.u32 $0x2809, v34;
	v29 =	vor.u32 $0x2806, v34;
	v15 =	vsel vm14, $0x1, v2  }
0x35b: {  	v40 =	vor.u32 $0x2808, v34;
	v21 =	vadd.s32 v15, v21;
	vm15 =	vlt.f32 v3, v32;
	v3 =	vld [tilespmem:$0x1FD10]  }
0x35c: {  	vm6 =	vlt.f32 v14, v5;
	vm7 =	vlt.f32 v17, v5;
	vm8 =	vlt.f32 v19, v5  }
0x35d: {  	vm9 =	vlt.f32 v20, v5;
	vm10 =	vlt.f32 v11, v5;
	v11 =	vor.u32 v29, v0  }
0x35e: {  	v14 =	vor.u32 v30, v0;
	v30 =	vor.u32 $0x280A, v34;
	v25 =	vsel vm15, $0x1, v2;
	v28 =	vld.idx.msk [tilespmem:v22+s15+$0x0], $0xffff  }
0x35f: {  	v22 =	vsel vm6, $0x1, v2;
	v17 =	vsel vm7, $0x1, v2;
	v19 =	vsel vm8, $0x1, v2  }
0x360: {  	v20 =	vsel vm9, $0x1, v2;
	v23 =	vsel vm10, $0x1, v2;
	vm4 =	vlt.f32 v3, v32  }
0x361: {  	v15 =	vor.u32 v30, v0;
	v21 =	vadd.s32 v25, v21;
	v3 =	vld [tilespmem:$0x1FD20];
	v26 =	vsel vm4, $0x1, v2  }
0x362: {  	v25 =	vor.u32 v40, v0;
	v21 =	vadd.s32 v26, v21;
	v26 =	vshll.u32 v37, $0x7  }
0x363: {  	vm11 =	vlt.f32 v28, v5;
	v28 =	vor.u32 v4, v0;
	v9 =	vadd.s32 v9, v26  }
0x364: {  	v40 =	vor.u32 $0x280C, v34;
	v11 =	vld.idx.msk [tilespmem:v11+s15+$0x0], $0xffff;
	v37 =	vor.u32 $0x280B, v34;
	v9 =	vor.u32 v22, v9  }
0x365: {  	v14 =	vld.idx.msk [tilespmem:v14+s15+$0x0], $0xffff;
	v4 =	vor.u32 $0x280D, v34;
	v22 =	vor.u32 v37, v0;
	v9 =	vadd.s32 v17, v9  }
0x366: {  	vm5 =	vlt.f32 v3, v32;
	v3 =	vld [tilespmem:$0x1FD30];
	v17 =	vor.u32 v40, v0;
	v9 =	vadd.s32 v19, v9  }
0x367: {  	v25 =	vld.idx.msk [tilespmem:v25+s15+$0x0], $0xffff;
	v27 =	vsel vm5, $0x1, v2;
	v19 =	vor.u32 v4, v0;
	v9 =	vadd.s32 v20, v9  }
0x368: {  	v28 =	vld.idx.msk [tilespmem:v28+s15+$0x0], $0xffff;
	v21 =	vadd.s32 v27, v21;
	v27 =	vsel vm11, $0x1, v2;
	v9 =	vadd.s32 v23, v9  }
0x369: {  	v26 =	vor.u32 $0x280F, v34;
	v20 =	vor.u32 v16, v0;
	v9 =	vadd.s32 v27, v9;
	v27 =	vld.idx.msk [tilespmem:v15+s15+$0x0], $0xffff  }
0x36a: {  	vm13 =	vlt.f32 v11, v5;
	v0 =	vor.u32 v26, v0;
	v22 =	vld.idx.msk [tilespmem:v22+s15+$0x0], $0xffff  }
0x36b: {  	vm14 =	vlt.f32 v14, v5;
	v30 =	vsel vm13, $0x1, v2;
	vm12 =	vlt.f32 v3, v32;
	v3 =	vld [tilespmem:$0x1FD40]  }
0x36c: {  	v37 =	vsel vm14, $0x1, v2;
	vm4 =	vlt.f32 v25, v5;
	v9 =	vadd.s32 v30, v9;
	v17 =	vld.idx.msk [tilespmem:v17+s15+$0x0], $0xffff  }
0x36d: {  	v16 =	vsel vm4, $0x1, v2;
	v9 =	vadd.s32 v37, v9;
	v40 =	vld.idx.msk [tilespmem:v19+s15+$0x0], $0xffff;
	vm5 =	vlt.f32 v28, v5  }
0x36e: {  	v29 =	vsel vm12, $0x1, v2;
	v20 =	vld.idx.msk [tilespmem:v20+s15+$0x0], $0xffff;
	v25 =	vsel vm5, $0x1, v2;
	v9 =	vadd.s32 v16, v9  }
0x36f: {  	v15 =	vadd.s32 v29, v21;
	v0 =	vld.idx.msk [tilespmem:v0+s15+$0x0], $0xffff;
	v9 =	vadd.s32 v25, v9  }
0x370: {  	vm6 =	vlt.f32 v27, v5;
	vm7 =	vlt.f32 v22, v5;
	vm15 =	vlt.f32 v3, v32  }
0x371: {  	v26 =	vsel vm6, $0x1, v2;
	v27 =	vsel vm7, $0x1, v2;
	vm8 =	vlt.f32 v17, v5;
	v3 =	vld [tilespmem:$0x1FD50]  }
0x372: {  	v4 =	vsel vm15, $0x1, v2;
	v9 =	vadd.s32 v26, v9;
	vm9 =	vlt.f32 v40, v5  }
0x373: {  	v17 =	vsel vm8, $0x1, v2;
	v9 =	vadd.s32 v27, v9;
	v28 =	vsel vm9, $0x1, v2  }
0x374: {  	vm10 =	vlt.f32 v20, v5;
	vm11 =	vlt.f32 v0, v5;
	v9 =	vadd.s32 v17, v9  }
0x375: {  	v11 =	vadd.s32 v4, v15;
	v29 =	vsel vm10, $0x1, v2;
	v0 =	vadd.s32 v28, v9  }
0x376: {  	v5 =	vsel vm11, $0x1, v2;
	v0 =	vadd.s32 v29, v0;
	vm13 =	vlt.f32 v3, v35;
	v3 =	vld [tilespmem:$0x1FD60]  }
0x377: {  	v30 =	vmin.u32 v11, $0x7;
	v0 =	vadd.s32 v5, v0  }
0x378: {  	v5 =	vor.u32 $0x3000, v34;
	v9 =	vmin.u32 v0, $0x7FFFF;
	v0 =	vshll.u32 v30, $0x4  }
0x379: {  	v22 =	vor.u32 $0x3001, v34;
	[tilespmem:$0x92D0] =	vst v9;
	v37 =	vshrl.u32 v9, $0x3;
	v40 =	vor.u32 v5, v0  }
0x37a: {  	v17 =	vor.u32 v22, v0;
	[tilespmem:$0x9350] =	vst v37  }
0x37b: {  	v23 =	vor.u32 $0x3002, v34;
	v25 =	vshrl.u32 v9, $0x2;
	[tilespmem:$0x9150] =	vst v37;
	vm14 =	vlt.f32 v3, v35;
	v3 =	vld [tilespmem:$0x1FD70]  }
0x37c: {  	v27 =	vor.u32 $0x3003, v34;
	v19 =	vor.u32 v23, v0;
	v26 =	vshrl.u32 v9, $0x7;
	[tilespmem:$0x91D0] =	vst v25  }
0x37d: {  	v14 =	vor.u32 v27, v0;
	[tilespmem:$0x9250] =	vst v26  }
0x37e: {  	vm12 =	vlt.f32 v24, v35;
	v37 =	vor.u32 $0x3004, v34;
	v15 =	vld.idx.msk [tilespmem:v40+s15+$0x0], $0xffff  }
0x37f: {  	v28 =	vsel vm12, $0x1, v2;
	v29 =	vsel vm13, $0x1, v2;
	v21 =	vor.u32 v37, v0;
	v17 =	vld.idx.msk [tilespmem:v17+s15+$0x0], $0xffff  }
0x380: {  	v30 =	vadd.s32 v28, v29;
	v40 =	vsel vm14, $0x1, v2;
	vm15 =	vlt.f32 v3, v35;
	v3 =	vld [tilespmem:$0x1FD80]  }
0x381: {  	vm4 =	vlt.f32 v18, v35;
	v25 =	vld.idx.msk [tilespmem:v19+s15+$0x0], $0xffff;
	v20 =	vadd.s32 v40, v30;
	v40 =	vor.u32 $0x3005, v34  }
0x382: {  	v11 =	vshll.u32 v11, $0x4;
	v27 =	vsel vm4, $0x1, v2;
	v14 =	vld.idx.msk [tilespmem:v14+s15+$0x0], $0xffff;
	v4 =	vor.u32 v40, v0  }
0x383: {  	v40 =	vshll.u32 v38, $0x7;
	v38 =	vor.u32 $0x300D, v34;
	v24 =	vsel vm15, $0x1, v2  }
0x384: {  	v37 =	vld.idx.msk [tilespmem:v21+s15+$0x0], $0xffff;
	v11 =	vadd.s32 v11, v40;
	v40 =	vor.u32 $0x300E, v34;
	v26 =	vadd.s32 v24, v20  }
0x385: {  	v28 =	vadd.s32 v27, v26;
	vm8 =	vlt.f32 v15, v32;
	vm5 =	vlt.f32 v3, v35;
	v3 =	vld [tilespmem:$0x1FD90]  }
0x386: {  	vm9 =	vlt.f32 v17, v32;
	vm10 =	vlt.f32 v25, v32;
	v26 =	vor.u32 $0x3006, v34  }
0x387: {  	vm11 =	vlt.f32 v14, v32;
	v27 =	vor.u32 $0x3007, v34;
	v21 =	vor.u32 v26, v0  }
0x388: {  	v20 =	vsel vm8, $0x1, v2;
	v17 =	vsel vm9, $0x1, v2;
	v15 =	vor.u32 v27, v0  }
0x389: {  	v18 =	vsel vm10, $0x1, v2;
	vm12 =	vlt.f32 v37, v32;
	v29 =	vsel vm5, $0x1, v2  }
0x38a: {  	v16 =	vadd.s32 v29, v28;
	v28 =	vor.u32 $0x3008, v34;
	vm6 =	vlt.f32 v3, v35  }
0x38b: {  	v14 =	vld.idx.msk [tilespmem:v4+s15+$0x0], $0xffff;
	v29 =	vor.u32 $0x3009, v34;
	v23 =	vor.u32 v28, v0;
	v30 =	vsel vm6, $0x1, v2  }
0x38c: {  	v24 =	vor.u32 v29, v0;
	v21 =	vld.idx.msk [tilespmem:v21+s15+$0x0], $0xffff;
	v16 =	vadd.s32 v30, v16;
	v30 =	vor.u32 $0x300A, v34  }
0x38d: {  	v37 =	vor.u32 $0x300B, v34;
	v11 =	vor.u32 v20, v11;
	v15 =	vld.idx.msk [tilespmem:v15+s15+$0x0], $0xffff;
	v25 =	vor.u32 v30, v0  }
0x38e: {  	v4 =	vor.u32 $0x300C, v34;
	v27 =	vor.u32 v37, v0;
	v11 =	vadd.s32 v17, v11;
	v3 =	vld [tilespmem:$0x1FDA0]  }
0x38f: {  	v22 =	vsel vm11, $0x1, v2;
	v37 =	vor.u32 v4, v0;
	v11 =	vadd.s32 v18, v11  }
0x390: {  	v26 =	vsel vm12, $0x1, v2;
	v11 =	vadd.s32 v22, v11;
	v20 =	vld.idx.msk [tilespmem:v23+s15+$0x0], $0xffff;
	v23 =	vor.u32 v38, v0  }
0x391: {  	v4 =	vor.u32 $0x300F, v34;
	v11 =	vadd.s32 v26, v11;
	v17 =	vld.idx.msk [tilespmem:v24+s15+$0x0], $0xffff;
	v24 =	vor.u32 v40, v0  }
0x392: {  	vm13 =	vlt.f32 v14, v32;
	v0 =	vor.u32 v4, v0;
	vm14 =	vlt.f32 v21, v32;
	v14 =	vld.idx.msk [tilespmem:v25+s15+$0x0], $0xffff  }
0x393: {  	v29 =	vld.idx.msk [tilespmem:v27+s15+$0x0], $0xffff;
	vm15 =	vlt.f32 v15, v32;
	vm7 =	vlt.f32 v3, v35;
	v25 =	vsel vm13, $0x1, v2  }
0x394: {  	v37 =	vld.idx.msk [tilespmem:v37+s15+$0x0], $0xffff;
	v30 =	vsel vm14, $0x1, v2;
	v38 =	vsel vm15, $0x1, v2;
	v11 =	vadd.s32 v25, v11  }
0x395: {  	v19 =	vsel vm7, $0x1, v2;
	vm4 =	vlt.f32 v20, v32;
	v40 =	vld.idx.msk [tilespmem:v23+s15+$0x0], $0xffff;
	v11 =	vadd.s32 v30, v11  }
0x396: {  	vm5 =	vlt.f32 v17, v32;
	v4 =	vsel vm4, $0x1, v2;
	v25 =	vld.idx.msk [tilespmem:v24+s15+$0x0], $0xffff;
	v11 =	vadd.s32 v38, v11  }
0x397: {  	v0 =	vld.idx.msk [tilespmem:v0+s15+$0x0], $0xffff;
	v26 =	vsel vm5, $0x1, v2;
	v11 =	vadd.s32 v4, v11;
	vm6 =	vlt.f32 v14, v32  }
0x398: {  	vm7 =	vlt.f32 v29, v32;
	v11 =	vadd.s32 v26, v11;
	v14 =	vsel vm6, $0x1, v2  }
0x399: {  	vm8 =	vlt.f32 v37, v32;
	v27 =	vsel vm7, $0x1, v2;
	v11 =	vadd.s32 v14, v11  }
0x39a: {  	v28 =	vsel vm8, $0x1, v2;
	vm9 =	vlt.f32 v40, v32;
	v11 =	vadd.s32 v27, v11  }
0x39b: {  	v29 =	vsel vm9, $0x1, v2;
	vm10 =	vlt.f32 v25, v32;
	v11 =	vadd.s32 v28, v11  }
0x39c: {  	vm11 =	vlt.f32 v0, v32;
	v30 =	vsel vm10, $0x1, v2;
	v0 =	vadd.s32 v29, v11  }
0x39d: {  	v15 =	vadd.s32 v19, v16;
	v32 =	vsel vm11, $0x1, v2;
	v0 =	vadd.s32 v30, v0  }
0x39e: {  	v37 =	vmin.u32 v15, $0x7;
	v0 =	vadd.s32 v32, v0  }
0x39f: {  	v4 =	vor.u32 $0x3800, v34;
	v11 =	vmin.u32 v0, $0x7FFFF;
	v0 =	vshll.u32 v37, $0x4  }
0x3a0: {  	[tilespmem:$0x92E0] =	vst v11;
	v38 =	vshrl.u32 v11, $0x3;
	v40 =	vor.u32 v4, v0  }
0x3a1: {  	[tilespmem:$0x9360] =	vst v38  }
0x3a2: {  	v20 =	vshrl.u32 v11, $0x2;
	[tilespmem:$0x9160] =	vst v38  }
0x3a3: {  	v21 =	vshrl.u32 v11, $0x7;
	[tilespmem:$0x91E0] =	vst v20  }
0x3a4: {  	[tilespmem:$0x9260] =	vst v21  }
0x3a5: {  	v14 =	vld.idx.msk [tilespmem:v40+s15+$0x0], $0xffff;
	_ =	sdelay $0x3  }
0x3a6: {  	v22 =	vor.u32 $0x3801, v34;
	v23 =	vor.u32 $0x3802, v34;
	v15 =	vshll.u32 v15, $0x4  }
0x3a7: {  	v24 =	vor.u32 $0x3803, v34;
	vm12 =	vlt.f32 v14, v35;
	v14 =	vor.u32 v22, v0  }
0x3a8: {  	v26 =	vor.u32 $0x3805, v34;
	v25 =	vor.u32 $0x3804, v34;
	v16 =	vor.u32 v23, v0  }
0x3a9: {  	v27 =	vor.u32 $0x3806, v34;
	v28 =	vor.u32 $0x3807, v34;
	v17 =	vor.u32 v24, v0  }
0x3aa: {  	v29 =	vor.u32 $0x3808, v34;
	v30 =	vor.u32 $0x3809, v34;
	v18 =	vor.u32 v25, v0  }
0x3ab: {  	v32 =	vor.u32 $0x380A, v34;
	v37 =	vor.u32 $0x380B, v34;
	v19 =	vor.u32 v26, v0  }
0x3ac: {  	v23 =	vor.u32 v30, v0;
	v24 =	vor.u32 v32, v0;
	v20 =	vor.u32 v27, v0;
	v14 =	vld.idx.msk [tilespmem:v14+s15+$0x0], $0xffff  }
0x3ad: {  	v25 =	vor.u32 v37, v0;
	v32 =	vor.u32 $0x380E, v34;
	v21 =	vor.u32 v28, v0;
	v16 =	vld.idx.msk [tilespmem:v16+s15+$0x0], $0xffff  }
0x3ae: {  	v37 =	vor.u32 $0x380F, v34;
	v38 =	vor.u32 $0x380C, v34;
	v17 =	vld.idx.msk [tilespmem:v17+s15+$0x0], $0xffff;
	v22 =	vor.u32 v29, v0  }
0x3af: {  	v26 =	vor.u32 v38, v0;
	v38 =	vshll.u32 v41, $0x7;
	v40 =	vor.u32 $0x380D, v34;
	v18 =	vld.idx.msk [tilespmem:v18+s15+$0x0], $0xffff  }
0x3b0: {  	v28 =	vor.u32 v32, v0;
	v15 =	vadd.s32 v15, v38;
	v19 =	vld.idx.msk [tilespmem:v19+s15+$0x0], $0xffff;
	v27 =	vor.u32 v40, v0  }
0x3b1: {  	v20 =	vld.idx.msk [tilespmem:v20+s15+$0x0], $0xffff;
	v0 =	vor.u32 v37, v0;
	v40 =	vsel vm12, $0x1, v2;
	vm13 =	vlt.f32 v14, v35  }
0x3b2: {  	vm14 =	vlt.f32 v16, v35;
	v16 =	vld.idx.msk [tilespmem:v21+s15+$0x0], $0xffff;
	v14 =	vor.u32 v40, v15;
	v41 =	vsel vm13, $0x1, v2  }
0x3b3: {  	vm15 =	vlt.f32 v17, v35;
	v21 =	vsel vm14, $0x1, v2;
	v29 =	vld.idx.msk [tilespmem:v22+s15+$0x0], $0xffff;
	v14 =	vadd.s32 v41, v14  }
0x3b4: {  	v32 =	vld.idx.msk [tilespmem:v23+s15+$0x0], $0xffff;
	vm4 =	vlt.f32 v18, v35;
	v30 =	vsel vm15, $0x1, v2;
	v14 =	vadd.s32 v21, v14  }
0x3b5: {  	v38 =	vld.idx.msk [tilespmem:v24+s15+$0x0], $0xffff;
	vm5 =	vlt.f32 v19, v35;
	v37 =	vsel vm4, $0x1, v2;
	v14 =	vadd.s32 v30, v14  }
0x3b6: {  	vm6 =	vlt.f32 v20, v35;
	v40 =	vsel vm5, $0x1, v2;
	v41 =	vld.idx.msk [tilespmem:v25+s15+$0x0], $0xffff;
	v14 =	vadd.s32 v37, v14  }
0x3b7: {  	v23 =	vld.idx.msk [tilespmem:v26+s15+$0x0], $0xffff;
	vm7 =	vlt.f32 v16, v35;
	v22 =	vsel vm6, $0x1, v2;
	v14 =	vadd.s32 v40, v14  }
0x3b8: {  	v24 =	vsel vm7, $0x1, v2;
	vm8 =	vlt.f32 v29, v35;
	v25 =	vld.idx.msk [tilespmem:v27+s15+$0x0], $0xffff;
	v14 =	vadd.s32 v22, v14  }
0x3b9: {  	vm9 =	vlt.f32 v32, v35;
	v26 =	vsel vm8, $0x1, v2;
	v27 =	vld.idx.msk [tilespmem:v28+s15+$0x0], $0xffff;
	v14 =	vadd.s32 v24, v14  }
0x3ba: {  	vm10 =	vlt.f32 v38, v35;
	v0 =	vld.idx.msk [tilespmem:v0+s15+$0x0], $0xffff;
	v28 =	vsel vm9, $0x1, v2;
	v14 =	vadd.s32 v26, v14  }
0x3bb: {  	v29 =	vsel vm10, $0x1, v2;
	vm11 =	vlt.f32 v41, v35;
	v14 =	vadd.s32 v28, v14  }
0x3bc: {  	vm12 =	vlt.f32 v23, v35;
	v30 =	vsel vm11, $0x1, v2;
	v14 =	vadd.s32 v29, v14  }
0x3bd: {  	v32 =	vsel vm12, $0x1, v2;
	vm13 =	vlt.f32 v25, v35;
	v14 =	vadd.s32 v30, v14  }
0x3be: {  	vm14 =	vlt.f32 v27, v35;
	v37 =	vsel vm13, $0x1, v2;
	v14 =	vadd.s32 v32, v14  }
0x3bf: {  	vm15 =	vlt.f32 v0, v35;
	v3 =	vsel vm14, $0x1, v2;
	v0 =	vadd.s32 v37, v14  }
0x3c0: {  	v0 =	vadd.s32 v3, v0;
	v3 =	vsel vm15, $0x1, v2  }
0x3c1: {  	v0 =	vadd.s32 v3, v0  }
0x3c2: {  	v0 =	vmin.u32 v0, $0x7FFFF  }
0x3c3: {  	v3 =	vshrl.u32 v0, $0x3;
	[tilespmem:$0x92F0] =	vst v0  }
0x3c4: {  	[tilespmem:$0x9370] =	vst v3  }
0x3c5: {  	[tilespmem:$0x9170] =	vst v3;
	v3 =	vshrl.u32 v0, $0x2  }
0x3c6: {  	[tilespmem:$0x91F0] =	vst v3;
	v3 =	vshrl.u32 v0, $0x7  }
0x3c7: {  	s2 =	rddreg [dreg:$0x8];
	[tilespmem:$0x9270] =	vst v3  }
0x3c8: {  	[tilespmem:s18], [sflag:$0x2] =	stream.indirect.gather [hbm4b:s2+s13], $0x80, s17, s13, $0xb8;
	[tilespmem:$0x19400] =	vst v63  }
0x3c9: {  	s3 =	rddreg [dreg:$0x9]  }
0x3ca: {  	[tilespmem:s20], [sflag:$0x3] =	stream.indirect.gather [hbm4b:s3+s13], $0x80, s19, s13, $0xb8;
	[tilespmem:$0x19400] =	vst v63  }
0x3cb: {  	s2 =	rddreg [dreg:$0xa]  }
0x3cc: {  	[tilespmem:s22], [sflag:$0x4] =	stream.indirect.gather [hbm4b:s2+s13], $0x80, s21, s13, $0xb8;
	[tilespmem:$0x19400] =	vst v63  }
0x3cd: {  	_ =	swait.ge [sflag:s23], $0x4000  }
0x3ce: {  	[sflag:s23] =	ssyncset.done $0x0  }
0x3cf: {  	[sflag:s23] =	ssyncadd.s32 $0xFFFFC000  }
0x3d0: {  	v3 =	vand.u32 $0x7F, v10;
	_ =	swait.ge [sflag:s24], $0x4000  }
0x3d1: {  	v3 =	vor.u32 v34, v3;
	[sflag:s24] =	ssyncset.done $0x0  }
0x3d2: {  	[sflag:s24] =	ssyncadd.s32 $0xFFFFC000  }
0x3d3: {  	_ =	swait.ge [sflag:s25], $0x4000  }
0x3d4: {  	[sflag:s25] =	ssyncset.done $0x0  }
0x3d5: {  	[sflag:s25] =	ssyncadd.s32 $0xFFFFC000  }
0x3d6: {  	v38 =	vand.u32 $0x7F, v13;
	v3 =	vld.idx.msk [tilespmem:v3+s22+$0x0], $0xffff  }
0x3d7: {  	v10 =	vor.u32 v31, v38  }
0x3d8: {  	v40 =	vld [tilespmem:$0x1FFE0];
	_ =	sdelay $0x2  }
0x3d9: {  	[tilespmem:$0x9380] =	vst v3  }
0x3da: {  	v3 =	vand.u32 $0x7F, v12;
	v10 =	vld.idx.msk [tilespmem:v10+s22+$0x0], $0xffff  }
0x3db: {  	v3 =	vor.u32 v40, v3  }
0x3dc: {  	v41 =	vld [tilespmem:$0x1FFF0];
	_ =	sdelay $0x2  }
0x3dd: {  	[tilespmem:$0x9390] =	vst v10  }
0x3de: {  	v6 =	vand.u32 $0x7F, v6;
	v3 =	vld.idx.msk [tilespmem:v3+s22+$0x0], $0xffff  }
0x3df: {  	v6 =	vor.u32 v41, v6;
	_ =	sdelay $0x3  }
0x3e0: {  	[tilespmem:$0x93A0] =	vst v3  }
0x3e1: {  	v3 =	vand.u32 $0x7F, v8;
	v6 =	vld.idx.msk [tilespmem:v6+s22+$0x0], $0xffff  }
0x3e2: {  	v1 =	vor.u32 v1, v3;
	_ =	sdelay $0x3  }
0x3e3: {  	[tilespmem:$0x93B0] =	vst v6  }
0x3e4: {  	v3 =	vand.u32 $0x7F, v9;
	v1 =	vld.idx.msk [tilespmem:v1+s22+$0x0], $0xffff  }
0x3e5: {  	v3 =	vor.u32 v7, v3;
	_ =	sdelay $0x3  }
0x3e6: {  	[tilespmem:$0x93C0] =	vst v1  }
0x3e7: {  	v1 =	vand.u32 $0x7F, v11;
	v3 =	vld.idx.msk [tilespmem:v3+s22+$0x0], $0xffff  }
0x3e8: {  	v1 =	vor.u32 v5, v1;
	_ =	sdelay $0x3  }
0x3e9: {  	[tilespmem:$0x93D0] =	vst v3  }
0x3ea: {  	v0 =	vand.u32 $0x7F, v0;
	v1 =	vld.idx.msk [tilespmem:v1+s22+$0x0], $0xffff  }
0x3eb: {  	v0 =	vor.u32 v4, v0;
	_ =	sdelay $0x3  }
0x3ec: {  	[tilespmem:$0x93E0] =	vst v1  }
0x3ed: {  	v0 =	vld.idx.msk [tilespmem:v0+s22+$0x0], $0xffff;
	_ =	sdelay $0x3  }
0x3ee: {  	s3 =	rddreg [dreg:$0xc]  }
0x3ef: {  	s2 =	sadd.s32 s4, s3;
	[tilespmem:$0x93F0] =	vst v0  }
0x3f0: {  	[hbm4b:s2+s1] =	stream.linear.scatter [tilespmem:s26], [sflag:$0x5], $0x80, $0x38;
	[tilespmem:$0x19400] =	vst v63  }
0x3f1: {  	_ =	swait.ge [sflag:s10], $0x80  }
0x3f2: {  	[sflag:s10] =	ssyncset.done $0x0  }
0x3f3: {  	s3 =	sadd.s32 s4, s8;
	[sflag:s10] =	ssyncadd.s32 $0xFFFFFF80  }
0x3f4: {  	[hbm4b:s3+s1] =	stream.linear.scatter [tilespmem:s28], [sflag:$0x5], $0x80, $0x38;
	[tilespmem:$0x19400] =	vst v63  }
0x3f5: {  	_ =	swait.ge [sflag:s10], $0x80  }
0x3f6: {  	[sflag:s10] =	ssyncset.done $0x0  }
0x3f7: {  	s3 =	sadd.s32 s4, s9;
	[sflag:s10] =	ssyncadd.s32 $0xFFFFFF80  }
0x3f8: {  	[hbm4b:s3+s1] =	stream.linear.scatter [tilespmem:s29], [sflag:$0x5], $0x80, $0x38;
	[tilespmem:$0x19400] =	vst v63  }
0x3f9: {  	_ =	swait.ge [sflag:s10], $0x80  }
0x3fa: {  	[sflag:s10] =	ssyncset.done $0x0  }
0x3fb: {  	[sflag:s10] =	ssyncadd.s32 $0xFFFFFF80  }
0x3fc: {  	[hbm4b:s31+s1] =	stream.linear.scatter [tilespmem:s18], [sflag:$0x5], $0x4000, $0x38;
	[tilespmem:$0x19400] =	vst v63  }
0x3fd: {  	_ =	swait.ge [sflag:s10], $0x4000  }
0x3fe: {  	p0 =	sne.s32 s4, $0xF0;
	[sflag:s10] =	ssyncset.done $0x0  }
.Ltmp0:
0x3ff: {  	[sflag:s10] =	ssyncadd.s32 $0xFFFFC000;
	(pc) =	sbr.rel @p0 .LBB2_2-.Ltmp0, $4  }
0x400: {  	[hbm4b:s6+s1] =	stream.linear.scatter [tilespmem:s20], [sflag:$0x5], $0x4000, $0x38;
	[tilespmem:$0x19400] =	vst v63  }
0x401: {  	_ =	swait.ge [sflag:s10], $0x4000  }
0x402: {  	s4 =	sadd.s32 $0x10, s4;
	[sflag:s10] =	ssyncset.done $0x0  }
0x403: {  	v44 =	vimm.s32 $0x7FF;
	s31 =	sadd.s32 $0x800, s31;
	s6 =	sadd.s32 $0x800, s6;
	[sflag:s10] =	ssyncadd.s32 $0xFFFFC000  }
0x404: {  	s30 =	sadd.s32 $0x1, s30  }
0x405: {  	p0 =	sne.s32 s30, s5  }
.Ltmp1:
0x406: {  	_ = 	snop;
	(pc) =	sbr.rel @p0 .LBB2_1-.Ltmp1, $1  }
0x407: {  	_ =	sdelay $0x3  }
0x408: {  	_ =	sfence.sel $0x180000  }
0x409: {  	[bflag:$0x0] =	sbarrier.arrive $0xFFFF  }
0x40a: {  	_ =	strace $0x9000004D  }
0x40b: {  	s0 =	stileid.u32;
	[bflag:$0x2] =	sbarrier.arrive $0xFFFF  }
0x40c: {  	p0 =	sne.s32 s0, $0x0;
	s0 =	rddreg [dreg:$0x6]  }
0x40d: {  	s0 =	sadd.s32 @!p0 $0x100000, s0  }
0x40e: {  	[sflag:s0] =	ssyncadd.tile.s32 @!p0 $0x1;
	_ =	shalt  }
.Lfunc_end2:
_tile_overlayer_lowered:
.L_overlay_start_2:
0x40f: {  	(tag) =	ssettag $0x2  }
0x410: {  	s0 =	rddreg [dreg:$0x0];
	s2 =	stileid.u32  }
0x411: {  	s1 =	rddreg [dreg:$0x1];
	p0 =	sne.s32 s2, $0x0  }
0x412: {  	s3 =	rddreg [dreg:$0x2];
	[bflag:$0x3] =	sbarrier.arrive $0xFFFF;
	s2 =	simm.s32 @!p0 $0x1C05  }
0x413: {  	[timem:s3], [sflag:s2] =	dma.local @!p0 [hbm:s0], s1  }
0x414: {  	s0 =	simm.s32 @!p0 $0x5  }
0x415: {  	_ =	swait.ge @!p0 [sflag:s0], s1  }
0x416: {  	s1 =	ssub.s32 @!p0 $0x0, s1;
	[sflag:s0] =	ssyncset.done @!p0 $0x0  }
0x417: {  	[sflag:s0] =	ssyncadd.s32 @!p0 s1  }
0x418: {  	[bflag:$0x3] =	sbarrier.arrive $0xFFFF  }
0x419: {  	_ =	shalt  }

// kernel: sparse-core-data-format-call.1.cloned.1.call-start
scs
called_computation.1_lowered:
.L_overlay_start_0:
0x0: {  	s1 =	sld [smem:$0x3FD9]  }
0x1: {  	s2 =	sld [smem:$0x3FFE];
	_ =	sdelay $0x1  }
0x2: {  	s3 =	srdreg.scid  }
0x3: {  	s0 =	sand.u32 $0x1, s3  }
0x4: {  	s17 =	sshll.u32 s0, $0xA;
	s1 =	sadd.s32 s2, s1  }
0x5: {  	s1 =	sadd.s32 s1, s17  }
0x6: {  	[smem:$0x3FBE] =	sst s1  }
0x7: {  	_ = 	snop  }
0x8: {  	(tm) =	ssettm $0x1  }
0x9: {  	s18 =	sld [smem:$0x3FFB];
	_ =	sdelay $0x3  }
0xa: {  	_ =	strace s18  }
0xb: {  	s1 =	sld [smem:$0x3FFC];
	_ =	sdelay $0x3  }
0xc: {  	_ =	strace s1  }
0xd: {  	s1 =	sld [smem:$0x3FFD];
	_ =	sdelay $0x3  }
0xe: {  	_ =	strace s1  }
0xf: {  	_ =	strace $0x8FFFFFFF  }
0x10: {  	s19 =	sld [smem:$0x3FDB];
	_ =	sdelay $0x1  }
0x11: {  	s20 =	simm.s32 $_scs_section_size  }
0x12: {  	s4 =	simm.s32 $_size__tile_overlayer_lowered;
	s5 =	simm.s32 $_tile_overlayer_lowered  }
0x13: {  	s23 =	simm.s32 $0x1BFF;
	s22 =	sshll.u32 s5, $0x1;
	s1 =	sadd.s32 s20, s19  }
0x14: {  	s6 =	simm.s32 $0x0;
	s21 =	sshll.u32 s4, $0x1;
	s4 =	sadd.s32 s22, s1  }
0x15: {  	[timem:s6], [sflag:s23] =	dma.local [hbm:s4], s21  }
0x16: {  	_ =	swait.ge [sflag:s23], s21  }
0x17: {  	s2 =	ssub.s32 $0x0, s21;
	[sflag:s23] =	ssyncset.done $0x0  }
0x18: {  	[sflag:s23] =	ssyncadd.s32 s2;
	_ =	sdelay $0x1  }
0x19: {  	s24 =	simm.s32 $0x1B8B  }
0x1a: {  	_ =	swait.ge [sflag:s24], $0x1  }
0x1b: {  	[sflag:s24] =	ssyncset.done $0x0  }
0x1c: {  	s26 =	simm.s32 $0x1B8E;
	s25 =	sld [smem:$0x3FFE];
	[sflag:s24] =	ssyncadd.s32 $0xFFFFFFFF  }
0x1d: {  	s27 =	simm.s32 $execute0_lowered;
	[smem:$0x3FD2] =	sst s26  }
0x1e: {  	s4 =	sshll.u32 s27, $0x1;
	_ =	strace $0x80000046;
	[dreg:$0x1] =	wrdreg $0xFFFFFFFF  }
0x1f: {  	s28 =	simm.s32 $_size_execute0_lowered;
	s1 =	sadd.s32 s1, s4;
	[dreg:$0x0] =	wrdreg $0x0  }
0x20: {  	s4 =	sshll.u32 s28, $0x1;
	[dreg:$0x2] =	wrdreg s1  }
0x21: {  	[dreg:$0x3] =	wrdreg s4  }
0x22: {  	[dreg:$0x4] =	wrdreg $0xC0  }
0x23: {  	_ =	task [dreg:s6], $0x5FFFF  }
0x24: {  	[dreg:$0x1] =	wrdreg $0xFFFFFFFF  }
0x25: {  	[dreg:$0x0] =	wrdreg $0x60  }
0x26: {  	[dreg:$0x2] =	wrdreg s25  }
0x27: {  	[dreg:$0x3] =	wrdreg $0xA  }
0x28: {  	_ =	task.clear_ibuf [dreg:s6], $0x4FFFF;
	_ =	strace $0x90000046  }
0x29: {  	s29 =	simm.s32 $0xA;
	_ =	strace $0x80000048  }
0x2a: {  	_ =	swait.ge [sflag:s29], $0x1  }
0x2b: {  	[sflag:s29] =	ssyncadd.s32 $0xFFFFFFFF  }
0x2c: {  	_ =	strace $0x90000048  }
0x2d: {  	_ =	sfence  }
0x2e: {  	s30 =	sld [smem:$0x0];
	_ =	sdelay $0x2  }
0x2f: {  	s31 =	sshll.u32 s3, $0xD;
	s3 =	sshrl.u32 s3, $0x2  }
0x30: {  	s2 =	sand.u32 $0x4000, s31;
	s1 =	sadd.s32 s3, s30  }
0x31: {  	s0 =	sor.u32 s2, s0;
	s1 =	sshll.u32 s1, $0x11  }
0x32: {  	s0 =	sor.u32 s1, s0  }
0x33: {  	s0 =	sadd.s32 $0x8F2B, s0  }
0x34: {  	[sflag:s0] =	ssyncadd.remote.s32 $0x1  }
0x35: {  	_ =	sfence.sel $0xFFFF  }
0x36: {  	[dreg:$0x0] =	wrdreg $0xFFFFFFFF;
	(pc) =	sbr.abs _section_cstart, $3  }
0x37: {  	[dreg:$0x1] =	wrdreg $0xFFFFFFFF  }
0x38: {  	_ =	task.clear_ibuf [dreg:s6], $0x2FFFF;
	_ =	strace $0x9FFFFFFF  }
0x39: {  	(tm) =	ssettm $0x7FFFFFFF  }
tec
execute0_lowered:
.L_overlay_start_1:
0x0: {  	(tag) =	ssettag $0x1  }
0x1: {  	s0 =	srdreg.scid  }
0x2: {  	s1 =	sshll.u32 s0, $0x4  }
0x3: {  	s0 =	stileid.u32;
	s1 =	sand.u32 $0x10, s1  }
0x4: {  	s2 =	rddreg [dreg:$0x0];
	s7 =	simm.s32 $0x1;
	s1 =	sor.u32 s0, s1  }
0x5: {  	s8 =	simm.s32 $0x2;
	s11 =	simm.s32 $0x0;
	s3 =	sshll.u32 s1, $0x7  }
0x6: {  	s10 =	simm.s32 $0x0;
	s4 =	sadd.s32 $0x800000, s2;
	s6 =	ssub.s32 $0x80000, s3  }
.Ltmp0:
0x7: {  	s1 =	rddreg [dreg:$0x1];
	s5 =	sand.u32 $0xF80, s6;
	(pc) =	sbr.rel .LBB1_1-.Ltmp0, $4  }
0x8: {  	_ =	strace $0x80000047;
	s9 =	smov.u32 s3;
	p0 =	sne.s32 s5, $0x0  }
0x9: {  	s6 =	sshrl.u32 s6, $0xC;
	s5 =	simm.s32 $0x1;
	s7 =	simm.s32 @!p0 $0x0  }
0xa: {  	[sflag:s5] =	ssyncpa.u1 $0x0;
	p0 =	por $0x0, $0x0;
	s6 =	sadd.s32 s7, s6  }
0xb: {  	[sflag:s8] =	ssyncpa.u1 $0x0;
	s8 =	simm.s32 $0x400000;
	s7 =	sadd.s32 $0x1, s6  }
.LBB1_4:
0xc: {  	s13 =	sshll.u32 s11, $0x3  }
0xd: {  	s15 =	sand.u32 $0x78, s11;
	s13 =	sand.u32 $0x7FC00, s13  }
0xe: {  	s30 =	sand.u32 $0x1F0000, s11;
	s31 =	sand.u32 $0x7, s11;
	s13 =	sor.u32 s15, s13  }
0xf: {  	s11 =	sshll.u32 s31, $0x12;
	s15 =	sadd.s32 s4, s30;
	s13 =	sshrl.u32 s13, $0x3  }
0x10: {  	[tilespmem:s14+$0x0 ss:$0x81] =	vst.msk $0xffff, v0;
	s11 =	sor.u32 $0x400, s11;
	s13 =	sadd.s32 s13, s15  }
0x11: {  	[hbm4b:s13+s11] =	stream.strided.scatter [tilespmem:s12], [sflag:$0x2], $0x1000, s8, s11, $0x20;
	[tilespmem:$0x4040] =	vst v63  }
.LBB1_5:
0x12: {  	s13 =	sadd.s32 $0x1000, s9  }
0x13: {  	p2 =	sgt.s32 s13, $0x7FFFF  }
0x14: {  	s13 =	smov.u32 @p2 s3;
	p2 =	sne.s32 s10, s7  }
.Ltmp1:
0x15: {  	p1 =	slt.u32 s10, $0x2;
	(pc) =	sbr.rel @!p2 .LBB1_6-.Ltmp1, $4  }
0x16: {  	s12 =	simm.s32 @!p1 $0x2  }
0x17: {  	s14 =	sadd.s32 $0x1, s10;
	_ =	swait.ge @!p1 [sflag:s12], $0x1000  }
0x18: {  	s11 =	smov.u32 s9;
	p0 =	por !p0, !p0;
	[sflag:s12] =	ssyncset.done @!p1 $0x0  }
0x19: {  	s10 =	smov.u32 s14;
	s9 =	smov.u32 s13;
	[sflag:s12] =	ssyncadd.s32 @!p1 $0xFFFFF000  }
.LBB1_1:
0x1a: {  	p1 =	sge.u32 s10, s6  }
0x1b: {  	s31 =	sadd.s32 $0xFFFFFFFF, s10;
	s12 =	sxor.u32 @!p1 $0xFFFFFFFF, s10;
	s13 =	sshll.u32 @!p1 s9, $0x4  }
0x1c: {  	s14 =	simm.s32 @!p1 $0x20;
	s12 =	sshll.u32 @!p1 s12, $0xC;
	s13 =	sand.u32 @!p1 $0x7FFFF0, s13  }
0x1d: {  	s15 =	simm.s32 @!p1 $0x80;
	s12 =	sand.u32 @!p1 $0x1000, s12;
	s13 =	sadd.s32 @!p1 s2, s13  }
0x1e: {  	[tilespmem:s12], [sflag:$0x1] =	stream.strided.gather @!p1 [hbm4b:s13+s14], $0x1000, s15, s14, $0x38;
	[tilespmem:$0x4040] =	vst v63  }
0x1f: {  	p1 =	sge.u32 s31, s6  }
.Ltmp2:
0x20: {  	_ = 	snop;
	(pc) =	sbr.rel @p1 .LBB1_5-.Ltmp2, $1  }
0x21: {  	_ =	sdelay $0x3  }
0x22: {  	s12 =	simm.s32 $0x1  }
0x23: {  	_ =	swait.ge [sflag:s5], $0x1000;
	s12 =	simm.s32 @!p0 $0x0  }
0x24: {  	[sflag:s5] =	ssyncset.done $0x0;
	s13 =	sshll.u32 s12, $0xC  }
0x25: {  	[sflag:s5] =	ssyncadd.s32 $0xFFFFF000;
	s16 =	sor.u32 $0x10, s13  }
0x26: {  	s12 =	smul.u32 $0x4080, s12;
	v1 =	vld [tilespmem:s16+$0x0]  }
0x27: {  	s30 =	sand.u32 $0x1, s10;
	v0 =	vld [tilespmem:s16+$0xFFFFFFF0]  }
0x28: {  	s14 =	smul.u32 $0x4080, s30;
	s12 =	sshrl.u32 s12, $0x2  }
0x29: {  	s13 =	sor.u32 $0x2000, s12  }
0x2a: {  	s31 =	sshrl.u32 s14, $0x2;
	s14 =	sadd.s32 $0x0, s13  }
0x2b: {  	s15 =	simm.s32 $0x4;
	s16 =	sadd.s32 $0x20, s16;
	s12 =	sor.u32 $0x2000, s31;
	[tilespmem:s14+$0x810 ss:$0x81] =	vst.msk $0xffff, v1  }
.LBB1_3:
0x2c: {  	v1 =	vld [tilespmem:s16+$0x0];
	p1 =	sne.s32 s15, $0x1FC;
	[tilespmem:s14+$0x0 ss:$0x81] =	vst.msk $0xffff, v0;
	s14 =	smov.u32 s15;
	s15 =	sadd.s32 $0x4, s15  }
.Ltmp3:
0x2d: {  	v0 =	vld [tilespmem:s16+$0xFFFFFFF0];
	(pc) =	sbr.rel @p1 .LBB1_3-.Ltmp3, $4  }
0x2e: {  	_ = 	snop  }
0x2f: {  	s14 =	sshra.s32 s14, $0x2  }
0x30: {  	s14 =	sadd.s32 s14, s13  }
0x31: {  	s16 =	sadd.s32 $0x20, s16;
	[tilespmem:s14+$0x810 ss:$0x81] =	vst.msk $0xffff, v1  }
.Ltmp4:
0x32: {  	_ = 	snop;
	(pc) =	sbr.rel .LBB1_4-.Ltmp4, $1  }
0x33: {  	_ =	sdelay $0x3  }
.LBB1_6:
0x34: {  	_ =	sfence.sel $0x180000  }
0x35: {  	s2 =	simm.s32 $0x1;
	[bflag:$0x0] =	sbarrier.arrive $0xFFFF  }
0x36: {  	s31 =	simm.s32 $0x2;
	[sflag:s2] =	ssyncpa.u1 $0x1  }
0x37: {  	[sflag:s31] =	ssyncpa.u1 $0x1  }
0x38: {  	p0 =	sne.s32 s0, $0x0;
	_ =	strace $0x90000047  }
0x39: {  	s0 =	sadd.s32 @!p0 $0x100000, s1;
	[bflag:$0x2] =	sbarrier.arrive $0xFFFF  }
0x3a: {  	[sflag:s0] =	ssyncadd.tile.s32 @!p0 $0x1;
	_ =	shalt  }
.Lfunc_end1:
_tile_overlayer_lowered:
.L_overlay_start_2:
0x3b: {  	(tag) =	ssettag $0x2  }
0x3c: {  	s0 =	rddreg [dreg:$0x0];
	s2 =	stileid.u32  }
0x3d: {  	s1 =	rddreg [dreg:$0x1];
	p0 =	sne.s32 s2, $0x0  }
0x3e: {  	s3 =	rddreg [dreg:$0x2];
	[bflag:$0x3] =	sbarrier.arrive $0xFFFF;
	s2 =	simm.s32 @!p0 $0x1C01  }
0x3f: {  	[timem:s3], [sflag:s2] =	dma.local @!p0 [hbm:s0], s1  }
0x40: {  	s0 =	simm.s32 @!p0 $0x1  }
0x41: {  	_ =	swait.ge @!p0 [sflag:s0], s1  }
0x42: {  	s1 =	ssub.s32 @!p0 $0x0, s1;
	[sflag:s0] =	ssyncset.done @!p0 $0x0  }
0x43: {  	[sflag:s0] =	ssyncadd.s32 @!p0 s1  }
0x44: {  	[bflag:$0x3] =	sbarrier.arrive $0xFFFF  }
0x45: {  	_ =	shalt  }

// kernel: sparse-core-data-format-call.cloned.1.call-start
scs
called_computation_lowered:
.L_overlay_start_0:
0x0: {  	s2 =	sld [smem:$0x3FD9]  }
0x1: {  	s3 =	sld [smem:$0x3FFE];
	_ =	sdelay $0x1  }
0x2: {  	s1 =	srdreg.scid  }
0x3: {  	s0 =	sand.u32 $0x1, s1  }
0x4: {  	s18 =	sshll.u32 s0, $0xA;
	s2 =	sadd.s32 s3, s2  }
0x5: {  	s2 =	sadd.s32 s2, s18  }
0x6: {  	[smem:$0x3FBE] =	sst s2  }
0x7: {  	_ = 	snop  }
0x8: {  	(tm) =	ssettm $0x1  }
0x9: {  	s19 =	sld [smem:$0x3FFB];
	_ =	sdelay $0x3  }
0xa: {  	_ =	strace s19  }
0xb: {  	s2 =	sld [smem:$0x3FFC];
	_ =	sdelay $0x3  }
0xc: {  	_ =	strace s2  }
0xd: {  	s2 =	sld [smem:$0x3FFD];
	_ =	sdelay $0x3  }
0xe: {  	_ =	strace s2  }
0xf: {  	_ =	strace $0x8FFFFFFF  }
0x10: {  	s20 =	sld [smem:$0x3FDB];
	_ =	sdelay $0x1  }
0x11: {  	s21 =	simm.s32 $_scs_section_size  }
0x12: {  	s4 =	simm.s32 $_size__tile_overlayer_lowered;
	s5 =	simm.s32 $_tile_overlayer_lowered  }
0x13: {  	s6 =	simm.s32 $0x1BFF;
	s22 =	sshll.u32 s5, $0x1;
	s3 =	sadd.s32 s21, s20  }
0x14: {  	s23 =	simm.s32 $0x0;
	s4 =	sshll.u32 s4, $0x1;
	s5 =	sadd.s32 s22, s3  }
0x15: {  	[timem:s23], [sflag:s6] =	dma.local [hbm:s5], s4  }
0x16: {  	_ =	swait.ge [sflag:s6], s4  }
0x17: {  	s4 =	ssub.s32 $0x0, s4;
	[sflag:s6] =	ssyncset.done $0x0  }
0x18: {  	[sflag:s6] =	ssyncadd.s32 s4;
	_ =	sdelay $0x1  }
0x19: {  	s24 =	simm.s32 $0x1B8B  }
0x1a: {  	_ =	swait.ge [sflag:s24], $0x1  }
0x1b: {  	[sflag:s24] =	ssyncset.done $0x0  }
0x1c: {  	[sflag:s24] =	ssyncadd.s32 $0xFFFFFFFF  }
0x1d: {  	s4 =	sld [smem:$0x0]  }
0x1e: {  	s5 =	sand.u32 $0xFFFFFFFE, s1  }
0x1f: {  	p0 =	sne.s32 s1, s5  }
0x20: {  	s5 =	sshll.u32 @p0 s5, $0xE  }
0x21: {  	s5 =	sadd.s32 @p0 $0x11B8D, s5;
	s6 =	sshll.u32 @p0 s4, $0x11  }
0x22: {  	s5 =	sor.u32 @p0 s6, s5  }
0x23: {  	[sflag:s5] =	ssyncadd.remote.s32 @p0 $0x1;
	_ =	sdelay $0x1  }
0x24: {  	s5 =	simm.s32 @p0 $0x1B8D  }
0x25: {  	_ =	swait.eq @p0 [sflag:s5], $0x1  }
0x26: {  	[sflag:s5] =	ssyncadd.s32 @p0 $0xFFFFFFFF  }
0x27: {  	s6 =	sshll.u32 @!p0 s1, $0xE  }
0x28: {  	s6 =	sor.u32 @!p0 $0x4000, s6;
	s5 =	simm.s32 @!p0 $0x1B8D  }
0x29: {  	s4 =	sshll.u32 @!p0 s4, $0x11;
	s6 =	sadd.s32 @!p0 $0x11B8D, s6;
	_ =	swait.eq @!p0 [sflag:s5], $0x1  }
0x2a: {  	s4 =	sor.u32 @!p0 s4, s6;
	[sflag:s5] =	ssyncadd.s32 @!p0 $0xFFFFFFFF  }
0x2b: {  	s26 =	simm.s32 $0x1B8E;
	s25 =	sld [smem:$0x3FFE];
	[sflag:s4] =	ssyncadd.remote.s32 @!p0 $0x1  }
0x2c: {  	s27 =	simm.s32 $execute0_lowered;
	[smem:$0x3FD2] =	sst s26  }
0x2d: {  	s5 =	sshll.u32 s27, $0x1;
	_ =	strace $0x80000049;
	[dreg:$0x1] =	wrdreg $0xFFFFFFFF  }
0x2e: {  	s28 =	simm.s32 $_size_execute0_lowered;
	s3 =	sadd.s32 s3, s5;
	[dreg:$0x0] =	wrdreg $0x0  }
0x2f: {  	s5 =	sshll.u32 s28, $0x1;
	[dreg:$0x2] =	wrdreg s3  }
0x30: {  	[dreg:$0x3] =	wrdreg s5  }
0x31: {  	[dreg:$0x4] =	wrdreg $0xC0  }
0x32: {  	_ =	task [dreg:s23], $0x5FFFF  }
0x33: {  	[dreg:$0x1] =	wrdreg $0xFFFFFFFF  }
0x34: {  	[dreg:$0x0] =	wrdreg $0x60  }
0x35: {  	[dreg:$0x2] =	wrdreg s25  }
0x36: {  	[dreg:$0x3] =	wrdreg $0x9  }
0x37: {  	_ =	task.clear_ibuf [dreg:s23], $0x4FFFF;
	_ =	strace $0x90000049  }
0x38: {  	s29 =	simm.s32 $0x9;
	_ =	strace $0x8000004B  }
0x39: {  	_ =	swait.ge [sflag:s29], $0x1  }
0x3a: {  	[sflag:s29] =	ssyncadd.s32 $0xFFFFFFFF  }
0x3b: {  	_ =	strace $0x9000004B  }
0x3c: {  	_ =	sfence  }
0x3d: {  	s30 =	sld [smem:$0x0];
	_ =	sdelay $0x2  }
0x3e: {  	s31 =	sshll.u32 s1, $0xD;
	s1 =	sshrl.u32 s1, $0x2  }
0x3f: {  	s4 =	sand.u32 $0x4000, s31;
	s1 =	sadd.s32 s1, s30  }
0x40: {  	s0 =	sor.u32 s4, s0;
	s1 =	sshll.u32 s1, $0x11  }
0x41: {  	s0 =	sor.u32 s1, s0  }
0x42: {  	s0 =	sadd.s32 $0x8F2B, s0  }
0x43: {  	[sflag:s0] =	ssyncadd.remote.s32 $0x1  }
0x44: {  	_ =	sfence.sel $0xFFFF  }
0x45: {  	[dreg:$0x0] =	wrdreg $0xFFFFFFFF;
	(pc) =	sbr.abs _section_cstart, $3  }
0x46: {  	[dreg:$0x1] =	wrdreg $0xFFFFFFFF  }
0x47: {  	_ =	task.clear_ibuf [dreg:s23], $0x2FFFF;
	_ =	strace $0x9FFFFFFF  }
0x48: {  	(tm) =	ssettm $0x7FFFFFFF  }
0x49: {  	_ =	shalt  }
tec
execute0_lowered:
.L_overlay_start_1:
0x0: {  	(tag) =	ssettag $0x1  }
0x1: {  	s0 =	srdreg.scid  }
0x2: {  	s5 =	rddreg [dreg:$0x0];
	s1 =	sshll.u32 s0, $0x4  }
0x3: {  	s4 =	simm.s32 $0x1;
	s0 =	stileid.u32;
	s1 =	sand.u32 $0x10, s1  }
0x4: {  	s8 =	simm.s32 $0x2;
	s12 =	simm.s32 $0x0;
	s2 =	sor.u32 s0, s1  }
0x5: {  	s11 =	simm.s32 $0x0;
	s9 =	simm.s32 $0x0;
	s2 =	sshll.u32 s2, $0x7  }
0x6: {  	s10 =	simm.s32 $0x0;
	s3 =	sadd.s32 $0xA00000, s5;
	s6 =	ssub.s32 $0x20000, s2  }
.Ltmp0:
0x7: {  	s1 =	rddreg [dreg:$0x1];
	s7 =	sand.u32 $0xF80, s6;
	(pc) =	sbr.rel .LBB1_1-.Ltmp0, $4  }
0x8: {  	_ =	strace $0x8000004A;
	p0 =	sne.s32 s7, $0x0;
	s7 =	simm.s32 $0x1  }
0x9: {  	[sflag:s4] =	ssyncpa.u1 $0x0;
	s6 =	sshrl.u32 s6, $0xC;
	s7 =	simm.s32 @!p0 $0x0  }
0xa: {  	s5 =	sadd.s32 $0xC00000, s5;
	[sflag:s8] =	ssyncpa.u1 $0x0;
	s6 =	sadd.s32 s7, s6  }
0xb: {  	s8 =	smov.u32 s2;
	p0 =	por $0x0, $0x0;
	s7 =	sadd.s32 $0x1, s6  }
.LBB1_4:
0xc: {  	v5 =	vld [tilespmem:s16+$0xFFFFFFD0];
	[tilespmem:s15+$0x2040 ss:$0x81] =	vst.msk $0xffff, v1  }
0xd: {  	v58 =	vld [tilespmem:s16+$0xFFFFFFE0];
	[tilespmem:s15+$0x2850 ss:$0x81] =	vst.msk $0xffff, v2  }
0xe: {  	s17 =	sshra.s32 s17, $0x2;
	v59 =	vld [tilespmem:s16+$0xFFFFFFF0];
	[tilespmem:s15+$0x3060 ss:$0x81] =	vst.msk $0xffff, v3  }
0xf: {  	v60 =	vld [tilespmem:s16+$0x0];
	[tilespmem:s15+$0x0 ss:$0x81] =	vst.msk $0xffff, v0;
	s14 =	sadd.s32 s17, s14  }
0x10: {  	v61 =	vld [tilespmem:s16+$0x10];
	[tilespmem:s14+$0x3870 ss:$0x81] =	vst.msk $0xffff, v4  }
0x11: {  	v62 =	vld [tilespmem:s16+$0x20];
	s12 =	sshll.u32 s12, $0x7;
	s28 =	sshll.u32 s11, $0x3;
	[tilespmem:s14+$0x810 ss:$0x81] =	vst.msk $0xffff, v5  }
0x12: {  	v63 =	vld [tilespmem:s16+$0xFFFFFFC0];
	s29 =	sand.u32 $0xFFFC00, s12;
	s15 =	sand.u32 $0xFFFC00, s28;
	[tilespmem:s14+$0x1020 ss:$0x81] =	vst.msk $0xffff, v58  }
0x13: {  	s12 =	sand.u32 $0x380, s12;
	s15 =	sadd.s32 s15, s29;
	[tilespmem:s14+$0x1830 ss:$0x81] =	vst.msk $0xffff, v59  }
0x14: {  	s30 =	sshrl.u32 s11, $0x3;
	s12 =	sor.u32 s12, s15;
	[tilespmem:s14+$0x2040 ss:$0x81] =	vst.msk $0xffff, v60  }
0x15: {  	s15 =	sand.u32 $0xF, s30;
	s12 =	sshrl.u32 s12, $0x3;
	[tilespmem:s14+$0x2850 ss:$0x81] =	vst.msk $0xffff, v61  }
0x16: {  	s15 =	sadd.s32 s5, s15;
	[tilespmem:s14+$0x3060 ss:$0x81] =	vst.msk $0xffff, v62;
	s12 =	sand.u32 $0x1FFFF0, s12  }
0x17: {  	s31 =	sand.u32 $0x7, s11;
	[tilespmem:s14+$0x0 ss:$0x81] =	vst.msk $0xffff, v63;
	s12 =	sadd.s32 s12, s15  }
0x18: {  	[hbm4b:s12+s31] =	stream.linear.scatter [tilespmem:s13], [sflag:$0x2], $0x4000, $0x20;
	[tilespmem:$0x10100] =	vst v63  }
.LBB1_5:
0x19: {  	s13 =	sadd.s32 $0x1000, s8  }
0x1a: {  	s11 =	sadd.s32 $0x80, s9;
	s15 =	smov.u32 s9;
	p2 =	sgt.s32 s13, $0x1FFFF  }
0x1b: {  	s15 =	smov.u32 @p2 s11  }
0x1c: {  	s13 =	smov.u32 @p2 s2;
	p2 =	sgt.s32 s15, $0x7F  }
0x1d: {  	s15 =	simm.s32 @p2 $0x0;
	p2 =	sne.s32 s10, s7  }
.Ltmp1:
0x1e: {  	p1 =	slt.u32 s10, $0x2;
	(pc) =	sbr.rel @!p2 .LBB1_6-.Ltmp1, $4  }
0x1f: {  	s14 =	simm.s32 @!p1 $0x2  }
0x20: {  	s12 =	smov.u32 s8;
	p0 =	por !p0, !p0;
	_ =	swait.ge @!p1 [sflag:s14], $0x4000  }
0x21: {  	s11 =	smov.u32 s9;
	[sflag:s14] =	ssyncset.done @!p1 $0x0;
	s8 =	smov.u32 s13  }
0x22: {  	s10 =	sadd.s32 $0x1, s10;
	[sflag:s14] =	ssyncadd.s32 @!p1 $0xFFFFC000;
	s9 =	smov.u32 s15  }
.LBB1_1:
0x23: {  	p1 =	sge.u32 s10, s6;
	s31 =	sadd.s32 $0xFFFFFFFF, s10  }
0x24: {  	s13 =	sand.u32 @!p1 $0x78, s8;
	s14 =	sshll.u32 @!p1 s9, $0x11;
	s15 =	sshll.u32 @!p1 s9, $0x7  }
0x25: {  	s16 =	sshll.u32 @!p1 s8, $0x3;
	s14 =	sand.u32 @!p1 $0xF00000, s14;
	s15 =	sand.u32 @!p1 $0x380, s15  }
0x26: {  	s14 =	sadd.s32 @!p1 s14, s16;
	s16 =	sand.u32 @!p1 $0x1FC00, s16;
	s13 =	sor.u32 @!p1 s15, s13  }
0x27: {  	s15 =	sxor.u32 @!p1 $0xFFFFFFFF, s10;
	s14 =	sand.u32 @!p1 $0xFE0000, s14;
	s13 =	sor.u32 @!p1 s16, s13  }
0x28: {  	s15 =	sshll.u32 @!p1 s15, $0xE;
	s13 =	sor.u32 @!p1 s14, s13;
	s14 =	sand.u32 @!p1 $0x7, s8  }
0x29: {  	s16 =	simm.s32 @!p1 $0x100000;
	s13 =	sshrl.u32 @!p1 s13, $0x3;
	s14 =	sshll.u32 @!p1 s14, $0x12  }
0x2a: {  	s15 =	sand.u32 @!p1 $0x4000, s15;
	s13 =	sadd.s32 @!p1 s3, s13;
	s14 =	sor.u32 @!p1 $0x400, s14  }
0x2b: {  	[tilespmem:s15], [sflag:$0x1] =	stream.strided.gather @!p1 [hbm4b:s13+s14], $0x4000, s16, s14, $0x38;
	[tilespmem:$0x10100] =	vst v63  }
0x2c: {  	p1 =	sge.u32 s31, s6  }
.Ltmp2:
0x2d: {  	_ = 	snop;
	(pc) =	sbr.rel @p1 .LBB1_5-.Ltmp2, $1  }
0x2e: {  	_ =	sdelay $0x3  }
0x2f: {  	s13 =	simm.s32 $0x1  }
0x30: {  	_ =	swait.ge [sflag:s4], $0x4000;
	s13 =	simm.s32 @!p0 $0x0  }
0x31: {  	[sflag:s4] =	ssyncset.done $0x0;
	s14 =	sshll.u32 s13, $0xE  }
0x32: {  	[sflag:s4] =	ssyncadd.s32 $0xFFFFC000;
	s16 =	sor.u32 $0x40, s14  }
0x33: {  	s13 =	smul.u32 $0x10200, s13;
	v0 =	vld [tilespmem:s16+$0x30]  }
0x34: {  	v3 =	vld [tilespmem:s16+$0xFFFFFFD0]  }
0x35: {  	s13 =	sshrl.u32 s13, $0x2;
	v4 =	vld [tilespmem:s16+$0xFFFFFFE0]  }
0x36: {  	v5 =	vld [tilespmem:s16+$0xFFFFFFF0];
	s14 =	sor.u32 $0x8000, s13  }
0x37: {  	s31 =	sand.u32 $0x1, s10;
	v1 =	vld [tilespmem:s16+$0x0];
	s15 =	sadd.s32 $0x0, s14  }
0x38: {  	v2 =	vld [tilespmem:s16+$0x10];
	s13 =	smul.u32 $0x10200, s31;
	[tilespmem:s15+$0x3870 ss:$0x81] =	vst.msk $0xffff, v0  }
0x39: {  	[tilespmem:s15+$0x810 ss:$0x81] =	vst.msk $0xffff, v3;
	v3 =	vld [tilespmem:s16+$0x20]  }
0x3a: {  	s13 =	sshrl.u32 s13, $0x2;
	v0 =	vld [tilespmem:s16+$0xFFFFFFC0];
	[tilespmem:s15+$0x1020 ss:$0x81] =	vst.msk $0xffff, v4;
	s16 =	sadd.s32 $0x80, s16  }
0x3b: {  	s17 =	simm.s32 $0x4;
	s18 =	simm.s32 $0x8;
	s13 =	sor.u32 $0x8000, s13;
	[tilespmem:s15+$0x1830 ss:$0x81] =	vst.msk $0xffff, v5;
	v4 =	vld [tilespmem:s16+$0x30]  }
.LBB1_3:
0x3c: {  	p1 =	sne.s32 s18, $0x1FC;
	v5 =	vld [tilespmem:s16+$0xFFFFFFD0];
	[tilespmem:s15+$0x2040 ss:$0x81] =	vst.msk $0xffff, v1  }
0x3d: {  	v6 =	vld [tilespmem:s16+$0xFFFFFFE0];
	[tilespmem:s15+$0x2850 ss:$0x81] =	vst.msk $0xffff, v2  }
0x3e: {  	s19 =	sshra.s32 s17, $0x2;
	s17 =	smov.u32 s18;
	v7 =	vld [tilespmem:s16+$0xFFFFFFF0];
	[tilespmem:s15+$0x3060 ss:$0x81] =	vst.msk $0xffff, v3  }
.Ltmp3:
0x3f: {  	v1 =	vld [tilespmem:s16+$0x0];
	[tilespmem:s15+$0x0 ss:$0x81] =	vst.msk $0xffff, v0;
	s15 =	sadd.s32 s19, s14;
	(pc) =	sbr.rel @p1 .LBB1_3-.Ltmp3, $4  }
0x40: {  	v2 =	vld [tilespmem:s16+$0x10];
	[tilespmem:s15+$0x3870 ss:$0x81] =	vst.msk $0xffff, v4  }
0x41: {  	[tilespmem:s15+$0x810 ss:$0x81] =	vst.msk $0xffff, v5;
	v3 =	vld [tilespmem:s16+$0x20]  }
0x42: {  	v0 =	vld [tilespmem:s16+$0xFFFFFFC0];
	[tilespmem:s15+$0x1020 ss:$0x81] =	vst.msk $0xffff, v6;
	s16 =	sadd.s32 $0x80, s16  }
0x43: {  	s18 =	sadd.s32 $0x4, s18;
	v4 =	vld [tilespmem:s16+$0x30];
	[tilespmem:s15+$0x1830 ss:$0x81] =	vst.msk $0xffff, v7  }
.Ltmp4:
0x44: {  	_ = 	snop;
	(pc) =	sbr.rel .LBB1_4-.Ltmp4, $1  }
0x45: {  	_ =	sdelay $0x3  }
.LBB1_6:
0x46: {  	_ =	sfence.sel $0x180000  }
0x47: {  	s2 =	simm.s32 $0x1;
	[bflag:$0x0] =	sbarrier.arrive $0xFFFF  }
0x48: {  	s31 =	simm.s32 $0x2;
	[sflag:s2] =	ssyncpa.u1 $0x1  }
0x49: {  	[sflag:s31] =	ssyncpa.u1 $0x1  }
0x4a: {  	p0 =	sne.s32 s0, $0x0;
	_ =	strace $0x9000004A  }
0x4b: {  	s0 =	sadd.s32 @!p0 $0x100000, s1;
	[bflag:$0x2] =	sbarrier.arrive $0xFFFF  }
0x4c: {  	[sflag:s0] =	ssyncadd.tile.s32 @!p0 $0x1;
	_ =	shalt  }
.Lfunc_end1:
_tile_overlayer_lowered:
.L_overlay_start_2:
0x4d: {  	(tag) =	ssettag $0x2  }
0x4e: {  	s0 =	rddreg [dreg:$0x0];
	s2 =	stileid.u32  }
0x4f: {  	s1 =	rddreg [dreg:$0x1];
	p0 =	sne.s32 s2, $0x0  }
0x50: {  	s3 =	rddreg [dreg:$0x2];
	[bflag:$0x3] =	sbarrier.arrive $0xFFFF;
	s2 =	simm.s32 @!p0 $0x1C01  }
0x51: {  	[timem:s3], [sflag:s2] =	dma.local @!p0 [hbm:s0], s1  }
0x52: {  	s0 =	simm.s32 @!p0 $0x1  }
0x53: {  	_ =	swait.ge @!p0 [sflag:s0], s1  }
0x54: {  	s1 =	ssub.s32 @!p0 $0x0, s1;
	[sflag:s0] =	ssyncset.done @!p0 $0x0  }
0x55: {  	[sflag:s0] =	ssyncadd.s32 @!p0 s1  }
0x56: {  	[bflag:$0x3] =	sbarrier.arrive $0xFFFF  }
0x57: {  	_ =	shalt  }

</sc_bundles>
